<compile_context>
chip_gen: v7x
topology: tpu7x:2x2x1
jax: 0.10.2.dev20260603
libtpu: 0.0.44.dev20260713+nightly
codegen_flags: <defaults>
</compile_context>

<pallas_src>
import functools

import jax
import jax.numpy as jnp
from jax import lax
from jax.experimental import pallas as pl
from jax.experimental.pallas import tpu as pltpu
from jax.experimental.pallas import tpu_sc as plsc

VOCAB = 1000
SEQ = 200
BATCH = 4096
NCLS = 4
TROWS = 1008
ZROW = VOCAB + 1


def _proj_body(emb_ref, w_ref, b_ref, out_ref):
    t = lax.dot_general(
        emb_ref[:], w_ref[:],
        dimension_numbers=(((1,), (1,)), ((), ())),
        preferred_element_type=jnp.float32,
    )
    out_ref[0:VOCAB, :] = t * (1.0 / SEQ)
    out_ref[VOCAB:TROWS, :] = b_ref[:]


def _project_table(emb_table, W, b):
    bpad = jnp.zeros((TROWS - VOCAB, NCLS), jnp.float32).at[0].set(b)
    return pl.pallas_call(
        _proj_body,
        out_shape=jax.ShapeDtypeStruct((TROWS, NCLS), jnp.float32),
    )(emb_table, W, bpad)


def _pack_pairs(T):
    tb = T.astype(jnp.bfloat16).reshape(TROWS, 2, 2)
    w = lax.bitcast_convert_type(tb, jnp.int32)
    return jnp.concatenate([w[:, 0], w[:, 1]])


def _pool_softmax(t2, x):
    info = plsc.get_sparse_core_info()
    nc, ns, L = info.num_cores, info.num_subcores, info.num_lanes
    nw = nc * ns
    b_per_w = BATCH // nw
    groups = b_per_w // L
    chunks = SEQ // L
    tail = SEQ - chunks * L
    mesh = plsc.VectorSubcoreMesh(core_axis_name="c", subcore_axis_name="s")

    def unpack_f32(acc):
        u = plsc.bitcast(acc, jnp.int32)
        himask = jnp.full((L,), -65536, jnp.int32)
        lo = plsc.bitcast(lax.shift_left(u, 16), jnp.float32)
        hi = plsc.bitcast(jnp.bitwise_and(u, himask), jnp.float32)
        return lo, hi

    @functools.partial(
        pl.kernel,
        mesh=mesh,
        compiler_params=pltpu.CompilerParams(needs_layout_passes=False),
        out_type=jax.ShapeDtypeStruct((BATCH, NCLS), jnp.float32),
        scratch_types=[
            pltpu.VMEM((2 * TROWS,), jnp.int32),
            pltpu.VMEM((2, L, SEQ), jnp.int32),
            pltpu.VMEM((b_per_w, NCLS), jnp.float32),
            pltpu.SemaphoreType.DMA,
            pltpu.SemaphoreType.DMA,
        ],
    )
    def k(t_hbm, x_hbm, out_hbm, t_v, xg, o_v, sem0, sem1):
        wid = lax.axis_index("s") * nc + lax.axis_index("c")
        base = wid * b_per_w
        sems = (sem0, sem1)

        def start_fetch(g):
            return pltpu.async_copy(
                x_hbm.at[pl.ds(base + g * L, L)],
                xg.at[g % 2],
                sems[g % 2],
            )

        pending = start_fetch(0)
        pltpu.sync_copy(t_hbm, t_v)

        iota = lax.iota(jnp.int32, L)
        zero = jnp.zeros((L,), jnp.float32)
        tailmask = iota < tail
        zrow = jnp.full((L,), ZROW, jnp.int32)
        cols = [jnp.full((L,), c, jnp.int32) for c in range(NCLS)]

        blo = plsc.load_gather(t_v, [jnp.full((L,), VOCAB, jnp.int32)])
        bhi = plsc.load_gather(t_v,
                               [jnp.full((L,), TROWS + VOCAB, jnp.int32)])
        b0, b1 = unpack_f32(plsc.bitcast(blo, jnp.bfloat16))
        b2, b3 = unpack_f32(plsc.bitcast(bhi, jnp.bfloat16))

        for g in range(groups):
            pending.wait()
            if g + 1 < groups:
                pending = start_fetch(g + 1)

            bufv = jnp.full((L,), g % 2, jnp.int32)

            def row_step(r, stage):
                s0, s1, s2, s3 = stage
                rv = jnp.broadcast_to(r, (L,)).astype(jnp.int32)
                acc_a = plsc.bitcast(jnp.zeros((L,), jnp.int32),
                                     jnp.bfloat16)
                acc_b = acc_a
                for c in range(chunks + (1 if tail else 0)):
                    pos = jnp.full((L,), c * L, jnp.int32) + iota
                    if c >= chunks:
                        pos = jnp.where(tailmask, pos, iota)
                    idx = plsc.load_gather(xg, [bufv, rv, pos])
                    if c >= chunks:
                        idx = jnp.where(tailmask, idx, zrow)
                    glo = plsc.load_gather(t_v, [idx])
                    ghi = plsc.load_gather(t_v, [idx + TROWS])
                    acc_a = acc_a + plsc.bitcast(glo, jnp.bfloat16)
                    acc_b = acc_b + plsc.bitcast(ghi, jnp.bfloat16)
                a0, a1 = unpack_f32(acc_a)
                a2, a3 = unpack_f32(acc_b)
                mask = iota == jnp.broadcast_to(r, (L,)).astype(jnp.int32)
                s0 = s0 + jnp.where(mask, jnp.broadcast_to(
                    jnp.sum(a0, axis=0), (L,)), zero)
                s1 = s1 + jnp.where(mask, jnp.broadcast_to(
                    jnp.sum(a1, axis=0), (L,)), zero)
                s2 = s2 + jnp.where(mask, jnp.broadcast_to(
                    jnp.sum(a2, axis=0), (L,)), zero)
                s3 = s3 + jnp.where(mask, jnp.broadcast_to(
                    jnp.sum(a3, axis=0), (L,)), zero)
                return (s0, s1, s2, s3)

            a0, a1, a2, a3 = lax.fori_loop(
                0, L, row_step, (b0, b1, b2, b3))

            m = jnp.maximum(jnp.maximum(a0, a1), jnp.maximum(a2, a3))
            e0 = jnp.exp(a0 - m)
            e1 = jnp.exp(a1 - m)
            e2 = jnp.exp(a2 - m)
            e3 = jnp.exp(a3 - m)
            s = (e0 + e1) + (e2 + e3)
            rows = g * L + iota
            for c, ec in enumerate((e0, e1, e2, e3)):
                plsc.store_scatter(o_v, [rows, cols[c]], ec / s)

        pltpu.sync_copy(o_v, out_hbm.at[pl.ds(base, b_per_w)])

    return k(t2, x)


def kernel(x, emb_table, W, b):
    t2 = _pack_pairs(_project_table(emb_table, W, b))
    return _pool_softmax(t2, x)

# --- scband reference (transcript-rebuilt; emitter-appended) ---
"""Pipeline reference for scband-torch-model-linear-30734785970254 (READ-ONLY COPY).

The authoritative reference and input builder live on the scoring server;
editing this copy changes nothing except your own understanding.
"""

import jax, jax.numpy as jnp
import numpy as np

VOCAB = 1000
DIM = 128
SEQ = 200
BATCH = 4096
NUM_CLASSES = 4

def setup_inputs(seed: int = 0) -> dict:
    key = jax.random.key(seed)
    k1, k2, k3, k4 = jax.random.split(key, 4)
    x = jax.random.randint(k1, (BATCH, SEQ), 0, VOCAB, dtype=jnp.int64 if jax.config.jax_enable_x64 else jnp.int32)
    emb_table = jax.random.normal(k2, (VOCAB, DIM), dtype=jnp.float32)
    W = jax.random.normal(k3, (NUM_CLASSES, DIM), dtype=jnp.float32) * 0.02
    b = jnp.zeros((NUM_CLASSES,), dtype=jnp.float32)
    return {"x": x, "emb_table": emb_table, "W": W, "b": b}

def reference(x, emb_table, W, b):
    # nn.Embedding: gather rows
    e = jnp.take(emb_table, x, axis=0)          # [B, L, D]
    # transpose(1,2) -> [B, D, L]; AvgPool1d(L) pools over full length -> mean over L; squeeze -> [B, D]
    pooled = jnp.mean(e, axis=1)                # [B, D]
    # Linear
    logits = pooled @ W.T + b                   # [B, 4]
    # softmax activation (y is None path)
    return jax.nn.softmax(logits, axis=1)

if __name__ == "__main__":
    import jax
    _d = setup_inputs()
    print(jax.jit(kernel)(*tuple(_d.values())))

</pallas_src>

<mosaic_0001>
#map = affine_map<(d0, d1) -> (0)>
#map1 = affine_map<(d0, d1) -> (0, 0)>
module attributes {stable_mosaic.version = 14 : i64} {
  func.func @k(%arg0: i32, %arg1: i32, %arg2: memref<2016xi32, #tpu.memory_space<hbm>>, %arg3: memref<4096x200xi32, #tpu.memory_space<hbm>>, %arg4: memref<4096x4xf32, #tpu.memory_space<hbm>>, %arg5: memref<2016xi32, #tpu.memory_space<vmem>>, %arg6: memref<2x16x200xi32, #tpu.memory_space<vmem>>, %arg7: memref<128x4xf32, #tpu.memory_space<vmem>>, %arg8: memref<!tpu.dma_semaphore, #tpu.memory_space<semaphore_mem>>, %arg9: memref<!tpu.dma_semaphore, #tpu.memory_space<semaphore_mem>>) attributes {dimension_semantics = [#tpu.dimension_semantics<core_parallel>, #tpu.dimension_semantics<subcore_parallel>], iteration_bounds = array<i64: 2, 16>, scalar_prefetch = 0 : i64, scratch_operands = 5 : i64, tpu.core_type = #tpu.core_type<sc_vector_subcore>, window_params = [{transform_indices = #map}, {transform_indices = #map1}, {transform_indices = #map1}]} {
    %mul3A = arith.constant 2 : i32
    %mul3A_0 = arith.muli %arg1, %mul3A : i32
    %add3A = arith.addi %mul3A_0, %arg0 : i32
    %mul3A_1 = arith.constant 128 : i32
    %mul3A_2 = arith.muli %add3A, %mul3A_1 : i32
    %add3A_3 = arith.constant 0 : i32
    %add3A_4 = arith.addi %mul3A_2, %add3A_3 : i32
    %dma_start3A = arith.constant 0 : i32
    %dma_start3A_5 = arith.constant 0 : i32
    %dma_start3A_6 = arith.constant 0 : i32
    %dma_start3A_7 = tpu.memref_slice %arg6[%dma_start3A, %dma_start3A_5, %dma_start3A_6] : memref<2x16x200xi32, #tpu.memory_space<vmem>> -> memref<1x16x200xi32, #tpu.memory_space<vmem>>
    %dma_start3A_8 = tpu.memref_squeeze %dma_start3A_7 : memref<1x16x200xi32, #tpu.memory_space<vmem>> -> memref<16x200xi32, #tpu.memory_space<vmem>>
    %dma_start3A_9 = arith.constant 0 : i32
    %dma_start3A_10 = tpu.memref_slice %arg3[%add3A_4, %dma_start3A_9] : memref<4096x200xi32, #tpu.memory_space<hbm>> -> memref<16x200xi32, #tpu.memory_space<hbm>>
    %dma_start3A_11 = arith.constant 0 : i32
    %dma_start3A_12 = arith.constant 0 : i32
    %dma_start3A_13 = tpu.memref_slice %arg6[%dma_start3A, %dma_start3A_11, %dma_start3A_12] : memref<2x16x200xi32, #tpu.memory_space<vmem>> -> memref<1x16x200xi32, #tpu.memory_space<vmem>>
    %dma_start3A_14 = tpu.memref_squeeze %dma_start3A_13 : memref<1x16x200xi32, #tpu.memory_space<vmem>> -> memref<16x200xi32, #tpu.memory_space<vmem>>
    %dma_start3A_15 = arith.constant 0 : i32
    %dma_start3A_16 = tpu.memref_slice %arg3[%add3A_4, %dma_start3A_15] : memref<4096x200xi32, #tpu.memory_space<hbm>> -> memref<16x200xi32, #tpu.memory_space<hbm>>
    tpu.enqueue_dma source(%dma_start3A_16 : memref<16x200xi32, #tpu.memory_space<hbm>>) target(%dma_start3A_14 : memref<16x200xi32, #tpu.memory_space<vmem>>) target_semaphore(%arg8 : memref<!tpu.dma_semaphore, #tpu.memory_space<semaphore_mem>>)
    "tpu.region"() ({
      %run_scoped3A = tpu.sem_alloc : memref<!tpu.dma_semaphore, #tpu.memory_space<semaphore_mem>>
      tpu.enqueue_dma source(%arg2 : memref<2016xi32, #tpu.memory_space<hbm>>) target(%arg5 : memref<2016xi32, #tpu.memory_space<vmem>>) target_semaphore(%run_scoped3A : memref<!tpu.dma_semaphore, #tpu.memory_space<semaphore_mem>>)
      tpu.wait_dma2 semaphore(%run_scoped3A : memref<!tpu.dma_semaphore, #tpu.memory_space<semaphore_mem>>) src(%arg2 : memref<2016xi32, #tpu.memory_space<hbm>>) dst(%arg5 : memref<2016xi32, #tpu.memory_space<vmem>>)
      tpu.yield
    }) : () -> ()
    %iota3A = tpu.iota {dimensions = array<i32: 0>} : vector<16xi32>
    %broadcast_in_dim3A = arith.constant 0.000000e+00 : f32
    %broadcast_in_dim3A_17 = vector.broadcast %broadcast_in_dim3A : f32 to vector<16xf32>
    %lt3A = arith.constant 8 : i32
    %lt3A_18 = vector.broadcast %lt3A : i32 to vector<16xi32>
    %lt3A_19 = arith.cmpi slt, %iota3A, %lt3A_18 : vector<16xi32>
    %broadcast_in_dim3A_20 = arith.constant 1001 : i32
    %broadcast_in_dim3A_21 = vector.broadcast %broadcast_in_dim3A_20 : i32 to vector<16xi32>
    %broadcast_in_dim3A_22 = arith.constant 0 : i32
    %broadcast_in_dim3A_23 = vector.broadcast %broadcast_in_dim3A_22 : i32 to vector<16xi32>
    %broadcast_in_dim3A_24 = arith.constant 1 : i32
    %broadcast_in_dim3A_25 = vector.broadcast %broadcast_in_dim3A_24 : i32 to vector<16xi32>
    %broadcast_in_dim3A_26 = arith.constant 2 : i32
    %broadcast_in_dim3A_27 = vector.broadcast %broadcast_in_dim3A_26 : i32 to vector<16xi32>
    %broadcast_in_dim3A_28 = arith.constant 3 : i32
    %broadcast_in_dim3A_29 = vector.broadcast %broadcast_in_dim3A_28 : i32 to vector<16xi32>
    %broadcast_in_dim3A_30 = arith.constant 1000 : i32
    %broadcast_in_dim3A_31 = vector.broadcast %broadcast_in_dim3A_30 : i32 to vector<16xi32>
    %gather3A = tpu.vector_load_idx %arg5[%broadcast_in_dim3A_31] : memref<2016xi32, #tpu.memory_space<vmem>>[vector<16xi32>], vector<16xi32>,
    %broadcast_in_dim3A_32 = arith.constant 2008 : i32
    %broadcast_in_dim3A_33 = vector.broadcast %broadcast_in_dim3A_32 : i32 to vector<16xi32>
    %gather3A_34 = tpu.vector_load_idx %arg5[%broadcast_in_dim3A_33] : memref<2016xi32, #tpu.memory_space<vmem>>[vector<16xi32>], vector<16xi32>,
    %bitcast3A = vector.bitcast %gather3A : vector<16xi32> to vector<32xbf16>
    %bitcast3A_35 = vector.bitcast %bitcast3A : vector<32xbf16> to vector<16xi32>
    %broadcast_in_dim3A_36 = arith.constant -65536 : i32
    %broadcast_in_dim3A_37 = vector.broadcast %broadcast_in_dim3A_36 : i32 to vector<16xi32>
    %shift_left3A = arith.constant 16 : i32
    %shift_left3A_38 = vector.broadcast %shift_left3A : i32 to vector<16xi32>
    %shift_left3A_39 = arith.shli %bitcast3A_35, %shift_left3A_38 : vector<16xi32>
    %bitcast3A_40 = vector.bitcast %shift_left3A_39 : vector<16xi32> to vector<16xf32>
    %and3A = arith.andi %bitcast3A_35, %broadcast_in_dim3A_37 : vector<16xi32>
    %bitcast3A_41 = vector.bitcast %and3A : vector<16xi32> to vector<16xf32>
    %bitcast3A_42 = vector.bitcast %gather3A_34 : vector<16xi32> to vector<32xbf16>
    %bitcast3A_43 = vector.bitcast %bitcast3A_42 : vector<32xbf16> to vector<16xi32>
    %broadcast_in_dim3A_44 = arith.constant -65536 : i32
    %broadcast_in_dim3A_45 = vector.broadcast %broadcast_in_dim3A_44 : i32 to vector<16xi32>
    %shift_left3A_46 = arith.constant 16 : i32
    %shift_left3A_47 = vector.broadcast %shift_left3A_46 : i32 to vector<16xi32>
    %shift_left3A_48 = arith.shli %bitcast3A_43, %shift_left3A_47 : vector<16xi32>
    %bitcast3A_49 = vector.bitcast %shift_left3A_48 : vector<16xi32> to vector<16xf32>
    %and3A_50 = arith.andi %bitcast3A_43, %broadcast_in_dim3A_45 : vector<16xi32>
    %bitcast3A_51 = vector.bitcast %and3A_50 : vector<16xi32> to vector<16xf32>
    %dma_wait3A = arith.constant 0 : i32
    %dma_wait3A_52 = arith.constant 0 : i32
    %dma_wait3A_53 = arith.constant 0 : i32
    %dma_wait3A_54 = tpu.memref_slice %arg6[%dma_wait3A, %dma_wait3A_52, %dma_wait3A_53] : memref<2x16x200xi32, #tpu.memory_space<vmem>> -> memref<1x16x200xi32, #tpu.memory_space<vmem>>
    %dma_wait3A_55 = tpu.memref_squeeze %dma_wait3A_54 : memref<1x16x200xi32, #tpu.memory_space<vmem>> -> memref<16x200xi32, #tpu.memory_space<vmem>>
    %dma_wait3A_56 = arith.constant 0 : i32
    %dma_wait3A_57 = tpu.memref_slice %arg3[%add3A_4, %dma_wait3A_56] : memref<4096x200xi32, #tpu.memory_space<hbm>> -> memref<16x200xi32, #tpu.memory_space<hbm>>
    %dma_wait3A_58 = arith.constant 0 : i32
    %dma_wait3A_59 = arith.constant 0 : i32
    %dma_wait3A_60 = tpu.memref_slice %arg6[%dma_wait3A, %dma_wait3A_58, %dma_wait3A_59] : memref<2x16x200xi32, #tpu.memory_space<vmem>> -> memref<1x16x200xi32, #tpu.memory_space<vmem>>
    %dma_wait3A_61 = tpu.memref_squeeze %dma_wait3A_60 : memref<1x16x200xi32, #tpu.memory_space<vmem>> -> memref<16x200xi32, #tpu.memory_space<vmem>>
    %dma_wait3A_62 = arith.constant 0 : i32
    %dma_wait3A_63 = tpu.memref_slice %arg3[%add3A_4, %dma_wait3A_62] : memref<4096x200xi32, #tpu.memory_space<hbm>> -> memref<16x200xi32, #tpu.memory_space<hbm>>
    tpu.wait_dma2 semaphore(%arg8 : memref<!tpu.dma_semaphore, #tpu.memory_space<semaphore_mem>>) src(%dma_wait3A_63 : memref<16x200xi32, #tpu.memory_space<hbm>>) dst(%dma_wait3A_61 : memref<16x200xi32, #tpu.memory_space<vmem>>)
    %add3A_64 = arith.constant 16 : i32
    %add3A_65 = arith.addi %mul3A_2, %add3A_64 : i32
    %dma_start3A_66 = arith.constant 1 : i32
    %dma_start3A_67 = arith.constant 0 : i32
    %dma_start3A_68 = arith.constant 0 : i32
    %dma_start3A_69 = tpu.memref_slice %arg6[%dma_start3A_66, %dma_start3A_67, %dma_start3A_68] : memref<2x16x200xi32, #tpu.memory_space<vmem>> -> memref<1x16x200xi32, #tpu.memory_space<vmem>>
    %dma_start3A_70 = tpu.memref_squeeze %dma_start3A_69 : memref<1x16x200xi32, #tpu.memory_space<vmem>> -> memref<16x200xi32, #tpu.memory_space<vmem>>
    %dma_start3A_71 = arith.constant 0 : i32
    %dma_start3A_72 = tpu.memref_slice %arg3[%add3A_65, %dma_start3A_71] : memref<4096x200xi32, #tpu.memory_space<hbm>> -> memref<16x200xi32, #tpu.memory_space<hbm>>
    %dma_start3A_73 = arith.constant 0 : i32
    %dma_start3A_74 = arith.constant 0 : i32
    %dma_start3A_75 = tpu.memref_slice %arg6[%dma_start3A_66, %dma_start3A_73, %dma_start3A_74] : memref<2x16x200xi32, #tpu.memory_space<vmem>> -> memref<1x16x200xi32, #tpu.memory_space<vmem>>
    %dma_start3A_76 = tpu.memref_squeeze %dma_start3A_75 : memref<1x16x200xi32, #tpu.memory_space<vmem>> -> memref<16x200xi32, #tpu.memory_space<vmem>>
    %dma_start3A_77 = arith.constant 0 : i32
    %dma_start3A_78 = tpu.memref_slice %arg3[%add3A_65, %dma_start3A_77] : memref<4096x200xi32, #tpu.memory_space<hbm>> -> memref<16x200xi32, #tpu.memory_space<hbm>>
    tpu.enqueue_dma source(%dma_start3A_78 : memref<16x200xi32, #tpu.memory_space<hbm>>) target(%dma_start3A_76 : memref<16x200xi32, #tpu.memory_space<vmem>>) target_semaphore(%arg9 : memref<!tpu.dma_semaphore, #tpu.memory_space<semaphore_mem>>)
    %broadcast_in_dim3A_79 = arith.constant 0 : i32
    %broadcast_in_dim3A_80 = vector.broadcast %broadcast_in_dim3A_79 : i32 to vector<16xi32>
    %scan3A = arith.constant 0 : i32
    %scan3A_81 = arith.constant 16 : i32
    %scan3A_82 = arith.addi %scan3A, %scan3A_81 : i32
    %scan3A_83 = arith.constant 1 : i32
    %scan3A_84:4 = scf.for %scan3A_487 = %scan3A to %scan3A_82 step %scan3A_83 iter_args(%scan3A_488 = %bitcast3A_40, %scan3A_489 = %bitcast3A_41, %scan3A_490 = %bitcast3A_49, %scan3A_491 = %bitcast3A_51) -> (vector<16xf32>, vector<16xf32>, vector<16xf32>, vector<16xf32>)  : i32 {
      %broadcast_in_dim3A_492 = vector.broadcast %scan3A_487 : i32 to vector<16xi32>
      %broadcast_in_dim3A_493 = arith.constant 0 : i32
      %broadcast_in_dim3A_494 = vector.broadcast %broadcast_in_dim3A_493 : i32 to vector<16xi32>
      %bitcast3A_495 = vector.bitcast %broadcast_in_dim3A_494 : vector<16xi32> to vector<32xbf16>
      %broadcast_in_dim3A_496 = arith.constant 0 : i32
      %broadcast_in_dim3A_497 = vector.broadcast %broadcast_in_dim3A_496 : i32 to vector<16xi32>
      %add3A_498 = arith.addi %broadcast_in_dim3A_497, %iota3A : vector<16xi32>
      %gather3A_499 = tpu.vector_load_idx %arg6[%broadcast_in_dim3A_80, %broadcast_in_dim3A_492, %add3A_498] : memref<2x16x200xi32, #tpu.memory_space<vmem>>[vector<16xi32>, vector<16xi32>, vector<16xi32>], vector<16xi32>,
      %gather3A_500 = tpu.vector_load_idx %arg5[%gather3A_499] : memref<2016xi32, #tpu.memory_space<vmem>>[vector<16xi32>], vector<16xi32>,
      %add3A_501 = arith.constant 1008 : i32
      %add3A_502 = vector.broadcast %add3A_501 : i32 to vector<16xi32>
      %add3A_503 = arith.addi %gather3A_499, %add3A_502 : vector<16xi32>
      %gather3A_504 = tpu.vector_load_idx %arg5[%add3A_503] : memref<2016xi32, #tpu.memory_space<vmem>>[vector<16xi32>], vector<16xi32>,
      %bitcast3A_505 = vector.bitcast %gather3A_500 : vector<16xi32> to vector<32xbf16>
      %add3A_506 = arith.addf %bitcast3A_495, %bitcast3A_505 : vector<32xbf16>
      %bitcast3A_507 = vector.bitcast %gather3A_504 : vector<16xi32> to vector<32xbf16>
      %add3A_508 = arith.addf %bitcast3A_495, %bitcast3A_507 : vector<32xbf16>
      %broadcast_in_dim3A_509 = arith.constant 16 : i32
      %broadcast_in_dim3A_510 = vector.broadcast %broadcast_in_dim3A_509 : i32 to vector<16xi32>
      %add3A_511 = arith.addi %broadcast_in_dim3A_510, %iota3A : vector<16xi32>
      %gather3A_512 = tpu.vector_load_idx %arg6[%broadcast_in_dim3A_80, %broadcast_in_dim3A_492, %add3A_511] : memref<2x16x200xi32, #tpu.memory_space<vmem>>[vector<16xi32>, vector<16xi32>, vector<16xi32>], vector<16xi32>,
      %gather3A_513 = tpu.vector_load_idx %arg5[%gather3A_512] : memref<2016xi32, #tpu.memory_space<vmem>>[vector<16xi32>], vector<16xi32>,
      %add3A_514 = arith.constant 1008 : i32
      %add3A_515 = vector.broadcast %add3A_514 : i32 to vector<16xi32>
      %add3A_516 = arith.addi %gather3A_512, %add3A_515 : vector<16xi32>
      %gather3A_517 = tpu.vector_load_idx %arg5[%add3A_516] : memref<2016xi32, #tpu.memory_space<vmem>>[vector<16xi32>], vector<16xi32>,
      %bitcast3A_518 = vector.bitcast %gather3A_513 : vector<16xi32> to vector<32xbf16>
      %add3A_519 = arith.addf %add3A_506, %bitcast3A_518 : vector<32xbf16>
      %bitcast3A_520 = vector.bitcast %gather3A_517 : vector<16xi32> to vector<32xbf16>
      %add3A_521 = arith.addf %add3A_508, %bitcast3A_520 : vector<32xbf16>
      %broadcast_in_dim3A_522 = arith.constant 32 : i32
      %broadcast_in_dim3A_523 = vector.broadcast %broadcast_in_dim3A_522 : i32 to vector<16xi32>
      %add3A_524 = arith.addi %broadcast_in_dim3A_523, %iota3A : vector<16xi32>
      %gather3A_525 = tpu.vector_load_idx %arg6[%broadcast_in_dim3A_80, %broadcast_in_dim3A_492, %add3A_524] : memref<2x16x200xi32, #tpu.memory_space<vmem>>[vector<16xi32>, vector<16xi32>, vector<16xi32>], vector<16xi32>,
      %gather3A_526 = tpu.vector_load_idx %arg5[%gather3A_525] : memref<2016xi32, #tpu.memory_space<vmem>>[vector<16xi32>], vector<16xi32>,
      %add3A_527 = arith.constant 1008 : i32
      %add3A_528 = vector.broadcast %add3A_527 : i32 to vector<16xi32>
      %add3A_529 = arith.addi %gather3A_525, %add3A_528 : vector<16xi32>
      %gather3A_530 = tpu.vector_load_idx %arg5[%add3A_529] : memref<2016xi32, #tpu.memory_space<vmem>>[vector<16xi32>], vector<16xi32>,
      %bitcast3A_531 = vector.bitcast %gather3A_526 : vector<16xi32> to vector<32xbf16>
      %add3A_532 = arith.addf %add3A_519, %bitcast3A_531 : vector<32xbf16>
      %bitcast3A_533 = vector.bitcast %gather3A_530 : vector<16xi32> to vector<32xbf16>
      %add3A_534 = arith.addf %add3A_521, %bitcast3A_533 : vector<32xbf16>
      %broadcast_in_dim3A_535 = arith.constant 48 : i32
      %broadcast_in_dim3A_536 = vector.broadcast %broadcast_in_dim3A_535 : i32 to vector<16xi32>
      %add3A_537 = arith.addi %broadcast_in_dim3A_536, %iota3A : vector<16xi32>
      %gather3A_538 = tpu.vector_load_idx %arg6[%broadcast_in_dim3A_80, %broadcast_in_dim3A_492, %add3A_537] : memref<2x16x200xi32, #tpu.memory_space<vmem>>[vector<16xi32>, vector<16xi32>, vector<16xi32>], vector<16xi32>,
      %gather3A_539 = tpu.vector_load_idx %arg5[%gather3A_538] : memref<2016xi32, #tpu.memory_space<vmem>>[vector<16xi32>], vector<16xi32>,
      %add3A_540 = arith.constant 1008 : i32
      %add3A_541 = vector.broadcast %add3A_540 : i32 to vector<16xi32>
      %add3A_542 = arith.addi %gather3A_538, %add3A_541 : vector<16xi32>
      %gather3A_543 = tpu.vector_load_idx %arg5[%add3A_542] : memref<2016xi32, #tpu.memory_space<vmem>>[vector<16xi32>], vector<16xi32>,
      %bitcast3A_544 = vector.bitcast %gather3A_539 : vector<16xi32> to vector<32xbf16>
      %add3A_545 = arith.addf %add3A_532, %bitcast3A_544 : vector<32xbf16>
      %bitcast3A_546 = vector.bitcast %gather3A_543 : vector<16xi32> to vector<32xbf16>
      %add3A_547 = arith.addf %add3A_534, %bitcast3A_546 : vector<32xbf16>
      %broadcast_in_dim3A_548 = arith.constant 64 : i32
      %broadcast_in_dim3A_549 = vector.broadcast %broadcast_in_dim3A_548 : i32 to vector<16xi32>
      %add3A_550 = arith.addi %broadcast_in_dim3A_549, %iota3A : vector<16xi32>
      %gather3A_551 = tpu.vector_load_idx %arg6[%broadcast_in_dim3A_80, %broadcast_in_dim3A_492, %add3A_550] : memref<2x16x200xi32, #tpu.memory_space<vmem>>[vector<16xi32>, vector<16xi32>, vector<16xi32>], vector<16xi32>,
      %gather3A_552 = tpu.vector_load_idx %arg5[%gather3A_551] : memref<2016xi32, #tpu.memory_space<vmem>>[vector<16xi32>], vector<16xi32>,
      %add3A_553 = arith.constant 1008 : i32
      %add3A_554 = vector.broadcast %add3A_553 : i32 to vector<16xi32>
      %add3A_555 = arith.addi %gather3A_551, %add3A_554 : vector<16xi32>
      %gather3A_556 = tpu.vector_load_idx %arg5[%add3A_555] : memref<2016xi32, #tpu.memory_space<vmem>>[vector<16xi32>], vector<16xi32>,
      %bitcast3A_557 = vector.bitcast %gather3A_552 : vector<16xi32> to vector<32xbf16>
      %add3A_558 = arith.addf %add3A_545, %bitcast3A_557 : vector<32xbf16>
      %bitcast3A_559 = vector.bitcast %gather3A_556 : vector<16xi32> to vector<32xbf16>
      %add3A_560 = arith.addf %add3A_547, %bitcast3A_559 : vector<32xbf16>
      %broadcast_in_dim3A_561 = arith.constant 80 : i32
      %broadcast_in_dim3A_562 = vector.broadcast %broadcast_in_dim3A_561 : i32 to vector<16xi32>
      %add3A_563 = arith.addi %broadcast_in_dim3A_562, %iota3A : vector<16xi32>
      %gather3A_564 = tpu.vector_load_idx %arg6[%broadcast_in_dim3A_80, %broadcast_in_dim3A_492, %add3A_563] : memref<2x16x200xi32, #tpu.memory_space<vmem>>[vector<16xi32>, vector<16xi32>, vector<16xi32>], vector<16xi32>,
      %gather3A_565 = tpu.vector_load_idx %arg5[%gather3A_564] : memref<2016xi32, #tpu.memory_space<vmem>>[vector<16xi32>], vector<16xi32>,
      %add3A_566 = arith.constant 1008 : i32
      %add3A_567 = vector.broadcast %add3A_566 : i32 to vector<16xi32>
      %add3A_568 = arith.addi %gather3A_564, %add3A_567 : vector<16xi32>
      %gather3A_569 = tpu.vector_load_idx %arg5[%add3A_568] : memref<2016xi32, #tpu.memory_space<vmem>>[vector<16xi32>], vector<16xi32>,
      %bitcast3A_570 = vector.bitcast %gather3A_565 : vector<16xi32> to vector<32xbf16>
      %add3A_571 = arith.addf %add3A_558, %bitcast3A_570 : vector<32xbf16>
      %bitcast3A_572 = vector.bitcast %gather3A_569 : vector<16xi32> to vector<32xbf16>
      %add3A_573 = arith.addf %add3A_560, %bitcast3A_572 : vector<32xbf16>
      %broadcast_in_dim3A_574 = arith.constant 96 : i32
      %broadcast_in_dim3A_575 = vector.broadcast %broadcast_in_dim3A_574 : i32 to vector<16xi32>
      %add3A_576 = arith.addi %broadcast_in_dim3A_575, %iota3A : vector<16xi32>
      %gather3A_577 = tpu.vector_load_idx %arg6[%broadcast_in_dim3A_80, %broadcast_in_dim3A_492, %add3A_576] : memref<2x16x200xi32, #tpu.memory_space<vmem>>[vector<16xi32>, vector<16xi32>, vector<16xi32>], vector<16xi32>,
      %gather3A_578 = tpu.vector_load_idx %arg5[%gather3A_577] : memref<2016xi32, #tpu.memory_space<vmem>>[vector<16xi32>], vector<16xi32>,
      %add3A_579 = arith.constant 1008 : i32
      %add3A_580 = vector.broadcast %add3A_579 : i32 to vector<16xi32>
      %add3A_581 = arith.addi %gather3A_577, %add3A_580 : vector<16xi32>
      %gather3A_582 = tpu.vector_load_idx %arg5[%add3A_581] : memref<2016xi32, #tpu.memory_space<vmem>>[vector<16xi32>], vector<16xi32>,
      %bitcast3A_583 = vector.bitcast %gather3A_578 : vector<16xi32> to vector<32xbf16>
      %add3A_584 = arith.addf %add3A_571, %bitcast3A_583 : vector<32xbf16>
      %bitcast3A_585 = vector.bitcast %gather3A_582 : vector<16xi32> to vector<32xbf16>
      %add3A_586 = arith.addf %add3A_573, %bitcast3A_585 : vector<32xbf16>
      %broadcast_in_dim3A_587 = arith.constant 112 : i32
      %broadcast_in_dim3A_588 = vector.broadcast %broadcast_in_dim3A_587 : i32 to vector<16xi32>
      %add3A_589 = arith.addi %broadcast_in_dim3A_588, %iota3A : vector<16xi32>
      %gather3A_590 = tpu.vector_load_idx %arg6[%broadcast_in_dim3A_80, %broadcast_in_dim3A_492, %add3A_589] : memref<2x16x200xi32, #tpu.memory_space<vmem>>[vector<16xi32>, vector<16xi32>, vector<16xi32>], vector<16xi32>,
      %gather3A_591 = tpu.vector_load_idx %arg5[%gather3A_590] : memref<2016xi32, #tpu.memory_space<vmem>>[vector<16xi32>], vector<16xi32>,
      %add3A_592 = arith.constant 1008 : i32
      %add3A_593 = vector.broadcast %add3A_592 : i32 to vector<16xi32>
      %add3A_594 = arith.addi %gather3A_590, %add3A_593 : vector<16xi32>
      %gather3A_595 = tpu.vector_load_idx %arg5[%add3A_594] : memref<2016xi32, #tpu.memory_space<vmem>>[vector<16xi32>], vector<16xi32>,
      %bitcast3A_596 = vector.bitcast %gather3A_591 : vector<16xi32> to vector<32xbf16>
      %add3A_597 = arith.addf %add3A_584, %bitcast3A_596 : vector<32xbf16>
      %bitcast3A_598 = vector.bitcast %gather3A_595 : vector<16xi32> to vector<32xbf16>
      %add3A_599 = arith.addf %add3A_586, %bitcast3A_598 : vector<32xbf16>
      %broadcast_in_dim3A_600 = arith.constant 128 : i32
      %broadcast_in_dim3A_601 = vector.broadcast %broadcast_in_dim3A_600 : i32 to vector<16xi32>
      %add3A_602 = arith.addi %broadcast_in_dim3A_601, %iota3A : vector<16xi32>
      %gather3A_603 = tpu.vector_load_idx %arg6[%broadcast_in_dim3A_80, %broadcast_in_dim3A_492, %add3A_602] : memref<2x16x200xi32, #tpu.memory_space<vmem>>[vector<16xi32>, vector<16xi32>, vector<16xi32>], vector<16xi32>,
      %gather3A_604 = tpu.vector_load_idx %arg5[%gather3A_603] : memref<2016xi32, #tpu.memory_space<vmem>>[vector<16xi32>], vector<16xi32>,
      %add3A_605 = arith.constant 1008 : i32
      %add3A_606 = vector.broadcast %add3A_605 : i32 to vector<16xi32>
      %add3A_607 = arith.addi %gather3A_603, %add3A_606 : vector<16xi32>
      %gather3A_608 = tpu.vector_load_idx %arg5[%add3A_607] : memref<2016xi32, #tpu.memory_space<vmem>>[vector<16xi32>], vector<16xi32>,
      %bitcast3A_609 = vector.bitcast %gather3A_604 : vector<16xi32> to vector<32xbf16>
      %add3A_610 = arith.addf %add3A_597, %bitcast3A_609 : vector<32xbf16>
      %bitcast3A_611 = vector.bitcast %gather3A_608 : vector<16xi32> to vector<32xbf16>
      %add3A_612 = arith.addf %add3A_599, %bitcast3A_611 : vector<32xbf16>
      %broadcast_in_dim3A_613 = arith.constant 144 : i32
      %broadcast_in_dim3A_614 = vector.broadcast %broadcast_in_dim3A_613 : i32 to vector<16xi32>
      %add3A_615 = arith.addi %broadcast_in_dim3A_614, %iota3A : vector<16xi32>
      %gather3A_616 = tpu.vector_load_idx %arg6[%broadcast_in_dim3A_80, %broadcast_in_dim3A_492, %add3A_615] : memref<2x16x200xi32, #tpu.memory_space<vmem>>[vector<16xi32>, vector<16xi32>, vector<16xi32>], vector<16xi32>,
      %gather3A_617 = tpu.vector_load_idx %arg5[%gather3A_616] : memref<2016xi32, #tpu.memory_space<vmem>>[vector<16xi32>], vector<16xi32>,
      %add3A_618 = arith.constant 1008 : i32
      %add3A_619 = vector.broadcast %add3A_618 : i32 to vector<16xi32>
      %add3A_620 = arith.addi %gather3A_616, %add3A_619 : vector<16xi32>
      %gather3A_621 = tpu.vector_load_idx %arg5[%add3A_620] : memref<2016xi32, #tpu.memory_space<vmem>>[vector<16xi32>], vector<16xi32>,
      %bitcast3A_622 = vector.bitcast %gather3A_617 : vector<16xi32> to vector<32xbf16>
      %add3A_623 = arith.addf %add3A_610, %bitcast3A_622 : vector<32xbf16>
      %bitcast3A_624 = vector.bitcast %gather3A_621 : vector<16xi32> to vector<32xbf16>
      %add3A_625 = arith.addf %add3A_612, %bitcast3A_624 : vector<32xbf16>
      %broadcast_in_dim3A_626 = arith.constant 160 : i32
      %broadcast_in_dim3A_627 = vector.broadcast %broadcast_in_dim3A_626 : i32 to vector<16xi32>
      %add3A_628 = arith.addi %broadcast_in_dim3A_627, %iota3A : vector<16xi32>
      %gather3A_629 = tpu.vector_load_idx %arg6[%broadcast_in_dim3A_80, %broadcast_in_dim3A_492, %add3A_628] : memref<2x16x200xi32, #tpu.memory_space<vmem>>[vector<16xi32>, vector<16xi32>, vector<16xi32>], vector<16xi32>,
      %gather3A_630 = tpu.vector_load_idx %arg5[%gather3A_629] : memref<2016xi32, #tpu.memory_space<vmem>>[vector<16xi32>], vector<16xi32>,
      %add3A_631 = arith.constant 1008 : i32
      %add3A_632 = vector.broadcast %add3A_631 : i32 to vector<16xi32>
      %add3A_633 = arith.addi %gather3A_629, %add3A_632 : vector<16xi32>
      %gather3A_634 = tpu.vector_load_idx %arg5[%add3A_633] : memref<2016xi32, #tpu.memory_space<vmem>>[vector<16xi32>], vector<16xi32>,
      %bitcast3A_635 = vector.bitcast %gather3A_630 : vector<16xi32> to vector<32xbf16>
      %add3A_636 = arith.addf %add3A_623, %bitcast3A_635 : vector<32xbf16>
      %bitcast3A_637 = vector.bitcast %gather3A_634 : vector<16xi32> to vector<32xbf16>
      %add3A_638 = arith.addf %add3A_625, %bitcast3A_637 : vector<32xbf16>
      %broadcast_in_dim3A_639 = arith.constant 176 : i32
      %broadcast_in_dim3A_640 = vector.broadcast %broadcast_in_dim3A_639 : i32 to vector<16xi32>
      %add3A_641 = arith.addi %broadcast_in_dim3A_640, %iota3A : vector<16xi32>
      %gather3A_642 = tpu.vector_load_idx %arg6[%broadcast_in_dim3A_80, %broadcast_in_dim3A_492, %add3A_641] : memref<2x16x200xi32, #tpu.memory_space<vmem>>[vector<16xi32>, vector<16xi32>, vector<16xi32>], vector<16xi32>,
      %gather3A_643 = tpu.vector_load_idx %arg5[%gather3A_642] : memref<2016xi32, #tpu.memory_space<vmem>>[vector<16xi32>], vector<16xi32>,
      %add3A_644 = arith.constant 1008 : i32
      %add3A_645 = vector.broadcast %add3A_644 : i32 to vector<16xi32>
      %add3A_646 = arith.addi %gather3A_642, %add3A_645 : vector<16xi32>
      %gather3A_647 = tpu.vector_load_idx %arg5[%add3A_646] : memref<2016xi32, #tpu.memory_space<vmem>>[vector<16xi32>], vector<16xi32>,
      %bitcast3A_648 = vector.bitcast %gather3A_643 : vector<16xi32> to vector<32xbf16>
      %add3A_649 = arith.addf %add3A_636, %bitcast3A_648 : vector<32xbf16>
      %bitcast3A_650 = vector.bitcast %gather3A_647 : vector<16xi32> to vector<32xbf16>
      %add3A_651 = arith.addf %add3A_638, %bitcast3A_650 : vector<32xbf16>
      %broadcast_in_dim3A_652 = arith.constant 192 : i32
      %broadcast_in_dim3A_653 = vector.broadcast %broadcast_in_dim3A_652 : i32 to vector<16xi32>
      %add3A_654 = arith.addi %broadcast_in_dim3A_653, %iota3A : vector<16xi32>
      %select_n3A = arith.select %lt3A_19, %add3A_654, %iota3A : vector<16xi1>, vector<16xi32>
      %gather3A_655 = tpu.vector_load_idx %arg6[%broadcast_in_dim3A_80, %broadcast_in_dim3A_492, %select_n3A] : memref<2x16x200xi32, #tpu.memory_space<vmem>>[vector<16xi32>, vector<16xi32>, vector<16xi32>], vector<16xi32>,
      %select_n3A_656 = arith.select %lt3A_19, %gather3A_655, %broadcast_in_dim3A_21 : vector<16xi1>, vector<16xi32>
      %gather3A_657 = tpu.vector_load_idx %arg5[%select_n3A_656] : memref<2016xi32, #tpu.memory_space<vmem>>[vector<16xi32>], vector<16xi32>,
      %add3A_658 = arith.constant 1008 : i32
      %add3A_659 = vector.broadcast %add3A_658 : i32 to vector<16xi32>
      %add3A_660 = arith.addi %select_n3A_656, %add3A_659 : vector<16xi32>
      %gather3A_661 = tpu.vector_load_idx %arg5[%add3A_660] : memref<2016xi32, #tpu.memory_space<vmem>>[vector<16xi32>], vector<16xi32>,
      %bitcast3A_662 = vector.bitcast %gather3A_657 : vector<16xi32> to vector<32xbf16>
      %add3A_663 = arith.addf %add3A_649, %bitcast3A_662 : vector<32xbf16>
      %bitcast3A_664 = vector.bitcast %gather3A_661 : vector<16xi32> to vector<32xbf16>
      %add3A_665 = arith.addf %add3A_651, %bitcast3A_664 : vector<32xbf16>
      %bitcast3A_666 = vector.bitcast %add3A_663 : vector<32xbf16> to vector<16xi32>
      %broadcast_in_dim3A_667 = arith.constant -65536 : i32
      %broadcast_in_dim3A_668 = vector.broadcast %broadcast_in_dim3A_667 : i32 to vector<16xi32>
      %shift_left3A_669 = arith.constant 16 : i32
      %shift_left3A_670 = vector.broadcast %shift_left3A_669 : i32 to vector<16xi32>
      %shift_left3A_671 = arith.shli %bitcast3A_666, %shift_left3A_670 : vector<16xi32>
      %bitcast3A_672 = vector.bitcast %shift_left3A_671 : vector<16xi32> to vector<16xf32>
      %and3A_673 = arith.andi %bitcast3A_666, %broadcast_in_dim3A_668 : vector<16xi32>
      %bitcast3A_674 = vector.bitcast %and3A_673 : vector<16xi32> to vector<16xf32>
      %bitcast3A_675 = vector.bitcast %add3A_665 : vector<32xbf16> to vector<16xi32>
      %broadcast_in_dim3A_676 = arith.constant -65536 : i32
      %broadcast_in_dim3A_677 = vector.broadcast %broadcast_in_dim3A_676 : i32 to vector<16xi32>
      %shift_left3A_678 = arith.constant 16 : i32
      %shift_left3A_679 = vector.broadcast %shift_left3A_678 : i32 to vector<16xi32>
      %shift_left3A_680 = arith.shli %bitcast3A_675, %shift_left3A_679 : vector<16xi32>
      %bitcast3A_681 = vector.bitcast %shift_left3A_680 : vector<16xi32> to vector<16xf32>
      %and3A_682 = arith.andi %bitcast3A_675, %broadcast_in_dim3A_677 : vector<16xi32>
      %bitcast3A_683 = vector.bitcast %and3A_682 : vector<16xi32> to vector<16xf32>
      %broadcast_in_dim3A_684 = vector.broadcast %scan3A_487 : i32 to vector<16xi32>
      %eq3A = arith.cmpi eq, %iota3A, %broadcast_in_dim3A_684 : vector<16xi32>
      %reduce_sum3A = arith.constant true
      %reduce_sum3A_685 = vector.broadcast %reduce_sum3A : i1 to vector<16xi1>
      %reduce_sum3A_686 = tpu.scan <sum>, %bitcast3A_672 masked %reduce_sum3A_685 : vector<16xf32>, vector<16xi1> -> vector<16xf32>
      %reduce_sum3A_687 = vector.extract %reduce_sum3A_686[15] : f32 from vector<16xf32>
      %broadcast_in_dim3A_688 = vector.broadcast %reduce_sum3A_687 : f32 to vector<16xf32>
      %select_n3A_689 = arith.select %eq3A, %broadcast_in_dim3A_688, %broadcast_in_dim3A_17 : vector<16xi1>, vector<16xf32>
      %add3A_690 = arith.addf %scan3A_488, %select_n3A_689 : vector<16xf32>
      %reduce_sum3A_691 = arith.constant true
      %reduce_sum3A_692 = vector.broadcast %reduce_sum3A_691 : i1 to vector<16xi1>
      %reduce_sum3A_693 = tpu.scan <sum>, %bitcast3A_674 masked %reduce_sum3A_692 : vector<16xf32>, vector<16xi1> -> vector<16xf32>
      %reduce_sum3A_694 = vector.extract %reduce_sum3A_693[15] : f32 from vector<16xf32>
      %broadcast_in_dim3A_695 = vector.broadcast %reduce_sum3A_694 : f32 to vector<16xf32>
      %select_n3A_696 = arith.select %eq3A, %broadcast_in_dim3A_695, %broadcast_in_dim3A_17 : vector<16xi1>, vector<16xf32>
      %add3A_697 = arith.addf %scan3A_489, %select_n3A_696 : vector<16xf32>
      %reduce_sum3A_698 = arith.constant true
      %reduce_sum3A_699 = vector.broadcast %reduce_sum3A_698 : i1 to vector<16xi1>
      %reduce_sum3A_700 = tpu.scan <sum>, %bitcast3A_681 masked %reduce_sum3A_699 : vector<16xf32>, vector<16xi1> -> vector<16xf32>
      %reduce_sum3A_701 = vector.extract %reduce_sum3A_700[15] : f32 from vector<16xf32>
      %broadcast_in_dim3A_702 = vector.broadcast %reduce_sum3A_701 : f32 to vector<16xf32>
      %select_n3A_703 = arith.select %eq3A, %broadcast_in_dim3A_702, %broadcast_in_dim3A_17 : vector<16xi1>, vector<16xf32>
      %add3A_704 = arith.addf %scan3A_490, %select_n3A_703 : vector<16xf32>
      %reduce_sum3A_705 = arith.constant true
      %reduce_sum3A_706 = vector.broadcast %reduce_sum3A_705 : i1 to vector<16xi1>
      %reduce_sum3A_707 = tpu.scan <sum>, %bitcast3A_683 masked %reduce_sum3A_706 : vector<16xf32>, vector<16xi1> -> vector<16xf32>
      %reduce_sum3A_708 = vector.extract %reduce_sum3A_707[15] : f32 from vector<16xf32>
      %broadcast_in_dim3A_709 = vector.broadcast %reduce_sum3A_708 : f32 to vector<16xf32>
      %select_n3A_710 = arith.select %eq3A, %broadcast_in_dim3A_709, %broadcast_in_dim3A_17 : vector<16xi1>, vector<16xf32>
      %add3A_711 = arith.addf %scan3A_491, %select_n3A_710 : vector<16xf32>
      scf.yield %add3A_690, %add3A_697, %add3A_704, %add3A_711 : vector<16xf32>, vector<16xf32>, vector<16xf32>, vector<16xf32>
    }
    %scan3A_85 = arith.constant 16 : i32
    %max3A = arith.maximumf %scan3A_84#0, %scan3A_84#1 : vector<16xf32>
    %max3A_86 = arith.maximumf %scan3A_84#2, %scan3A_84#3 : vector<16xf32>
    %max3A_87 = arith.maximumf %max3A, %max3A_86 : vector<16xf32>
    %sub3A = arith.subf %scan3A_84#0, %max3A_87 : vector<16xf32>
    %exp3A = math.exp %sub3A : vector<16xf32>
    %sub3A_88 = arith.subf %scan3A_84#1, %max3A_87 : vector<16xf32>
    %exp3A_89 = math.exp %sub3A_88 : vector<16xf32>
    %sub3A_90 = arith.subf %scan3A_84#2, %max3A_87 : vector<16xf32>
    %exp3A_91 = math.exp %sub3A_90 : vector<16xf32>
    %sub3A_92 = arith.subf %scan3A_84#3, %max3A_87 : vector<16xf32>
    %exp3A_93 = math.exp %sub3A_92 : vector<16xf32>
    %add3A_94 = arith.addf %exp3A, %exp3A_89 : vector<16xf32>
    %add3A_95 = arith.addf %exp3A_91, %exp3A_93 : vector<16xf32>
    %add3A_96 = arith.addf %add3A_94, %add3A_95 : vector<16xf32>
    %add3A_97 = arith.constant 0 : i32
    %add3A_98 = vector.broadcast %add3A_97 : i32 to vector<16xi32>
    %add3A_99 = arith.addi %add3A_98, %iota3A : vector<16xi32>
    %div3A = arith.divf %exp3A, %add3A_96 : vector<16xf32>
    tpu.vector_store_idx %arg7[%add3A_99, %broadcast_in_dim3A_23], %div3A : memref<128x4xf32, #tpu.memory_space<vmem>>[vector<16xi32>, vector<16xi32>], vector<16xf32>,
    %div3A_100 = arith.divf %exp3A_89, %add3A_96 : vector<16xf32>
    tpu.vector_store_idx %arg7[%add3A_99, %broadcast_in_dim3A_25], %div3A_100 : memref<128x4xf32, #tpu.memory_space<vmem>>[vector<16xi32>, vector<16xi32>], vector<16xf32>,
    %div3A_101 = arith.divf %exp3A_91, %add3A_96 : vector<16xf32>
    tpu.vector_store_idx %arg7[%add3A_99, %broadcast_in_dim3A_27], %div3A_101 : memref<128x4xf32, #tpu.memory_space<vmem>>[vector<16xi32>, vector<16xi32>], vector<16xf32>,
    %div3A_102 = arith.divf %exp3A_93, %add3A_96 : vector<16xf32>
    tpu.vector_store_idx %arg7[%add3A_99, %broadcast_in_dim3A_29], %div3A_102 : memref<128x4xf32, #tpu.memory_space<vmem>>[vector<16xi32>, vector<16xi32>], vector<16xf32>,
    %dma_wait3A_103 = arith.constant 1 : i32
    %dma_wait3A_104 = arith.constant 0 : i32
    %dma_wait3A_105 = arith.constant 0 : i32
    %dma_wait3A_106 = tpu.memref_slice %arg6[%dma_wait3A_103, %dma_wait3A_104, %dma_wait3A_105] : memref<2x16x200xi32, #tpu.memory_space<vmem>> -> memref<1x16x200xi32, #tpu.memory_space<vmem>>
    %dma_wait3A_107 = tpu.memref_squeeze %dma_wait3A_106 : memref<1x16x200xi32, #tpu.memory_space<vmem>> -> memref<16x200xi32, #tpu.memory_space<vmem>>
    %dma_wait3A_108 = arith.constant 0 : i32
    %dma_wait3A_109 = tpu.memref_slice %arg3[%add3A_65, %dma_wait3A_108] : memref<4096x200xi32, #tpu.memory_space<hbm>> -> memref<16x200xi32, #tpu.memory_space<hbm>>
    %dma_wait3A_110 = arith.constant 0 : i32
    %dma_wait3A_111 = arith.constant 0 : i32
    %dma_wait3A_112 = tpu.memref_slice %arg6[%dma_wait3A_103, %dma_wait3A_110, %dma_wait3A_111] : memref<2x16x200xi32, #tpu.memory_space<vmem>> -> memref<1x16x200xi32, #tpu.memory_space<vmem>>
    %dma_wait3A_113 = tpu.memref_squeeze %dma_wait3A_112 : memref<1x16x200xi32, #tpu.memory_space<vmem>> -> memref<16x200xi32, #tpu.memory_space<vmem>>
    %dma_wait3A_114 = arith.constant 0 : i32
    %dma_wait3A_115 = tpu.memref_slice %arg3[%add3A_65, %dma_wait3A_114] : memref<4096x200xi32, #tpu.memory_space<hbm>> -> memref<16x200xi32, #tpu.memory_space<hbm>>
    tpu.wait_dma2 semaphore(%arg9 : memref<!tpu.dma_semaphore, #tpu.memory_space<semaphore_mem>>) src(%dma_wait3A_115 : memref<16x200xi32, #tpu.memory_space<hbm>>) dst(%dma_wait3A_113 : memref<16x200xi32, #tpu.memory_space<vmem>>)
    %add3A_116 = arith.constant 32 : i32
    %add3A_117 = arith.addi %mul3A_2, %add3A_116 : i32
    %dma_start3A_118 = arith.constant 0 : i32
    %dma_start3A_119 = arith.constant 0 : i32
    %dma_start3A_120 = arith.constant 0 : i32
    %dma_start3A_121 = tpu.memref_slice %arg6[%dma_start3A_118, %dma_start3A_119, %dma_start3A_120] : memref<2x16x200xi32, #tpu.memory_space<vmem>> -> memref<1x16x200xi32, #tpu.memory_space<vmem>>
    %dma_start3A_122 = tpu.memref_squeeze %dma_start3A_121 : memref<1x16x200xi32, #tpu.memory_space<vmem>> -> memref<16x200xi32, #tpu.memory_space<vmem>>
    %dma_start3A_123 = arith.constant 0 : i32
    %dma_start3A_124 = tpu.memref_slice %arg3[%add3A_117, %dma_start3A_123] : memref<4096x200xi32, #tpu.memory_space<hbm>> -> memref<16x200xi32, #tpu.memory_space<hbm>>
    %dma_start3A_125 = arith.constant 0 : i32
    %dma_start3A_126 = arith.constant 0 : i32
    %dma_start3A_127 = tpu.memref_slice %arg6[%dma_start3A_118, %dma_start3A_125, %dma_start3A_126] : memref<2x16x200xi32, #tpu.memory_space<vmem>> -> memref<1x16x200xi32, #tpu.memory_space<vmem>>
    %dma_start3A_128 = tpu.memref_squeeze %dma_start3A_127 : memref<1x16x200xi32, #tpu.memory_space<vmem>> -> memref<16x200xi32, #tpu.memory_space<vmem>>
    %dma_start3A_129 = arith.constant 0 : i32
    %dma_start3A_130 = tpu.memref_slice %arg3[%add3A_117, %dma_start3A_129] : memref<4096x200xi32, #tpu.memory_space<hbm>> -> memref<16x200xi32, #tpu.memory_space<hbm>>
    tpu.enqueue_dma source(%dma_start3A_130 : memref<16x200xi32, #tpu.memory_space<hbm>>) target(%dma_start3A_128 : memref<16x200xi32, #tpu.memory_space<vmem>>) target_semaphore(%arg8 : memref<!tpu.dma_semaphore, #tpu.memory_space<semaphore_mem>>)
    %broadcast_in_dim3A_131 = arith.constant 1 : i32
    %broadcast_in_dim3A_132 = vector.broadcast %broadcast_in_dim3A_131 : i32 to vector<16xi32>
    %scan3A_133 = arith.constant 0 : i32
    %scan3A_134 = arith.constant 16 : i32
    %scan3A_135 = arith.addi %scan3A_133, %scan3A_134 : i32
    %scan3A_136 = arith.constant 1 : i32
    %scan3A_137:4 = scf.for %scan3A_487 = %scan3A_133 to %scan3A_135 step %scan3A_136 iter_args(%scan3A_488 = %bitcast3A_40, %scan3A_489 = %bitcast3A_41, %scan3A_490 = %bitcast3A_49, %scan3A_491 = %bitcast3A_51) -> (vector<16xf32>, vector<16xf32>, vector<16xf32>, vector<16xf32>)  : i32 {
      %broadcast_in_dim3A_492 = vector.broadcast %scan3A_487 : i32 to vector<16xi32>
      %broadcast_in_dim3A_493 = arith.constant 0 : i32
      %broadcast_in_dim3A_494 = vector.broadcast %broadcast_in_dim3A_493 : i32 to vector<16xi32>
      %bitcast3A_495 = vector.bitcast %broadcast_in_dim3A_494 : vector<16xi32> to vector<32xbf16>
      %broadcast_in_dim3A_496 = arith.constant 0 : i32
      %broadcast_in_dim3A_497 = vector.broadcast %broadcast_in_dim3A_496 : i32 to vector<16xi32>
      %add3A_498 = arith.addi %broadcast_in_dim3A_497, %iota3A : vector<16xi32>
      %gather3A_499 = tpu.vector_load_idx %arg6[%broadcast_in_dim3A_132, %broadcast_in_dim3A_492, %add3A_498] : memref<2x16x200xi32, #tpu.memory_space<vmem>>[vector<16xi32>, vector<16xi32>, vector<16xi32>], vector<16xi32>,
      %gather3A_500 = tpu.vector_load_idx %arg5[%gather3A_499] : memref<2016xi32, #tpu.memory_space<vmem>>[vector<16xi32>], vector<16xi32>,
      %add3A_501 = arith.constant 1008 : i32
      %add3A_502 = vector.broadcast %add3A_501 : i32 to vector<16xi32>
      %add3A_503 = arith.addi %gather3A_499, %add3A_502 : vector<16xi32>
      %gather3A_504 = tpu.vector_load_idx %arg5[%add3A_503] : memref<2016xi32, #tpu.memory_space<vmem>>[vector<16xi32>], vector<16xi32>,
      %bitcast3A_505 = vector.bitcast %gather3A_500 : vector<16xi32> to vector<32xbf16>
      %add3A_506 = arith.addf %bitcast3A_495, %bitcast3A_505 : vector<32xbf16>
      %bitcast3A_507 = vector.bitcast %gather3A_504 : vector<16xi32> to vector<32xbf16>
      %add3A_508 = arith.addf %bitcast3A_495, %bitcast3A_507 : vector<32xbf16>
      %broadcast_in_dim3A_509 = arith.constant 16 : i32
      %broadcast_in_dim3A_510 = vector.broadcast %broadcast_in_dim3A_509 : i32 to vector<16xi32>
      %add3A_511 = arith.addi %broadcast_in_dim3A_510, %iota3A : vector<16xi32>
      %gather3A_512 = tpu.vector_load_idx %arg6[%broadcast_in_dim3A_132, %broadcast_in_dim3A_492, %add3A_511] : memref<2x16x200xi32, #tpu.memory_space<vmem>>[vector<16xi32>, vector<16xi32>, vector<16xi32>], vector<16xi32>,
      %gather3A_513 = tpu.vector_load_idx %arg5[%gather3A_512] : memref<2016xi32, #tpu.memory_space<vmem>>[vector<16xi32>], vector<16xi32>,
      %add3A_514 = arith.constant 1008 : i32
      %add3A_515 = vector.broadcast %add3A_514 : i32 to vector<16xi32>
      %add3A_516 = arith.addi %gather3A_512, %add3A_515 : vector<16xi32>
      %gather3A_517 = tpu.vector_load_idx %arg5[%add3A_516] : memref<2016xi32, #tpu.memory_space<vmem>>[vector<16xi32>], vector<16xi32>,
      %bitcast3A_518 = vector.bitcast %gather3A_513 : vector<16xi32> to vector<32xbf16>
      %add3A_519 = arith.addf %add3A_506, %bitcast3A_518 : vector<32xbf16>
      %bitcast3A_520 = vector.bitcast %gather3A_517 : vector<16xi32> to vector<32xbf16>
      %add3A_521 = arith.addf %add3A_508, %bitcast3A_520 : vector<32xbf16>
      %broadcast_in_dim3A_522 = arith.constant 32 : i32
      %broadcast_in_dim3A_523 = vector.broadcast %broadcast_in_dim3A_522 : i32 to vector<16xi32>
      %add3A_524 = arith.addi %broadcast_in_dim3A_523, %iota3A : vector<16xi32>
      %gather3A_525 = tpu.vector_load_idx %arg6[%broadcast_in_dim3A_132, %broadcast_in_dim3A_492, %add3A_524] : memref<2x16x200xi32, #tpu.memory_space<vmem>>[vector<16xi32>, vector<16xi32>, vector<16xi32>], vector<16xi32>,
      %gather3A_526 = tpu.vector_load_idx %arg5[%gather3A_525] : memref<2016xi32, #tpu.memory_space<vmem>>[vector<16xi32>], vector<16xi32>,
      %add3A_527 = arith.constant 1008 : i32
      %add3A_528 = vector.broadcast %add3A_527 : i32 to vector<16xi32>
      %add3A_529 = arith.addi %gather3A_525, %add3A_528 : vector<16xi32>
      %gather3A_530 = tpu.vector_load_idx %arg5[%add3A_529] : memref<2016xi32, #tpu.memory_space<vmem>>[vector<16xi32>], vector<16xi32>,
      %bitcast3A_531 = vector.bitcast %gather3A_526 : vector<16xi32> to vector<32xbf16>
      %add3A_532 = arith.addf %add3A_519, %bitcast3A_531 : vector<32xbf16>
      %bitcast3A_533 = vector.bitcast %gather3A_530 : vector<16xi32> to vector<32xbf16>
      %add3A_534 = arith.addf %add3A_521, %bitcast3A_533 : vector<32xbf16>
      %broadcast_in_dim3A_535 = arith.constant 48 : i32
      %broadcast_in_dim3A_536 = vector.broadcast %broadcast_in_dim3A_535 : i32 to vector<16xi32>
      %add3A_537 = arith.addi %broadcast_in_dim3A_536, %iota3A : vector<16xi32>
      %gather3A_538 = tpu.vector_load_idx %arg6[%broadcast_in_dim3A_132, %broadcast_in_dim3A_492, %add3A_537] : memref<2x16x200xi32, #tpu.memory_space<vmem>>[vector<16xi32>, vector<16xi32>, vector<16xi32>], vector<16xi32>,
      %gather3A_539 = tpu.vector_load_idx %arg5[%gather3A_538] : memref<2016xi32, #tpu.memory_space<vmem>>[vector<16xi32>], vector<16xi32>,
      %add3A_540 = arith.constant 1008 : i32
      %add3A_541 = vector.broadcast %add3A_540 : i32 to vector<16xi32>
      %add3A_542 = arith.addi %gather3A_538, %add3A_541 : vector<16xi32>
      %gather3A_543 = tpu.vector_load_idx %arg5[%add3A_542] : memref<2016xi32, #tpu.memory_space<vmem>>[vector<16xi32>], vector<16xi32>,
      %bitcast3A_544 = vector.bitcast %gather3A_539 : vector<16xi32> to vector<32xbf16>
      %add3A_545 = arith.addf %add3A_532, %bitcast3A_544 : vector<32xbf16>
      %bitcast3A_546 = vector.bitcast %gather3A_543 : vector<16xi32> to vector<32xbf16>
      %add3A_547 = arith.addf %add3A_534, %bitcast3A_546 : vector<32xbf16>
      %broadcast_in_dim3A_548 = arith.constant 64 : i32
      %broadcast_in_dim3A_549 = vector.broadcast %broadcast_in_dim3A_548 : i32 to vector<16xi32>
      %add3A_550 = arith.addi %broadcast_in_dim3A_549, %iota3A : vector<16xi32>
      %gather3A_551 = tpu.vector_load_idx %arg6[%broadcast_in_dim3A_132, %broadcast_in_dim3A_492, %add3A_550] : memref<2x16x200xi32, #tpu.memory_space<vmem>>[vector<16xi32>, vector<16xi32>, vector<16xi32>], vector<16xi32>,
      %gather3A_552 = tpu.vector_load_idx %arg5[%gather3A_551] : memref<2016xi32, #tpu.memory_space<vmem>>[vector<16xi32>], vector<16xi32>,
      %add3A_553 = arith.constant 1008 : i32
      %add3A_554 = vector.broadcast %add3A_553 : i32 to vector<16xi32>
      %add3A_555 = arith.addi %gather3A_551, %add3A_554 : vector<16xi32>
      %gather3A_556 = tpu.vector_load_idx %arg5[%add3A_555] : memref<2016xi32, #tpu.memory_space<vmem>>[vector<16xi32>], vector<16xi32>,
      %bitcast3A_557 = vector.bitcast %gather3A_552 : vector<16xi32> to vector<32xbf16>
      %add3A_558 = arith.addf %add3A_545, %bitcast3A_557 : vector<32xbf16>
      %bitcast3A_559 = vector.bitcast %gather3A_556 : vector<16xi32> to vector<32xbf16>
      %add3A_560 = arith.addf %add3A_547, %bitcast3A_559 : vector<32xbf16>
      %broadcast_in_dim3A_561 = arith.constant 80 : i32
      %broadcast_in_dim3A_562 = vector.broadcast %broadcast_in_dim3A_561 : i32 to vector<16xi32>
      %add3A_563 = arith.addi %broadcast_in_dim3A_562, %iota3A : vector<16xi32>
      %gather3A_564 = tpu.vector_load_idx %arg6[%broadcast_in_dim3A_132, %broadcast_in_dim3A_492, %add3A_563] : memref<2x16x200xi32, #tpu.memory_space<vmem>>[vector<16xi32>, vector<16xi32>, vector<16xi32>], vector<16xi32>,
      %gather3A_565 = tpu.vector_load_idx %arg5[%gather3A_564] : memref<2016xi32, #tpu.memory_space<vmem>>[vector<16xi32>], vector<16xi32>,
      %add3A_566 = arith.constant 1008 : i32
      %add3A_567 = vector.broadcast %add3A_566 : i32 to vector<16xi32>
      %add3A_568 = arith.addi %gather3A_564, %add3A_567 : vector<16xi32>
      %gather3A_569 = tpu.vector_load_idx %arg5[%add3A_568] : memref<2016xi32, #tpu.memory_space<vmem>>[vector<16xi32>], vector<16xi32>,
      %bitcast3A_570 = vector.bitcast %gather3A_565 : vector<16xi32> to vector<32xbf16>
      %add3A_571 = arith.addf %add3A_558, %bitcast3A_570 : vector<32xbf16>
      %bitcast3A_572 = vector.bitcast %gather3A_569 : vector<16xi32> to vector<32xbf16>
      %add3A_573 = arith.addf %add3A_560, %bitcast3A_572 : vector<32xbf16>
      %broadcast_in_dim3A_574 = arith.constant 96 : i32
      %broadcast_in_dim3A_575 = vector.broadcast %broadcast_in_dim3A_574 : i32 to vector<16xi32>
      %add3A_576 = arith.addi %broadcast_in_dim3A_575, %iota3A : vector<16xi32>
      %gather3A_577 = tpu.vector_load_idx %arg6[%broadcast_in_dim3A_132, %broadcast_in_dim3A_492, %add3A_576] : memref<2x16x200xi32, #tpu.memory_space<vmem>>[vector<16xi32>, vector<16xi32>, vector<16xi32>], vector<16xi32>,
      %gather3A_578 = tpu.vector_load_idx %arg5[%gather3A_577] : memref<2016xi32, #tpu.memory_space<vmem>>[vector<16xi32>], vector<16xi32>,
      %add3A_579 = arith.constant 1008 : i32
      %add3A_580 = vector.broadcast %add3A_579 : i32 to vector<16xi32>
      %add3A_581 = arith.addi %gather3A_577, %add3A_580 : vector<16xi32>
      %gather3A_582 = tpu.vector_load_idx %arg5[%add3A_581] : memref<2016xi32, #tpu.memory_space<vmem>>[vector<16xi32>], vector<16xi32>,
      %bitcast3A_583 = vector.bitcast %gather3A_578 : vector<16xi32> to vector<32xbf16>
      %add3A_584 = arith.addf %add3A_571, %bitcast3A_583 : vector<32xbf16>
      %bitcast3A_585 = vector.bitcast %gather3A_582 : vector<16xi32> to vector<32xbf16>
      %add3A_586 = arith.addf %add3A_573, %bitcast3A_585 : vector<32xbf16>
      %broadcast_in_dim3A_587 = arith.constant 112 : i32
      %broadcast_in_dim3A_588 = vector.broadcast %broadcast_in_dim3A_587 : i32 to vector<16xi32>
      %add3A_589 = arith.addi %broadcast_in_dim3A_588, %iota3A : vector<16xi32>
      %gather3A_590 = tpu.vector_load_idx %arg6[%broadcast_in_dim3A_132, %broadcast_in_dim3A_492, %add3A_589] : memref<2x16x200xi32, #tpu.memory_space<vmem>>[vector<16xi32>, vector<16xi32>, vector<16xi32>], vector<16xi32>,
      %gather3A_591 = tpu.vector_load_idx %arg5[%gather3A_590] : memref<2016xi32, #tpu.memory_space<vmem>>[vector<16xi32>], vector<16xi32>,
      %add3A_592 = arith.constant 1008 : i32
      %add3A_593 = vector.broadcast %add3A_592 : i32 to vector<16xi32>
      %add3A_594 = arith.addi %gather3A_590, %add3A_593 : vector<16xi32>
      %gather3A_595 = tpu.vector_load_idx %arg5[%add3A_594] : memref<2016xi32, #tpu.memory_space<vmem>>[vector<16xi32>], vector<16xi32>,
      %bitcast3A_596 = vector.bitcast %gather3A_591 : vector<16xi32> to vector<32xbf16>
      %add3A_597 = arith.addf %add3A_584, %bitcast3A_596 : vector<32xbf16>
      %bitcast3A_598 = vector.bitcast %gather3A_595 : vector<16xi32> to vector<32xbf16>
      %add3A_599 = arith.addf %add3A_586, %bitcast3A_598 : vector<32xbf16>
      %broadcast_in_dim3A_600 = arith.constant 128 : i32
      %broadcast_in_dim3A_601 = vector.broadcast %broadcast_in_dim3A_600 : i32 to vector<16xi32>
      %add3A_602 = arith.addi %broadcast_in_dim3A_601, %iota3A : vector<16xi32>
      %gather3A_603 = tpu.vector_load_idx %arg6[%broadcast_in_dim3A_132, %broadcast_in_dim3A_492, %add3A_602] : memref<2x16x200xi32, #tpu.memory_space<vmem>>[vector<16xi32>, vector<16xi32>, vector<16xi32>], vector<16xi32>,
      %gather3A_604 = tpu.vector_load_idx %arg5[%gather3A_603] : memref<2016xi32, #tpu.memory_space<vmem>>[vector<16xi32>], vector<16xi32>,
      %add3A_605 = arith.constant 1008 : i32
      %add3A_606 = vector.broadcast %add3A_605 : i32 to vector<16xi32>
      %add3A_607 = arith.addi %gather3A_603, %add3A_606 : vector<16xi32>
      %gather3A_608 = tpu.vector_load_idx %arg5[%add3A_607] : memref<2016xi32, #tpu.memory_space<vmem>>[vector<16xi32>], vector<16xi32>,
      %bitcast3A_609 = vector.bitcast %gather3A_604 : vector<16xi32> to vector<32xbf16>
      %add3A_610 = arith.addf %add3A_597, %bitcast3A_609 : vector<32xbf16>
      %bitcast3A_611 = vector.bitcast %gather3A_608 : vector<16xi32> to vector<32xbf16>
      %add3A_612 = arith.addf %add3A_599, %bitcast3A_611 : vector<32xbf16>
      %broadcast_in_dim3A_613 = arith.constant 144 : i32
      %broadcast_in_dim3A_614 = vector.broadcast %broadcast_in_dim3A_613 : i32 to vector<16xi32>
      %add3A_615 = arith.addi %broadcast_in_dim3A_614, %iota3A : vector<16xi32>
      %gather3A_616 = tpu.vector_load_idx %arg6[%broadcast_in_dim3A_132, %broadcast_in_dim3A_492, %add3A_615] : memref<2x16x200xi32, #tpu.memory_space<vmem>>[vector<16xi32>, vector<16xi32>, vector<16xi32>], vector<16xi32>,
      %gather3A_617 = tpu.vector_load_idx %arg5[%gather3A_616] : memref<2016xi32, #tpu.memory_space<vmem>>[vector<16xi32>], vector<16xi32>,
      %add3A_618 = arith.constant 1008 : i32
      %add3A_619 = vector.broadcast %add3A_618 : i32 to vector<16xi32>
      %add3A_620 = arith.addi %gather3A_616, %add3A_619 : vector<16xi32>
      %gather3A_621 = tpu.vector_load_idx %arg5[%add3A_620] : memref<2016xi32, #tpu.memory_space<vmem>>[vector<16xi32>], vector<16xi32>,
      %bitcast3A_622 = vector.bitcast %gather3A_617 : vector<16xi32> to vector<32xbf16>
      %add3A_623 = arith.addf %add3A_610, %bitcast3A_622 : vector<32xbf16>
      %bitcast3A_624 = vector.bitcast %gather3A_621 : vector<16xi32> to vector<32xbf16>
      %add3A_625 = arith.addf %add3A_612, %bitcast3A_624 : vector<32xbf16>
      %broadcast_in_dim3A_626 = arith.constant 160 : i32
      %broadcast_in_dim3A_627 = vector.broadcast %broadcast_in_dim3A_626 : i32 to vector<16xi32>
      %add3A_628 = arith.addi %broadcast_in_dim3A_627, %iota3A : vector<16xi32>
      %gather3A_629 = tpu.vector_load_idx %arg6[%broadcast_in_dim3A_132, %broadcast_in_dim3A_492, %add3A_628] : memref<2x16x200xi32, #tpu.memory_space<vmem>>[vector<16xi32>, vector<16xi32>, vector<16xi32>], vector<16xi32>,
      %gather3A_630 = tpu.vector_load_idx %arg5[%gather3A_629] : memref<2016xi32, #tpu.memory_space<vmem>>[vector<16xi32>], vector<16xi32>,
      %add3A_631 = arith.constant 1008 : i32
      %add3A_632 = vector.broadcast %add3A_631 : i32 to vector<16xi32>
      %add3A_633 = arith.addi %gather3A_629, %add3A_632 : vector<16xi32>
      %gather3A_634 = tpu.vector_load_idx %arg5[%add3A_633] : memref<2016xi32, #tpu.memory_space<vmem>>[vector<16xi32>], vector<16xi32>,
      %bitcast3A_635 = vector.bitcast %gather3A_630 : vector<16xi32> to vector<32xbf16>
      %add3A_636 = arith.addf %add3A_623, %bitcast3A_635 : vector<32xbf16>
      %bitcast3A_637 = vector.bitcast %gather3A_634 : vector<16xi32> to vector<32xbf16>
      %add3A_638 = arith.addf %add3A_625, %bitcast3A_637 : vector<32xbf16>
      %broadcast_in_dim3A_639 = arith.constant 176 : i32
      %broadcast_in_dim3A_640 = vector.broadcast %broadcast_in_dim3A_639 : i32 to vector<16xi32>
      %add3A_641 = arith.addi %broadcast_in_dim3A_640, %iota3A : vector<16xi32>
      %gather3A_642 = tpu.vector_load_idx %arg6[%broadcast_in_dim3A_132, %broadcast_in_dim3A_492, %add3A_641] : memref<2x16x200xi32, #tpu.memory_space<vmem>>[vector<16xi32>, vector<16xi32>, vector<16xi32>], vector<16xi32>,
      %gather3A_643 = tpu.vector_load_idx %arg5[%gather3A_642] : memref<2016xi32, #tpu.memory_space<vmem>>[vector<16xi32>], vector<16xi32>,
      %add3A_644 = arith.constant 1008 : i32
      %add3A_645 = vector.broadcast %add3A_644 : i32 to vector<16xi32>
      %add3A_646 = arith.addi %gather3A_642, %add3A_645 : vector<16xi32>
      %gather3A_647 = tpu.vector_load_idx %arg5[%add3A_646] : memref<2016xi32, #tpu.memory_space<vmem>>[vector<16xi32>], vector<16xi32>,
      %bitcast3A_648 = vector.bitcast %gather3A_643 : vector<16xi32> to vector<32xbf16>
      %add3A_649 = arith.addf %add3A_636, %bitcast3A_648 : vector<32xbf16>
      %bitcast3A_650 = vector.bitcast %gather3A_647 : vector<16xi32> to vector<32xbf16>
      %add3A_651 = arith.addf %add3A_638, %bitcast3A_650 : vector<32xbf16>
      %broadcast_in_dim3A_652 = arith.constant 192 : i32
      %broadcast_in_dim3A_653 = vector.broadcast %broadcast_in_dim3A_652 : i32 to vector<16xi32>
      %add3A_654 = arith.addi %broadcast_in_dim3A_653, %iota3A : vector<16xi32>
      %select_n3A = arith.select %lt3A_19, %add3A_654, %iota3A : vector<16xi1>, vector<16xi32>
      %gather3A_655 = tpu.vector_load_idx %arg6[%broadcast_in_dim3A_132, %broadcast_in_dim3A_492, %select_n3A] : memref<2x16x200xi32, #tpu.memory_space<vmem>>[vector<16xi32>, vector<16xi32>, vector<16xi32>], vector<16xi32>,
      %select_n3A_656 = arith.select %lt3A_19, %gather3A_655, %broadcast_in_dim3A_21 : vector<16xi1>, vector<16xi32>
      %gather3A_657 = tpu.vector_load_idx %arg5[%select_n3A_656] : memref<2016xi32, #tpu.memory_space<vmem>>[vector<16xi32>], vector<16xi32>,
      %add3A_658 = arith.constant 1008 : i32
      %add3A_659 = vector.broadcast %add3A_658 : i32 to vector<16xi32>
      %add3A_660 = arith.addi %select_n3A_656, %add3A_659 : vector<16xi32>
      %gather3A_661 = tpu.vector_load_idx %arg5[%add3A_660] : memref<2016xi32, #tpu.memory_space<vmem>>[vector<16xi32>], vector<16xi32>,
      %bitcast3A_662 = vector.bitcast %gather3A_657 : vector<16xi32> to vector<32xbf16>
      %add3A_663 = arith.addf %add3A_649, %bitcast3A_662 : vector<32xbf16>
      %bitcast3A_664 = vector.bitcast %gather3A_661 : vector<16xi32> to vector<32xbf16>
      %add3A_665 = arith.addf %add3A_651, %bitcast3A_664 : vector<32xbf16>
      %bitcast3A_666 = vector.bitcast %add3A_663 : vector<32xbf16> to vector<16xi32>
      %broadcast_in_dim3A_667 = arith.constant -65536 : i32
      %broadcast_in_dim3A_668 = vector.broadcast %broadcast_in_dim3A_667 : i32 to vector<16xi32>
      %shift_left3A_669 = arith.constant 16 : i32
      %shift_left3A_670 = vector.broadcast %shift_left3A_669 : i32 to vector<16xi32>
      %shift_left3A_671 = arith.shli %bitcast3A_666, %shift_left3A_670 : vector<16xi32>
      %bitcast3A_672 = vector.bitcast %shift_left3A_671 : vector<16xi32> to vector<16xf32>
      %and3A_673 = arith.andi %bitcast3A_666, %broadcast_in_dim3A_668 : vector<16xi32>
      %bitcast3A_674 = vector.bitcast %and3A_673 : vector<16xi32> to vector<16xf32>
      %bitcast3A_675 = vector.bitcast %add3A_665 : vector<32xbf16> to vector<16xi32>
      %broadcast_in_dim3A_676 = arith.constant -65536 : i32
      %broadcast_in_dim3A_677 = vector.broadcast %broadcast_in_dim3A_676 : i32 to vector<16xi32>
      %shift_left3A_678 = arith.constant 16 : i32
      %shift_left3A_679 = vector.broadcast %shift_left3A_678 : i32 to vector<16xi32>
      %shift_left3A_680 = arith.shli %bitcast3A_675, %shift_left3A_679 : vector<16xi32>
      %bitcast3A_681 = vector.bitcast %shift_left3A_680 : vector<16xi32> to vector<16xf32>
      %and3A_682 = arith.andi %bitcast3A_675, %broadcast_in_dim3A_677 : vector<16xi32>
      %bitcast3A_683 = vector.bitcast %and3A_682 : vector<16xi32> to vector<16xf32>
      %broadcast_in_dim3A_684 = vector.broadcast %scan3A_487 : i32 to vector<16xi32>
      %eq3A = arith.cmpi eq, %iota3A, %broadcast_in_dim3A_684 : vector<16xi32>
      %reduce_sum3A = arith.constant true
      %reduce_sum3A_685 = vector.broadcast %reduce_sum3A : i1 to vector<16xi1>
      %reduce_sum3A_686 = tpu.scan <sum>, %bitcast3A_672 masked %reduce_sum3A_685 : vector<16xf32>, vector<16xi1> -> vector<16xf32>
      %reduce_sum3A_687 = vector.extract %reduce_sum3A_686[15] : f32 from vector<16xf32>
      %broadcast_in_dim3A_688 = vector.broadcast %reduce_sum3A_687 : f32 to vector<16xf32>
      %select_n3A_689 = arith.select %eq3A, %broadcast_in_dim3A_688, %broadcast_in_dim3A_17 : vector<16xi1>, vector<16xf32>
      %add3A_690 = arith.addf %scan3A_488, %select_n3A_689 : vector<16xf32>
      %reduce_sum3A_691 = arith.constant true
      %reduce_sum3A_692 = vector.broadcast %reduce_sum3A_691 : i1 to vector<16xi1>
      %reduce_sum3A_693 = tpu.scan <sum>, %bitcast3A_674 masked %reduce_sum3A_692 : vector<16xf32>, vector<16xi1> -> vector<16xf32>
      %reduce_sum3A_694 = vector.extract %reduce_sum3A_693[15] : f32 from vector<16xf32>
      %broadcast_in_dim3A_695 = vector.broadcast %reduce_sum3A_694 : f32 to vector<16xf32>
      %select_n3A_696 = arith.select %eq3A, %broadcast_in_dim3A_695, %broadcast_in_dim3A_17 : vector<16xi1>, vector<16xf32>
      %add3A_697 = arith.addf %scan3A_489, %select_n3A_696 : vector<16xf32>
      %reduce_sum3A_698 = arith.constant true
      %reduce_sum3A_699 = vector.broadcast %reduce_sum3A_698 : i1 to vector<16xi1>
      %reduce_sum3A_700 = tpu.scan <sum>, %bitcast3A_681 masked %reduce_sum3A_699 : vector<16xf32>, vector<16xi1> -> vector<16xf32>
      %reduce_sum3A_701 = vector.extract %reduce_sum3A_700[15] : f32 from vector<16xf32>
      %broadcast_in_dim3A_702 = vector.broadcast %reduce_sum3A_701 : f32 to vector<16xf32>
      %select_n3A_703 = arith.select %eq3A, %broadcast_in_dim3A_702, %broadcast_in_dim3A_17 : vector<16xi1>, vector<16xf32>
      %add3A_704 = arith.addf %scan3A_490, %select_n3A_703 : vector<16xf32>
      %reduce_sum3A_705 = arith.constant true
      %reduce_sum3A_706 = vector.broadcast %reduce_sum3A_705 : i1 to vector<16xi1>
      %reduce_sum3A_707 = tpu.scan <sum>, %bitcast3A_683 masked %reduce_sum3A_706 : vector<16xf32>, vector<16xi1> -> vector<16xf32>
      %reduce_sum3A_708 = vector.extract %reduce_sum3A_707[15] : f32 from vector<16xf32>
      %broadcast_in_dim3A_709 = vector.broadcast %reduce_sum3A_708 : f32 to vector<16xf32>
      %select_n3A_710 = arith.select %eq3A, %broadcast_in_dim3A_709, %broadcast_in_dim3A_17 : vector<16xi1>, vector<16xf32>
      %add3A_711 = arith.addf %scan3A_491, %select_n3A_710 : vector<16xf32>
      scf.yield %add3A_690, %add3A_697, %add3A_704, %add3A_711 : vector<16xf32>, vector<16xf32>, vector<16xf32>, vector<16xf32>
    }
    %scan3A_138 = arith.constant 16 : i32
    %max3A_139 = arith.maximumf %scan3A_137#0, %scan3A_137#1 : vector<16xf32>
    %max3A_140 = arith.maximumf %scan3A_137#2, %scan3A_137#3 : vector<16xf32>
    %max3A_141 = arith.maximumf %max3A_139, %max3A_140 : vector<16xf32>
    %sub3A_142 = arith.subf %scan3A_137#0, %max3A_141 : vector<16xf32>
    %exp3A_143 = math.exp %sub3A_142 : vector<16xf32>
    %sub3A_144 = arith.subf %scan3A_137#1, %max3A_141 : vector<16xf32>
    %exp3A_145 = math.exp %sub3A_144 : vector<16xf32>
    %sub3A_146 = arith.subf %scan3A_137#2, %max3A_141 : vector<16xf32>
    %exp3A_147 = math.exp %sub3A_146 : vector<16xf32>
    %sub3A_148 = arith.subf %scan3A_137#3, %max3A_141 : vector<16xf32>
    %exp3A_149 = math.exp %sub3A_148 : vector<16xf32>
    %add3A_150 = arith.addf %exp3A_143, %exp3A_145 : vector<16xf32>
    %add3A_151 = arith.addf %exp3A_147, %exp3A_149 : vector<16xf32>
    %add3A_152 = arith.addf %add3A_150, %add3A_151 : vector<16xf32>
    %add3A_153 = arith.constant 16 : i32
    %add3A_154 = vector.broadcast %add3A_153 : i32 to vector<16xi32>
    %add3A_155 = arith.addi %add3A_154, %iota3A : vector<16xi32>
    %div3A_156 = arith.divf %exp3A_143, %add3A_152 : vector<16xf32>
    tpu.vector_store_idx %arg7[%add3A_155, %broadcast_in_dim3A_23], %div3A_156 : memref<128x4xf32, #tpu.memory_space<vmem>>[vector<16xi32>, vector<16xi32>], vector<16xf32>,
    %div3A_157 = arith.divf %exp3A_145, %add3A_152 : vector<16xf32>
    tpu.vector_store_idx %arg7[%add3A_155, %broadcast_in_dim3A_25], %div3A_157 : memref<128x4xf32, #tpu.memory_space<vmem>>[vector<16xi32>, vector<16xi32>], vector<16xf32>,
    %div3A_158 = arith.divf %exp3A_147, %add3A_152 : vector<16xf32>
    tpu.vector_store_idx %arg7[%add3A_155, %broadcast_in_dim3A_27], %div3A_158 : memref<128x4xf32, #tpu.memory_space<vmem>>[vector<16xi32>, vector<16xi32>], vector<16xf32>,
    %div3A_159 = arith.divf %exp3A_149, %add3A_152 : vector<16xf32>
    tpu.vector_store_idx %arg7[%add3A_155, %broadcast_in_dim3A_29], %div3A_159 : memref<128x4xf32, #tpu.memory_space<vmem>>[vector<16xi32>, vector<16xi32>], vector<16xf32>,
    %dma_wait3A_160 = arith.constant 0 : i32
    %dma_wait3A_161 = arith.constant 0 : i32
    %dma_wait3A_162 = arith.constant 0 : i32
    %dma_wait3A_163 = tpu.memref_slice %arg6[%dma_wait3A_160, %dma_wait3A_161, %dma_wait3A_162] : memref<2x16x200xi32, #tpu.memory_space<vmem>> -> memref<1x16x200xi32, #tpu.memory_space<vmem>>
    %dma_wait3A_164 = tpu.memref_squeeze %dma_wait3A_163 : memref<1x16x200xi32, #tpu.memory_space<vmem>> -> memref<16x200xi32, #tpu.memory_space<vmem>>
    %dma_wait3A_165 = arith.constant 0 : i32
    %dma_wait3A_166 = tpu.memref_slice %arg3[%add3A_117, %dma_wait3A_165] : memref<4096x200xi32, #tpu.memory_space<hbm>> -> memref<16x200xi32, #tpu.memory_space<hbm>>
    %dma_wait3A_167 = arith.constant 0 : i32
    %dma_wait3A_168 = arith.constant 0 : i32
    %dma_wait3A_169 = tpu.memref_slice %arg6[%dma_wait3A_160, %dma_wait3A_167, %dma_wait3A_168] : memref<2x16x200xi32, #tpu.memory_space<vmem>> -> memref<1x16x200xi32, #tpu.memory_space<vmem>>
    %dma_wait3A_170 = tpu.memref_squeeze %dma_wait3A_169 : memref<1x16x200xi32, #tpu.memory_space<vmem>> -> memref<16x200xi32, #tpu.memory_space<vmem>>
    %dma_wait3A_171 = arith.constant 0 : i32
    %dma_wait3A_172 = tpu.memref_slice %arg3[%add3A_117, %dma_wait3A_171] : memref<4096x200xi32, #tpu.memory_space<hbm>> -> memref<16x200xi32, #tpu.memory_space<hbm>>
    tpu.wait_dma2 semaphore(%arg8 : memref<!tpu.dma_semaphore, #tpu.memory_space<semaphore_mem>>) src(%dma_wait3A_172 : memref<16x200xi32, #tpu.memory_space<hbm>>) dst(%dma_wait3A_170 : memref<16x200xi32, #tpu.memory_space<vmem>>)
    %add3A_173 = arith.constant 48 : i32
    %add3A_174 = arith.addi %mul3A_2, %add3A_173 : i32
    %dma_start3A_175 = arith.constant 1 : i32
    %dma_start3A_176 = arith.constant 0 : i32
    %dma_start3A_177 = arith.constant 0 : i32
    %dma_start3A_178 = tpu.memref_slice %arg6[%dma_start3A_175, %dma_start3A_176, %dma_start3A_177] : memref<2x16x200xi32, #tpu.memory_space<vmem>> -> memref<1x16x200xi32, #tpu.memory_space<vmem>>
    %dma_start3A_179 = tpu.memref_squeeze %dma_start3A_178 : memref<1x16x200xi32, #tpu.memory_space<vmem>> -> memref<16x200xi32, #tpu.memory_space<vmem>>
    %dma_start3A_180 = arith.constant 0 : i32
    %dma_start3A_181 = tpu.memref_slice %arg3[%add3A_174, %dma_start3A_180] : memref<4096x200xi32, #tpu.memory_space<hbm>> -> memref<16x200xi32, #tpu.memory_space<hbm>>
    %dma_start3A_182 = arith.constant 0 : i32
    %dma_start3A_183 = arith.constant 0 : i32
    %dma_start3A_184 = tpu.memref_slice %arg6[%dma_start3A_175, %dma_start3A_182, %dma_start3A_183] : memref<2x16x200xi32, #tpu.memory_space<vmem>> -> memref<1x16x200xi32, #tpu.memory_space<vmem>>
    %dma_start3A_185 = tpu.memref_squeeze %dma_start3A_184 : memref<1x16x200xi32, #tpu.memory_space<vmem>> -> memref<16x200xi32, #tpu.memory_space<vmem>>
    %dma_start3A_186 = arith.constant 0 : i32
    %dma_start3A_187 = tpu.memref_slice %arg3[%add3A_174, %dma_start3A_186] : memref<4096x200xi32, #tpu.memory_space<hbm>> -> memref<16x200xi32, #tpu.memory_space<hbm>>
    tpu.enqueue_dma source(%dma_start3A_187 : memref<16x200xi32, #tpu.memory_space<hbm>>) target(%dma_start3A_185 : memref<16x200xi32, #tpu.memory_space<vmem>>) target_semaphore(%arg9 : memref<!tpu.dma_semaphore, #tpu.memory_space<semaphore_mem>>)
    %broadcast_in_dim3A_188 = arith.constant 0 : i32
    %broadcast_in_dim3A_189 = vector.broadcast %broadcast_in_dim3A_188 : i32 to vector<16xi32>
    %scan3A_190 = arith.constant 0 : i32
    %scan3A_191 = arith.constant 16 : i32
    %scan3A_192 = arith.addi %scan3A_190, %scan3A_191 : i32
    %scan3A_193 = arith.constant 1 : i32
    %scan3A_194:4 = scf.for %scan3A_487 = %scan3A_190 to %scan3A_192 step %scan3A_193 iter_args(%scan3A_488 = %bitcast3A_40, %scan3A_489 = %bitcast3A_41, %scan3A_490 = %bitcast3A_49, %scan3A_491 = %bitcast3A_51) -> (vector<16xf32>, vector<16xf32>, vector<16xf32>, vector<16xf32>)  : i32 {
      %broadcast_in_dim3A_492 = vector.broadcast %scan3A_487 : i32 to vector<16xi32>
      %broadcast_in_dim3A_493 = arith.constant 0 : i32
      %broadcast_in_dim3A_494 = vector.broadcast %broadcast_in_dim3A_493 : i32 to vector<16xi32>
      %bitcast3A_495 = vector.bitcast %broadcast_in_dim3A_494 : vector<16xi32> to vector<32xbf16>
      %broadcast_in_dim3A_496 = arith.constant 0 : i32
      %broadcast_in_dim3A_497 = vector.broadcast %broadcast_in_dim3A_496 : i32 to vector<16xi32>
      %add3A_498 = arith.addi %broadcast_in_dim3A_497, %iota3A : vector<16xi32>
      %gather3A_499 = tpu.vector_load_idx %arg6[%broadcast_in_dim3A_189, %broadcast_in_dim3A_492, %add3A_498] : memref<2x16x200xi32, #tpu.memory_space<vmem>>[vector<16xi32>, vector<16xi32>, vector<16xi32>], vector<16xi32>,
      %gather3A_500 = tpu.vector_load_idx %arg5[%gather3A_499] : memref<2016xi32, #tpu.memory_space<vmem>>[vector<16xi32>], vector<16xi32>,
      %add3A_501 = arith.constant 1008 : i32
      %add3A_502 = vector.broadcast %add3A_501 : i32 to vector<16xi32>
      %add3A_503 = arith.addi %gather3A_499, %add3A_502 : vector<16xi32>
      %gather3A_504 = tpu.vector_load_idx %arg5[%add3A_503] : memref<2016xi32, #tpu.memory_space<vmem>>[vector<16xi32>], vector<16xi32>,
      %bitcast3A_505 = vector.bitcast %gather3A_500 : vector<16xi32> to vector<32xbf16>
      %add3A_506 = arith.addf %bitcast3A_495, %bitcast3A_505 : vector<32xbf16>
      %bitcast3A_507 = vector.bitcast %gather3A_504 : vector<16xi32> to vector<32xbf16>
      %add3A_508 = arith.addf %bitcast3A_495, %bitcast3A_507 : vector<32xbf16>
      %broadcast_in_dim3A_509 = arith.constant 16 : i32
      %broadcast_in_dim3A_510 = vector.broadcast %broadcast_in_dim3A_509 : i32 to vector<16xi32>
      %add3A_511 = arith.addi %broadcast_in_dim3A_510, %iota3A : vector<16xi32>
      %gather3A_512 = tpu.vector_load_idx %arg6[%broadcast_in_dim3A_189, %broadcast_in_dim3A_492, %add3A_511] : memref<2x16x200xi32, #tpu.memory_space<vmem>>[vector<16xi32>, vector<16xi32>, vector<16xi32>], vector<16xi32>,
      %gather3A_513 = tpu.vector_load_idx %arg5[%gather3A_512] : memref<2016xi32, #tpu.memory_space<vmem>>[vector<16xi32>], vector<16xi32>,
      %add3A_514 = arith.constant 1008 : i32
      %add3A_515 = vector.broadcast %add3A_514 : i32 to vector<16xi32>
      %add3A_516 = arith.addi %gather3A_512, %add3A_515 : vector<16xi32>
      %gather3A_517 = tpu.vector_load_idx %arg5[%add3A_516] : memref<2016xi32, #tpu.memory_space<vmem>>[vector<16xi32>], vector<16xi32>,
      %bitcast3A_518 = vector.bitcast %gather3A_513 : vector<16xi32> to vector<32xbf16>
      %add3A_519 = arith.addf %add3A_506, %bitcast3A_518 : vector<32xbf16>
      %bitcast3A_520 = vector.bitcast %gather3A_517 : vector<16xi32> to vector<32xbf16>
      %add3A_521 = arith.addf %add3A_508, %bitcast3A_520 : vector<32xbf16>
      %broadcast_in_dim3A_522 = arith.constant 32 : i32
      %broadcast_in_dim3A_523 = vector.broadcast %broadcast_in_dim3A_522 : i32 to vector<16xi32>
      %add3A_524 = arith.addi %broadcast_in_dim3A_523, %iota3A : vector<16xi32>
      %gather3A_525 = tpu.vector_load_idx %arg6[%broadcast_in_dim3A_189, %broadcast_in_dim3A_492, %add3A_524] : memref<2x16x200xi32, #tpu.memory_space<vmem>>[vector<16xi32>, vector<16xi32>, vector<16xi32>], vector<16xi32>,
      %gather3A_526 = tpu.vector_load_idx %arg5[%gather3A_525] : memref<2016xi32, #tpu.memory_space<vmem>>[vector<16xi32>], vector<16xi32>,
      %add3A_527 = arith.constant 1008 : i32
      %add3A_528 = vector.broadcast %add3A_527 : i32 to vector<16xi32>
      %add3A_529 = arith.addi %gather3A_525, %add3A_528 : vector<16xi32>
      %gather3A_530 = tpu.vector_load_idx %arg5[%add3A_529] : memref<2016xi32, #tpu.memory_space<vmem>>[vector<16xi32>], vector<16xi32>,
      %bitcast3A_531 = vector.bitcast %gather3A_526 : vector<16xi32> to vector<32xbf16>
      %add3A_532 = arith.addf %add3A_519, %bitcast3A_531 : vector<32xbf16>
      %bitcast3A_533 = vector.bitcast %gather3A_530 : vector<16xi32> to vector<32xbf16>
      %add3A_534 = arith.addf %add3A_521, %bitcast3A_533 : vector<32xbf16>
      %broadcast_in_dim3A_535 = arith.constant 48 : i32
      %broadcast_in_dim3A_536 = vector.broadcast %broadcast_in_dim3A_535 : i32 to vector<16xi32>
      %add3A_537 = arith.addi %broadcast_in_dim3A_536, %iota3A : vector<16xi32>
      %gather3A_538 = tpu.vector_load_idx %arg6[%broadcast_in_dim3A_189, %broadcast_in_dim3A_492, %add3A_537] : memref<2x16x200xi32, #tpu.memory_space<vmem>>[vector<16xi32>, vector<16xi32>, vector<16xi32>], vector<16xi32>,
      %gather3A_539 = tpu.vector_load_idx %arg5[%gather3A_538] : memref<2016xi32, #tpu.memory_space<vmem>>[vector<16xi32>], vector<16xi32>,
      %add3A_540 = arith.constant 1008 : i32
      %add3A_541 = vector.broadcast %add3A_540 : i32 to vector<16xi32>
      %add3A_542 = arith.addi %gather3A_538, %add3A_541 : vector<16xi32>
      %gather3A_543 = tpu.vector_load_idx %arg5[%add3A_542] : memref<2016xi32, #tpu.memory_space<vmem>>[vector<16xi32>], vector<16xi32>,
      %bitcast3A_544 = vector.bitcast %gather3A_539 : vector<16xi32> to vector<32xbf16>
      %add3A_545 = arith.addf %add3A_532, %bitcast3A_544 : vector<32xbf16>
      %bitcast3A_546 = vector.bitcast %gather3A_543 : vector<16xi32> to vector<32xbf16>
      %add3A_547 = arith.addf %add3A_534, %bitcast3A_546 : vector<32xbf16>
      %broadcast_in_dim3A_548 = arith.constant 64 : i32
      %broadcast_in_dim3A_549 = vector.broadcast %broadcast_in_dim3A_548 : i32 to vector<16xi32>
      %add3A_550 = arith.addi %broadcast_in_dim3A_549, %iota3A : vector<16xi32>
      %gather3A_551 = tpu.vector_load_idx %arg6[%broadcast_in_dim3A_189, %broadcast_in_dim3A_492, %add3A_550] : memref<2x16x200xi32, #tpu.memory_space<vmem>>[vector<16xi32>, vector<16xi32>, vector<16xi32>], vector<16xi32>,
      %gather3A_552 = tpu.vector_load_idx %arg5[%gather3A_551] : memref<2016xi32, #tpu.memory_space<vmem>>[vector<16xi32>], vector<16xi32>,
      %add3A_553 = arith.constant 1008 : i32
      %add3A_554 = vector.broadcast %add3A_553 : i32 to vector<16xi32>
      %add3A_555 = arith.addi %gather3A_551, %add3A_554 : vector<16xi32>
      %gather3A_556 = tpu.vector_load_idx %arg5[%add3A_555] : memref<2016xi32, #tpu.memory_space<vmem>>[vector<16xi32>], vector<16xi32>,
      %bitcast3A_557 = vector.bitcast %gather3A_552 : vector<16xi32> to vector<32xbf16>
      %add3A_558 = arith.addf %add3A_545, %bitcast3A_557 : vector<32xbf16>
      %bitcast3A_559 = vector.bitcast %gather3A_556 : vector<16xi32> to vector<32xbf16>
      %add3A_560 = arith.addf %add3A_547, %bitcast3A_559 : vector<32xbf16>
      %broadcast_in_dim3A_561 = arith.constant 80 : i32
      %broadcast_in_dim3A_562 = vector.broadcast %broadcast_in_dim3A_561 : i32 to vector<16xi32>
      %add3A_563 = arith.addi %broadcast_in_dim3A_562, %iota3A : vector<16xi32>
      %gather3A_564 = tpu.vector_load_idx %arg6[%broadcast_in_dim3A_189, %broadcast_in_dim3A_492, %add3A_563] : memref<2x16x200xi32, #tpu.memory_space<vmem>>[vector<16xi32>, vector<16xi32>, vector<16xi32>], vector<16xi32>,
      %gather3A_565 = tpu.vector_load_idx %arg5[%gather3A_564] : memref<2016xi32, #tpu.memory_space<vmem>>[vector<16xi32>], vector<16xi32>,
      %add3A_566 = arith.constant 1008 : i32
      %add3A_567 = vector.broadcast %add3A_566 : i32 to vector<16xi32>
      %add3A_568 = arith.addi %gather3A_564, %add3A_567 : vector<16xi32>
      %gather3A_569 = tpu.vector_load_idx %arg5[%add3A_568] : memref<2016xi32, #tpu.memory_space<vmem>>[vector<16xi32>], vector<16xi32>,
      %bitcast3A_570 = vector.bitcast %gather3A_565 : vector<16xi32> to vector<32xbf16>
      %add3A_571 = arith.addf %add3A_558, %bitcast3A_570 : vector<32xbf16>
      %bitcast3A_572 = vector.bitcast %gather3A_569 : vector<16xi32> to vector<32xbf16>
      %add3A_573 = arith.addf %add3A_560, %bitcast3A_572 : vector<32xbf16>
      %broadcast_in_dim3A_574 = arith.constant 96 : i32
      %broadcast_in_dim3A_575 = vector.broadcast %broadcast_in_dim3A_574 : i32 to vector<16xi32>
      %add3A_576 = arith.addi %broadcast_in_dim3A_575, %iota3A : vector<16xi32>
      %gather3A_577 = tpu.vector_load_idx %arg6[%broadcast_in_dim3A_189, %broadcast_in_dim3A_492, %add3A_576] : memref<2x16x200xi32, #tpu.memory_space<vmem>>[vector<16xi32>, vector<16xi32>, vector<16xi32>], vector<16xi32>,
      %gather3A_578 = tpu.vector_load_idx %arg5[%gather3A_577] : memref<2016xi32, #tpu.memory_space<vmem>>[vector<16xi32>], vector<16xi32>,
      %add3A_579 = arith.constant 1008 : i32
      %add3A_580 = vector.broadcast %add3A_579 : i32 to vector<16xi32>
      %add3A_581 = arith.addi %gather3A_577, %add3A_580 : vector<16xi32>
      %gather3A_582 = tpu.vector_load_idx %arg5[%add3A_581] : memref<2016xi32, #tpu.memory_space<vmem>>[vector<16xi32>], vector<16xi32>,
      %bitcast3A_583 = vector.bitcast %gather3A_578 : vector<16xi32> to vector<32xbf16>
      %add3A_584 = arith.addf %add3A_571, %bitcast3A_583 : vector<32xbf16>
      %bitcast3A_585 = vector.bitcast %gather3A_582 : vector<16xi32> to vector<32xbf16>
      %add3A_586 = arith.addf %add3A_573, %bitcast3A_585 : vector<32xbf16>
      %broadcast_in_dim3A_587 = arith.constant 112 : i32
      %broadcast_in_dim3A_588 = vector.broadcast %broadcast_in_dim3A_587 : i32 to vector<16xi32>
      %add3A_589 = arith.addi %broadcast_in_dim3A_588, %iota3A : vector<16xi32>
      %gather3A_590 = tpu.vector_load_idx %arg6[%broadcast_in_dim3A_189, %broadcast_in_dim3A_492, %add3A_589] : memref<2x16x200xi32, #tpu.memory_space<vmem>>[vector<16xi32>, vector<16xi32>, vector<16xi32>], vector<16xi32>,
      %gather3A_591 = tpu.vector_load_idx %arg5[%gather3A_590] : memref<2016xi32, #tpu.memory_space<vmem>>[vector<16xi32>], vector<16xi32>,
      %add3A_592 = arith.constant 1008 : i32
      %add3A_593 = vector.broadcast %add3A_592 : i32 to vector<16xi32>
      %add3A_594 = arith.addi %gather3A_590, %add3A_593 : vector<16xi32>
      %gather3A_595 = tpu.vector_load_idx %arg5[%add3A_594] : memref<2016xi32, #tpu.memory_space<vmem>>[vector<16xi32>], vector<16xi32>,
      %bitcast3A_596 = vector.bitcast %gather3A_591 : vector<16xi32> to vector<32xbf16>
      %add3A_597 = arith.addf %add3A_584, %bitcast3A_596 : vector<32xbf16>
      %bitcast3A_598 = vector.bitcast %gather3A_595 : vector<16xi32> to vector<32xbf16>
      %add3A_599 = arith.addf %add3A_586, %bitcast3A_598 : vector<32xbf16>
      %broadcast_in_dim3A_600 = arith.constant 128 : i32
      %broadcast_in_dim3A_601 = vector.broadcast %broadcast_in_dim3A_600 : i32 to vector<16xi32>
      %add3A_602 = arith.addi %broadcast_in_dim3A_601, %iota3A : vector<16xi32>
      %gather3A_603 = tpu.vector_load_idx %arg6[%broadcast_in_dim3A_189, %broadcast_in_dim3A_492, %add3A_602] : memref<2x16x200xi32, #tpu.memory_space<vmem>>[vector<16xi32>, vector<16xi32>, vector<16xi32>], vector<16xi32>,
      %gather3A_604 = tpu.vector_load_idx %arg5[%gather3A_603] : memref<2016xi32, #tpu.memory_space<vmem>>[vector<16xi32>], vector<16xi32>,
      %add3A_605 = arith.constant 1008 : i32
      %add3A_606 = vector.broadcast %add3A_605 : i32 to vector<16xi32>
      %add3A_607 = arith.addi %gather3A_603, %add3A_606 : vector<16xi32>
      %gather3A_608 = tpu.vector_load_idx %arg5[%add3A_607] : memref<2016xi32, #tpu.memory_space<vmem>>[vector<16xi32>], vector<16xi32>,
      %bitcast3A_609 = vector.bitcast %gather3A_604 : vector<16xi32> to vector<32xbf16>
      %add3A_610 = arith.addf %add3A_597, %bitcast3A_609 : vector<32xbf16>
      %bitcast3A_611 = vector.bitcast %gather3A_608 : vector<16xi32> to vector<32xbf16>
      %add3A_612 = arith.addf %add3A_599, %bitcast3A_611 : vector<32xbf16>
      %broadcast_in_dim3A_613 = arith.constant 144 : i32
      %broadcast_in_dim3A_614 = vector.broadcast %broadcast_in_dim3A_613 : i32 to vector<16xi32>
      %add3A_615 = arith.addi %broadcast_in_dim3A_614, %iota3A : vector<16xi32>
      %gather3A_616 = tpu.vector_load_idx %arg6[%broadcast_in_dim3A_189, %broadcast_in_dim3A_492, %add3A_615] : memref<2x16x200xi32, #tpu.memory_space<vmem>>[vector<16xi32>, vector<16xi32>, vector<16xi32>], vector<16xi32>,
      %gather3A_617 = tpu.vector_load_idx %arg5[%gather3A_616] : memref<2016xi32, #tpu.memory_space<vmem>>[vector<16xi32>], vector<16xi32>,
      %add3A_618 = arith.constant 1008 : i32
      %add3A_619 = vector.broadcast %add3A_618 : i32 to vector<16xi32>
      %add3A_620 = arith.addi %gather3A_616, %add3A_619 : vector<16xi32>
      %gather3A_621 = tpu.vector_load_idx %arg5[%add3A_620] : memref<2016xi32, #tpu.memory_space<vmem>>[vector<16xi32>], vector<16xi32>,
      %bitcast3A_622 = vector.bitcast %gather3A_617 : vector<16xi32> to vector<32xbf16>
      %add3A_623 = arith.addf %add3A_610, %bitcast3A_622 : vector<32xbf16>
      %bitcast3A_624 = vector.bitcast %gather3A_621 : vector<16xi32> to vector<32xbf16>
      %add3A_625 = arith.addf %add3A_612, %bitcast3A_624 : vector<32xbf16>
      %broadcast_in_dim3A_626 = arith.constant 160 : i32
      %broadcast_in_dim3A_627 = vector.broadcast %broadcast_in_dim3A_626 : i32 to vector<16xi32>
      %add3A_628 = arith.addi %broadcast_in_dim3A_627, %iota3A : vector<16xi32>
      %gather3A_629 = tpu.vector_load_idx %arg6[%broadcast_in_dim3A_189, %broadcast_in_dim3A_492, %add3A_628] : memref<2x16x200xi32, #tpu.memory_space<vmem>>[vector<16xi32>, vector<16xi32>, vector<16xi32>], vector<16xi32>,
      %gather3A_630 = tpu.vector_load_idx %arg5[%gather3A_629] : memref<2016xi32, #tpu.memory_space<vmem>>[vector<16xi32>], vector<16xi32>,
      %add3A_631 = arith.constant 1008 : i32
      %add3A_632 = vector.broadcast %add3A_631 : i32 to vector<16xi32>
      %add3A_633 = arith.addi %gather3A_629, %add3A_632 : vector<16xi32>
      %gather3A_634 = tpu.vector_load_idx %arg5[%add3A_633] : memref<2016xi32, #tpu.memory_space<vmem>>[vector<16xi32>], vector<16xi32>,
      %bitcast3A_635 = vector.bitcast %gather3A_630 : vector<16xi32> to vector<32xbf16>
      %add3A_636 = arith.addf %add3A_623, %bitcast3A_635 : vector<32xbf16>
      %bitcast3A_637 = vector.bitcast %gather3A_634 : vector<16xi32> to vector<32xbf16>
      %add3A_638 = arith.addf %add3A_625, %bitcast3A_637 : vector<32xbf16>
      %broadcast_in_dim3A_639 = arith.constant 176 : i32
      %broadcast_in_dim3A_640 = vector.broadcast %broadcast_in_dim3A_639 : i32 to vector<16xi32>
      %add3A_641 = arith.addi %broadcast_in_dim3A_640, %iota3A : vector<16xi32>
      %gather3A_642 = tpu.vector_load_idx %arg6[%broadcast_in_dim3A_189, %broadcast_in_dim3A_492, %add3A_641] : memref<2x16x200xi32, #tpu.memory_space<vmem>>[vector<16xi32>, vector<16xi32>, vector<16xi32>], vector<16xi32>,
      %gather3A_643 = tpu.vector_load_idx %arg5[%gather3A_642] : memref<2016xi32, #tpu.memory_space<vmem>>[vector<16xi32>], vector<16xi32>,
      %add3A_644 = arith.constant 1008 : i32
      %add3A_645 = vector.broadcast %add3A_644 : i32 to vector<16xi32>
      %add3A_646 = arith.addi %gather3A_642, %add3A_645 : vector<16xi32>
      %gather3A_647 = tpu.vector_load_idx %arg5[%add3A_646] : memref<2016xi32, #tpu.memory_space<vmem>>[vector<16xi32>], vector<16xi32>,
      %bitcast3A_648 = vector.bitcast %gather3A_643 : vector<16xi32> to vector<32xbf16>
      %add3A_649 = arith.addf %add3A_636, %bitcast3A_648 : vector<32xbf16>
      %bitcast3A_650 = vector.bitcast %gather3A_647 : vector<16xi32> to vector<32xbf16>
      %add3A_651 = arith.addf %add3A_638, %bitcast3A_650 : vector<32xbf16>
      %broadcast_in_dim3A_652 = arith.constant 192 : i32
      %broadcast_in_dim3A_653 = vector.broadcast %broadcast_in_dim3A_652 : i32 to vector<16xi32>
      %add3A_654 = arith.addi %broadcast_in_dim3A_653, %iota3A : vector<16xi32>
      %select_n3A = arith.select %lt3A_19, %add3A_654, %iota3A : vector<16xi1>, vector<16xi32>
      %gather3A_655 = tpu.vector_load_idx %arg6[%broadcast_in_dim3A_189, %broadcast_in_dim3A_492, %select_n3A] : memref<2x16x200xi32, #tpu.memory_space<vmem>>[vector<16xi32>, vector<16xi32>, vector<16xi32>], vector<16xi32>,
      %select_n3A_656 = arith.select %lt3A_19, %gather3A_655, %broadcast_in_dim3A_21 : vector<16xi1>, vector<16xi32>
      %gather3A_657 = tpu.vector_load_idx %arg5[%select_n3A_656] : memref<2016xi32, #tpu.memory_space<vmem>>[vector<16xi32>], vector<16xi32>,
      %add3A_658 = arith.constant 1008 : i32
      %add3A_659 = vector.broadcast %add3A_658 : i32 to vector<16xi32>
      %add3A_660 = arith.addi %select_n3A_656, %add3A_659 : vector<16xi32>
      %gather3A_661 = tpu.vector_load_idx %arg5[%add3A_660] : memref<2016xi32, #tpu.memory_space<vmem>>[vector<16xi32>], vector<16xi32>,
      %bitcast3A_662 = vector.bitcast %gather3A_657 : vector<16xi32> to vector<32xbf16>
      %add3A_663 = arith.addf %add3A_649, %bitcast3A_662 : vector<32xbf16>
      %bitcast3A_664 = vector.bitcast %gather3A_661 : vector<16xi32> to vector<32xbf16>
      %add3A_665 = arith.addf %add3A_651, %bitcast3A_664 : vector<32xbf16>
      %bitcast3A_666 = vector.bitcast %add3A_663 : vector<32xbf16> to vector<16xi32>
      %broadcast_in_dim3A_667 = arith.constant -65536 : i32
      %broadcast_in_dim3A_668 = vector.broadcast %broadcast_in_dim3A_667 : i32 to vector<16xi32>
      %shift_left3A_669 = arith.constant 16 : i32
      %shift_left3A_670 = vector.broadcast %shift_left3A_669 : i32 to vector<16xi32>
      %shift_left3A_671 = arith.shli %bitcast3A_666, %shift_left3A_670 : vector<16xi32>
      %bitcast3A_672 = vector.bitcast %shift_left3A_671 : vector<16xi32> to vector<16xf32>
      %and3A_673 = arith.andi %bitcast3A_666, %broadcast_in_dim3A_668 : vector<16xi32>
      %bitcast3A_674 = vector.bitcast %and3A_673 : vector<16xi32> to vector<16xf32>
      %bitcast3A_675 = vector.bitcast %add3A_665 : vector<32xbf16> to vector<16xi32>
      %broadcast_in_dim3A_676 = arith.constant -65536 : i32
      %broadcast_in_dim3A_677 = vector.broadcast %broadcast_in_dim3A_676 : i32 to vector<16xi32>
      %shift_left3A_678 = arith.constant 16 : i32
      %shift_left3A_679 = vector.broadcast %shift_left3A_678 : i32 to vector<16xi32>
      %shift_left3A_680 = arith.shli %bitcast3A_675, %shift_left3A_679 : vector<16xi32>
      %bitcast3A_681 = vector.bitcast %shift_left3A_680 : vector<16xi32> to vector<16xf32>
      %and3A_682 = arith.andi %bitcast3A_675, %broadcast_in_dim3A_677 : vector<16xi32>
      %bitcast3A_683 = vector.bitcast %and3A_682 : vector<16xi32> to vector<16xf32>
      %broadcast_in_dim3A_684 = vector.broadcast %scan3A_487 : i32 to vector<16xi32>
      %eq3A = arith.cmpi eq, %iota3A, %broadcast_in_dim3A_684 : vector<16xi32>
      %reduce_sum3A = arith.constant true
      %reduce_sum3A_685 = vector.broadcast %reduce_sum3A : i1 to vector<16xi1>
      %reduce_sum3A_686 = tpu.scan <sum>, %bitcast3A_672 masked %reduce_sum3A_685 : vector<16xf32>, vector<16xi1> -> vector<16xf32>
      %reduce_sum3A_687 = vector.extract %reduce_sum3A_686[15] : f32 from vector<16xf32>
      %broadcast_in_dim3A_688 = vector.broadcast %reduce_sum3A_687 : f32 to vector<16xf32>
      %select_n3A_689 = arith.select %eq3A, %broadcast_in_dim3A_688, %broadcast_in_dim3A_17 : vector<16xi1>, vector<16xf32>
      %add3A_690 = arith.addf %scan3A_488, %select_n3A_689 : vector<16xf32>
      %reduce_sum3A_691 = arith.constant true
      %reduce_sum3A_692 = vector.broadcast %reduce_sum3A_691 : i1 to vector<16xi1>
      %reduce_sum3A_693 = tpu.scan <sum>, %bitcast3A_674 masked %reduce_sum3A_692 : vector<16xf32>, vector<16xi1> -> vector<16xf32>
      %reduce_sum3A_694 = vector.extract %reduce_sum3A_693[15] : f32 from vector<16xf32>
      %broadcast_in_dim3A_695 = vector.broadcast %reduce_sum3A_694 : f32 to vector<16xf32>
      %select_n3A_696 = arith.select %eq3A, %broadcast_in_dim3A_695, %broadcast_in_dim3A_17 : vector<16xi1>, vector<16xf32>
      %add3A_697 = arith.addf %scan3A_489, %select_n3A_696 : vector<16xf32>
      %reduce_sum3A_698 = arith.constant true
      %reduce_sum3A_699 = vector.broadcast %reduce_sum3A_698 : i1 to vector<16xi1>
      %reduce_sum3A_700 = tpu.scan <sum>, %bitcast3A_681 masked %reduce_sum3A_699 : vector<16xf32>, vector<16xi1> -> vector<16xf32>
      %reduce_sum3A_701 = vector.extract %reduce_sum3A_700[15] : f32 from vector<16xf32>
      %broadcast_in_dim3A_702 = vector.broadcast %reduce_sum3A_701 : f32 to vector<16xf32>
      %select_n3A_703 = arith.select %eq3A, %broadcast_in_dim3A_702, %broadcast_in_dim3A_17 : vector<16xi1>, vector<16xf32>
      %add3A_704 = arith.addf %scan3A_490, %select_n3A_703 : vector<16xf32>
      %reduce_sum3A_705 = arith.constant true
      %reduce_sum3A_706 = vector.broadcast %reduce_sum3A_705 : i1 to vector<16xi1>
      %reduce_sum3A_707 = tpu.scan <sum>, %bitcast3A_683 masked %reduce_sum3A_706 : vector<16xf32>, vector<16xi1> -> vector<16xf32>
      %reduce_sum3A_708 = vector.extract %reduce_sum3A_707[15] : f32 from vector<16xf32>
      %broadcast_in_dim3A_709 = vector.broadcast %reduce_sum3A_708 : f32 to vector<16xf32>
      %select_n3A_710 = arith.select %eq3A, %broadcast_in_dim3A_709, %broadcast_in_dim3A_17 : vector<16xi1>, vector<16xf32>
      %add3A_711 = arith.addf %scan3A_491, %select_n3A_710 : vector<16xf32>
      scf.yield %add3A_690, %add3A_697, %add3A_704, %add3A_711 : vector<16xf32>, vector<16xf32>, vector<16xf32>, vector<16xf32>
    }
    %scan3A_195 = arith.constant 16 : i32
    %max3A_196 = arith.maximumf %scan3A_194#0, %scan3A_194#1 : vector<16xf32>
    %max3A_197 = arith.maximumf %scan3A_194#2, %scan3A_194#3 : vector<16xf32>
    %max3A_198 = arith.maximumf %max3A_196, %max3A_197 : vector<16xf32>
    %sub3A_199 = arith.subf %scan3A_194#0, %max3A_198 : vector<16xf32>
    %exp3A_200 = math.exp %sub3A_199 : vector<16xf32>
    %sub3A_201 = arith.subf %scan3A_194#1, %max3A_198 : vector<16xf32>
    %exp3A_202 = math.exp %sub3A_201 : vector<16xf32>
    %sub3A_203 = arith.subf %scan3A_194#2, %max3A_198 : vector<16xf32>
    %exp3A_204 = math.exp %sub3A_203 : vector<16xf32>
    %sub3A_205 = arith.subf %scan3A_194#3, %max3A_198 : vector<16xf32>
    %exp3A_206 = math.exp %sub3A_205 : vector<16xf32>
    %add3A_207 = arith.addf %exp3A_200, %exp3A_202 : vector<16xf32>
    %add3A_208 = arith.addf %exp3A_204, %exp3A_206 : vector<16xf32>
    %add3A_209 = arith.addf %add3A_207, %add3A_208 : vector<16xf32>
    %add3A_210 = arith.constant 32 : i32
    %add3A_211 = vector.broadcast %add3A_210 : i32 to vector<16xi32>
    %add3A_212 = arith.addi %add3A_211, %iota3A : vector<16xi32>
    %div3A_213 = arith.divf %exp3A_200, %add3A_209 : vector<16xf32>
    tpu.vector_store_idx %arg7[%add3A_212, %broadcast_in_dim3A_23], %div3A_213 : memref<128x4xf32, #tpu.memory_space<vmem>>[vector<16xi32>, vector<16xi32>], vector<16xf32>,
    %div3A_214 = arith.divf %exp3A_202, %add3A_209 : vector<16xf32>
    tpu.vector_store_idx %arg7[%add3A_212, %broadcast_in_dim3A_25], %div3A_214 : memref<128x4xf32, #tpu.memory_space<vmem>>[vector<16xi32>, vector<16xi32>], vector<16xf32>,
    %div3A_215 = arith.divf %exp3A_204, %add3A_209 : vector<16xf32>
    tpu.vector_store_idx %arg7[%add3A_212, %broadcast_in_dim3A_27], %div3A_215 : memref<128x4xf32, #tpu.memory_space<vmem>>[vector<16xi32>, vector<16xi32>], vector<16xf32>,
    %div3A_216 = arith.divf %exp3A_206, %add3A_209 : vector<16xf32>
    tpu.vector_store_idx %arg7[%add3A_212, %broadcast_in_dim3A_29], %div3A_216 : memref<128x4xf32, #tpu.memory_space<vmem>>[vector<16xi32>, vector<16xi32>], vector<16xf32>,
    %dma_wait3A_217 = arith.constant 1 : i32
    %dma_wait3A_218 = arith.constant 0 : i32
    %dma_wait3A_219 = arith.constant 0 : i32
    %dma_wait3A_220 = tpu.memref_slice %arg6[%dma_wait3A_217, %dma_wait3A_218, %dma_wait3A_219] : memref<2x16x200xi32, #tpu.memory_space<vmem>> -> memref<1x16x200xi32, #tpu.memory_space<vmem>>
    %dma_wait3A_221 = tpu.memref_squeeze %dma_wait3A_220 : memref<1x16x200xi32, #tpu.memory_space<vmem>> -> memref<16x200xi32, #tpu.memory_space<vmem>>
    %dma_wait3A_222 = arith.constant 0 : i32
    %dma_wait3A_223 = tpu.memref_slice %arg3[%add3A_174, %dma_wait3A_222] : memref<4096x200xi32, #tpu.memory_space<hbm>> -> memref<16x200xi32, #tpu.memory_space<hbm>>
    %dma_wait3A_224 = arith.constant 0 : i32
    %dma_wait3A_225 = arith.constant 0 : i32
    %dma_wait3A_226 = tpu.memref_slice %arg6[%dma_wait3A_217, %dma_wait3A_224, %dma_wait3A_225] : memref<2x16x200xi32, #tpu.memory_space<vmem>> -> memref<1x16x200xi32, #tpu.memory_space<vmem>>
    %dma_wait3A_227 = tpu.memref_squeeze %dma_wait3A_226 : memref<1x16x200xi32, #tpu.memory_space<vmem>> -> memref<16x200xi32, #tpu.memory_space<vmem>>
    %dma_wait3A_228 = arith.constant 0 : i32
    %dma_wait3A_229 = tpu.memref_slice %arg3[%add3A_174, %dma_wait3A_228] : memref<4096x200xi32, #tpu.memory_space<hbm>> -> memref<16x200xi32, #tpu.memory_space<hbm>>
    tpu.wait_dma2 semaphore(%arg9 : memref<!tpu.dma_semaphore, #tpu.memory_space<semaphore_mem>>) src(%dma_wait3A_229 : memref<16x200xi32, #tpu.memory_space<hbm>>) dst(%dma_wait3A_227 : memref<16x200xi32, #tpu.memory_space<vmem>>)
    %add3A_230 = arith.constant 64 : i32
    %add3A_231 = arith.addi %mul3A_2, %add3A_230 : i32
    %dma_start3A_232 = arith.constant 0 : i32
    %dma_start3A_233 = arith.constant 0 : i32
    %dma_start3A_234 = arith.constant 0 : i32
    %dma_start3A_235 = tpu.memref_slice %arg6[%dma_start3A_232, %dma_start3A_233, %dma_start3A_234] : memref<2x16x200xi32, #tpu.memory_space<vmem>> -> memref<1x16x200xi32, #tpu.memory_space<vmem>>
    %dma_start3A_236 = tpu.memref_squeeze %dma_start3A_235 : memref<1x16x200xi32, #tpu.memory_space<vmem>> -> memref<16x200xi32, #tpu.memory_space<vmem>>
    %dma_start3A_237 = arith.constant 0 : i32
    %dma_start3A_238 = tpu.memref_slice %arg3[%add3A_231, %dma_start3A_237] : memref<4096x200xi32, #tpu.memory_space<hbm>> -> memref<16x200xi32, #tpu.memory_space<hbm>>
    %dma_start3A_239 = arith.constant 0 : i32
    %dma_start3A_240 = arith.constant 0 : i32
    %dma_start3A_241 = tpu.memref_slice %arg6[%dma_start3A_232, %dma_start3A_239, %dma_start3A_240] : memref<2x16x200xi32, #tpu.memory_space<vmem>> -> memref<1x16x200xi32, #tpu.memory_space<vmem>>
    %dma_start3A_242 = tpu.memref_squeeze %dma_start3A_241 : memref<1x16x200xi32, #tpu.memory_space<vmem>> -> memref<16x200xi32, #tpu.memory_space<vmem>>
    %dma_start3A_243 = arith.constant 0 : i32
    %dma_start3A_244 = tpu.memref_slice %arg3[%add3A_231, %dma_start3A_243] : memref<4096x200xi32, #tpu.memory_space<hbm>> -> memref<16x200xi32, #tpu.memory_space<hbm>>
    tpu.enqueue_dma source(%dma_start3A_244 : memref<16x200xi32, #tpu.memory_space<hbm>>) target(%dma_start3A_242 : memref<16x200xi32, #tpu.memory_space<vmem>>) target_semaphore(%arg8 : memref<!tpu.dma_semaphore, #tpu.memory_space<semaphore_mem>>)
    %broadcast_in_dim3A_245 = arith.constant 1 : i32
    %broadcast_in_dim3A_246 = vector.broadcast %broadcast_in_dim3A_245 : i32 to vector<16xi32>
    %scan3A_247 = arith.constant 0 : i32
    %scan3A_248 = arith.constant 16 : i32
    %scan3A_249 = arith.addi %scan3A_247, %scan3A_248 : i32
    %scan3A_250 = arith.constant 1 : i32
    %scan3A_251:4 = scf.for %scan3A_487 = %scan3A_247 to %scan3A_249 step %scan3A_250 iter_args(%scan3A_488 = %bitcast3A_40, %scan3A_489 = %bitcast3A_41, %scan3A_490 = %bitcast3A_49, %scan3A_491 = %bitcast3A_51) -> (vector<16xf32>, vector<16xf32>, vector<16xf32>, vector<16xf32>)  : i32 {
      %broadcast_in_dim3A_492 = vector.broadcast %scan3A_487 : i32 to vector<16xi32>
      %broadcast_in_dim3A_493 = arith.constant 0 : i32
      %broadcast_in_dim3A_494 = vector.broadcast %broadcast_in_dim3A_493 : i32 to vector<16xi32>
      %bitcast3A_495 = vector.bitcast %broadcast_in_dim3A_494 : vector<16xi32> to vector<32xbf16>
      %broadcast_in_dim3A_496 = arith.constant 0 : i32
      %broadcast_in_dim3A_497 = vector.broadcast %broadcast_in_dim3A_496 : i32 to vector<16xi32>
      %add3A_498 = arith.addi %broadcast_in_dim3A_497, %iota3A : vector<16xi32>
      %gather3A_499 = tpu.vector_load_idx %arg6[%broadcast_in_dim3A_246, %broadcast_in_dim3A_492, %add3A_498] : memref<2x16x200xi32, #tpu.memory_space<vmem>>[vector<16xi32>, vector<16xi32>, vector<16xi32>], vector<16xi32>,
      %gather3A_500 = tpu.vector_load_idx %arg5[%gather3A_499] : memref<2016xi32, #tpu.memory_space<vmem>>[vector<16xi32>], vector<16xi32>,
      %add3A_501 = arith.constant 1008 : i32
      %add3A_502 = vector.broadcast %add3A_501 : i32 to vector<16xi32>
      %add3A_503 = arith.addi %gather3A_499, %add3A_502 : vector<16xi32>
      %gather3A_504 = tpu.vector_load_idx %arg5[%add3A_503] : memref<2016xi32, #tpu.memory_space<vmem>>[vector<16xi32>], vector<16xi32>,
      %bitcast3A_505 = vector.bitcast %gather3A_500 : vector<16xi32> to vector<32xbf16>
      %add3A_506 = arith.addf %bitcast3A_495, %bitcast3A_505 : vector<32xbf16>
      %bitcast3A_507 = vector.bitcast %gather3A_504 : vector<16xi32> to vector<32xbf16>
      %add3A_508 = arith.addf %bitcast3A_495, %bitcast3A_507 : vector<32xbf16>
      %broadcast_in_dim3A_509 = arith.constant 16 : i32
      %broadcast_in_dim3A_510 = vector.broadcast %broadcast_in_dim3A_509 : i32 to vector<16xi32>
      %add3A_511 = arith.addi %broadcast_in_dim3A_510, %iota3A : vector<16xi32>
      %gather3A_512 = tpu.vector_load_idx %arg6[%broadcast_in_dim3A_246, %broadcast_in_dim3A_492, %add3A_511] : memref<2x16x200xi32, #tpu.memory_space<vmem>>[vector<16xi32>, vector<16xi32>, vector<16xi32>], vector<16xi32>,
      %gather3A_513 = tpu.vector_load_idx %arg5[%gather3A_512] : memref<2016xi32, #tpu.memory_space<vmem>>[vector<16xi32>], vector<16xi32>,
      %add3A_514 = arith.constant 1008 : i32
      %add3A_515 = vector.broadcast %add3A_514 : i32 to vector<16xi32>
      %add3A_516 = arith.addi %gather3A_512, %add3A_515 : vector<16xi32>
      %gather3A_517 = tpu.vector_load_idx %arg5[%add3A_516] : memref<2016xi32, #tpu.memory_space<vmem>>[vector<16xi32>], vector<16xi32>,
      %bitcast3A_518 = vector.bitcast %gather3A_513 : vector<16xi32> to vector<32xbf16>
      %add3A_519 = arith.addf %add3A_506, %bitcast3A_518 : vector<32xbf16>
      %bitcast3A_520 = vector.bitcast %gather3A_517 : vector<16xi32> to vector<32xbf16>
      %add3A_521 = arith.addf %add3A_508, %bitcast3A_520 : vector<32xbf16>
      %broadcast_in_dim3A_522 = arith.constant 32 : i32
      %broadcast_in_dim3A_523 = vector.broadcast %broadcast_in_dim3A_522 : i32 to vector<16xi32>
      %add3A_524 = arith.addi %broadcast_in_dim3A_523, %iota3A : vector<16xi32>
      %gather3A_525 = tpu.vector_load_idx %arg6[%broadcast_in_dim3A_246, %broadcast_in_dim3A_492, %add3A_524] : memref<2x16x200xi32, #tpu.memory_space<vmem>>[vector<16xi32>, vector<16xi32>, vector<16xi32>], vector<16xi32>,
      %gather3A_526 = tpu.vector_load_idx %arg5[%gather3A_525] : memref<2016xi32, #tpu.memory_space<vmem>>[vector<16xi32>], vector<16xi32>,
      %add3A_527 = arith.constant 1008 : i32
      %add3A_528 = vector.broadcast %add3A_527 : i32 to vector<16xi32>
      %add3A_529 = arith.addi %gather3A_525, %add3A_528 : vector<16xi32>
      %gather3A_530 = tpu.vector_load_idx %arg5[%add3A_529] : memref<2016xi32, #tpu.memory_space<vmem>>[vector<16xi32>], vector<16xi32>,
      %bitcast3A_531 = vector.bitcast %gather3A_526 : vector<16xi32> to vector<32xbf16>
      %add3A_532 = arith.addf %add3A_519, %bitcast3A_531 : vector<32xbf16>
      %bitcast3A_533 = vector.bitcast %gather3A_530 : vector<16xi32> to vector<32xbf16>
      %add3A_534 = arith.addf %add3A_521, %bitcast3A_533 : vector<32xbf16>
      %broadcast_in_dim3A_535 = arith.constant 48 : i32
      %broadcast_in_dim3A_536 = vector.broadcast %broadcast_in_dim3A_535 : i32 to vector<16xi32>
      %add3A_537 = arith.addi %broadcast_in_dim3A_536, %iota3A : vector<16xi32>
      %gather3A_538 = tpu.vector_load_idx %arg6[%broadcast_in_dim3A_246, %broadcast_in_dim3A_492, %add3A_537] : memref<2x16x200xi32, #tpu.memory_space<vmem>>[vector<16xi32>, vector<16xi32>, vector<16xi32>], vector<16xi32>,
      %gather3A_539 = tpu.vector_load_idx %arg5[%gather3A_538] : memref<2016xi32, #tpu.memory_space<vmem>>[vector<16xi32>], vector<16xi32>,
      %add3A_540 = arith.constant 1008 : i32
      %add3A_541 = vector.broadcast %add3A_540 : i32 to vector<16xi32>
      %add3A_542 = arith.addi %gather3A_538, %add3A_541 : vector<16xi32>
      %gather3A_543 = tpu.vector_load_idx %arg5[%add3A_542] : memref<2016xi32, #tpu.memory_space<vmem>>[vector<16xi32>], vector<16xi32>,
      %bitcast3A_544 = vector.bitcast %gather3A_539 : vector<16xi32> to vector<32xbf16>
      %add3A_545 = arith.addf %add3A_532, %bitcast3A_544 : vector<32xbf16>
      %bitcast3A_546 = vector.bitcast %gather3A_543 : vector<16xi32> to vector<32xbf16>
      %add3A_547 = arith.addf %add3A_534, %bitcast3A_546 : vector<32xbf16>
      %broadcast_in_dim3A_548 = arith.constant 64 : i32
      %broadcast_in_dim3A_549 = vector.broadcast %broadcast_in_dim3A_548 : i32 to vector<16xi32>
      %add3A_550 = arith.addi %broadcast_in_dim3A_549, %iota3A : vector<16xi32>
      %gather3A_551 = tpu.vector_load_idx %arg6[%broadcast_in_dim3A_246, %broadcast_in_dim3A_492, %add3A_550] : memref<2x16x200xi32, #tpu.memory_space<vmem>>[vector<16xi32>, vector<16xi32>, vector<16xi32>], vector<16xi32>,
      %gather3A_552 = tpu.vector_load_idx %arg5[%gather3A_551] : memref<2016xi32, #tpu.memory_space<vmem>>[vector<16xi32>], vector<16xi32>,
      %add3A_553 = arith.constant 1008 : i32
      %add3A_554 = vector.broadcast %add3A_553 : i32 to vector<16xi32>
      %add3A_555 = arith.addi %gather3A_551, %add3A_554 : vector<16xi32>
      %gather3A_556 = tpu.vector_load_idx %arg5[%add3A_555] : memref<2016xi32, #tpu.memory_space<vmem>>[vector<16xi32>], vector<16xi32>,
      %bitcast3A_557 = vector.bitcast %gather3A_552 : vector<16xi32> to vector<32xbf16>
      %add3A_558 = arith.addf %add3A_545, %bitcast3A_557 : vector<32xbf16>
      %bitcast3A_559 = vector.bitcast %gather3A_556 : vector<16xi32> to vector<32xbf16>
      %add3A_560 = arith.addf %add3A_547, %bitcast3A_559 : vector<32xbf16>
      %broadcast_in_dim3A_561 = arith.constant 80 : i32
      %broadcast_in_dim3A_562 = vector.broadcast %broadcast_in_dim3A_561 : i32 to vector<16xi32>
      %add3A_563 = arith.addi %broadcast_in_dim3A_562, %iota3A : vector<16xi32>
      %gather3A_564 = tpu.vector_load_idx %arg6[%broadcast_in_dim3A_246, %broadcast_in_dim3A_492, %add3A_563] : memref<2x16x200xi32, #tpu.memory_space<vmem>>[vector<16xi32>, vector<16xi32>, vector<16xi32>], vector<16xi32>,
      %gather3A_565 = tpu.vector_load_idx %arg5[%gather3A_564] : memref<2016xi32, #tpu.memory_space<vmem>>[vector<16xi32>], vector<16xi32>,
      %add3A_566 = arith.constant 1008 : i32
      %add3A_567 = vector.broadcast %add3A_566 : i32 to vector<16xi32>
      %add3A_568 = arith.addi %gather3A_564, %add3A_567 : vector<16xi32>
      %gather3A_569 = tpu.vector_load_idx %arg5[%add3A_568] : memref<2016xi32, #tpu.memory_space<vmem>>[vector<16xi32>], vector<16xi32>,
      %bitcast3A_570 = vector.bitcast %gather3A_565 : vector<16xi32> to vector<32xbf16>
      %add3A_571 = arith.addf %add3A_558, %bitcast3A_570 : vector<32xbf16>
      %bitcast3A_572 = vector.bitcast %gather3A_569 : vector<16xi32> to vector<32xbf16>
      %add3A_573 = arith.addf %add3A_560, %bitcast3A_572 : vector<32xbf16>
      %broadcast_in_dim3A_574 = arith.constant 96 : i32
      %broadcast_in_dim3A_575 = vector.broadcast %broadcast_in_dim3A_574 : i32 to vector<16xi32>
      %add3A_576 = arith.addi %broadcast_in_dim3A_575, %iota3A : vector<16xi32>
      %gather3A_577 = tpu.vector_load_idx %arg6[%broadcast_in_dim3A_246, %broadcast_in_dim3A_492, %add3A_576] : memref<2x16x200xi32, #tpu.memory_space<vmem>>[vector<16xi32>, vector<16xi32>, vector<16xi32>], vector<16xi32>,
      %gather3A_578 = tpu.vector_load_idx %arg5[%gather3A_577] : memref<2016xi32, #tpu.memory_space<vmem>>[vector<16xi32>], vector<16xi32>,
      %add3A_579 = arith.constant 1008 : i32
      %add3A_580 = vector.broadcast %add3A_579 : i32 to vector<16xi32>
      %add3A_581 = arith.addi %gather3A_577, %add3A_580 : vector<16xi32>
      %gather3A_582 = tpu.vector_load_idx %arg5[%add3A_581] : memref<2016xi32, #tpu.memory_space<vmem>>[vector<16xi32>], vector<16xi32>,
      %bitcast3A_583 = vector.bitcast %gather3A_578 : vector<16xi32> to vector<32xbf16>
      %add3A_584 = arith.addf %add3A_571, %bitcast3A_583 : vector<32xbf16>
      %bitcast3A_585 = vector.bitcast %gather3A_582 : vector<16xi32> to vector<32xbf16>
      %add3A_586 = arith.addf %add3A_573, %bitcast3A_585 : vector<32xbf16>
      %broadcast_in_dim3A_587 = arith.constant 112 : i32
      %broadcast_in_dim3A_588 = vector.broadcast %broadcast_in_dim3A_587 : i32 to vector<16xi32>
      %add3A_589 = arith.addi %broadcast_in_dim3A_588, %iota3A : vector<16xi32>
      %gather3A_590 = tpu.vector_load_idx %arg6[%broadcast_in_dim3A_246, %broadcast_in_dim3A_492, %add3A_589] : memref<2x16x200xi32, #tpu.memory_space<vmem>>[vector<16xi32>, vector<16xi32>, vector<16xi32>], vector<16xi32>,
      %gather3A_591 = tpu.vector_load_idx %arg5[%gather3A_590] : memref<2016xi32, #tpu.memory_space<vmem>>[vector<16xi32>], vector<16xi32>,
      %add3A_592 = arith.constant 1008 : i32
      %add3A_593 = vector.broadcast %add3A_592 : i32 to vector<16xi32>
      %add3A_594 = arith.addi %gather3A_590, %add3A_593 : vector<16xi32>
      %gather3A_595 = tpu.vector_load_idx %arg5[%add3A_594] : memref<2016xi32, #tpu.memory_space<vmem>>[vector<16xi32>], vector<16xi32>,
      %bitcast3A_596 = vector.bitcast %gather3A_591 : vector<16xi32> to vector<32xbf16>
      %add3A_597 = arith.addf %add3A_584, %bitcast3A_596 : vector<32xbf16>
      %bitcast3A_598 = vector.bitcast %gather3A_595 : vector<16xi32> to vector<32xbf16>
      %add3A_599 = arith.addf %add3A_586, %bitcast3A_598 : vector<32xbf16>
      %broadcast_in_dim3A_600 = arith.constant 128 : i32
      %broadcast_in_dim3A_601 = vector.broadcast %broadcast_in_dim3A_600 : i32 to vector<16xi32>
      %add3A_602 = arith.addi %broadcast_in_dim3A_601, %iota3A : vector<16xi32>
      %gather3A_603 = tpu.vector_load_idx %arg6[%broadcast_in_dim3A_246, %broadcast_in_dim3A_492, %add3A_602] : memref<2x16x200xi32, #tpu.memory_space<vmem>>[vector<16xi32>, vector<16xi32>, vector<16xi32>], vector<16xi32>,
      %gather3A_604 = tpu.vector_load_idx %arg5[%gather3A_603] : memref<2016xi32, #tpu.memory_space<vmem>>[vector<16xi32>], vector<16xi32>,
      %add3A_605 = arith.constant 1008 : i32
      %add3A_606 = vector.broadcast %add3A_605 : i32 to vector<16xi32>
      %add3A_607 = arith.addi %gather3A_603, %add3A_606 : vector<16xi32>
      %gather3A_608 = tpu.vector_load_idx %arg5[%add3A_607] : memref<2016xi32, #tpu.memory_space<vmem>>[vector<16xi32>], vector<16xi32>,
      %bitcast3A_609 = vector.bitcast %gather3A_604 : vector<16xi32> to vector<32xbf16>
      %add3A_610 = arith.addf %add3A_597, %bitcast3A_609 : vector<32xbf16>
      %bitcast3A_611 = vector.bitcast %gather3A_608 : vector<16xi32> to vector<32xbf16>
      %add3A_612 = arith.addf %add3A_599, %bitcast3A_611 : vector<32xbf16>
      %broadcast_in_dim3A_613 = arith.constant 144 : i32
      %broadcast_in_dim3A_614 = vector.broadcast %broadcast_in_dim3A_613 : i32 to vector<16xi32>
      %add3A_615 = arith.addi %broadcast_in_dim3A_614, %iota3A : vector<16xi32>
      %gather3A_616 = tpu.vector_load_idx %arg6[%broadcast_in_dim3A_246, %broadcast_in_dim3A_492, %add3A_615] : memref<2x16x200xi32, #tpu.memory_space<vmem>>[vector<16xi32>, vector<16xi32>, vector<16xi32>], vector<16xi32>,
      %gather3A_617 = tpu.vector_load_idx %arg5[%gather3A_616] : memref<2016xi32, #tpu.memory_space<vmem>>[vector<16xi32>], vector<16xi32>,
      %add3A_618 = arith.constant 1008 : i32
      %add3A_619 = vector.broadcast %add3A_618 : i32 to vector<16xi32>
      %add3A_620 = arith.addi %gather3A_616, %add3A_619 : vector<16xi32>
      %gather3A_621 = tpu.vector_load_idx %arg5[%add3A_620] : memref<2016xi32, #tpu.memory_space<vmem>>[vector<16xi32>], vector<16xi32>,
      %bitcast3A_622 = vector.bitcast %gather3A_617 : vector<16xi32> to vector<32xbf16>
      %add3A_623 = arith.addf %add3A_610, %bitcast3A_622 : vector<32xbf16>
      %bitcast3A_624 = vector.bitcast %gather3A_621 : vector<16xi32> to vector<32xbf16>
      %add3A_625 = arith.addf %add3A_612, %bitcast3A_624 : vector<32xbf16>
      %broadcast_in_dim3A_626 = arith.constant 160 : i32
      %broadcast_in_dim3A_627 = vector.broadcast %broadcast_in_dim3A_626 : i32 to vector<16xi32>
      %add3A_628 = arith.addi %broadcast_in_dim3A_627, %iota3A : vector<16xi32>
      %gather3A_629 = tpu.vector_load_idx %arg6[%broadcast_in_dim3A_246, %broadcast_in_dim3A_492, %add3A_628] : memref<2x16x200xi32, #tpu.memory_space<vmem>>[vector<16xi32>, vector<16xi32>, vector<16xi32>], vector<16xi32>,
      %gather3A_630 = tpu.vector_load_idx %arg5[%gather3A_629] : memref<2016xi32, #tpu.memory_space<vmem>>[vector<16xi32>], vector<16xi32>,
      %add3A_631 = arith.constant 1008 : i32
      %add3A_632 = vector.broadcast %add3A_631 : i32 to vector<16xi32>
      %add3A_633 = arith.addi %gather3A_629, %add3A_632 : vector<16xi32>
      %gather3A_634 = tpu.vector_load_idx %arg5[%add3A_633] : memref<2016xi32, #tpu.memory_space<vmem>>[vector<16xi32>], vector<16xi32>,
      %bitcast3A_635 = vector.bitcast %gather3A_630 : vector<16xi32> to vector<32xbf16>
      %add3A_636 = arith.addf %add3A_623, %bitcast3A_635 : vector<32xbf16>
      %bitcast3A_637 = vector.bitcast %gather3A_634 : vector<16xi32> to vector<32xbf16>
      %add3A_638 = arith.addf %add3A_625, %bitcast3A_637 : vector<32xbf16>
      %broadcast_in_dim3A_639 = arith.constant 176 : i32
      %broadcast_in_dim3A_640 = vector.broadcast %broadcast_in_dim3A_639 : i32 to vector<16xi32>
      %add3A_641 = arith.addi %broadcast_in_dim3A_640, %iota3A : vector<16xi32>
      %gather3A_642 = tpu.vector_load_idx %arg6[%broadcast_in_dim3A_246, %broadcast_in_dim3A_492, %add3A_641] : memref<2x16x200xi32, #tpu.memory_space<vmem>>[vector<16xi32>, vector<16xi32>, vector<16xi32>], vector<16xi32>,
      %gather3A_643 = tpu.vector_load_idx %arg5[%gather3A_642] : memref<2016xi32, #tpu.memory_space<vmem>>[vector<16xi32>], vector<16xi32>,
      %add3A_644 = arith.constant 1008 : i32
      %add3A_645 = vector.broadcast %add3A_644 : i32 to vector<16xi32>
      %add3A_646 = arith.addi %gather3A_642, %add3A_645 : vector<16xi32>
      %gather3A_647 = tpu.vector_load_idx %arg5[%add3A_646] : memref<2016xi32, #tpu.memory_space<vmem>>[vector<16xi32>], vector<16xi32>,
      %bitcast3A_648 = vector.bitcast %gather3A_643 : vector<16xi32> to vector<32xbf16>
      %add3A_649 = arith.addf %add3A_636, %bitcast3A_648 : vector<32xbf16>
      %bitcast3A_650 = vector.bitcast %gather3A_647 : vector<16xi32> to vector<32xbf16>
      %add3A_651 = arith.addf %add3A_638, %bitcast3A_650 : vector<32xbf16>
      %broadcast_in_dim3A_652 = arith.constant 192 : i32
      %broadcast_in_dim3A_653 = vector.broadcast %broadcast_in_dim3A_652 : i32 to vector<16xi32>
      %add3A_654 = arith.addi %broadcast_in_dim3A_653, %iota3A : vector<16xi32>
      %select_n3A = arith.select %lt3A_19, %add3A_654, %iota3A : vector<16xi1>, vector<16xi32>
      %gather3A_655 = tpu.vector_load_idx %arg6[%broadcast_in_dim3A_246, %broadcast_in_dim3A_492, %select_n3A] : memref<2x16x200xi32, #tpu.memory_space<vmem>>[vector<16xi32>, vector<16xi32>, vector<16xi32>], vector<16xi32>,
      %select_n3A_656 = arith.select %lt3A_19, %gather3A_655, %broadcast_in_dim3A_21 : vector<16xi1>, vector<16xi32>
      %gather3A_657 = tpu.vector_load_idx %arg5[%select_n3A_656] : memref<2016xi32, #tpu.memory_space<vmem>>[vector<16xi32>], vector<16xi32>,
      %add3A_658 = arith.constant 1008 : i32
      %add3A_659 = vector.broadcast %add3A_658 : i32 to vector<16xi32>
      %add3A_660 = arith.addi %select_n3A_656, %add3A_659 : vector<16xi32>
      %gather3A_661 = tpu.vector_load_idx %arg5[%add3A_660] : memref<2016xi32, #tpu.memory_space<vmem>>[vector<16xi32>], vector<16xi32>,
      %bitcast3A_662 = vector.bitcast %gather3A_657 : vector<16xi32> to vector<32xbf16>
      %add3A_663 = arith.addf %add3A_649, %bitcast3A_662 : vector<32xbf16>
      %bitcast3A_664 = vector.bitcast %gather3A_661 : vector<16xi32> to vector<32xbf16>
      %add3A_665 = arith.addf %add3A_651, %bitcast3A_664 : vector<32xbf16>
      %bitcast3A_666 = vector.bitcast %add3A_663 : vector<32xbf16> to vector<16xi32>
      %broadcast_in_dim3A_667 = arith.constant -65536 : i32
      %broadcast_in_dim3A_668 = vector.broadcast %broadcast_in_dim3A_667 : i32 to vector<16xi32>
      %shift_left3A_669 = arith.constant 16 : i32
      %shift_left3A_670 = vector.broadcast %shift_left3A_669 : i32 to vector<16xi32>
      %shift_left3A_671 = arith.shli %bitcast3A_666, %shift_left3A_670 : vector<16xi32>
      %bitcast3A_672 = vector.bitcast %shift_left3A_671 : vector<16xi32> to vector<16xf32>
      %and3A_673 = arith.andi %bitcast3A_666, %broadcast_in_dim3A_668 : vector<16xi32>
      %bitcast3A_674 = vector.bitcast %and3A_673 : vector<16xi32> to vector<16xf32>
      %bitcast3A_675 = vector.bitcast %add3A_665 : vector<32xbf16> to vector<16xi32>
      %broadcast_in_dim3A_676 = arith.constant -65536 : i32
      %broadcast_in_dim3A_677 = vector.broadcast %broadcast_in_dim3A_676 : i32 to vector<16xi32>
      %shift_left3A_678 = arith.constant 16 : i32
      %shift_left3A_679 = vector.broadcast %shift_left3A_678 : i32 to vector<16xi32>
      %shift_left3A_680 = arith.shli %bitcast3A_675, %shift_left3A_679 : vector<16xi32>
      %bitcast3A_681 = vector.bitcast %shift_left3A_680 : vector<16xi32> to vector<16xf32>
      %and3A_682 = arith.andi %bitcast3A_675, %broadcast_in_dim3A_677 : vector<16xi32>
      %bitcast3A_683 = vector.bitcast %and3A_682 : vector<16xi32> to vector<16xf32>
      %broadcast_in_dim3A_684 = vector.broadcast %scan3A_487 : i32 to vector<16xi32>
      %eq3A = arith.cmpi eq, %iota3A, %broadcast_in_dim3A_684 : vector<16xi32>
      %reduce_sum3A = arith.constant true
      %reduce_sum3A_685 = vector.broadcast %reduce_sum3A : i1 to vector<16xi1>
      %reduce_sum3A_686 = tpu.scan <sum>, %bitcast3A_672 masked %reduce_sum3A_685 : vector<16xf32>, vector<16xi1> -> vector<16xf32>
      %reduce_sum3A_687 = vector.extract %reduce_sum3A_686[15] : f32 from vector<16xf32>
      %broadcast_in_dim3A_688 = vector.broadcast %reduce_sum3A_687 : f32 to vector<16xf32>
      %select_n3A_689 = arith.select %eq3A, %broadcast_in_dim3A_688, %broadcast_in_dim3A_17 : vector<16xi1>, vector<16xf32>
      %add3A_690 = arith.addf %scan3A_488, %select_n3A_689 : vector<16xf32>
      %reduce_sum3A_691 = arith.constant true
      %reduce_sum3A_692 = vector.broadcast %reduce_sum3A_691 : i1 to vector<16xi1>
      %reduce_sum3A_693 = tpu.scan <sum>, %bitcast3A_674 masked %reduce_sum3A_692 : vector<16xf32>, vector<16xi1> -> vector<16xf32>
      %reduce_sum3A_694 = vector.extract %reduce_sum3A_693[15] : f32 from vector<16xf32>
      %broadcast_in_dim3A_695 = vector.broadcast %reduce_sum3A_694 : f32 to vector<16xf32>
      %select_n3A_696 = arith.select %eq3A, %broadcast_in_dim3A_695, %broadcast_in_dim3A_17 : vector<16xi1>, vector<16xf32>
      %add3A_697 = arith.addf %scan3A_489, %select_n3A_696 : vector<16xf32>
      %reduce_sum3A_698 = arith.constant true
      %reduce_sum3A_699 = vector.broadcast %reduce_sum3A_698 : i1 to vector<16xi1>
      %reduce_sum3A_700 = tpu.scan <sum>, %bitcast3A_681 masked %reduce_sum3A_699 : vector<16xf32>, vector<16xi1> -> vector<16xf32>
      %reduce_sum3A_701 = vector.extract %reduce_sum3A_700[15] : f32 from vector<16xf32>
      %broadcast_in_dim3A_702 = vector.broadcast %reduce_sum3A_701 : f32 to vector<16xf32>
      %select_n3A_703 = arith.select %eq3A, %broadcast_in_dim3A_702, %broadcast_in_dim3A_17 : vector<16xi1>, vector<16xf32>
      %add3A_704 = arith.addf %scan3A_490, %select_n3A_703 : vector<16xf32>
      %reduce_sum3A_705 = arith.constant true
      %reduce_sum3A_706 = vector.broadcast %reduce_sum3A_705 : i1 to vector<16xi1>
      %reduce_sum3A_707 = tpu.scan <sum>, %bitcast3A_683 masked %reduce_sum3A_706 : vector<16xf32>, vector<16xi1> -> vector<16xf32>
      %reduce_sum3A_708 = vector.extract %reduce_sum3A_707[15] : f32 from vector<16xf32>
      %broadcast_in_dim3A_709 = vector.broadcast %reduce_sum3A_708 : f32 to vector<16xf32>
      %select_n3A_710 = arith.select %eq3A, %broadcast_in_dim3A_709, %broadcast_in_dim3A_17 : vector<16xi1>, vector<16xf32>
      %add3A_711 = arith.addf %scan3A_491, %select_n3A_710 : vector<16xf32>
      scf.yield %add3A_690, %add3A_697, %add3A_704, %add3A_711 : vector<16xf32>, vector<16xf32>, vector<16xf32>, vector<16xf32>
    }
    %scan3A_252 = arith.constant 16 : i32
    %max3A_253 = arith.maximumf %scan3A_251#0, %scan3A_251#1 : vector<16xf32>
    %max3A_254 = arith.maximumf %scan3A_251#2, %scan3A_251#3 : vector<16xf32>
    %max3A_255 = arith.maximumf %max3A_253, %max3A_254 : vector<16xf32>
    %sub3A_256 = arith.subf %scan3A_251#0, %max3A_255 : vector<16xf32>
    %exp3A_257 = math.exp %sub3A_256 : vector<16xf32>
    %sub3A_258 = arith.subf %scan3A_251#1, %max3A_255 : vector<16xf32>
    %exp3A_259 = math.exp %sub3A_258 : vector<16xf32>
    %sub3A_260 = arith.subf %scan3A_251#2, %max3A_255 : vector<16xf32>
    %exp3A_261 = math.exp %sub3A_260 : vector<16xf32>
    %sub3A_262 = arith.subf %scan3A_251#3, %max3A_255 : vector<16xf32>
    %exp3A_263 = math.exp %sub3A_262 : vector<16xf32>
    %add3A_264 = arith.addf %exp3A_257, %exp3A_259 : vector<16xf32>
    %add3A_265 = arith.addf %exp3A_261, %exp3A_263 : vector<16xf32>
    %add3A_266 = arith.addf %add3A_264, %add3A_265 : vector<16xf32>
    %add3A_267 = arith.constant 48 : i32
    %add3A_268 = vector.broadcast %add3A_267 : i32 to vector<16xi32>
    %add3A_269 = arith.addi %add3A_268, %iota3A : vector<16xi32>
    %div3A_270 = arith.divf %exp3A_257, %add3A_266 : vector<16xf32>
    tpu.vector_store_idx %arg7[%add3A_269, %broadcast_in_dim3A_23], %div3A_270 : memref<128x4xf32, #tpu.memory_space<vmem>>[vector<16xi32>, vector<16xi32>], vector<16xf32>,
    %div3A_271 = arith.divf %exp3A_259, %add3A_266 : vector<16xf32>
    tpu.vector_store_idx %arg7[%add3A_269, %broadcast_in_dim3A_25], %div3A_271 : memref<128x4xf32, #tpu.memory_space<vmem>>[vector<16xi32>, vector<16xi32>], vector<16xf32>,
    %div3A_272 = arith.divf %exp3A_261, %add3A_266 : vector<16xf32>
    tpu.vector_store_idx %arg7[%add3A_269, %broadcast_in_dim3A_27], %div3A_272 : memref<128x4xf32, #tpu.memory_space<vmem>>[vector<16xi32>, vector<16xi32>], vector<16xf32>,
    %div3A_273 = arith.divf %exp3A_263, %add3A_266 : vector<16xf32>
    tpu.vector_store_idx %arg7[%add3A_269, %broadcast_in_dim3A_29], %div3A_273 : memref<128x4xf32, #tpu.memory_space<vmem>>[vector<16xi32>, vector<16xi32>], vector<16xf32>,
    %dma_wait3A_274 = arith.constant 0 : i32
    %dma_wait3A_275 = arith.constant 0 : i32
    %dma_wait3A_276 = arith.constant 0 : i32
    %dma_wait3A_277 = tpu.memref_slice %arg6[%dma_wait3A_274, %dma_wait3A_275, %dma_wait3A_276] : memref<2x16x200xi32, #tpu.memory_space<vmem>> -> memref<1x16x200xi32, #tpu.memory_space<vmem>>
    %dma_wait3A_278 = tpu.memref_squeeze %dma_wait3A_277 : memref<1x16x200xi32, #tpu.memory_space<vmem>> -> memref<16x200xi32, #tpu.memory_space<vmem>>
    %dma_wait3A_279 = arith.constant 0 : i32
    %dma_wait3A_280 = tpu.memref_slice %arg3[%add3A_231, %dma_wait3A_279] : memref<4096x200xi32, #tpu.memory_space<hbm>> -> memref<16x200xi32, #tpu.memory_space<hbm>>
    %dma_wait3A_281 = arith.constant 0 : i32
    %dma_wait3A_282 = arith.constant 0 : i32
    %dma_wait3A_283 = tpu.memref_slice %arg6[%dma_wait3A_274, %dma_wait3A_281, %dma_wait3A_282] : memref<2x16x200xi32, #tpu.memory_space<vmem>> -> memref<1x16x200xi32, #tpu.memory_space<vmem>>
    %dma_wait3A_284 = tpu.memref_squeeze %dma_wait3A_283 : memref<1x16x200xi32, #tpu.memory_space<vmem>> -> memref<16x200xi32, #tpu.memory_space<vmem>>
    %dma_wait3A_285 = arith.constant 0 : i32
    %dma_wait3A_286 = tpu.memref_slice %arg3[%add3A_231, %dma_wait3A_285] : memref<4096x200xi32, #tpu.memory_space<hbm>> -> memref<16x200xi32, #tpu.memory_space<hbm>>
    tpu.wait_dma2 semaphore(%arg8 : memref<!tpu.dma_semaphore, #tpu.memory_space<semaphore_mem>>) src(%dma_wait3A_286 : memref<16x200xi32, #tpu.memory_space<hbm>>) dst(%dma_wait3A_284 : memref<16x200xi32, #tpu.memory_space<vmem>>)
    %add3A_287 = arith.constant 80 : i32
    %add3A_288 = arith.addi %mul3A_2, %add3A_287 : i32
    %dma_start3A_289 = arith.constant 1 : i32
    %dma_start3A_290 = arith.constant 0 : i32
    %dma_start3A_291 = arith.constant 0 : i32
    %dma_start3A_292 = tpu.memref_slice %arg6[%dma_start3A_289, %dma_start3A_290, %dma_start3A_291] : memref<2x16x200xi32, #tpu.memory_space<vmem>> -> memref<1x16x200xi32, #tpu.memory_space<vmem>>
    %dma_start3A_293 = tpu.memref_squeeze %dma_start3A_292 : memref<1x16x200xi32, #tpu.memory_space<vmem>> -> memref<16x200xi32, #tpu.memory_space<vmem>>
    %dma_start3A_294 = arith.constant 0 : i32
    %dma_start3A_295 = tpu.memref_slice %arg3[%add3A_288, %dma_start3A_294] : memref<4096x200xi32, #tpu.memory_space<hbm>> -> memref<16x200xi32, #tpu.memory_space<hbm>>
    %dma_start3A_296 = arith.constant 0 : i32
    %dma_start3A_297 = arith.constant 0 : i32
    %dma_start3A_298 = tpu.memref_slice %arg6[%dma_start3A_289, %dma_start3A_296, %dma_start3A_297] : memref<2x16x200xi32, #tpu.memory_space<vmem>> -> memref<1x16x200xi32, #tpu.memory_space<vmem>>
    %dma_start3A_299 = tpu.memref_squeeze %dma_start3A_298 : memref<1x16x200xi32, #tpu.memory_space<vmem>> -> memref<16x200xi32, #tpu.memory_space<vmem>>
    %dma_start3A_300 = arith.constant 0 : i32
    %dma_start3A_301 = tpu.memref_slice %arg3[%add3A_288, %dma_start3A_300] : memref<4096x200xi32, #tpu.memory_space<hbm>> -> memref<16x200xi32, #tpu.memory_space<hbm>>
    tpu.enqueue_dma source(%dma_start3A_301 : memref<16x200xi32, #tpu.memory_space<hbm>>) target(%dma_start3A_299 : memref<16x200xi32, #tpu.memory_space<vmem>>) target_semaphore(%arg9 : memref<!tpu.dma_semaphore, #tpu.memory_space<semaphore_mem>>)
    %broadcast_in_dim3A_302 = arith.constant 0 : i32
    %broadcast_in_dim3A_303 = vector.broadcast %broadcast_in_dim3A_302 : i32 to vector<16xi32>
    %scan3A_304 = arith.constant 0 : i32
    %scan3A_305 = arith.constant 16 : i32
    %scan3A_306 = arith.addi %scan3A_304, %scan3A_305 : i32
    %scan3A_307 = arith.constant 1 : i32
    %scan3A_308:4 = scf.for %scan3A_487 = %scan3A_304 to %scan3A_306 step %scan3A_307 iter_args(%scan3A_488 = %bitcast3A_40, %scan3A_489 = %bitcast3A_41, %scan3A_490 = %bitcast3A_49, %scan3A_491 = %bitcast3A_51) -> (vector<16xf32>, vector<16xf32>, vector<16xf32>, vector<16xf32>)  : i32 {
      %broadcast_in_dim3A_492 = vector.broadcast %scan3A_487 : i32 to vector<16xi32>
      %broadcast_in_dim3A_493 = arith.constant 0 : i32
      %broadcast_in_dim3A_494 = vector.broadcast %broadcast_in_dim3A_493 : i32 to vector<16xi32>
      %bitcast3A_495 = vector.bitcast %broadcast_in_dim3A_494 : vector<16xi32> to vector<32xbf16>
      %broadcast_in_dim3A_496 = arith.constant 0 : i32
      %broadcast_in_dim3A_497 = vector.broadcast %broadcast_in_dim3A_496 : i32 to vector<16xi32>
      %add3A_498 = arith.addi %broadcast_in_dim3A_497, %iota3A : vector<16xi32>
      %gather3A_499 = tpu.vector_load_idx %arg6[%broadcast_in_dim3A_303, %broadcast_in_dim3A_492, %add3A_498] : memref<2x16x200xi32, #tpu.memory_space<vmem>>[vector<16xi32>, vector<16xi32>, vector<16xi32>], vector<16xi32>,
      %gather3A_500 = tpu.vector_load_idx %arg5[%gather3A_499] : memref<2016xi32, #tpu.memory_space<vmem>>[vector<16xi32>], vector<16xi32>,
      %add3A_501 = arith.constant 1008 : i32
      %add3A_502 = vector.broadcast %add3A_501 : i32 to vector<16xi32>
      %add3A_503 = arith.addi %gather3A_499, %add3A_502 : vector<16xi32>
      %gather3A_504 = tpu.vector_load_idx %arg5[%add3A_503] : memref<2016xi32, #tpu.memory_space<vmem>>[vector<16xi32>], vector<16xi32>,
      %bitcast3A_505 = vector.bitcast %gather3A_500 : vector<16xi32> to vector<32xbf16>
      %add3A_506 = arith.addf %bitcast3A_495, %bitcast3A_505 : vector<32xbf16>
      %bitcast3A_507 = vector.bitcast %gather3A_504 : vector<16xi32> to vector<32xbf16>
      %add3A_508 = arith.addf %bitcast3A_495, %bitcast3A_507 : vector<32xbf16>
      %broadcast_in_dim3A_509 = arith.constant 16 : i32
      %broadcast_in_dim3A_510 = vector.broadcast %broadcast_in_dim3A_509 : i32 to vector<16xi32>
      %add3A_511 = arith.addi %broadcast_in_dim3A_510, %iota3A : vector<16xi32>
      %gather3A_512 = tpu.vector_load_idx %arg6[%broadcast_in_dim3A_303, %broadcast_in_dim3A_492, %add3A_511] : memref<2x16x200xi32, #tpu.memory_space<vmem>>[vector<16xi32>, vector<16xi32>, vector<16xi32>], vector<16xi32>,
      %gather3A_513 = tpu.vector_load_idx %arg5[%gather3A_512] : memref<2016xi32, #tpu.memory_space<vmem>>[vector<16xi32>], vector<16xi32>,
      %add3A_514 = arith.constant 1008 : i32
      %add3A_515 = vector.broadcast %add3A_514 : i32 to vector<16xi32>
      %add3A_516 = arith.addi %gather3A_512, %add3A_515 : vector<16xi32>
      %gather3A_517 = tpu.vector_load_idx %arg5[%add3A_516] : memref<2016xi32, #tpu.memory_space<vmem>>[vector<16xi32>], vector<16xi32>,
      %bitcast3A_518 = vector.bitcast %gather3A_513 : vector<16xi32> to vector<32xbf16>
      %add3A_519 = arith.addf %add3A_506, %bitcast3A_518 : vector<32xbf16>
      %bitcast3A_520 = vector.bitcast %gather3A_517 : vector<16xi32> to vector<32xbf16>
      %add3A_521 = arith.addf %add3A_508, %bitcast3A_520 : vector<32xbf16>
      %broadcast_in_dim3A_522 = arith.constant 32 : i32
      %broadcast_in_dim3A_523 = vector.broadcast %broadcast_in_dim3A_522 : i32 to vector<16xi32>
      %add3A_524 = arith.addi %broadcast_in_dim3A_523, %iota3A : vector<16xi32>
      %gather3A_525 = tpu.vector_load_idx %arg6[%broadcast_in_dim3A_303, %broadcast_in_dim3A_492, %add3A_524] : memref<2x16x200xi32, #tpu.memory_space<vmem>>[vector<16xi32>, vector<16xi32>, vector<16xi32>], vector<16xi32>,
      %gather3A_526 = tpu.vector_load_idx %arg5[%gather3A_525] : memref<2016xi32, #tpu.memory_space<vmem>>[vector<16xi32>], vector<16xi32>,
      %add3A_527 = arith.constant 1008 : i32
      %add3A_528 = vector.broadcast %add3A_527 : i32 to vector<16xi32>
      %add3A_529 = arith.addi %gather3A_525, %add3A_528 : vector<16xi32>
      %gather3A_530 = tpu.vector_load_idx %arg5[%add3A_529] : memref<2016xi32, #tpu.memory_space<vmem>>[vector<16xi32>], vector<16xi32>,
      %bitcast3A_531 = vector.bitcast %gather3A_526 : vector<16xi32> to vector<32xbf16>
      %add3A_532 = arith.addf %add3A_519, %bitcast3A_531 : vector<32xbf16>
      %bitcast3A_533 = vector.bitcast %gather3A_530 : vector<16xi32> to vector<32xbf16>
      %add3A_534 = arith.addf %add3A_521, %bitcast3A_533 : vector<32xbf16>
      %broadcast_in_dim3A_535 = arith.constant 48 : i32
      %broadcast_in_dim3A_536 = vector.broadcast %broadcast_in_dim3A_535 : i32 to vector<16xi32>
      %add3A_537 = arith.addi %broadcast_in_dim3A_536, %iota3A : vector<16xi32>
      %gather3A_538 = tpu.vector_load_idx %arg6[%broadcast_in_dim3A_303, %broadcast_in_dim3A_492, %add3A_537] : memref<2x16x200xi32, #tpu.memory_space<vmem>>[vector<16xi32>, vector<16xi32>, vector<16xi32>], vector<16xi32>,
      %gather3A_539 = tpu.vector_load_idx %arg5[%gather3A_538] : memref<2016xi32, #tpu.memory_space<vmem>>[vector<16xi32>], vector<16xi32>,
      %add3A_540 = arith.constant 1008 : i32
      %add3A_541 = vector.broadcast %add3A_540 : i32 to vector<16xi32>
      %add3A_542 = arith.addi %gather3A_538, %add3A_541 : vector<16xi32>
      %gather3A_543 = tpu.vector_load_idx %arg5[%add3A_542] : memref<2016xi32, #tpu.memory_space<vmem>>[vector<16xi32>], vector<16xi32>,
      %bitcast3A_544 = vector.bitcast %gather3A_539 : vector<16xi32> to vector<32xbf16>
      %add3A_545 = arith.addf %add3A_532, %bitcast3A_544 : vector<32xbf16>
      %bitcast3A_546 = vector.bitcast %gather3A_543 : vector<16xi32> to vector<32xbf16>
      %add3A_547 = arith.addf %add3A_534, %bitcast3A_546 : vector<32xbf16>
      %broadcast_in_dim3A_548 = arith.constant 64 : i32
      %broadcast_in_dim3A_549 = vector.broadcast %broadcast_in_dim3A_548 : i32 to vector<16xi32>
      %add3A_550 = arith.addi %broadcast_in_dim3A_549, %iota3A : vector<16xi32>
      %gather3A_551 = tpu.vector_load_idx %arg6[%broadcast_in_dim3A_303, %broadcast_in_dim3A_492, %add3A_550] : memref<2x16x200xi32, #tpu.memory_space<vmem>>[vector<16xi32>, vector<16xi32>, vector<16xi32>], vector<16xi32>,
      %gather3A_552 = tpu.vector_load_idx %arg5[%gather3A_551] : memref<2016xi32, #tpu.memory_space<vmem>>[vector<16xi32>], vector<16xi32>,
      %add3A_553 = arith.constant 1008 : i32
      %add3A_554 = vector.broadcast %add3A_553 : i32 to vector<16xi32>
      %add3A_555 = arith.addi %gather3A_551, %add3A_554 : vector<16xi32>
      %gather3A_556 = tpu.vector_load_idx %arg5[%add3A_555] : memref<2016xi32, #tpu.memory_space<vmem>>[vector<16xi32>], vector<16xi32>,
      %bitcast3A_557 = vector.bitcast %gather3A_552 : vector<16xi32> to vector<32xbf16>
      %add3A_558 = arith.addf %add3A_545, %bitcast3A_557 : vector<32xbf16>
      %bitcast3A_559 = vector.bitcast %gather3A_556 : vector<16xi32> to vector<32xbf16>
      %add3A_560 = arith.addf %add3A_547, %bitcast3A_559 : vector<32xbf16>
      %broadcast_in_dim3A_561 = arith.constant 80 : i32
      %broadcast_in_dim3A_562 = vector.broadcast %broadcast_in_dim3A_561 : i32 to vector<16xi32>
      %add3A_563 = arith.addi %broadcast_in_dim3A_562, %iota3A : vector<16xi32>
      %gather3A_564 = tpu.vector_load_idx %arg6[%broadcast_in_dim3A_303, %broadcast_in_dim3A_492, %add3A_563] : memref<2x16x200xi32, #tpu.memory_space<vmem>>[vector<16xi32>, vector<16xi32>, vector<16xi32>], vector<16xi32>,
      %gather3A_565 = tpu.vector_load_idx %arg5[%gather3A_564] : memref<2016xi32, #tpu.memory_space<vmem>>[vector<16xi32>], vector<16xi32>,
      %add3A_566 = arith.constant 1008 : i32
      %add3A_567 = vector.broadcast %add3A_566 : i32 to vector<16xi32>
      %add3A_568 = arith.addi %gather3A_564, %add3A_567 : vector<16xi32>
      %gather3A_569 = tpu.vector_load_idx %arg5[%add3A_568] : memref<2016xi32, #tpu.memory_space<vmem>>[vector<16xi32>], vector<16xi32>,
      %bitcast3A_570 = vector.bitcast %gather3A_565 : vector<16xi32> to vector<32xbf16>
      %add3A_571 = arith.addf %add3A_558, %bitcast3A_570 : vector<32xbf16>
      %bitcast3A_572 = vector.bitcast %gather3A_569 : vector<16xi32> to vector<32xbf16>
      %add3A_573 = arith.addf %add3A_560, %bitcast3A_572 : vector<32xbf16>
      %broadcast_in_dim3A_574 = arith.constant 96 : i32
      %broadcast_in_dim3A_575 = vector.broadcast %broadcast_in_dim3A_574 : i32 to vector<16xi32>
      %add3A_576 = arith.addi %broadcast_in_dim3A_575, %iota3A : vector<16xi32>
      %gather3A_577 = tpu.vector_load_idx %arg6[%broadcast_in_dim3A_303, %broadcast_in_dim3A_492, %add3A_576] : memref<2x16x200xi32, #tpu.memory_space<vmem>>[vector<16xi32>, vector<16xi32>, vector<16xi32>], vector<16xi32>,
      %gather3A_578 = tpu.vector_load_idx %arg5[%gather3A_577] : memref<2016xi32, #tpu.memory_space<vmem>>[vector<16xi32>], vector<16xi32>,
      %add3A_579 = arith.constant 1008 : i32
      %add3A_580 = vector.broadcast %add3A_579 : i32 to vector<16xi32>
      %add3A_581 = arith.addi %gather3A_577, %add3A_580 : vector<16xi32>
      %gather3A_582 = tpu.vector_load_idx %arg5[%add3A_581] : memref<2016xi32, #tpu.memory_space<vmem>>[vector<16xi32>], vector<16xi32>,
      %bitcast3A_583 = vector.bitcast %gather3A_578 : vector<16xi32> to vector<32xbf16>
      %add3A_584 = arith.addf %add3A_571, %bitcast3A_583 : vector<32xbf16>
      %bitcast3A_585 = vector.bitcast %gather3A_582 : vector<16xi32> to vector<32xbf16>
      %add3A_586 = arith.addf %add3A_573, %bitcast3A_585 : vector<32xbf16>
      %broadcast_in_dim3A_587 = arith.constant 112 : i32
      %broadcast_in_dim3A_588 = vector.broadcast %broadcast_in_dim3A_587 : i32 to vector<16xi32>
      %add3A_589 = arith.addi %broadcast_in_dim3A_588, %iota3A : vector<16xi32>
      %gather3A_590 = tpu.vector_load_idx %arg6[%broadcast_in_dim3A_303, %broadcast_in_dim3A_492, %add3A_589] : memref<2x16x200xi32, #tpu.memory_space<vmem>>[vector<16xi32>, vector<16xi32>, vector<16xi32>], vector<16xi32>,
      %gather3A_591 = tpu.vector_load_idx %arg5[%gather3A_590] : memref<2016xi32, #tpu.memory_space<vmem>>[vector<16xi32>], vector<16xi32>,
      %add3A_592 = arith.constant 1008 : i32
      %add3A_593 = vector.broadcast %add3A_592 : i32 to vector<16xi32>
      %add3A_594 = arith.addi %gather3A_590, %add3A_593 : vector<16xi32>
      %gather3A_595 = tpu.vector_load_idx %arg5[%add3A_594] : memref<2016xi32, #tpu.memory_space<vmem>>[vector<16xi32>], vector<16xi32>,
      %bitcast3A_596 = vector.bitcast %gather3A_591 : vector<16xi32> to vector<32xbf16>
      %add3A_597 = arith.addf %add3A_584, %bitcast3A_596 : vector<32xbf16>
      %bitcast3A_598 = vector.bitcast %gather3A_595 : vector<16xi32> to vector<32xbf16>
      %add3A_599 = arith.addf %add3A_586, %bitcast3A_598 : vector<32xbf16>
      %broadcast_in_dim3A_600 = arith.constant 128 : i32
      %broadcast_in_dim3A_601 = vector.broadcast %broadcast_in_dim3A_600 : i32 to vector<16xi32>
      %add3A_602 = arith.addi %broadcast_in_dim3A_601, %iota3A : vector<16xi32>
      %gather3A_603 = tpu.vector_load_idx %arg6[%broadcast_in_dim3A_303, %broadcast_in_dim3A_492, %add3A_602] : memref<2x16x200xi32, #tpu.memory_space<vmem>>[vector<16xi32>, vector<16xi32>, vector<16xi32>], vector<16xi32>,
      %gather3A_604 = tpu.vector_load_idx %arg5[%gather3A_603] : memref<2016xi32, #tpu.memory_space<vmem>>[vector<16xi32>], vector<16xi32>,
      %add3A_605 = arith.constant 1008 : i32
      %add3A_606 = vector.broadcast %add3A_605 : i32 to vector<16xi32>
      %add3A_607 = arith.addi %gather3A_603, %add3A_606 : vector<16xi32>
      %gather3A_608 = tpu.vector_load_idx %arg5[%add3A_607] : memref<2016xi32, #tpu.memory_space<vmem>>[vector<16xi32>], vector<16xi32>,
      %bitcast3A_609 = vector.bitcast %gather3A_604 : vector<16xi32> to vector<32xbf16>
      %add3A_610 = arith.addf %add3A_597, %bitcast3A_609 : vector<32xbf16>
      %bitcast3A_611 = vector.bitcast %gather3A_608 : vector<16xi32> to vector<32xbf16>
      %add3A_612 = arith.addf %add3A_599, %bitcast3A_611 : vector<32xbf16>
      %broadcast_in_dim3A_613 = arith.constant 144 : i32
      %broadcast_in_dim3A_614 = vector.broadcast %broadcast_in_dim3A_613 : i32 to vector<16xi32>
      %add3A_615 = arith.addi %broadcast_in_dim3A_614, %iota3A : vector<16xi32>
      %gather3A_616 = tpu.vector_load_idx %arg6[%broadcast_in_dim3A_303, %broadcast_in_dim3A_492, %add3A_615] : memref<2x16x200xi32, #tpu.memory_space<vmem>>[vector<16xi32>, vector<16xi32>, vector<16xi32>], vector<16xi32>,
      %gather3A_617 = tpu.vector_load_idx %arg5[%gather3A_616] : memref<2016xi32, #tpu.memory_space<vmem>>[vector<16xi32>], vector<16xi32>,
      %add3A_618 = arith.constant 1008 : i32
      %add3A_619 = vector.broadcast %add3A_618 : i32 to vector<16xi32>
      %add3A_620 = arith.addi %gather3A_616, %add3A_619 : vector<16xi32>
      %gather3A_621 = tpu.vector_load_idx %arg5[%add3A_620] : memref<2016xi32, #tpu.memory_space<vmem>>[vector<16xi32>], vector<16xi32>,
      %bitcast3A_622 = vector.bitcast %gather3A_617 : vector<16xi32> to vector<32xbf16>
      %add3A_623 = arith.addf %add3A_610, %bitcast3A_622 : vector<32xbf16>
      %bitcast3A_624 = vector.bitcast %gather3A_621 : vector<16xi32> to vector<32xbf16>
      %add3A_625 = arith.addf %add3A_612, %bitcast3A_624 : vector<32xbf16>
      %broadcast_in_dim3A_626 = arith.constant 160 : i32
      %broadcast_in_dim3A_627 = vector.broadcast %broadcast_in_dim3A_626 : i32 to vector<16xi32>
      %add3A_628 = arith.addi %broadcast_in_dim3A_627, %iota3A : vector<16xi32>
      %gather3A_629 = tpu.vector_load_idx %arg6[%broadcast_in_dim3A_303, %broadcast_in_dim3A_492, %add3A_628] : memref<2x16x200xi32, #tpu.memory_space<vmem>>[vector<16xi32>, vector<16xi32>, vector<16xi32>], vector<16xi32>,
      %gather3A_630 = tpu.vector_load_idx %arg5[%gather3A_629] : memref<2016xi32, #tpu.memory_space<vmem>>[vector<16xi32>], vector<16xi32>,
      %add3A_631 = arith.constant 1008 : i32
      %add3A_632 = vector.broadcast %add3A_631 : i32 to vector<16xi32>
      %add3A_633 = arith.addi %gather3A_629, %add3A_632 : vector<16xi32>
      %gather3A_634 = tpu.vector_load_idx %arg5[%add3A_633] : memref<2016xi32, #tpu.memory_space<vmem>>[vector<16xi32>], vector<16xi32>,
      %bitcast3A_635 = vector.bitcast %gather3A_630 : vector<16xi32> to vector<32xbf16>
      %add3A_636 = arith.addf %add3A_623, %bitcast3A_635 : vector<32xbf16>
      %bitcast3A_637 = vector.bitcast %gather3A_634 : vector<16xi32> to vector<32xbf16>
      %add3A_638 = arith.addf %add3A_625, %bitcast3A_637 : vector<32xbf16>
      %broadcast_in_dim3A_639 = arith.constant 176 : i32
      %broadcast_in_dim3A_640 = vector.broadcast %broadcast_in_dim3A_639 : i32 to vector<16xi32>
      %add3A_641 = arith.addi %broadcast_in_dim3A_640, %iota3A : vector<16xi32>
      %gather3A_642 = tpu.vector_load_idx %arg6[%broadcast_in_dim3A_303, %broadcast_in_dim3A_492, %add3A_641] : memref<2x16x200xi32, #tpu.memory_space<vmem>>[vector<16xi32>, vector<16xi32>, vector<16xi32>], vector<16xi32>,
      %gather3A_643 = tpu.vector_load_idx %arg5[%gather3A_642] : memref<2016xi32, #tpu.memory_space<vmem>>[vector<16xi32>], vector<16xi32>,
      %add3A_644 = arith.constant 1008 : i32
      %add3A_645 = vector.broadcast %add3A_644 : i32 to vector<16xi32>
      %add3A_646 = arith.addi %gather3A_642, %add3A_645 : vector<16xi32>
      %gather3A_647 = tpu.vector_load_idx %arg5[%add3A_646] : memref<2016xi32, #tpu.memory_space<vmem>>[vector<16xi32>], vector<16xi32>,
      %bitcast3A_648 = vector.bitcast %gather3A_643 : vector<16xi32> to vector<32xbf16>
      %add3A_649 = arith.addf %add3A_636, %bitcast3A_648 : vector<32xbf16>
      %bitcast3A_650 = vector.bitcast %gather3A_647 : vector<16xi32> to vector<32xbf16>
      %add3A_651 = arith.addf %add3A_638, %bitcast3A_650 : vector<32xbf16>
      %broadcast_in_dim3A_652 = arith.constant 192 : i32
      %broadcast_in_dim3A_653 = vector.broadcast %broadcast_in_dim3A_652 : i32 to vector<16xi32>
      %add3A_654 = arith.addi %broadcast_in_dim3A_653, %iota3A : vector<16xi32>
      %select_n3A = arith.select %lt3A_19, %add3A_654, %iota3A : vector<16xi1>, vector<16xi32>
      %gather3A_655 = tpu.vector_load_idx %arg6[%broadcast_in_dim3A_303, %broadcast_in_dim3A_492, %select_n3A] : memref<2x16x200xi32, #tpu.memory_space<vmem>>[vector<16xi32>, vector<16xi32>, vector<16xi32>], vector<16xi32>,
      %select_n3A_656 = arith.select %lt3A_19, %gather3A_655, %broadcast_in_dim3A_21 : vector<16xi1>, vector<16xi32>
      %gather3A_657 = tpu.vector_load_idx %arg5[%select_n3A_656] : memref<2016xi32, #tpu.memory_space<vmem>>[vector<16xi32>], vector<16xi32>,
      %add3A_658 = arith.constant 1008 : i32
      %add3A_659 = vector.broadcast %add3A_658 : i32 to vector<16xi32>
      %add3A_660 = arith.addi %select_n3A_656, %add3A_659 : vector<16xi32>
      %gather3A_661 = tpu.vector_load_idx %arg5[%add3A_660] : memref<2016xi32, #tpu.memory_space<vmem>>[vector<16xi32>], vector<16xi32>,
      %bitcast3A_662 = vector.bitcast %gather3A_657 : vector<16xi32> to vector<32xbf16>
      %add3A_663 = arith.addf %add3A_649, %bitcast3A_662 : vector<32xbf16>
      %bitcast3A_664 = vector.bitcast %gather3A_661 : vector<16xi32> to vector<32xbf16>
      %add3A_665 = arith.addf %add3A_651, %bitcast3A_664 : vector<32xbf16>
      %bitcast3A_666 = vector.bitcast %add3A_663 : vector<32xbf16> to vector<16xi32>
      %broadcast_in_dim3A_667 = arith.constant -65536 : i32
      %broadcast_in_dim3A_668 = vector.broadcast %broadcast_in_dim3A_667 : i32 to vector<16xi32>
      %shift_left3A_669 = arith.constant 16 : i32
      %shift_left3A_670 = vector.broadcast %shift_left3A_669 : i32 to vector<16xi32>
      %shift_left3A_671 = arith.shli %bitcast3A_666, %shift_left3A_670 : vector<16xi32>
      %bitcast3A_672 = vector.bitcast %shift_left3A_671 : vector<16xi32> to vector<16xf32>
      %and3A_673 = arith.andi %bitcast3A_666, %broadcast_in_dim3A_668 : vector<16xi32>
      %bitcast3A_674 = vector.bitcast %and3A_673 : vector<16xi32> to vector<16xf32>
      %bitcast3A_675 = vector.bitcast %add3A_665 : vector<32xbf16> to vector<16xi32>
      %broadcast_in_dim3A_676 = arith.constant -65536 : i32
      %broadcast_in_dim3A_677 = vector.broadcast %broadcast_in_dim3A_676 : i32 to vector<16xi32>
      %shift_left3A_678 = arith.constant 16 : i32
      %shift_left3A_679 = vector.broadcast %shift_left3A_678 : i32 to vector<16xi32>
      %shift_left3A_680 = arith.shli %bitcast3A_675, %shift_left3A_679 : vector<16xi32>
      %bitcast3A_681 = vector.bitcast %shift_left3A_680 : vector<16xi32> to vector<16xf32>
      %and3A_682 = arith.andi %bitcast3A_675, %broadcast_in_dim3A_677 : vector<16xi32>
      %bitcast3A_683 = vector.bitcast %and3A_682 : vector<16xi32> to vector<16xf32>
      %broadcast_in_dim3A_684 = vector.broadcast %scan3A_487 : i32 to vector<16xi32>
      %eq3A = arith.cmpi eq, %iota3A, %broadcast_in_dim3A_684 : vector<16xi32>
      %reduce_sum3A = arith.constant true
      %reduce_sum3A_685 = vector.broadcast %reduce_sum3A : i1 to vector<16xi1>
      %reduce_sum3A_686 = tpu.scan <sum>, %bitcast3A_672 masked %reduce_sum3A_685 : vector<16xf32>, vector<16xi1> -> vector<16xf32>
      %reduce_sum3A_687 = vector.extract %reduce_sum3A_686[15] : f32 from vector<16xf32>
      %broadcast_in_dim3A_688 = vector.broadcast %reduce_sum3A_687 : f32 to vector<16xf32>
      %select_n3A_689 = arith.select %eq3A, %broadcast_in_dim3A_688, %broadcast_in_dim3A_17 : vector<16xi1>, vector<16xf32>
      %add3A_690 = arith.addf %scan3A_488, %select_n3A_689 : vector<16xf32>
      %reduce_sum3A_691 = arith.constant true
      %reduce_sum3A_692 = vector.broadcast %reduce_sum3A_691 : i1 to vector<16xi1>
      %reduce_sum3A_693 = tpu.scan <sum>, %bitcast3A_674 masked %reduce_sum3A_692 : vector<16xf32>, vector<16xi1> -> vector<16xf32>
      %reduce_sum3A_694 = vector.extract %reduce_sum3A_693[15] : f32 from vector<16xf32>
      %broadcast_in_dim3A_695 = vector.broadcast %reduce_sum3A_694 : f32 to vector<16xf32>
      %select_n3A_696 = arith.select %eq3A, %broadcast_in_dim3A_695, %broadcast_in_dim3A_17 : vector<16xi1>, vector<16xf32>
      %add3A_697 = arith.addf %scan3A_489, %select_n3A_696 : vector<16xf32>
      %reduce_sum3A_698 = arith.constant true
      %reduce_sum3A_699 = vector.broadcast %reduce_sum3A_698 : i1 to vector<16xi1>
      %reduce_sum3A_700 = tpu.scan <sum>, %bitcast3A_681 masked %reduce_sum3A_699 : vector<16xf32>, vector<16xi1> -> vector<16xf32>
      %reduce_sum3A_701 = vector.extract %reduce_sum3A_700[15] : f32 from vector<16xf32>
      %broadcast_in_dim3A_702 = vector.broadcast %reduce_sum3A_701 : f32 to vector<16xf32>
      %select_n3A_703 = arith.select %eq3A, %broadcast_in_dim3A_702, %broadcast_in_dim3A_17 : vector<16xi1>, vector<16xf32>
      %add3A_704 = arith.addf %scan3A_490, %select_n3A_703 : vector<16xf32>
      %reduce_sum3A_705 = arith.constant true
      %reduce_sum3A_706 = vector.broadcast %reduce_sum3A_705 : i1 to vector<16xi1>
      %reduce_sum3A_707 = tpu.scan <sum>, %bitcast3A_683 masked %reduce_sum3A_706 : vector<16xf32>, vector<16xi1> -> vector<16xf32>
      %reduce_sum3A_708 = vector.extract %reduce_sum3A_707[15] : f32 from vector<16xf32>
      %broadcast_in_dim3A_709 = vector.broadcast %reduce_sum3A_708 : f32 to vector<16xf32>
      %select_n3A_710 = arith.select %eq3A, %broadcast_in_dim3A_709, %broadcast_in_dim3A_17 : vector<16xi1>, vector<16xf32>
      %add3A_711 = arith.addf %scan3A_491, %select_n3A_710 : vector<16xf32>
      scf.yield %add3A_690, %add3A_697, %add3A_704, %add3A_711 : vector<16xf32>, vector<16xf32>, vector<16xf32>, vector<16xf32>
    }
    %scan3A_309 = arith.constant 16 : i32
    %max3A_310 = arith.maximumf %scan3A_308#0, %scan3A_308#1 : vector<16xf32>
    %max3A_311 = arith.maximumf %scan3A_308#2, %scan3A_308#3 : vector<16xf32>
    %max3A_312 = arith.maximumf %max3A_310, %max3A_311 : vector<16xf32>
    %sub3A_313 = arith.subf %scan3A_308#0, %max3A_312 : vector<16xf32>
    %exp3A_314 = math.exp %sub3A_313 : vector<16xf32>
    %sub3A_315 = arith.subf %scan3A_308#1, %max3A_312 : vector<16xf32>
    %exp3A_316 = math.exp %sub3A_315 : vector<16xf32>
    %sub3A_317 = arith.subf %scan3A_308#2, %max3A_312 : vector<16xf32>
    %exp3A_318 = math.exp %sub3A_317 : vector<16xf32>
    %sub3A_319 = arith.subf %scan3A_308#3, %max3A_312 : vector<16xf32>
    %exp3A_320 = math.exp %sub3A_319 : vector<16xf32>
    %add3A_321 = arith.addf %exp3A_314, %exp3A_316 : vector<16xf32>
    %add3A_322 = arith.addf %exp3A_318, %exp3A_320 : vector<16xf32>
    %add3A_323 = arith.addf %add3A_321, %add3A_322 : vector<16xf32>
    %add3A_324 = arith.constant 64 : i32
    %add3A_325 = vector.broadcast %add3A_324 : i32 to vector<16xi32>
    %add3A_326 = arith.addi %add3A_325, %iota3A : vector<16xi32>
    %div3A_327 = arith.divf %exp3A_314, %add3A_323 : vector<16xf32>
    tpu.vector_store_idx %arg7[%add3A_326, %broadcast_in_dim3A_23], %div3A_327 : memref<128x4xf32, #tpu.memory_space<vmem>>[vector<16xi32>, vector<16xi32>], vector<16xf32>,
    %div3A_328 = arith.divf %exp3A_316, %add3A_323 : vector<16xf32>
    tpu.vector_store_idx %arg7[%add3A_326, %broadcast_in_dim3A_25], %div3A_328 : memref<128x4xf32, #tpu.memory_space<vmem>>[vector<16xi32>, vector<16xi32>], vector<16xf32>,
    %div3A_329 = arith.divf %exp3A_318, %add3A_323 : vector<16xf32>
    tpu.vector_store_idx %arg7[%add3A_326, %broadcast_in_dim3A_27], %div3A_329 : memref<128x4xf32, #tpu.memory_space<vmem>>[vector<16xi32>, vector<16xi32>], vector<16xf32>,
    %div3A_330 = arith.divf %exp3A_320, %add3A_323 : vector<16xf32>
    tpu.vector_store_idx %arg7[%add3A_326, %broadcast_in_dim3A_29], %div3A_330 : memref<128x4xf32, #tpu.memory_space<vmem>>[vector<16xi32>, vector<16xi32>], vector<16xf32>,
    %dma_wait3A_331 = arith.constant 1 : i32
    %dma_wait3A_332 = arith.constant 0 : i32
    %dma_wait3A_333 = arith.constant 0 : i32
    %dma_wait3A_334 = tpu.memref_slice %arg6[%dma_wait3A_331, %dma_wait3A_332, %dma_wait3A_333] : memref<2x16x200xi32, #tpu.memory_space<vmem>> -> memref<1x16x200xi32, #tpu.memory_space<vmem>>
    %dma_wait3A_335 = tpu.memref_squeeze %dma_wait3A_334 : memref<1x16x200xi32, #tpu.memory_space<vmem>> -> memref<16x200xi32, #tpu.memory_space<vmem>>
    %dma_wait3A_336 = arith.constant 0 : i32
    %dma_wait3A_337 = tpu.memref_slice %arg3[%add3A_288, %dma_wait3A_336] : memref<4096x200xi32, #tpu.memory_space<hbm>> -> memref<16x200xi32, #tpu.memory_space<hbm>>
    %dma_wait3A_338 = arith.constant 0 : i32
    %dma_wait3A_339 = arith.constant 0 : i32
    %dma_wait3A_340 = tpu.memref_slice %arg6[%dma_wait3A_331, %dma_wait3A_338, %dma_wait3A_339] : memref<2x16x200xi32, #tpu.memory_space<vmem>> -> memref<1x16x200xi32, #tpu.memory_space<vmem>>
    %dma_wait3A_341 = tpu.memref_squeeze %dma_wait3A_340 : memref<1x16x200xi32, #tpu.memory_space<vmem>> -> memref<16x200xi32, #tpu.memory_space<vmem>>
    %dma_wait3A_342 = arith.constant 0 : i32
    %dma_wait3A_343 = tpu.memref_slice %arg3[%add3A_288, %dma_wait3A_342] : memref<4096x200xi32, #tpu.memory_space<hbm>> -> memref<16x200xi32, #tpu.memory_space<hbm>>
    tpu.wait_dma2 semaphore(%arg9 : memref<!tpu.dma_semaphore, #tpu.memory_space<semaphore_mem>>) src(%dma_wait3A_343 : memref<16x200xi32, #tpu.memory_space<hbm>>) dst(%dma_wait3A_341 : memref<16x200xi32, #tpu.memory_space<vmem>>)
    %add3A_344 = arith.constant 96 : i32
    %add3A_345 = arith.addi %mul3A_2, %add3A_344 : i32
    %dma_start3A_346 = arith.constant 0 : i32
    %dma_start3A_347 = arith.constant 0 : i32
    %dma_start3A_348 = arith.constant 0 : i32
    %dma_start3A_349 = tpu.memref_slice %arg6[%dma_start3A_346, %dma_start3A_347, %dma_start3A_348] : memref<2x16x200xi32, #tpu.memory_space<vmem>> -> memref<1x16x200xi32, #tpu.memory_space<vmem>>
    %dma_start3A_350 = tpu.memref_squeeze %dma_start3A_349 : memref<1x16x200xi32, #tpu.memory_space<vmem>> -> memref<16x200xi32, #tpu.memory_space<vmem>>
    %dma_start3A_351 = arith.constant 0 : i32
    %dma_start3A_352 = tpu.memref_slice %arg3[%add3A_345, %dma_start3A_351] : memref<4096x200xi32, #tpu.memory_space<hbm>> -> memref<16x200xi32, #tpu.memory_space<hbm>>
    %dma_start3A_353 = arith.constant 0 : i32
    %dma_start3A_354 = arith.constant 0 : i32
    %dma_start3A_355 = tpu.memref_slice %arg6[%dma_start3A_346, %dma_start3A_353, %dma_start3A_354] : memref<2x16x200xi32, #tpu.memory_space<vmem>> -> memref<1x16x200xi32, #tpu.memory_space<vmem>>
    %dma_start3A_356 = tpu.memref_squeeze %dma_start3A_355 : memref<1x16x200xi32, #tpu.memory_space<vmem>> -> memref<16x200xi32, #tpu.memory_space<vmem>>
    %dma_start3A_357 = arith.constant 0 : i32
    %dma_start3A_358 = tpu.memref_slice %arg3[%add3A_345, %dma_start3A_357] : memref<4096x200xi32, #tpu.memory_space<hbm>> -> memref<16x200xi32, #tpu.memory_space<hbm>>
    tpu.enqueue_dma source(%dma_start3A_358 : memref<16x200xi32, #tpu.memory_space<hbm>>) target(%dma_start3A_356 : memref<16x200xi32, #tpu.memory_space<vmem>>) target_semaphore(%arg8 : memref<!tpu.dma_semaphore, #tpu.memory_space<semaphore_mem>>)
    %broadcast_in_dim3A_359 = arith.constant 1 : i32
    %broadcast_in_dim3A_360 = vector.broadcast %broadcast_in_dim3A_359 : i32 to vector<16xi32>
    %scan3A_361 = arith.constant 0 : i32
    %scan3A_362 = arith.constant 16 : i32
    %scan3A_363 = arith.addi %scan3A_361, %scan3A_362 : i32
    %scan3A_364 = arith.constant 1 : i32
    %scan3A_365:4 = scf.for %scan3A_487 = %scan3A_361 to %scan3A_363 step %scan3A_364 iter_args(%scan3A_488 = %bitcast3A_40, %scan3A_489 = %bitcast3A_41, %scan3A_490 = %bitcast3A_49, %scan3A_491 = %bitcast3A_51) -> (vector<16xf32>, vector<16xf32>, vector<16xf32>, vector<16xf32>)  : i32 {
      %broadcast_in_dim3A_492 = vector.broadcast %scan3A_487 : i32 to vector<16xi32>
      %broadcast_in_dim3A_493 = arith.constant 0 : i32
      %broadcast_in_dim3A_494 = vector.broadcast %broadcast_in_dim3A_493 : i32 to vector<16xi32>
      %bitcast3A_495 = vector.bitcast %broadcast_in_dim3A_494 : vector<16xi32> to vector<32xbf16>
      %broadcast_in_dim3A_496 = arith.constant 0 : i32
      %broadcast_in_dim3A_497 = vector.broadcast %broadcast_in_dim3A_496 : i32 to vector<16xi32>
      %add3A_498 = arith.addi %broadcast_in_dim3A_497, %iota3A : vector<16xi32>
      %gather3A_499 = tpu.vector_load_idx %arg6[%broadcast_in_dim3A_360, %broadcast_in_dim3A_492, %add3A_498] : memref<2x16x200xi32, #tpu.memory_space<vmem>>[vector<16xi32>, vector<16xi32>, vector<16xi32>], vector<16xi32>,
      %gather3A_500 = tpu.vector_load_idx %arg5[%gather3A_499] : memref<2016xi32, #tpu.memory_space<vmem>>[vector<16xi32>], vector<16xi32>,
      %add3A_501 = arith.constant 1008 : i32
      %add3A_502 = vector.broadcast %add3A_501 : i32 to vector<16xi32>
      %add3A_503 = arith.addi %gather3A_499, %add3A_502 : vector<16xi32>
      %gather3A_504 = tpu.vector_load_idx %arg5[%add3A_503] : memref<2016xi32, #tpu.memory_space<vmem>>[vector<16xi32>], vector<16xi32>,
      %bitcast3A_505 = vector.bitcast %gather3A_500 : vector<16xi32> to vector<32xbf16>
      %add3A_506 = arith.addf %bitcast3A_495, %bitcast3A_505 : vector<32xbf16>
      %bitcast3A_507 = vector.bitcast %gather3A_504 : vector<16xi32> to vector<32xbf16>
      %add3A_508 = arith.addf %bitcast3A_495, %bitcast3A_507 : vector<32xbf16>
      %broadcast_in_dim3A_509 = arith.constant 16 : i32
      %broadcast_in_dim3A_510 = vector.broadcast %broadcast_in_dim3A_509 : i32 to vector<16xi32>
      %add3A_511 = arith.addi %broadcast_in_dim3A_510, %iota3A : vector<16xi32>
      %gather3A_512 = tpu.vector_load_idx %arg6[%broadcast_in_dim3A_360, %broadcast_in_dim3A_492, %add3A_511] : memref<2x16x200xi32, #tpu.memory_space<vmem>>[vector<16xi32>, vector<16xi32>, vector<16xi32>], vector<16xi32>,
      %gather3A_513 = tpu.vector_load_idx %arg5[%gather3A_512] : memref<2016xi32, #tpu.memory_space<vmem>>[vector<16xi32>], vector<16xi32>,
      %add3A_514 = arith.constant 1008 : i32
      %add3A_515 = vector.broadcast %add3A_514 : i32 to vector<16xi32>
      %add3A_516 = arith.addi %gather3A_512, %add3A_515 : vector<16xi32>
      %gather3A_517 = tpu.vector_load_idx %arg5[%add3A_516] : memref<2016xi32, #tpu.memory_space<vmem>>[vector<16xi32>], vector<16xi32>,
      %bitcast3A_518 = vector.bitcast %gather3A_513 : vector<16xi32> to vector<32xbf16>
      %add3A_519 = arith.addf %add3A_506, %bitcast3A_518 : vector<32xbf16>
      %bitcast3A_520 = vector.bitcast %gather3A_517 : vector<16xi32> to vector<32xbf16>
      %add3A_521 = arith.addf %add3A_508, %bitcast3A_520 : vector<32xbf16>
      %broadcast_in_dim3A_522 = arith.constant 32 : i32
      %broadcast_in_dim3A_523 = vector.broadcast %broadcast_in_dim3A_522 : i32 to vector<16xi32>
      %add3A_524 = arith.addi %broadcast_in_dim3A_523, %iota3A : vector<16xi32>
      %gather3A_525 = tpu.vector_load_idx %arg6[%broadcast_in_dim3A_360, %broadcast_in_dim3A_492, %add3A_524] : memref<2x16x200xi32, #tpu.memory_space<vmem>>[vector<16xi32>, vector<16xi32>, vector<16xi32>], vector<16xi32>,
      %gather3A_526 = tpu.vector_load_idx %arg5[%gather3A_525] : memref<2016xi32, #tpu.memory_space<vmem>>[vector<16xi32>], vector<16xi32>,
      %add3A_527 = arith.constant 1008 : i32
      %add3A_528 = vector.broadcast %add3A_527 : i32 to vector<16xi32>
      %add3A_529 = arith.addi %gather3A_525, %add3A_528 : vector<16xi32>
      %gather3A_530 = tpu.vector_load_idx %arg5[%add3A_529] : memref<2016xi32, #tpu.memory_space<vmem>>[vector<16xi32>], vector<16xi32>,
      %bitcast3A_531 = vector.bitcast %gather3A_526 : vector<16xi32> to vector<32xbf16>
      %add3A_532 = arith.addf %add3A_519, %bitcast3A_531 : vector<32xbf16>
      %bitcast3A_533 = vector.bitcast %gather3A_530 : vector<16xi32> to vector<32xbf16>
      %add3A_534 = arith.addf %add3A_521, %bitcast3A_533 : vector<32xbf16>
      %broadcast_in_dim3A_535 = arith.constant 48 : i32
      %broadcast_in_dim3A_536 = vector.broadcast %broadcast_in_dim3A_535 : i32 to vector<16xi32>
      %add3A_537 = arith.addi %broadcast_in_dim3A_536, %iota3A : vector<16xi32>
      %gather3A_538 = tpu.vector_load_idx %arg6[%broadcast_in_dim3A_360, %broadcast_in_dim3A_492, %add3A_537] : memref<2x16x200xi32, #tpu.memory_space<vmem>>[vector<16xi32>, vector<16xi32>, vector<16xi32>], vector<16xi32>,
      %gather3A_539 = tpu.vector_load_idx %arg5[%gather3A_538] : memref<2016xi32, #tpu.memory_space<vmem>>[vector<16xi32>], vector<16xi32>,
      %add3A_540 = arith.constant 1008 : i32
      %add3A_541 = vector.broadcast %add3A_540 : i32 to vector<16xi32>
      %add3A_542 = arith.addi %gather3A_538, %add3A_541 : vector<16xi32>
      %gather3A_543 = tpu.vector_load_idx %arg5[%add3A_542] : memref<2016xi32, #tpu.memory_space<vmem>>[vector<16xi32>], vector<16xi32>,
      %bitcast3A_544 = vector.bitcast %gather3A_539 : vector<16xi32> to vector<32xbf16>
      %add3A_545 = arith.addf %add3A_532, %bitcast3A_544 : vector<32xbf16>
      %bitcast3A_546 = vector.bitcast %gather3A_543 : vector<16xi32> to vector<32xbf16>
      %add3A_547 = arith.addf %add3A_534, %bitcast3A_546 : vector<32xbf16>
      %broadcast_in_dim3A_548 = arith.constant 64 : i32
      %broadcast_in_dim3A_549 = vector.broadcast %broadcast_in_dim3A_548 : i32 to vector<16xi32>
      %add3A_550 = arith.addi %broadcast_in_dim3A_549, %iota3A : vector<16xi32>
      %gather3A_551 = tpu.vector_load_idx %arg6[%broadcast_in_dim3A_360, %broadcast_in_dim3A_492, %add3A_550] : memref<2x16x200xi32, #tpu.memory_space<vmem>>[vector<16xi32>, vector<16xi32>, vector<16xi32>], vector<16xi32>,
      %gather3A_552 = tpu.vector_load_idx %arg5[%gather3A_551] : memref<2016xi32, #tpu.memory_space<vmem>>[vector<16xi32>], vector<16xi32>,
      %add3A_553 = arith.constant 1008 : i32
      %add3A_554 = vector.broadcast %add3A_553 : i32 to vector<16xi32>
      %add3A_555 = arith.addi %gather3A_551, %add3A_554 : vector<16xi32>
      %gather3A_556 = tpu.vector_load_idx %arg5[%add3A_555] : memref<2016xi32, #tpu.memory_space<vmem>>[vector<16xi32>], vector<16xi32>,
      %bitcast3A_557 = vector.bitcast %gather3A_552 : vector<16xi32> to vector<32xbf16>
      %add3A_558 = arith.addf %add3A_545, %bitcast3A_557 : vector<32xbf16>
      %bitcast3A_559 = vector.bitcast %gather3A_556 : vector<16xi32> to vector<32xbf16>
      %add3A_560 = arith.addf %add3A_547, %bitcast3A_559 : vector<32xbf16>
      %broadcast_in_dim3A_561 = arith.constant 80 : i32
      %broadcast_in_dim3A_562 = vector.broadcast %broadcast_in_dim3A_561 : i32 to vector<16xi32>
      %add3A_563 = arith.addi %broadcast_in_dim3A_562, %iota3A : vector<16xi32>
      %gather3A_564 = tpu.vector_load_idx %arg6[%broadcast_in_dim3A_360, %broadcast_in_dim3A_492, %add3A_563] : memref<2x16x200xi32, #tpu.memory_space<vmem>>[vector<16xi32>, vector<16xi32>, vector<16xi32>], vector<16xi32>,
      %gather3A_565 = tpu.vector_load_idx %arg5[%gather3A_564] : memref<2016xi32, #tpu.memory_space<vmem>>[vector<16xi32>], vector<16xi32>,
      %add3A_566 = arith.constant 1008 : i32
      %add3A_567 = vector.broadcast %add3A_566 : i32 to vector<16xi32>
      %add3A_568 = arith.addi %gather3A_564, %add3A_567 : vector<16xi32>
      %gather3A_569 = tpu.vector_load_idx %arg5[%add3A_568] : memref<2016xi32, #tpu.memory_space<vmem>>[vector<16xi32>], vector<16xi32>,
      %bitcast3A_570 = vector.bitcast %gather3A_565 : vector<16xi32> to vector<32xbf16>
      %add3A_571 = arith.addf %add3A_558, %bitcast3A_570 : vector<32xbf16>
      %bitcast3A_572 = vector.bitcast %gather3A_569 : vector<16xi32> to vector<32xbf16>
      %add3A_573 = arith.addf %add3A_560, %bitcast3A_572 : vector<32xbf16>
      %broadcast_in_dim3A_574 = arith.constant 96 : i32
      %broadcast_in_dim3A_575 = vector.broadcast %broadcast_in_dim3A_574 : i32 to vector<16xi32>
      %add3A_576 = arith.addi %broadcast_in_dim3A_575, %iota3A : vector<16xi32>
      %gather3A_577 = tpu.vector_load_idx %arg6[%broadcast_in_dim3A_360, %broadcast_in_dim3A_492, %add3A_576] : memref<2x16x200xi32, #tpu.memory_space<vmem>>[vector<16xi32>, vector<16xi32>, vector<16xi32>], vector<16xi32>,
      %gather3A_578 = tpu.vector_load_idx %arg5[%gather3A_577] : memref<2016xi32, #tpu.memory_space<vmem>>[vector<16xi32>], vector<16xi32>,
      %add3A_579 = arith.constant 1008 : i32
      %add3A_580 = vector.broadcast %add3A_579 : i32 to vector<16xi32>
      %add3A_581 = arith.addi %gather3A_577, %add3A_580 : vector<16xi32>
      %gather3A_582 = tpu.vector_load_idx %arg5[%add3A_581] : memref<2016xi32, #tpu.memory_space<vmem>>[vector<16xi32>], vector<16xi32>,
      %bitcast3A_583 = vector.bitcast %gather3A_578 : vector<16xi32> to vector<32xbf16>
      %add3A_584 = arith.addf %add3A_571, %bitcast3A_583 : vector<32xbf16>
      %bitcast3A_585 = vector.bitcast %gather3A_582 : vector<16xi32> to vector<32xbf16>
      %add3A_586 = arith.addf %add3A_573, %bitcast3A_585 : vector<32xbf16>
      %broadcast_in_dim3A_587 = arith.constant 112 : i32
      %broadcast_in_dim3A_588 = vector.broadcast %broadcast_in_dim3A_587 : i32 to vector<16xi32>
      %add3A_589 = arith.addi %broadcast_in_dim3A_588, %iota3A : vector<16xi32>
      %gather3A_590 = tpu.vector_load_idx %arg6[%broadcast_in_dim3A_360, %broadcast_in_dim3A_492, %add3A_589] : memref<2x16x200xi32, #tpu.memory_space<vmem>>[vector<16xi32>, vector<16xi32>, vector<16xi32>], vector<16xi32>,
      %gather3A_591 = tpu.vector_load_idx %arg5[%gather3A_590] : memref<2016xi32, #tpu.memory_space<vmem>>[vector<16xi32>], vector<16xi32>,
      %add3A_592 = arith.constant 1008 : i32
      %add3A_593 = vector.broadcast %add3A_592 : i32 to vector<16xi32>
      %add3A_594 = arith.addi %gather3A_590, %add3A_593 : vector<16xi32>
      %gather3A_595 = tpu.vector_load_idx %arg5[%add3A_594] : memref<2016xi32, #tpu.memory_space<vmem>>[vector<16xi32>], vector<16xi32>,
      %bitcast3A_596 = vector.bitcast %gather3A_591 : vector<16xi32> to vector<32xbf16>
      %add3A_597 = arith.addf %add3A_584, %bitcast3A_596 : vector<32xbf16>
      %bitcast3A_598 = vector.bitcast %gather3A_595 : vector<16xi32> to vector<32xbf16>
      %add3A_599 = arith.addf %add3A_586, %bitcast3A_598 : vector<32xbf16>
      %broadcast_in_dim3A_600 = arith.constant 128 : i32
      %broadcast_in_dim3A_601 = vector.broadcast %broadcast_in_dim3A_600 : i32 to vector<16xi32>
      %add3A_602 = arith.addi %broadcast_in_dim3A_601, %iota3A : vector<16xi32>
      %gather3A_603 = tpu.vector_load_idx %arg6[%broadcast_in_dim3A_360, %broadcast_in_dim3A_492, %add3A_602] : memref<2x16x200xi32, #tpu.memory_space<vmem>>[vector<16xi32>, vector<16xi32>, vector<16xi32>], vector<16xi32>,
      %gather3A_604 = tpu.vector_load_idx %arg5[%gather3A_603] : memref<2016xi32, #tpu.memory_space<vmem>>[vector<16xi32>], vector<16xi32>,
      %add3A_605 = arith.constant 1008 : i32
      %add3A_606 = vector.broadcast %add3A_605 : i32 to vector<16xi32>
      %add3A_607 = arith.addi %gather3A_603, %add3A_606 : vector<16xi32>
      %gather3A_608 = tpu.vector_load_idx %arg5[%add3A_607] : memref<2016xi32, #tpu.memory_space<vmem>>[vector<16xi32>], vector<16xi32>,
      %bitcast3A_609 = vector.bitcast %gather3A_604 : vector<16xi32> to vector<32xbf16>
      %add3A_610 = arith.addf %add3A_597, %bitcast3A_609 : vector<32xbf16>
      %bitcast3A_611 = vector.bitcast %gather3A_608 : vector<16xi32> to vector<32xbf16>
      %add3A_612 = arith.addf %add3A_599, %bitcast3A_611 : vector<32xbf16>
      %broadcast_in_dim3A_613 = arith.constant 144 : i32
      %broadcast_in_dim3A_614 = vector.broadcast %broadcast_in_dim3A_613 : i32 to vector<16xi32>
      %add3A_615 = arith.addi %broadcast_in_dim3A_614, %iota3A : vector<16xi32>
      %gather3A_616 = tpu.vector_load_idx %arg6[%broadcast_in_dim3A_360, %broadcast_in_dim3A_492, %add3A_615] : memref<2x16x200xi32, #tpu.memory_space<vmem>>[vector<16xi32>, vector<16xi32>, vector<16xi32>], vector<16xi32>,
      %gather3A_617 = tpu.vector_load_idx %arg5[%gather3A_616] : memref<2016xi32, #tpu.memory_space<vmem>>[vector<16xi32>], vector<16xi32>,
      %add3A_618 = arith.constant 1008 : i32
      %add3A_619 = vector.broadcast %add3A_618 : i32 to vector<16xi32>
      %add3A_620 = arith.addi %gather3A_616, %add3A_619 : vector<16xi32>
      %gather3A_621 = tpu.vector_load_idx %arg5[%add3A_620] : memref<2016xi32, #tpu.memory_space<vmem>>[vector<16xi32>], vector<16xi32>,
      %bitcast3A_622 = vector.bitcast %gather3A_617 : vector<16xi32> to vector<32xbf16>
      %add3A_623 = arith.addf %add3A_610, %bitcast3A_622 : vector<32xbf16>
      %bitcast3A_624 = vector.bitcast %gather3A_621 : vector<16xi32> to vector<32xbf16>
      %add3A_625 = arith.addf %add3A_612, %bitcast3A_624 : vector<32xbf16>
      %broadcast_in_dim3A_626 = arith.constant 160 : i32
      %broadcast_in_dim3A_627 = vector.broadcast %broadcast_in_dim3A_626 : i32 to vector<16xi32>
      %add3A_628 = arith.addi %broadcast_in_dim3A_627, %iota3A : vector<16xi32>
      %gather3A_629 = tpu.vector_load_idx %arg6[%broadcast_in_dim3A_360, %broadcast_in_dim3A_492, %add3A_628] : memref<2x16x200xi32, #tpu.memory_space<vmem>>[vector<16xi32>, vector<16xi32>, vector<16xi32>], vector<16xi32>,
      %gather3A_630 = tpu.vector_load_idx %arg5[%gather3A_629] : memref<2016xi32, #tpu.memory_space<vmem>>[vector<16xi32>], vector<16xi32>,
      %add3A_631 = arith.constant 1008 : i32
      %add3A_632 = vector.broadcast %add3A_631 : i32 to vector<16xi32>
      %add3A_633 = arith.addi %gather3A_629, %add3A_632 : vector<16xi32>
      %gather3A_634 = tpu.vector_load_idx %arg5[%add3A_633] : memref<2016xi32, #tpu.memory_space<vmem>>[vector<16xi32>], vector<16xi32>,
      %bitcast3A_635 = vector.bitcast %gather3A_630 : vector<16xi32> to vector<32xbf16>
      %add3A_636 = arith.addf %add3A_623, %bitcast3A_635 : vector<32xbf16>
      %bitcast3A_637 = vector.bitcast %gather3A_634 : vector<16xi32> to vector<32xbf16>
      %add3A_638 = arith.addf %add3A_625, %bitcast3A_637 : vector<32xbf16>
      %broadcast_in_dim3A_639 = arith.constant 176 : i32
      %broadcast_in_dim3A_640 = vector.broadcast %broadcast_in_dim3A_639 : i32 to vector<16xi32>
      %add3A_641 = arith.addi %broadcast_in_dim3A_640, %iota3A : vector<16xi32>
      %gather3A_642 = tpu.vector_load_idx %arg6[%broadcast_in_dim3A_360, %broadcast_in_dim3A_492, %add3A_641] : memref<2x16x200xi32, #tpu.memory_space<vmem>>[vector<16xi32>, vector<16xi32>, vector<16xi32>], vector<16xi32>,
      %gather3A_643 = tpu.vector_load_idx %arg5[%gather3A_642] : memref<2016xi32, #tpu.memory_space<vmem>>[vector<16xi32>], vector<16xi32>,
      %add3A_644 = arith.constant 1008 : i32
      %add3A_645 = vector.broadcast %add3A_644 : i32 to vector<16xi32>
      %add3A_646 = arith.addi %gather3A_642, %add3A_645 : vector<16xi32>
      %gather3A_647 = tpu.vector_load_idx %arg5[%add3A_646] : memref<2016xi32, #tpu.memory_space<vmem>>[vector<16xi32>], vector<16xi32>,
      %bitcast3A_648 = vector.bitcast %gather3A_643 : vector<16xi32> to vector<32xbf16>
      %add3A_649 = arith.addf %add3A_636, %bitcast3A_648 : vector<32xbf16>
      %bitcast3A_650 = vector.bitcast %gather3A_647 : vector<16xi32> to vector<32xbf16>
      %add3A_651 = arith.addf %add3A_638, %bitcast3A_650 : vector<32xbf16>
      %broadcast_in_dim3A_652 = arith.constant 192 : i32
      %broadcast_in_dim3A_653 = vector.broadcast %broadcast_in_dim3A_652 : i32 to vector<16xi32>
      %add3A_654 = arith.addi %broadcast_in_dim3A_653, %iota3A : vector<16xi32>
      %select_n3A = arith.select %lt3A_19, %add3A_654, %iota3A : vector<16xi1>, vector<16xi32>
      %gather3A_655 = tpu.vector_load_idx %arg6[%broadcast_in_dim3A_360, %broadcast_in_dim3A_492, %select_n3A] : memref<2x16x200xi32, #tpu.memory_space<vmem>>[vector<16xi32>, vector<16xi32>, vector<16xi32>], vector<16xi32>,
      %select_n3A_656 = arith.select %lt3A_19, %gather3A_655, %broadcast_in_dim3A_21 : vector<16xi1>, vector<16xi32>
      %gather3A_657 = tpu.vector_load_idx %arg5[%select_n3A_656] : memref<2016xi32, #tpu.memory_space<vmem>>[vector<16xi32>], vector<16xi32>,
      %add3A_658 = arith.constant 1008 : i32
      %add3A_659 = vector.broadcast %add3A_658 : i32 to vector<16xi32>
      %add3A_660 = arith.addi %select_n3A_656, %add3A_659 : vector<16xi32>
      %gather3A_661 = tpu.vector_load_idx %arg5[%add3A_660] : memref<2016xi32, #tpu.memory_space<vmem>>[vector<16xi32>], vector<16xi32>,
      %bitcast3A_662 = vector.bitcast %gather3A_657 : vector<16xi32> to vector<32xbf16>
      %add3A_663 = arith.addf %add3A_649, %bitcast3A_662 : vector<32xbf16>
      %bitcast3A_664 = vector.bitcast %gather3A_661 : vector<16xi32> to vector<32xbf16>
      %add3A_665 = arith.addf %add3A_651, %bitcast3A_664 : vector<32xbf16>
      %bitcast3A_666 = vector.bitcast %add3A_663 : vector<32xbf16> to vector<16xi32>
      %broadcast_in_dim3A_667 = arith.constant -65536 : i32
      %broadcast_in_dim3A_668 = vector.broadcast %broadcast_in_dim3A_667 : i32 to vector<16xi32>
      %shift_left3A_669 = arith.constant 16 : i32
      %shift_left3A_670 = vector.broadcast %shift_left3A_669 : i32 to vector<16xi32>
      %shift_left3A_671 = arith.shli %bitcast3A_666, %shift_left3A_670 : vector<16xi32>
      %bitcast3A_672 = vector.bitcast %shift_left3A_671 : vector<16xi32> to vector<16xf32>
      %and3A_673 = arith.andi %bitcast3A_666, %broadcast_in_dim3A_668 : vector<16xi32>
      %bitcast3A_674 = vector.bitcast %and3A_673 : vector<16xi32> to vector<16xf32>
      %bitcast3A_675 = vector.bitcast %add3A_665 : vector<32xbf16> to vector<16xi32>
      %broadcast_in_dim3A_676 = arith.constant -65536 : i32
      %broadcast_in_dim3A_677 = vector.broadcast %broadcast_in_dim3A_676 : i32 to vector<16xi32>
      %shift_left3A_678 = arith.constant 16 : i32
      %shift_left3A_679 = vector.broadcast %shift_left3A_678 : i32 to vector<16xi32>
      %shift_left3A_680 = arith.shli %bitcast3A_675, %shift_left3A_679 : vector<16xi32>
      %bitcast3A_681 = vector.bitcast %shift_left3A_680 : vector<16xi32> to vector<16xf32>
      %and3A_682 = arith.andi %bitcast3A_675, %broadcast_in_dim3A_677 : vector<16xi32>
      %bitcast3A_683 = vector.bitcast %and3A_682 : vector<16xi32> to vector<16xf32>
      %broadcast_in_dim3A_684 = vector.broadcast %scan3A_487 : i32 to vector<16xi32>
      %eq3A = arith.cmpi eq, %iota3A, %broadcast_in_dim3A_684 : vector<16xi32>
      %reduce_sum3A = arith.constant true
      %reduce_sum3A_685 = vector.broadcast %reduce_sum3A : i1 to vector<16xi1>
      %reduce_sum3A_686 = tpu.scan <sum>, %bitcast3A_672 masked %reduce_sum3A_685 : vector<16xf32>, vector<16xi1> -> vector<16xf32>
      %reduce_sum3A_687 = vector.extract %reduce_sum3A_686[15] : f32 from vector<16xf32>
      %broadcast_in_dim3A_688 = vector.broadcast %reduce_sum3A_687 : f32 to vector<16xf32>
      %select_n3A_689 = arith.select %eq3A, %broadcast_in_dim3A_688, %broadcast_in_dim3A_17 : vector<16xi1>, vector<16xf32>
      %add3A_690 = arith.addf %scan3A_488, %select_n3A_689 : vector<16xf32>
      %reduce_sum3A_691 = arith.constant true
      %reduce_sum3A_692 = vector.broadcast %reduce_sum3A_691 : i1 to vector<16xi1>
      %reduce_sum3A_693 = tpu.scan <sum>, %bitcast3A_674 masked %reduce_sum3A_692 : vector<16xf32>, vector<16xi1> -> vector<16xf32>
      %reduce_sum3A_694 = vector.extract %reduce_sum3A_693[15] : f32 from vector<16xf32>
      %broadcast_in_dim3A_695 = vector.broadcast %reduce_sum3A_694 : f32 to vector<16xf32>
      %select_n3A_696 = arith.select %eq3A, %broadcast_in_dim3A_695, %broadcast_in_dim3A_17 : vector<16xi1>, vector<16xf32>
      %add3A_697 = arith.addf %scan3A_489, %select_n3A_696 : vector<16xf32>
      %reduce_sum3A_698 = arith.constant true
      %reduce_sum3A_699 = vector.broadcast %reduce_sum3A_698 : i1 to vector<16xi1>
      %reduce_sum3A_700 = tpu.scan <sum>, %bitcast3A_681 masked %reduce_sum3A_699 : vector<16xf32>, vector<16xi1> -> vector<16xf32>
      %reduce_sum3A_701 = vector.extract %reduce_sum3A_700[15] : f32 from vector<16xf32>
      %broadcast_in_dim3A_702 = vector.broadcast %reduce_sum3A_701 : f32 to vector<16xf32>
      %select_n3A_703 = arith.select %eq3A, %broadcast_in_dim3A_702, %broadcast_in_dim3A_17 : vector<16xi1>, vector<16xf32>
      %add3A_704 = arith.addf %scan3A_490, %select_n3A_703 : vector<16xf32>
      %reduce_sum3A_705 = arith.constant true
      %reduce_sum3A_706 = vector.broadcast %reduce_sum3A_705 : i1 to vector<16xi1>
      %reduce_sum3A_707 = tpu.scan <sum>, %bitcast3A_683 masked %reduce_sum3A_706 : vector<16xf32>, vector<16xi1> -> vector<16xf32>
      %reduce_sum3A_708 = vector.extract %reduce_sum3A_707[15] : f32 from vector<16xf32>
      %broadcast_in_dim3A_709 = vector.broadcast %reduce_sum3A_708 : f32 to vector<16xf32>
      %select_n3A_710 = arith.select %eq3A, %broadcast_in_dim3A_709, %broadcast_in_dim3A_17 : vector<16xi1>, vector<16xf32>
      %add3A_711 = arith.addf %scan3A_491, %select_n3A_710 : vector<16xf32>
      scf.yield %add3A_690, %add3A_697, %add3A_704, %add3A_711 : vector<16xf32>, vector<16xf32>, vector<16xf32>, vector<16xf32>
    }
    %scan3A_366 = arith.constant 16 : i32
    %max3A_367 = arith.maximumf %scan3A_365#0, %scan3A_365#1 : vector<16xf32>
    %max3A_368 = arith.maximumf %scan3A_365#2, %scan3A_365#3 : vector<16xf32>
    %max3A_369 = arith.maximumf %max3A_367, %max3A_368 : vector<16xf32>
    %sub3A_370 = arith.subf %scan3A_365#0, %max3A_369 : vector<16xf32>
    %exp3A_371 = math.exp %sub3A_370 : vector<16xf32>
    %sub3A_372 = arith.subf %scan3A_365#1, %max3A_369 : vector<16xf32>
    %exp3A_373 = math.exp %sub3A_372 : vector<16xf32>
    %sub3A_374 = arith.subf %scan3A_365#2, %max3A_369 : vector<16xf32>
    %exp3A_375 = math.exp %sub3A_374 : vector<16xf32>
    %sub3A_376 = arith.subf %scan3A_365#3, %max3A_369 : vector<16xf32>
    %exp3A_377 = math.exp %sub3A_376 : vector<16xf32>
    %add3A_378 = arith.addf %exp3A_371, %exp3A_373 : vector<16xf32>
    %add3A_379 = arith.addf %exp3A_375, %exp3A_377 : vector<16xf32>
    %add3A_380 = arith.addf %add3A_378, %add3A_379 : vector<16xf32>
    %add3A_381 = arith.constant 80 : i32
    %add3A_382 = vector.broadcast %add3A_381 : i32 to vector<16xi32>
    %add3A_383 = arith.addi %add3A_382, %iota3A : vector<16xi32>
    %div3A_384 = arith.divf %exp3A_371, %add3A_380 : vector<16xf32>
    tpu.vector_store_idx %arg7[%add3A_383, %broadcast_in_dim3A_23], %div3A_384 : memref<128x4xf32, #tpu.memory_space<vmem>>[vector<16xi32>, vector<16xi32>], vector<16xf32>,
    %div3A_385 = arith.divf %exp3A_373, %add3A_380 : vector<16xf32>
    tpu.vector_store_idx %arg7[%add3A_383, %broadcast_in_dim3A_25], %div3A_385 : memref<128x4xf32, #tpu.memory_space<vmem>>[vector<16xi32>, vector<16xi32>], vector<16xf32>,
    %div3A_386 = arith.divf %exp3A_375, %add3A_380 : vector<16xf32>
    tpu.vector_store_idx %arg7[%add3A_383, %broadcast_in_dim3A_27], %div3A_386 : memref<128x4xf32, #tpu.memory_space<vmem>>[vector<16xi32>, vector<16xi32>], vector<16xf32>,
    %div3A_387 = arith.divf %exp3A_377, %add3A_380 : vector<16xf32>
    tpu.vector_store_idx %arg7[%add3A_383, %broadcast_in_dim3A_29], %div3A_387 : memref<128x4xf32, #tpu.memory_space<vmem>>[vector<16xi32>, vector<16xi32>], vector<16xf32>,
    %dma_wait3A_388 = arith.constant 0 : i32
    %dma_wait3A_389 = arith.constant 0 : i32
    %dma_wait3A_390 = arith.constant 0 : i32
    %dma_wait3A_391 = tpu.memref_slice %arg6[%dma_wait3A_388, %dma_wait3A_389, %dma_wait3A_390] : memref<2x16x200xi32, #tpu.memory_space<vmem>> -> memref<1x16x200xi32, #tpu.memory_space<vmem>>
    %dma_wait3A_392 = tpu.memref_squeeze %dma_wait3A_391 : memref<1x16x200xi32, #tpu.memory_space<vmem>> -> memref<16x200xi32, #tpu.memory_space<vmem>>
    %dma_wait3A_393 = arith.constant 0 : i32
    %dma_wait3A_394 = tpu.memref_slice %arg3[%add3A_345, %dma_wait3A_393] : memref<4096x200xi32, #tpu.memory_space<hbm>> -> memref<16x200xi32, #tpu.memory_space<hbm>>
    %dma_wait3A_395 = arith.constant 0 : i32
    %dma_wait3A_396 = arith.constant 0 : i32
    %dma_wait3A_397 = tpu.memref_slice %arg6[%dma_wait3A_388, %dma_wait3A_395, %dma_wait3A_396] : memref<2x16x200xi32, #tpu.memory_space<vmem>> -> memref<1x16x200xi32, #tpu.memory_space<vmem>>
    %dma_wait3A_398 = tpu.memref_squeeze %dma_wait3A_397 : memref<1x16x200xi32, #tpu.memory_space<vmem>> -> memref<16x200xi32, #tpu.memory_space<vmem>>
    %dma_wait3A_399 = arith.constant 0 : i32
    %dma_wait3A_400 = tpu.memref_slice %arg3[%add3A_345, %dma_wait3A_399] : memref<4096x200xi32, #tpu.memory_space<hbm>> -> memref<16x200xi32, #tpu.memory_space<hbm>>
    tpu.wait_dma2 semaphore(%arg8 : memref<!tpu.dma_semaphore, #tpu.memory_space<semaphore_mem>>) src(%dma_wait3A_400 : memref<16x200xi32, #tpu.memory_space<hbm>>) dst(%dma_wait3A_398 : memref<16x200xi32, #tpu.memory_space<vmem>>)
    %add3A_401 = arith.constant 112 : i32
    %add3A_402 = arith.addi %mul3A_2, %add3A_401 : i32
    %dma_start3A_403 = arith.constant 1 : i32
    %dma_start3A_404 = arith.constant 0 : i32
    %dma_start3A_405 = arith.constant 0 : i32
    %dma_start3A_406 = tpu.memref_slice %arg6[%dma_start3A_403, %dma_start3A_404, %dma_start3A_405] : memref<2x16x200xi32, #tpu.memory_space<vmem>> -> memref<1x16x200xi32, #tpu.memory_space<vmem>>
    %dma_start3A_407 = tpu.memref_squeeze %dma_start3A_406 : memref<1x16x200xi32, #tpu.memory_space<vmem>> -> memref<16x200xi32, #tpu.memory_space<vmem>>
    %dma_start3A_408 = arith.constant 0 : i32
    %dma_start3A_409 = tpu.memref_slice %arg3[%add3A_402, %dma_start3A_408] : memref<4096x200xi32, #tpu.memory_space<hbm>> -> memref<16x200xi32, #tpu.memory_space<hbm>>
    %dma_start3A_410 = arith.constant 0 : i32
    %dma_start3A_411 = arith.constant 0 : i32
    %dma_start3A_412 = tpu.memref_slice %arg6[%dma_start3A_403, %dma_start3A_410, %dma_start3A_411] : memref<2x16x200xi32, #tpu.memory_space<vmem>> -> memref<1x16x200xi32, #tpu.memory_space<vmem>>
    %dma_start3A_413 = tpu.memref_squeeze %dma_start3A_412 : memref<1x16x200xi32, #tpu.memory_space<vmem>> -> memref<16x200xi32, #tpu.memory_space<vmem>>
    %dma_start3A_414 = arith.constant 0 : i32
    %dma_start3A_415 = tpu.memref_slice %arg3[%add3A_402, %dma_start3A_414] : memref<4096x200xi32, #tpu.memory_space<hbm>> -> memref<16x200xi32, #tpu.memory_space<hbm>>
    tpu.enqueue_dma source(%dma_start3A_415 : memref<16x200xi32, #tpu.memory_space<hbm>>) target(%dma_start3A_413 : memref<16x200xi32, #tpu.memory_space<vmem>>) target_semaphore(%arg9 : memref<!tpu.dma_semaphore, #tpu.memory_space<semaphore_mem>>)
    %broadcast_in_dim3A_416 = arith.constant 0 : i32
    %broadcast_in_dim3A_417 = vector.broadcast %broadcast_in_dim3A_416 : i32 to vector<16xi32>
    %scan3A_418 = arith.constant 0 : i32
    %scan3A_419 = arith.constant 16 : i32
    %scan3A_420 = arith.addi %scan3A_418, %scan3A_419 : i32
    %scan3A_421 = arith.constant 1 : i32
    %scan3A_422:4 = scf.for %scan3A_487 = %scan3A_418 to %scan3A_420 step %scan3A_421 iter_args(%scan3A_488 = %bitcast3A_40, %scan3A_489 = %bitcast3A_41, %scan3A_490 = %bitcast3A_49, %scan3A_491 = %bitcast3A_51) -> (vector<16xf32>, vector<16xf32>, vector<16xf32>, vector<16xf32>)  : i32 {
      %broadcast_in_dim3A_492 = vector.broadcast %scan3A_487 : i32 to vector<16xi32>
      %broadcast_in_dim3A_493 = arith.constant 0 : i32
      %broadcast_in_dim3A_494 = vector.broadcast %broadcast_in_dim3A_493 : i32 to vector<16xi32>
      %bitcast3A_495 = vector.bitcast %broadcast_in_dim3A_494 : vector<16xi32> to vector<32xbf16>
      %broadcast_in_dim3A_496 = arith.constant 0 : i32
      %broadcast_in_dim3A_497 = vector.broadcast %broadcast_in_dim3A_496 : i32 to vector<16xi32>
      %add3A_498 = arith.addi %broadcast_in_dim3A_497, %iota3A : vector<16xi32>
      %gather3A_499 = tpu.vector_load_idx %arg6[%broadcast_in_dim3A_417, %broadcast_in_dim3A_492, %add3A_498] : memref<2x16x200xi32, #tpu.memory_space<vmem>>[vector<16xi32>, vector<16xi32>, vector<16xi32>], vector<16xi32>,
      %gather3A_500 = tpu.vector_load_idx %arg5[%gather3A_499] : memref<2016xi32, #tpu.memory_space<vmem>>[vector<16xi32>], vector<16xi32>,
      %add3A_501 = arith.constant 1008 : i32
      %add3A_502 = vector.broadcast %add3A_501 : i32 to vector<16xi32>
      %add3A_503 = arith.addi %gather3A_499, %add3A_502 : vector<16xi32>
      %gather3A_504 = tpu.vector_load_idx %arg5[%add3A_503] : memref<2016xi32, #tpu.memory_space<vmem>>[vector<16xi32>], vector<16xi32>,
      %bitcast3A_505 = vector.bitcast %gather3A_500 : vector<16xi32> to vector<32xbf16>
      %add3A_506 = arith.addf %bitcast3A_495, %bitcast3A_505 : vector<32xbf16>
      %bitcast3A_507 = vector.bitcast %gather3A_504 : vector<16xi32> to vector<32xbf16>
      %add3A_508 = arith.addf %bitcast3A_495, %bitcast3A_507 : vector<32xbf16>
      %broadcast_in_dim3A_509 = arith.constant 16 : i32
      %broadcast_in_dim3A_510 = vector.broadcast %broadcast_in_dim3A_509 : i32 to vector<16xi32>
      %add3A_511 = arith.addi %broadcast_in_dim3A_510, %iota3A : vector<16xi32>
      %gather3A_512 = tpu.vector_load_idx %arg6[%broadcast_in_dim3A_417, %broadcast_in_dim3A_492, %add3A_511] : memref<2x16x200xi32, #tpu.memory_space<vmem>>[vector<16xi32>, vector<16xi32>, vector<16xi32>], vector<16xi32>,
      %gather3A_513 = tpu.vector_load_idx %arg5[%gather3A_512] : memref<2016xi32, #tpu.memory_space<vmem>>[vector<16xi32>], vector<16xi32>,
      %add3A_514 = arith.constant 1008 : i32
      %add3A_515 = vector.broadcast %add3A_514 : i32 to vector<16xi32>
      %add3A_516 = arith.addi %gather3A_512, %add3A_515 : vector<16xi32>
      %gather3A_517 = tpu.vector_load_idx %arg5[%add3A_516] : memref<2016xi32, #tpu.memory_space<vmem>>[vector<16xi32>], vector<16xi32>,
      %bitcast3A_518 = vector.bitcast %gather3A_513 : vector<16xi32> to vector<32xbf16>
      %add3A_519 = arith.addf %add3A_506, %bitcast3A_518 : vector<32xbf16>
      %bitcast3A_520 = vector.bitcast %gather3A_517 : vector<16xi32> to vector<32xbf16>
      %add3A_521 = arith.addf %add3A_508, %bitcast3A_520 : vector<32xbf16>
      %broadcast_in_dim3A_522 = arith.constant 32 : i32
      %broadcast_in_dim3A_523 = vector.broadcast %broadcast_in_dim3A_522 : i32 to vector<16xi32>
      %add3A_524 = arith.addi %broadcast_in_dim3A_523, %iota3A : vector<16xi32>
      %gather3A_525 = tpu.vector_load_idx %arg6[%broadcast_in_dim3A_417, %broadcast_in_dim3A_492, %add3A_524] : memref<2x16x200xi32, #tpu.memory_space<vmem>>[vector<16xi32>, vector<16xi32>, vector<16xi32>], vector<16xi32>,
      %gather3A_526 = tpu.vector_load_idx %arg5[%gather3A_525] : memref<2016xi32, #tpu.memory_space<vmem>>[vector<16xi32>], vector<16xi32>,
      %add3A_527 = arith.constant 1008 : i32
      %add3A_528 = vector.broadcast %add3A_527 : i32 to vector<16xi32>
      %add3A_529 = arith.addi %gather3A_525, %add3A_528 : vector<16xi32>
      %gather3A_530 = tpu.vector_load_idx %arg5[%add3A_529] : memref<2016xi32, #tpu.memory_space<vmem>>[vector<16xi32>], vector<16xi32>,
      %bitcast3A_531 = vector.bitcast %gather3A_526 : vector<16xi32> to vector<32xbf16>
      %add3A_532 = arith.addf %add3A_519, %bitcast3A_531 : vector<32xbf16>
      %bitcast3A_533 = vector.bitcast %gather3A_530 : vector<16xi32> to vector<32xbf16>
      %add3A_534 = arith.addf %add3A_521, %bitcast3A_533 : vector<32xbf16>
      %broadcast_in_dim3A_535 = arith.constant 48 : i32
      %broadcast_in_dim3A_536 = vector.broadcast %broadcast_in_dim3A_535 : i32 to vector<16xi32>
      %add3A_537 = arith.addi %broadcast_in_dim3A_536, %iota3A : vector<16xi32>
      %gather3A_538 = tpu.vector_load_idx %arg6[%broadcast_in_dim3A_417, %broadcast_in_dim3A_492, %add3A_537] : memref<2x16x200xi32, #tpu.memory_space<vmem>>[vector<16xi32>, vector<16xi32>, vector<16xi32>], vector<16xi32>,
      %gather3A_539 = tpu.vector_load_idx %arg5[%gather3A_538] : memref<2016xi32, #tpu.memory_space<vmem>>[vector<16xi32>], vector<16xi32>,
      %add3A_540 = arith.constant 1008 : i32
      %add3A_541 = vector.broadcast %add3A_540 : i32 to vector<16xi32>
      %add3A_542 = arith.addi %gather3A_538, %add3A_541 : vector<16xi32>
      %gather3A_543 = tpu.vector_load_idx %arg5[%add3A_542] : memref<2016xi32, #tpu.memory_space<vmem>>[vector<16xi32>], vector<16xi32>,
      %bitcast3A_544 = vector.bitcast %gather3A_539 : vector<16xi32> to vector<32xbf16>
      %add3A_545 = arith.addf %add3A_532, %bitcast3A_544 : vector<32xbf16>
      %bitcast3A_546 = vector.bitcast %gather3A_543 : vector<16xi32> to vector<32xbf16>
      %add3A_547 = arith.addf %add3A_534, %bitcast3A_546 : vector<32xbf16>
      %broadcast_in_dim3A_548 = arith.constant 64 : i32
      %broadcast_in_dim3A_549 = vector.broadcast %broadcast_in_dim3A_548 : i32 to vector<16xi32>
      %add3A_550 = arith.addi %broadcast_in_dim3A_549, %iota3A : vector<16xi32>
      %gather3A_551 = tpu.vector_load_idx %arg6[%broadcast_in_dim3A_417, %broadcast_in_dim3A_492, %add3A_550] : memref<2x16x200xi32, #tpu.memory_space<vmem>>[vector<16xi32>, vector<16xi32>, vector<16xi32>], vector<16xi32>,
      %gather3A_552 = tpu.vector_load_idx %arg5[%gather3A_551] : memref<2016xi32, #tpu.memory_space<vmem>>[vector<16xi32>], vector<16xi32>,
      %add3A_553 = arith.constant 1008 : i32
      %add3A_554 = vector.broadcast %add3A_553 : i32 to vector<16xi32>
      %add3A_555 = arith.addi %gather3A_551, %add3A_554 : vector<16xi32>
      %gather3A_556 = tpu.vector_load_idx %arg5[%add3A_555] : memref<2016xi32, #tpu.memory_space<vmem>>[vector<16xi32>], vector<16xi32>,
      %bitcast3A_557 = vector.bitcast %gather3A_552 : vector<16xi32> to vector<32xbf16>
      %add3A_558 = arith.addf %add3A_545, %bitcast3A_557 : vector<32xbf16>
      %bitcast3A_559 = vector.bitcast %gather3A_556 : vector<16xi32> to vector<32xbf16>
      %add3A_560 = arith.addf %add3A_547, %bitcast3A_559 : vector<32xbf16>
      %broadcast_in_dim3A_561 = arith.constant 80 : i32
      %broadcast_in_dim3A_562 = vector.broadcast %broadcast_in_dim3A_561 : i32 to vector<16xi32>
      %add3A_563 = arith.addi %broadcast_in_dim3A_562, %iota3A : vector<16xi32>
      %gather3A_564 = tpu.vector_load_idx %arg6[%broadcast_in_dim3A_417, %broadcast_in_dim3A_492, %add3A_563] : memref<2x16x200xi32, #tpu.memory_space<vmem>>[vector<16xi32>, vector<16xi32>, vector<16xi32>], vector<16xi32>,
      %gather3A_565 = tpu.vector_load_idx %arg5[%gather3A_564] : memref<2016xi32, #tpu.memory_space<vmem>>[vector<16xi32>], vector<16xi32>,
      %add3A_566 = arith.constant 1008 : i32
      %add3A_567 = vector.broadcast %add3A_566 : i32 to vector<16xi32>
      %add3A_568 = arith.addi %gather3A_564, %add3A_567 : vector<16xi32>
      %gather3A_569 = tpu.vector_load_idx %arg5[%add3A_568] : memref<2016xi32, #tpu.memory_space<vmem>>[vector<16xi32>], vector<16xi32>,
      %bitcast3A_570 = vector.bitcast %gather3A_565 : vector<16xi32> to vector<32xbf16>
      %add3A_571 = arith.addf %add3A_558, %bitcast3A_570 : vector<32xbf16>
      %bitcast3A_572 = vector.bitcast %gather3A_569 : vector<16xi32> to vector<32xbf16>
      %add3A_573 = arith.addf %add3A_560, %bitcast3A_572 : vector<32xbf16>
      %broadcast_in_dim3A_574 = arith.constant 96 : i32
      %broadcast_in_dim3A_575 = vector.broadcast %broadcast_in_dim3A_574 : i32 to vector<16xi32>
      %add3A_576 = arith.addi %broadcast_in_dim3A_575, %iota3A : vector<16xi32>
      %gather3A_577 = tpu.vector_load_idx %arg6[%broadcast_in_dim3A_417, %broadcast_in_dim3A_492, %add3A_576] : memref<2x16x200xi32, #tpu.memory_space<vmem>>[vector<16xi32>, vector<16xi32>, vector<16xi32>], vector<16xi32>,
      %gather3A_578 = tpu.vector_load_idx %arg5[%gather3A_577] : memref<2016xi32, #tpu.memory_space<vmem>>[vector<16xi32>], vector<16xi32>,
      %add3A_579 = arith.constant 1008 : i32
      %add3A_580 = vector.broadcast %add3A_579 : i32 to vector<16xi32>
      %add3A_581 = arith.addi %gather3A_577, %add3A_580 : vector<16xi32>
      %gather3A_582 = tpu.vector_load_idx %arg5[%add3A_581] : memref<2016xi32, #tpu.memory_space<vmem>>[vector<16xi32>], vector<16xi32>,
      %bitcast3A_583 = vector.bitcast %gather3A_578 : vector<16xi32> to vector<32xbf16>
      %add3A_584 = arith.addf %add3A_571, %bitcast3A_583 : vector<32xbf16>
      %bitcast3A_585 = vector.bitcast %gather3A_582 : vector<16xi32> to vector<32xbf16>
      %add3A_586 = arith.addf %add3A_573, %bitcast3A_585 : vector<32xbf16>
      %broadcast_in_dim3A_587 = arith.constant 112 : i32
      %broadcast_in_dim3A_588 = vector.broadcast %broadcast_in_dim3A_587 : i32 to vector<16xi32>
      %add3A_589 = arith.addi %broadcast_in_dim3A_588, %iota3A : vector<16xi32>
      %gather3A_590 = tpu.vector_load_idx %arg6[%broadcast_in_dim3A_417, %broadcast_in_dim3A_492, %add3A_589] : memref<2x16x200xi32, #tpu.memory_space<vmem>>[vector<16xi32>, vector<16xi32>, vector<16xi32>], vector<16xi32>,
      %gather3A_591 = tpu.vector_load_idx %arg5[%gather3A_590] : memref<2016xi32, #tpu.memory_space<vmem>>[vector<16xi32>], vector<16xi32>,
      %add3A_592 = arith.constant 1008 : i32
      %add3A_593 = vector.broadcast %add3A_592 : i32 to vector<16xi32>
      %add3A_594 = arith.addi %gather3A_590, %add3A_593 : vector<16xi32>
      %gather3A_595 = tpu.vector_load_idx %arg5[%add3A_594] : memref<2016xi32, #tpu.memory_space<vmem>>[vector<16xi32>], vector<16xi32>,
      %bitcast3A_596 = vector.bitcast %gather3A_591 : vector<16xi32> to vector<32xbf16>
      %add3A_597 = arith.addf %add3A_584, %bitcast3A_596 : vector<32xbf16>
      %bitcast3A_598 = vector.bitcast %gather3A_595 : vector<16xi32> to vector<32xbf16>
      %add3A_599 = arith.addf %add3A_586, %bitcast3A_598 : vector<32xbf16>
      %broadcast_in_dim3A_600 = arith.constant 128 : i32
      %broadcast_in_dim3A_601 = vector.broadcast %broadcast_in_dim3A_600 : i32 to vector<16xi32>
      %add3A_602 = arith.addi %broadcast_in_dim3A_601, %iota3A : vector<16xi32>
      %gather3A_603 = tpu.vector_load_idx %arg6[%broadcast_in_dim3A_417, %broadcast_in_dim3A_492, %add3A_602] : memref<2x16x200xi32, #tpu.memory_space<vmem>>[vector<16xi32>, vector<16xi32>, vector<16xi32>], vector<16xi32>,
      %gather3A_604 = tpu.vector_load_idx %arg5[%gather3A_603] : memref<2016xi32, #tpu.memory_space<vmem>>[vector<16xi32>], vector<16xi32>,
      %add3A_605 = arith.constant 1008 : i32
      %add3A_606 = vector.broadcast %add3A_605 : i32 to vector<16xi32>
      %add3A_607 = arith.addi %gather3A_603, %add3A_606 : vector<16xi32>
      %gather3A_608 = tpu.vector_load_idx %arg5[%add3A_607] : memref<2016xi32, #tpu.memory_space<vmem>>[vector<16xi32>], vector<16xi32>,
      %bitcast3A_609 = vector.bitcast %gather3A_604 : vector<16xi32> to vector<32xbf16>
      %add3A_610 = arith.addf %add3A_597, %bitcast3A_609 : vector<32xbf16>
      %bitcast3A_611 = vector.bitcast %gather3A_608 : vector<16xi32> to vector<32xbf16>
      %add3A_612 = arith.addf %add3A_599, %bitcast3A_611 : vector<32xbf16>
      %broadcast_in_dim3A_613 = arith.constant 144 : i32
      %broadcast_in_dim3A_614 = vector.broadcast %broadcast_in_dim3A_613 : i32 to vector<16xi32>
      %add3A_615 = arith.addi %broadcast_in_dim3A_614, %iota3A : vector<16xi32>
      %gather3A_616 = tpu.vector_load_idx %arg6[%broadcast_in_dim3A_417, %broadcast_in_dim3A_492, %add3A_615] : memref<2x16x200xi32, #tpu.memory_space<vmem>>[vector<16xi32>, vector<16xi32>, vector<16xi32>], vector<16xi32>,
      %gather3A_617 = tpu.vector_load_idx %arg5[%gather3A_616] : memref<2016xi32, #tpu.memory_space<vmem>>[vector<16xi32>], vector<16xi32>,
      %add3A_618 = arith.constant 1008 : i32
      %add3A_619 = vector.broadcast %add3A_618 : i32 to vector<16xi32>
      %add3A_620 = arith.addi %gather3A_616, %add3A_619 : vector<16xi32>
      %gather3A_621 = tpu.vector_load_idx %arg5[%add3A_620] : memref<2016xi32, #tpu.memory_space<vmem>>[vector<16xi32>], vector<16xi32>,
      %bitcast3A_622 = vector.bitcast %gather3A_617 : vector<16xi32> to vector<32xbf16>
      %add3A_623 = arith.addf %add3A_610, %bitcast3A_622 : vector<32xbf16>
      %bitcast3A_624 = vector.bitcast %gather3A_621 : vector<16xi32> to vector<32xbf16>
      %add3A_625 = arith.addf %add3A_612, %bitcast3A_624 : vector<32xbf16>
      %broadcast_in_dim3A_626 = arith.constant 160 : i32
      %broadcast_in_dim3A_627 = vector.broadcast %broadcast_in_dim3A_626 : i32 to vector<16xi32>
      %add3A_628 = arith.addi %broadcast_in_dim3A_627, %iota3A : vector<16xi32>
      %gather3A_629 = tpu.vector_load_idx %arg6[%broadcast_in_dim3A_417, %broadcast_in_dim3A_492, %add3A_628] : memref<2x16x200xi32, #tpu.memory_space<vmem>>[vector<16xi32>, vector<16xi32>, vector<16xi32>], vector<16xi32>,
      %gather3A_630 = tpu.vector_load_idx %arg5[%gather3A_629] : memref<2016xi32, #tpu.memory_space<vmem>>[vector<16xi32>], vector<16xi32>,
      %add3A_631 = arith.constant 1008 : i32
      %add3A_632 = vector.broadcast %add3A_631 : i32 to vector<16xi32>
      %add3A_633 = arith.addi %gather3A_629, %add3A_632 : vector<16xi32>
      %gather3A_634 = tpu.vector_load_idx %arg5[%add3A_633] : memref<2016xi32, #tpu.memory_space<vmem>>[vector<16xi32>], vector<16xi32>,
      %bitcast3A_635 = vector.bitcast %gather3A_630 : vector<16xi32> to vector<32xbf16>
      %add3A_636 = arith.addf %add3A_623, %bitcast3A_635 : vector<32xbf16>
      %bitcast3A_637 = vector.bitcast %gather3A_634 : vector<16xi32> to vector<32xbf16>
      %add3A_638 = arith.addf %add3A_625, %bitcast3A_637 : vector<32xbf16>
      %broadcast_in_dim3A_639 = arith.constant 176 : i32
      %broadcast_in_dim3A_640 = vector.broadcast %broadcast_in_dim3A_639 : i32 to vector<16xi32>
      %add3A_641 = arith.addi %broadcast_in_dim3A_640, %iota3A : vector<16xi32>
      %gather3A_642 = tpu.vector_load_idx %arg6[%broadcast_in_dim3A_417, %broadcast_in_dim3A_492, %add3A_641] : memref<2x16x200xi32, #tpu.memory_space<vmem>>[vector<16xi32>, vector<16xi32>, vector<16xi32>], vector<16xi32>,
      %gather3A_643 = tpu.vector_load_idx %arg5[%gather3A_642] : memref<2016xi32, #tpu.memory_space<vmem>>[vector<16xi32>], vector<16xi32>,
      %add3A_644 = arith.constant 1008 : i32
      %add3A_645 = vector.broadcast %add3A_644 : i32 to vector<16xi32>
      %add3A_646 = arith.addi %gather3A_642, %add3A_645 : vector<16xi32>
      %gather3A_647 = tpu.vector_load_idx %arg5[%add3A_646] : memref<2016xi32, #tpu.memory_space<vmem>>[vector<16xi32>], vector<16xi32>,
      %bitcast3A_648 = vector.bitcast %gather3A_643 : vector<16xi32> to vector<32xbf16>
      %add3A_649 = arith.addf %add3A_636, %bitcast3A_648 : vector<32xbf16>
      %bitcast3A_650 = vector.bitcast %gather3A_647 : vector<16xi32> to vector<32xbf16>
      %add3A_651 = arith.addf %add3A_638, %bitcast3A_650 : vector<32xbf16>
      %broadcast_in_dim3A_652 = arith.constant 192 : i32
      %broadcast_in_dim3A_653 = vector.broadcast %broadcast_in_dim3A_652 : i32 to vector<16xi32>
      %add3A_654 = arith.addi %broadcast_in_dim3A_653, %iota3A : vector<16xi32>
      %select_n3A = arith.select %lt3A_19, %add3A_654, %iota3A : vector<16xi1>, vector<16xi32>
      %gather3A_655 = tpu.vector_load_idx %arg6[%broadcast_in_dim3A_417, %broadcast_in_dim3A_492, %select_n3A] : memref<2x16x200xi32, #tpu.memory_space<vmem>>[vector<16xi32>, vector<16xi32>, vector<16xi32>], vector<16xi32>,
      %select_n3A_656 = arith.select %lt3A_19, %gather3A_655, %broadcast_in_dim3A_21 : vector<16xi1>, vector<16xi32>
      %gather3A_657 = tpu.vector_load_idx %arg5[%select_n3A_656] : memref<2016xi32, #tpu.memory_space<vmem>>[vector<16xi32>], vector<16xi32>,
      %add3A_658 = arith.constant 1008 : i32
      %add3A_659 = vector.broadcast %add3A_658 : i32 to vector<16xi32>
      %add3A_660 = arith.addi %select_n3A_656, %add3A_659 : vector<16xi32>
      %gather3A_661 = tpu.vector_load_idx %arg5[%add3A_660] : memref<2016xi32, #tpu.memory_space<vmem>>[vector<16xi32>], vector<16xi32>,
      %bitcast3A_662 = vector.bitcast %gather3A_657 : vector<16xi32> to vector<32xbf16>
      %add3A_663 = arith.addf %add3A_649, %bitcast3A_662 : vector<32xbf16>
      %bitcast3A_664 = vector.bitcast %gather3A_661 : vector<16xi32> to vector<32xbf16>
      %add3A_665 = arith.addf %add3A_651, %bitcast3A_664 : vector<32xbf16>
      %bitcast3A_666 = vector.bitcast %add3A_663 : vector<32xbf16> to vector<16xi32>
      %broadcast_in_dim3A_667 = arith.constant -65536 : i32
      %broadcast_in_dim3A_668 = vector.broadcast %broadcast_in_dim3A_667 : i32 to vector<16xi32>
      %shift_left3A_669 = arith.constant 16 : i32
      %shift_left3A_670 = vector.broadcast %shift_left3A_669 : i32 to vector<16xi32>
      %shift_left3A_671 = arith.shli %bitcast3A_666, %shift_left3A_670 : vector<16xi32>
      %bitcast3A_672 = vector.bitcast %shift_left3A_671 : vector<16xi32> to vector<16xf32>
      %and3A_673 = arith.andi %bitcast3A_666, %broadcast_in_dim3A_668 : vector<16xi32>
      %bitcast3A_674 = vector.bitcast %and3A_673 : vector<16xi32> to vector<16xf32>
      %bitcast3A_675 = vector.bitcast %add3A_665 : vector<32xbf16> to vector<16xi32>
      %broadcast_in_dim3A_676 = arith.constant -65536 : i32
      %broadcast_in_dim3A_677 = vector.broadcast %broadcast_in_dim3A_676 : i32 to vector<16xi32>
      %shift_left3A_678 = arith.constant 16 : i32
      %shift_left3A_679 = vector.broadcast %shift_left3A_678 : i32 to vector<16xi32>
      %shift_left3A_680 = arith.shli %bitcast3A_675, %shift_left3A_679 : vector<16xi32>
      %bitcast3A_681 = vector.bitcast %shift_left3A_680 : vector<16xi32> to vector<16xf32>
      %and3A_682 = arith.andi %bitcast3A_675, %broadcast_in_dim3A_677 : vector<16xi32>
      %bitcast3A_683 = vector.bitcast %and3A_682 : vector<16xi32> to vector<16xf32>
      %broadcast_in_dim3A_684 = vector.broadcast %scan3A_487 : i32 to vector<16xi32>
      %eq3A = arith.cmpi eq, %iota3A, %broadcast_in_dim3A_684 : vector<16xi32>
      %reduce_sum3A = arith.constant true
      %reduce_sum3A_685 = vector.broadcast %reduce_sum3A : i1 to vector<16xi1>
      %reduce_sum3A_686 = tpu.scan <sum>, %bitcast3A_672 masked %reduce_sum3A_685 : vector<16xf32>, vector<16xi1> -> vector<16xf32>
      %reduce_sum3A_687 = vector.extract %reduce_sum3A_686[15] : f32 from vector<16xf32>
      %broadcast_in_dim3A_688 = vector.broadcast %reduce_sum3A_687 : f32 to vector<16xf32>
      %select_n3A_689 = arith.select %eq3A, %broadcast_in_dim3A_688, %broadcast_in_dim3A_17 : vector<16xi1>, vector<16xf32>
      %add3A_690 = arith.addf %scan3A_488, %select_n3A_689 : vector<16xf32>
      %reduce_sum3A_691 = arith.constant true
      %reduce_sum3A_692 = vector.broadcast %reduce_sum3A_691 : i1 to vector<16xi1>
      %reduce_sum3A_693 = tpu.scan <sum>, %bitcast3A_674 masked %reduce_sum3A_692 : vector<16xf32>, vector<16xi1> -> vector<16xf32>
      %reduce_sum3A_694 = vector.extract %reduce_sum3A_693[15] : f32 from vector<16xf32>
      %broadcast_in_dim3A_695 = vector.broadcast %reduce_sum3A_694 : f32 to vector<16xf32>
      %select_n3A_696 = arith.select %eq3A, %broadcast_in_dim3A_695, %broadcast_in_dim3A_17 : vector<16xi1>, vector<16xf32>
      %add3A_697 = arith.addf %scan3A_489, %select_n3A_696 : vector<16xf32>
      %reduce_sum3A_698 = arith.constant true
      %reduce_sum3A_699 = vector.broadcast %reduce_sum3A_698 : i1 to vector<16xi1>
      %reduce_sum3A_700 = tpu.scan <sum>, %bitcast3A_681 masked %reduce_sum3A_699 : vector<16xf32>, vector<16xi1> -> vector<16xf32>
      %reduce_sum3A_701 = vector.extract %reduce_sum3A_700[15] : f32 from vector<16xf32>
      %broadcast_in_dim3A_702 = vector.broadcast %reduce_sum3A_701 : f32 to vector<16xf32>
      %select_n3A_703 = arith.select %eq3A, %broadcast_in_dim3A_702, %broadcast_in_dim3A_17 : vector<16xi1>, vector<16xf32>
      %add3A_704 = arith.addf %scan3A_490, %select_n3A_703 : vector<16xf32>
      %reduce_sum3A_705 = arith.constant true
      %reduce_sum3A_706 = vector.broadcast %reduce_sum3A_705 : i1 to vector<16xi1>
      %reduce_sum3A_707 = tpu.scan <sum>, %bitcast3A_683 masked %reduce_sum3A_706 : vector<16xf32>, vector<16xi1> -> vector<16xf32>
      %reduce_sum3A_708 = vector.extract %reduce_sum3A_707[15] : f32 from vector<16xf32>
      %broadcast_in_dim3A_709 = vector.broadcast %reduce_sum3A_708 : f32 to vector<16xf32>
      %select_n3A_710 = arith.select %eq3A, %broadcast_in_dim3A_709, %broadcast_in_dim3A_17 : vector<16xi1>, vector<16xf32>
      %add3A_711 = arith.addf %scan3A_491, %select_n3A_710 : vector<16xf32>
      scf.yield %add3A_690, %add3A_697, %add3A_704, %add3A_711 : vector<16xf32>, vector<16xf32>, vector<16xf32>, vector<16xf32>
    }
    %scan3A_423 = arith.constant 16 : i32
    %max3A_424 = arith.maximumf %scan3A_422#0, %scan3A_422#1 : vector<16xf32>
    %max3A_425 = arith.maximumf %scan3A_422#2, %scan3A_422#3 : vector<16xf32>
    %max3A_426 = arith.maximumf %max3A_424, %max3A_425 : vector<16xf32>
    %sub3A_427 = arith.subf %scan3A_422#0, %max3A_426 : vector<16xf32>
    %exp3A_428 = math.exp %sub3A_427 : vector<16xf32>
    %sub3A_429 = arith.subf %scan3A_422#1, %max3A_426 : vector<16xf32>
    %exp3A_430 = math.exp %sub3A_429 : vector<16xf32>
    %sub3A_431 = arith.subf %scan3A_422#2, %max3A_426 : vector<16xf32>
    %exp3A_432 = math.exp %sub3A_431 : vector<16xf32>
    %sub3A_433 = arith.subf %scan3A_422#3, %max3A_426 : vector<16xf32>
    %exp3A_434 = math.exp %sub3A_433 : vector<16xf32>
    %add3A_435 = arith.addf %exp3A_428, %exp3A_430 : vector<16xf32>
    %add3A_436 = arith.addf %exp3A_432, %exp3A_434 : vector<16xf32>
    %add3A_437 = arith.addf %add3A_435, %add3A_436 : vector<16xf32>
    %add3A_438 = arith.constant 96 : i32
    %add3A_439 = vector.broadcast %add3A_438 : i32 to vector<16xi32>
    %add3A_440 = arith.addi %add3A_439, %iota3A : vector<16xi32>
    %div3A_441 = arith.divf %exp3A_428, %add3A_437 : vector<16xf32>
    tpu.vector_store_idx %arg7[%add3A_440, %broadcast_in_dim3A_23], %div3A_441 : memref<128x4xf32, #tpu.memory_space<vmem>>[vector<16xi32>, vector<16xi32>], vector<16xf32>,
    %div3A_442 = arith.divf %exp3A_430, %add3A_437 : vector<16xf32>
    tpu.vector_store_idx %arg7[%add3A_440, %broadcast_in_dim3A_25], %div3A_442 : memref<128x4xf32, #tpu.memory_space<vmem>>[vector<16xi32>, vector<16xi32>], vector<16xf32>,
    %div3A_443 = arith.divf %exp3A_432, %add3A_437 : vector<16xf32>
    tpu.vector_store_idx %arg7[%add3A_440, %broadcast_in_dim3A_27], %div3A_443 : memref<128x4xf32, #tpu.memory_space<vmem>>[vector<16xi32>, vector<16xi32>], vector<16xf32>,
    %div3A_444 = arith.divf %exp3A_434, %add3A_437 : vector<16xf32>
    tpu.vector_store_idx %arg7[%add3A_440, %broadcast_in_dim3A_29], %div3A_444 : memref<128x4xf32, #tpu.memory_space<vmem>>[vector<16xi32>, vector<16xi32>], vector<16xf32>,
    %dma_wait3A_445 = arith.constant 1 : i32
    %dma_wait3A_446 = arith.constant 0 : i32
    %dma_wait3A_447 = arith.constant 0 : i32
    %dma_wait3A_448 = tpu.memref_slice %arg6[%dma_wait3A_445, %dma_wait3A_446, %dma_wait3A_447] : memref<2x16x200xi32, #tpu.memory_space<vmem>> -> memref<1x16x200xi32, #tpu.memory_space<vmem>>
    %dma_wait3A_449 = tpu.memref_squeeze %dma_wait3A_448 : memref<1x16x200xi32, #tpu.memory_space<vmem>> -> memref<16x200xi32, #tpu.memory_space<vmem>>
    %dma_wait3A_450 = arith.constant 0 : i32
    %dma_wait3A_451 = tpu.memref_slice %arg3[%add3A_402, %dma_wait3A_450] : memref<4096x200xi32, #tpu.memory_space<hbm>> -> memref<16x200xi32, #tpu.memory_space<hbm>>
    %dma_wait3A_452 = arith.constant 0 : i32
    %dma_wait3A_453 = arith.constant 0 : i32
    %dma_wait3A_454 = tpu.memref_slice %arg6[%dma_wait3A_445, %dma_wait3A_452, %dma_wait3A_453] : memref<2x16x200xi32, #tpu.memory_space<vmem>> -> memref<1x16x200xi32, #tpu.memory_space<vmem>>
    %dma_wait3A_455 = tpu.memref_squeeze %dma_wait3A_454 : memref<1x16x200xi32, #tpu.memory_space<vmem>> -> memref<16x200xi32, #tpu.memory_space<vmem>>
    %dma_wait3A_456 = arith.constant 0 : i32
    %dma_wait3A_457 = tpu.memref_slice %arg3[%add3A_402, %dma_wait3A_456] : memref<4096x200xi32, #tpu.memory_space<hbm>> -> memref<16x200xi32, #tpu.memory_space<hbm>>
    tpu.wait_dma2 semaphore(%arg9 : memref<!tpu.dma_semaphore, #tpu.memory_space<semaphore_mem>>) src(%dma_wait3A_457 : memref<16x200xi32, #tpu.memory_space<hbm>>) dst(%dma_wait3A_455 : memref<16x200xi32, #tpu.memory_space<vmem>>)
    %broadcast_in_dim3A_458 = arith.constant 1 : i32
    %broadcast_in_dim3A_459 = vector.broadcast %broadcast_in_dim3A_458 : i32 to vector<16xi32>
    %scan3A_460 = arith.constant 0 : i32
    %scan3A_461 = arith.constant 16 : i32
    %scan3A_462 = arith.addi %scan3A_460, %scan3A_461 : i32
    %scan3A_463 = arith.constant 1 : i32
    %scan3A_464:4 = scf.for %scan3A_487 = %scan3A_460 to %scan3A_462 step %scan3A_463 iter_args(%scan3A_488 = %bitcast3A_40, %scan3A_489 = %bitcast3A_41, %scan3A_490 = %bitcast3A_49, %scan3A_491 = %bitcast3A_51) -> (vector<16xf32>, vector<16xf32>, vector<16xf32>, vector<16xf32>)  : i32 {
      %broadcast_in_dim3A_492 = vector.broadcast %scan3A_487 : i32 to vector<16xi32>
      %broadcast_in_dim3A_493 = arith.constant 0 : i32
      %broadcast_in_dim3A_494 = vector.broadcast %broadcast_in_dim3A_493 : i32 to vector<16xi32>
      %bitcast3A_495 = vector.bitcast %broadcast_in_dim3A_494 : vector<16xi32> to vector<32xbf16>
      %broadcast_in_dim3A_496 = arith.constant 0 : i32
      %broadcast_in_dim3A_497 = vector.broadcast %broadcast_in_dim3A_496 : i32 to vector<16xi32>
      %add3A_498 = arith.addi %broadcast_in_dim3A_497, %iota3A : vector<16xi32>
      %gather3A_499 = tpu.vector_load_idx %arg6[%broadcast_in_dim3A_459, %broadcast_in_dim3A_492, %add3A_498] : memref<2x16x200xi32, #tpu.memory_space<vmem>>[vector<16xi32>, vector<16xi32>, vector<16xi32>], vector<16xi32>,
      %gather3A_500 = tpu.vector_load_idx %arg5[%gather3A_499] : memref<2016xi32, #tpu.memory_space<vmem>>[vector<16xi32>], vector<16xi32>,
      %add3A_501 = arith.constant 1008 : i32
      %add3A_502 = vector.broadcast %add3A_501 : i32 to vector<16xi32>
      %add3A_503 = arith.addi %gather3A_499, %add3A_502 : vector<16xi32>
      %gather3A_504 = tpu.vector_load_idx %arg5[%add3A_503] : memref<2016xi32, #tpu.memory_space<vmem>>[vector<16xi32>], vector<16xi32>,
      %bitcast3A_505 = vector.bitcast %gather3A_500 : vector<16xi32> to vector<32xbf16>
      %add3A_506 = arith.addf %bitcast3A_495, %bitcast3A_505 : vector<32xbf16>
      %bitcast3A_507 = vector.bitcast %gather3A_504 : vector<16xi32> to vector<32xbf16>
      %add3A_508 = arith.addf %bitcast3A_495, %bitcast3A_507 : vector<32xbf16>
      %broadcast_in_dim3A_509 = arith.constant 16 : i32
      %broadcast_in_dim3A_510 = vector.broadcast %broadcast_in_dim3A_509 : i32 to vector<16xi32>
      %add3A_511 = arith.addi %broadcast_in_dim3A_510, %iota3A : vector<16xi32>
      %gather3A_512 = tpu.vector_load_idx %arg6[%broadcast_in_dim3A_459, %broadcast_in_dim3A_492, %add3A_511] : memref<2x16x200xi32, #tpu.memory_space<vmem>>[vector<16xi32>, vector<16xi32>, vector<16xi32>], vector<16xi32>,
      %gather3A_513 = tpu.vector_load_idx %arg5[%gather3A_512] : memref<2016xi32, #tpu.memory_space<vmem>>[vector<16xi32>], vector<16xi32>,
      %add3A_514 = arith.constant 1008 : i32
      %add3A_515 = vector.broadcast %add3A_514 : i32 to vector<16xi32>
      %add3A_516 = arith.addi %gather3A_512, %add3A_515 : vector<16xi32>
      %gather3A_517 = tpu.vector_load_idx %arg5[%add3A_516] : memref<2016xi32, #tpu.memory_space<vmem>>[vector<16xi32>], vector<16xi32>,
      %bitcast3A_518 = vector.bitcast %gather3A_513 : vector<16xi32> to vector<32xbf16>
      %add3A_519 = arith.addf %add3A_506, %bitcast3A_518 : vector<32xbf16>
      %bitcast3A_520 = vector.bitcast %gather3A_517 : vector<16xi32> to vector<32xbf16>
      %add3A_521 = arith.addf %add3A_508, %bitcast3A_520 : vector<32xbf16>
      %broadcast_in_dim3A_522 = arith.constant 32 : i32
      %broadcast_in_dim3A_523 = vector.broadcast %broadcast_in_dim3A_522 : i32 to vector<16xi32>
      %add3A_524 = arith.addi %broadcast_in_dim3A_523, %iota3A : vector<16xi32>
      %gather3A_525 = tpu.vector_load_idx %arg6[%broadcast_in_dim3A_459, %broadcast_in_dim3A_492, %add3A_524] : memref<2x16x200xi32, #tpu.memory_space<vmem>>[vector<16xi32>, vector<16xi32>, vector<16xi32>], vector<16xi32>,
      %gather3A_526 = tpu.vector_load_idx %arg5[%gather3A_525] : memref<2016xi32, #tpu.memory_space<vmem>>[vector<16xi32>], vector<16xi32>,
      %add3A_527 = arith.constant 1008 : i32
      %add3A_528 = vector.broadcast %add3A_527 : i32 to vector<16xi32>
      %add3A_529 = arith.addi %gather3A_525, %add3A_528 : vector<16xi32>
      %gather3A_530 = tpu.vector_load_idx %arg5[%add3A_529] : memref<2016xi32, #tpu.memory_space<vmem>>[vector<16xi32>], vector<16xi32>,
      %bitcast3A_531 = vector.bitcast %gather3A_526 : vector<16xi32> to vector<32xbf16>
      %add3A_532 = arith.addf %add3A_519, %bitcast3A_531 : vector<32xbf16>
      %bitcast3A_533 = vector.bitcast %gather3A_530 : vector<16xi32> to vector<32xbf16>
      %add3A_534 = arith.addf %add3A_521, %bitcast3A_533 : vector<32xbf16>
      %broadcast_in_dim3A_535 = arith.constant 48 : i32
      %broadcast_in_dim3A_536 = vector.broadcast %broadcast_in_dim3A_535 : i32 to vector<16xi32>
      %add3A_537 = arith.addi %broadcast_in_dim3A_536, %iota3A : vector<16xi32>
      %gather3A_538 = tpu.vector_load_idx %arg6[%broadcast_in_dim3A_459, %broadcast_in_dim3A_492, %add3A_537] : memref<2x16x200xi32, #tpu.memory_space<vmem>>[vector<16xi32>, vector<16xi32>, vector<16xi32>], vector<16xi32>,
      %gather3A_539 = tpu.vector_load_idx %arg5[%gather3A_538] : memref<2016xi32, #tpu.memory_space<vmem>>[vector<16xi32>], vector<16xi32>,
      %add3A_540 = arith.constant 1008 : i32
      %add3A_541 = vector.broadcast %add3A_540 : i32 to vector<16xi32>
      %add3A_542 = arith.addi %gather3A_538, %add3A_541 : vector<16xi32>
      %gather3A_543 = tpu.vector_load_idx %arg5[%add3A_542] : memref<2016xi32, #tpu.memory_space<vmem>>[vector<16xi32>], vector<16xi32>,
      %bitcast3A_544 = vector.bitcast %gather3A_539 : vector<16xi32> to vector<32xbf16>
      %add3A_545 = arith.addf %add3A_532, %bitcast3A_544 : vector<32xbf16>
      %bitcast3A_546 = vector.bitcast %gather3A_543 : vector<16xi32> to vector<32xbf16>
      %add3A_547 = arith.addf %add3A_534, %bitcast3A_546 : vector<32xbf16>
      %broadcast_in_dim3A_548 = arith.constant 64 : i32
      %broadcast_in_dim3A_549 = vector.broadcast %broadcast_in_dim3A_548 : i32 to vector<16xi32>
      %add3A_550 = arith.addi %broadcast_in_dim3A_549, %iota3A : vector<16xi32>
      %gather3A_551 = tpu.vector_load_idx %arg6[%broadcast_in_dim3A_459, %broadcast_in_dim3A_492, %add3A_550] : memref<2x16x200xi32, #tpu.memory_space<vmem>>[vector<16xi32>, vector<16xi32>, vector<16xi32>], vector<16xi32>,
      %gather3A_552 = tpu.vector_load_idx %arg5[%gather3A_551] : memref<2016xi32, #tpu.memory_space<vmem>>[vector<16xi32>], vector<16xi32>,
      %add3A_553 = arith.constant 1008 : i32
      %add3A_554 = vector.broadcast %add3A_553 : i32 to vector<16xi32>
      %add3A_555 = arith.addi %gather3A_551, %add3A_554 : vector<16xi32>
      %gather3A_556 = tpu.vector_load_idx %arg5[%add3A_555] : memref<2016xi32, #tpu.memory_space<vmem>>[vector<16xi32>], vector<16xi32>,
      %bitcast3A_557 = vector.bitcast %gather3A_552 : vector<16xi32> to vector<32xbf16>
      %add3A_558 = arith.addf %add3A_545, %bitcast3A_557 : vector<32xbf16>
      %bitcast3A_559 = vector.bitcast %gather3A_556 : vector<16xi32> to vector<32xbf16>
      %add3A_560 = arith.addf %add3A_547, %bitcast3A_559 : vector<32xbf16>
      %broadcast_in_dim3A_561 = arith.constant 80 : i32
      %broadcast_in_dim3A_562 = vector.broadcast %broadcast_in_dim3A_561 : i32 to vector<16xi32>
      %add3A_563 = arith.addi %broadcast_in_dim3A_562, %iota3A : vector<16xi32>
      %gather3A_564 = tpu.vector_load_idx %arg6[%broadcast_in_dim3A_459, %broadcast_in_dim3A_492, %add3A_563] : memref<2x16x200xi32, #tpu.memory_space<vmem>>[vector<16xi32>, vector<16xi32>, vector<16xi32>], vector<16xi32>,
      %gather3A_565 = tpu.vector_load_idx %arg5[%gather3A_564] : memref<2016xi32, #tpu.memory_space<vmem>>[vector<16xi32>], vector<16xi32>,
      %add3A_566 = arith.constant 1008 : i32
      %add3A_567 = vector.broadcast %add3A_566 : i32 to vector<16xi32>
      %add3A_568 = arith.addi %gather3A_564, %add3A_567 : vector<16xi32>
      %gather3A_569 = tpu.vector_load_idx %arg5[%add3A_568] : memref<2016xi32, #tpu.memory_space<vmem>>[vector<16xi32>], vector<16xi32>,
      %bitcast3A_570 = vector.bitcast %gather3A_565 : vector<16xi32> to vector<32xbf16>
      %add3A_571 = arith.addf %add3A_558, %bitcast3A_570 : vector<32xbf16>
      %bitcast3A_572 = vector.bitcast %gather3A_569 : vector<16xi32> to vector<32xbf16>
      %add3A_573 = arith.addf %add3A_560, %bitcast3A_572 : vector<32xbf16>
      %broadcast_in_dim3A_574 = arith.constant 96 : i32
      %broadcast_in_dim3A_575 = vector.broadcast %broadcast_in_dim3A_574 : i32 to vector<16xi32>
      %add3A_576 = arith.addi %broadcast_in_dim3A_575, %iota3A : vector<16xi32>
      %gather3A_577 = tpu.vector_load_idx %arg6[%broadcast_in_dim3A_459, %broadcast_in_dim3A_492, %add3A_576] : memref<2x16x200xi32, #tpu.memory_space<vmem>>[vector<16xi32>, vector<16xi32>, vector<16xi32>], vector<16xi32>,
      %gather3A_578 = tpu.vector_load_idx %arg5[%gather3A_577] : memref<2016xi32, #tpu.memory_space<vmem>>[vector<16xi32>], vector<16xi32>,
      %add3A_579 = arith.constant 1008 : i32
      %add3A_580 = vector.broadcast %add3A_579 : i32 to vector<16xi32>
      %add3A_581 = arith.addi %gather3A_577, %add3A_580 : vector<16xi32>
      %gather3A_582 = tpu.vector_load_idx %arg5[%add3A_581] : memref<2016xi32, #tpu.memory_space<vmem>>[vector<16xi32>], vector<16xi32>,
      %bitcast3A_583 = vector.bitcast %gather3A_578 : vector<16xi32> to vector<32xbf16>
      %add3A_584 = arith.addf %add3A_571, %bitcast3A_583 : vector<32xbf16>
      %bitcast3A_585 = vector.bitcast %gather3A_582 : vector<16xi32> to vector<32xbf16>
      %add3A_586 = arith.addf %add3A_573, %bitcast3A_585 : vector<32xbf16>
      %broadcast_in_dim3A_587 = arith.constant 112 : i32
      %broadcast_in_dim3A_588 = vector.broadcast %broadcast_in_dim3A_587 : i32 to vector<16xi32>
      %add3A_589 = arith.addi %broadcast_in_dim3A_588, %iota3A : vector<16xi32>
      %gather3A_590 = tpu.vector_load_idx %arg6[%broadcast_in_dim3A_459, %broadcast_in_dim3A_492, %add3A_589] : memref<2x16x200xi32, #tpu.memory_space<vmem>>[vector<16xi32>, vector<16xi32>, vector<16xi32>], vector<16xi32>,
      %gather3A_591 = tpu.vector_load_idx %arg5[%gather3A_590] : memref<2016xi32, #tpu.memory_space<vmem>>[vector<16xi32>], vector<16xi32>,
      %add3A_592 = arith.constant 1008 : i32
      %add3A_593 = vector.broadcast %add3A_592 : i32 to vector<16xi32>
      %add3A_594 = arith.addi %gather3A_590, %add3A_593 : vector<16xi32>
      %gather3A_595 = tpu.vector_load_idx %arg5[%add3A_594] : memref<2016xi32, #tpu.memory_space<vmem>>[vector<16xi32>], vector<16xi32>,
      %bitcast3A_596 = vector.bitcast %gather3A_591 : vector<16xi32> to vector<32xbf16>
      %add3A_597 = arith.addf %add3A_584, %bitcast3A_596 : vector<32xbf16>
      %bitcast3A_598 = vector.bitcast %gather3A_595 : vector<16xi32> to vector<32xbf16>
      %add3A_599 = arith.addf %add3A_586, %bitcast3A_598 : vector<32xbf16>
      %broadcast_in_dim3A_600 = arith.constant 128 : i32
      %broadcast_in_dim3A_601 = vector.broadcast %broadcast_in_dim3A_600 : i32 to vector<16xi32>
      %add3A_602 = arith.addi %broadcast_in_dim3A_601, %iota3A : vector<16xi32>
      %gather3A_603 = tpu.vector_load_idx %arg6[%broadcast_in_dim3A_459, %broadcast_in_dim3A_492, %add3A_602] : memref<2x16x200xi32, #tpu.memory_space<vmem>>[vector<16xi32>, vector<16xi32>, vector<16xi32>], vector<16xi32>,
      %gather3A_604 = tpu.vector_load_idx %arg5[%gather3A_603] : memref<2016xi32, #tpu.memory_space<vmem>>[vector<16xi32>], vector<16xi32>,
      %add3A_605 = arith.constant 1008 : i32
      %add3A_606 = vector.broadcast %add3A_605 : i32 to vector<16xi32>
      %add3A_607 = arith.addi %gather3A_603, %add3A_606 : vector<16xi32>
      %gather3A_608 = tpu.vector_load_idx %arg5[%add3A_607] : memref<2016xi32, #tpu.memory_space<vmem>>[vector<16xi32>], vector<16xi32>,
      %bitcast3A_609 = vector.bitcast %gather3A_604 : vector<16xi32> to vector<32xbf16>
      %add3A_610 = arith.addf %add3A_597, %bitcast3A_609 : vector<32xbf16>
      %bitcast3A_611 = vector.bitcast %gather3A_608 : vector<16xi32> to vector<32xbf16>
      %add3A_612 = arith.addf %add3A_599, %bitcast3A_611 : vector<32xbf16>
      %broadcast_in_dim3A_613 = arith.constant 144 : i32
      %broadcast_in_dim3A_614 = vector.broadcast %broadcast_in_dim3A_613 : i32 to vector<16xi32>
      %add3A_615 = arith.addi %broadcast_in_dim3A_614, %iota3A : vector<16xi32>
      %gather3A_616 = tpu.vector_load_idx %arg6[%broadcast_in_dim3A_459, %broadcast_in_dim3A_492, %add3A_615] : memref<2x16x200xi32, #tpu.memory_space<vmem>>[vector<16xi32>, vector<16xi32>, vector<16xi32>], vector<16xi32>,
      %gather3A_617 = tpu.vector_load_idx %arg5[%gather3A_616] : memref<2016xi32, #tpu.memory_space<vmem>>[vector<16xi32>], vector<16xi32>,
      %add3A_618 = arith.constant 1008 : i32
      %add3A_619 = vector.broadcast %add3A_618 : i32 to vector<16xi32>
      %add3A_620 = arith.addi %gather3A_616, %add3A_619 : vector<16xi32>
      %gather3A_621 = tpu.vector_load_idx %arg5[%add3A_620] : memref<2016xi32, #tpu.memory_space<vmem>>[vector<16xi32>], vector<16xi32>,
      %bitcast3A_622 = vector.bitcast %gather3A_617 : vector<16xi32> to vector<32xbf16>
      %add3A_623 = arith.addf %add3A_610, %bitcast3A_622 : vector<32xbf16>
      %bitcast3A_624 = vector.bitcast %gather3A_621 : vector<16xi32> to vector<32xbf16>
      %add3A_625 = arith.addf %add3A_612, %bitcast3A_624 : vector<32xbf16>
      %broadcast_in_dim3A_626 = arith.constant 160 : i32
      %broadcast_in_dim3A_627 = vector.broadcast %broadcast_in_dim3A_626 : i32 to vector<16xi32>
      %add3A_628 = arith.addi %broadcast_in_dim3A_627, %iota3A : vector<16xi32>
      %gather3A_629 = tpu.vector_load_idx %arg6[%broadcast_in_dim3A_459, %broadcast_in_dim3A_492, %add3A_628] : memref<2x16x200xi32, #tpu.memory_space<vmem>>[vector<16xi32>, vector<16xi32>, vector<16xi32>], vector<16xi32>,
      %gather3A_630 = tpu.vector_load_idx %arg5[%gather3A_629] : memref<2016xi32, #tpu.memory_space<vmem>>[vector<16xi32>], vector<16xi32>,
      %add3A_631 = arith.constant 1008 : i32
      %add3A_632 = vector.broadcast %add3A_631 : i32 to vector<16xi32>
      %add3A_633 = arith.addi %gather3A_629, %add3A_632 : vector<16xi32>
      %gather3A_634 = tpu.vector_load_idx %arg5[%add3A_633] : memref<2016xi32, #tpu.memory_space<vmem>>[vector<16xi32>], vector<16xi32>,
      %bitcast3A_635 = vector.bitcast %gather3A_630 : vector<16xi32> to vector<32xbf16>
      %add3A_636 = arith.addf %add3A_623, %bitcast3A_635 : vector<32xbf16>
      %bitcast3A_637 = vector.bitcast %gather3A_634 : vector<16xi32> to vector<32xbf16>
      %add3A_638 = arith.addf %add3A_625, %bitcast3A_637 : vector<32xbf16>
      %broadcast_in_dim3A_639 = arith.constant 176 : i32
      %broadcast_in_dim3A_640 = vector.broadcast %broadcast_in_dim3A_639 : i32 to vector<16xi32>
      %add3A_641 = arith.addi %broadcast_in_dim3A_640, %iota3A : vector<16xi32>
      %gather3A_642 = tpu.vector_load_idx %arg6[%broadcast_in_dim3A_459, %broadcast_in_dim3A_492, %add3A_641] : memref<2x16x200xi32, #tpu.memory_space<vmem>>[vector<16xi32>, vector<16xi32>, vector<16xi32>], vector<16xi32>,
      %gather3A_643 = tpu.vector_load_idx %arg5[%gather3A_642] : memref<2016xi32, #tpu.memory_space<vmem>>[vector<16xi32>], vector<16xi32>,
      %add3A_644 = arith.constant 1008 : i32
      %add3A_645 = vector.broadcast %add3A_644 : i32 to vector<16xi32>
      %add3A_646 = arith.addi %gather3A_642, %add3A_645 : vector<16xi32>
      %gather3A_647 = tpu.vector_load_idx %arg5[%add3A_646] : memref<2016xi32, #tpu.memory_space<vmem>>[vector<16xi32>], vector<16xi32>,
      %bitcast3A_648 = vector.bitcast %gather3A_643 : vector<16xi32> to vector<32xbf16>
      %add3A_649 = arith.addf %add3A_636, %bitcast3A_648 : vector<32xbf16>
      %bitcast3A_650 = vector.bitcast %gather3A_647 : vector<16xi32> to vector<32xbf16>
      %add3A_651 = arith.addf %add3A_638, %bitcast3A_650 : vector<32xbf16>
      %broadcast_in_dim3A_652 = arith.constant 192 : i32
      %broadcast_in_dim3A_653 = vector.broadcast %broadcast_in_dim3A_652 : i32 to vector<16xi32>
      %add3A_654 = arith.addi %broadcast_in_dim3A_653, %iota3A : vector<16xi32>
      %select_n3A = arith.select %lt3A_19, %add3A_654, %iota3A : vector<16xi1>, vector<16xi32>
      %gather3A_655 = tpu.vector_load_idx %arg6[%broadcast_in_dim3A_459, %broadcast_in_dim3A_492, %select_n3A] : memref<2x16x200xi32, #tpu.memory_space<vmem>>[vector<16xi32>, vector<16xi32>, vector<16xi32>], vector<16xi32>,
      %select_n3A_656 = arith.select %lt3A_19, %gather3A_655, %broadcast_in_dim3A_21 : vector<16xi1>, vector<16xi32>
      %gather3A_657 = tpu.vector_load_idx %arg5[%select_n3A_656] : memref<2016xi32, #tpu.memory_space<vmem>>[vector<16xi32>], vector<16xi32>,
      %add3A_658 = arith.constant 1008 : i32
      %add3A_659 = vector.broadcast %add3A_658 : i32 to vector<16xi32>
      %add3A_660 = arith.addi %select_n3A_656, %add3A_659 : vector<16xi32>
      %gather3A_661 = tpu.vector_load_idx %arg5[%add3A_660] : memref<2016xi32, #tpu.memory_space<vmem>>[vector<16xi32>], vector<16xi32>,
      %bitcast3A_662 = vector.bitcast %gather3A_657 : vector<16xi32> to vector<32xbf16>
      %add3A_663 = arith.addf %add3A_649, %bitcast3A_662 : vector<32xbf16>
      %bitcast3A_664 = vector.bitcast %gather3A_661 : vector<16xi32> to vector<32xbf16>
      %add3A_665 = arith.addf %add3A_651, %bitcast3A_664 : vector<32xbf16>
      %bitcast3A_666 = vector.bitcast %add3A_663 : vector<32xbf16> to vector<16xi32>
      %broadcast_in_dim3A_667 = arith.constant -65536 : i32
      %broadcast_in_dim3A_668 = vector.broadcast %broadcast_in_dim3A_667 : i32 to vector<16xi32>
      %shift_left3A_669 = arith.constant 16 : i32
      %shift_left3A_670 = vector.broadcast %shift_left3A_669 : i32 to vector<16xi32>
      %shift_left3A_671 = arith.shli %bitcast3A_666, %shift_left3A_670 : vector<16xi32>
      %bitcast3A_672 = vector.bitcast %shift_left3A_671 : vector<16xi32> to vector<16xf32>
      %and3A_673 = arith.andi %bitcast3A_666, %broadcast_in_dim3A_668 : vector<16xi32>
      %bitcast3A_674 = vector.bitcast %and3A_673 : vector<16xi32> to vector<16xf32>
      %bitcast3A_675 = vector.bitcast %add3A_665 : vector<32xbf16> to vector<16xi32>
      %broadcast_in_dim3A_676 = arith.constant -65536 : i32
      %broadcast_in_dim3A_677 = vector.broadcast %broadcast_in_dim3A_676 : i32 to vector<16xi32>
      %shift_left3A_678 = arith.constant 16 : i32
      %shift_left3A_679 = vector.broadcast %shift_left3A_678 : i32 to vector<16xi32>
      %shift_left3A_680 = arith.shli %bitcast3A_675, %shift_left3A_679 : vector<16xi32>
      %bitcast3A_681 = vector.bitcast %shift_left3A_680 : vector<16xi32> to vector<16xf32>
      %and3A_682 = arith.andi %bitcast3A_675, %broadcast_in_dim3A_677 : vector<16xi32>
      %bitcast3A_683 = vector.bitcast %and3A_682 : vector<16xi32> to vector<16xf32>
      %broadcast_in_dim3A_684 = vector.broadcast %scan3A_487 : i32 to vector<16xi32>
      %eq3A = arith.cmpi eq, %iota3A, %broadcast_in_dim3A_684 : vector<16xi32>
      %reduce_sum3A = arith.constant true
      %reduce_sum3A_685 = vector.broadcast %reduce_sum3A : i1 to vector<16xi1>
      %reduce_sum3A_686 = tpu.scan <sum>, %bitcast3A_672 masked %reduce_sum3A_685 : vector<16xf32>, vector<16xi1> -> vector<16xf32>
      %reduce_sum3A_687 = vector.extract %reduce_sum3A_686[15] : f32 from vector<16xf32>
      %broadcast_in_dim3A_688 = vector.broadcast %reduce_sum3A_687 : f32 to vector<16xf32>
      %select_n3A_689 = arith.select %eq3A, %broadcast_in_dim3A_688, %broadcast_in_dim3A_17 : vector<16xi1>, vector<16xf32>
      %add3A_690 = arith.addf %scan3A_488, %select_n3A_689 : vector<16xf32>
      %reduce_sum3A_691 = arith.constant true
      %reduce_sum3A_692 = vector.broadcast %reduce_sum3A_691 : i1 to vector<16xi1>
      %reduce_sum3A_693 = tpu.scan <sum>, %bitcast3A_674 masked %reduce_sum3A_692 : vector<16xf32>, vector<16xi1> -> vector<16xf32>
      %reduce_sum3A_694 = vector.extract %reduce_sum3A_693[15] : f32 from vector<16xf32>
      %broadcast_in_dim3A_695 = vector.broadcast %reduce_sum3A_694 : f32 to vector<16xf32>
      %select_n3A_696 = arith.select %eq3A, %broadcast_in_dim3A_695, %broadcast_in_dim3A_17 : vector<16xi1>, vector<16xf32>
      %add3A_697 = arith.addf %scan3A_489, %select_n3A_696 : vector<16xf32>
      %reduce_sum3A_698 = arith.constant true
      %reduce_sum3A_699 = vector.broadcast %reduce_sum3A_698 : i1 to vector<16xi1>
      %reduce_sum3A_700 = tpu.scan <sum>, %bitcast3A_681 masked %reduce_sum3A_699 : vector<16xf32>, vector<16xi1> -> vector<16xf32>
      %reduce_sum3A_701 = vector.extract %reduce_sum3A_700[15] : f32 from vector<16xf32>
      %broadcast_in_dim3A_702 = vector.broadcast %reduce_sum3A_701 : f32 to vector<16xf32>
      %select_n3A_703 = arith.select %eq3A, %broadcast_in_dim3A_702, %broadcast_in_dim3A_17 : vector<16xi1>, vector<16xf32>
      %add3A_704 = arith.addf %scan3A_490, %select_n3A_703 : vector<16xf32>
      %reduce_sum3A_705 = arith.constant true
      %reduce_sum3A_706 = vector.broadcast %reduce_sum3A_705 : i1 to vector<16xi1>
      %reduce_sum3A_707 = tpu.scan <sum>, %bitcast3A_683 masked %reduce_sum3A_706 : vector<16xf32>, vector<16xi1> -> vector<16xf32>
      %reduce_sum3A_708 = vector.extract %reduce_sum3A_707[15] : f32 from vector<16xf32>
      %broadcast_in_dim3A_709 = vector.broadcast %reduce_sum3A_708 : f32 to vector<16xf32>
      %select_n3A_710 = arith.select %eq3A, %broadcast_in_dim3A_709, %broadcast_in_dim3A_17 : vector<16xi1>, vector<16xf32>
      %add3A_711 = arith.addf %scan3A_491, %select_n3A_710 : vector<16xf32>
      scf.yield %add3A_690, %add3A_697, %add3A_704, %add3A_711 : vector<16xf32>, vector<16xf32>, vector<16xf32>, vector<16xf32>
    }
    %scan3A_465 = arith.constant 16 : i32
    %max3A_466 = arith.maximumf %scan3A_464#0, %scan3A_464#1 : vector<16xf32>
    %max3A_467 = arith.maximumf %scan3A_464#2, %scan3A_464#3 : vector<16xf32>
    %max3A_468 = arith.maximumf %max3A_466, %max3A_467 : vector<16xf32>
    %sub3A_469 = arith.subf %scan3A_464#0, %max3A_468 : vector<16xf32>
    %exp3A_470 = math.exp %sub3A_469 : vector<16xf32>
    %sub3A_471 = arith.subf %scan3A_464#1, %max3A_468 : vector<16xf32>
    %exp3A_472 = math.exp %sub3A_471 : vector<16xf32>
    %sub3A_473 = arith.subf %scan3A_464#2, %max3A_468 : vector<16xf32>
    %exp3A_474 = math.exp %sub3A_473 : vector<16xf32>
    %sub3A_475 = arith.subf %scan3A_464#3, %max3A_468 : vector<16xf32>
    %exp3A_476 = math.exp %sub3A_475 : vector<16xf32>
    %add3A_477 = arith.addf %exp3A_470, %exp3A_472 : vector<16xf32>
    %add3A_478 = arith.addf %exp3A_474, %exp3A_476 : vector<16xf32>
    %add3A_479 = arith.addf %add3A_477, %add3A_478 : vector<16xf32>
    %add3A_480 = arith.constant 112 : i32
    %add3A_481 = vector.broadcast %add3A_480 : i32 to vector<16xi32>
    %add3A_482 = arith.addi %add3A_481, %iota3A : vector<16xi32>
    %div3A_483 = arith.divf %exp3A_470, %add3A_479 : vector<16xf32>
    tpu.vector_store_idx %arg7[%add3A_482, %broadcast_in_dim3A_23], %div3A_483 : memref<128x4xf32, #tpu.memory_space<vmem>>[vector<16xi32>, vector<16xi32>], vector<16xf32>,
    %div3A_484 = arith.divf %exp3A_472, %add3A_479 : vector<16xf32>
    tpu.vector_store_idx %arg7[%add3A_482, %broadcast_in_dim3A_25], %div3A_484 : memref<128x4xf32, #tpu.memory_space<vmem>>[vector<16xi32>, vector<16xi32>], vector<16xf32>,
    %div3A_485 = arith.divf %exp3A_474, %add3A_479 : vector<16xf32>
    tpu.vector_store_idx %arg7[%add3A_482, %broadcast_in_dim3A_27], %div3A_485 : memref<128x4xf32, #tpu.memory_space<vmem>>[vector<16xi32>, vector<16xi32>], vector<16xf32>,
    %div3A_486 = arith.divf %exp3A_476, %add3A_479 : vector<16xf32>
    tpu.vector_store_idx %arg7[%add3A_482, %broadcast_in_dim3A_29], %div3A_486 : memref<128x4xf32, #tpu.memory_space<vmem>>[vector<16xi32>, vector<16xi32>], vector<16xf32>,
    "tpu.region"() ({
      %run_scoped3A = tpu.sem_alloc : memref<!tpu.dma_semaphore, #tpu.memory_space<semaphore_mem>>
      %dma_start3A_487 = arith.constant 0 : i32
      %dma_start3A_488 = tpu.memref_slice %arg4[%mul3A_2, %dma_start3A_487] : memref<4096x4xf32, #tpu.memory_space<hbm>> -> memref<128x4xf32, #tpu.memory_space<hbm>>
      %dma_start3A_489 = arith.constant 0 : i32
      %dma_start3A_490 = tpu.memref_slice %arg4[%mul3A_2, %dma_start3A_489] : memref<4096x4xf32, #tpu.memory_space<hbm>> -> memref<128x4xf32, #tpu.memory_space<hbm>>
      tpu.enqueue_dma source(%arg7 : memref<128x4xf32, #tpu.memory_space<vmem>>) target(%dma_start3A_490 : memref<128x4xf32, #tpu.memory_space<hbm>>) target_semaphore(%run_scoped3A : memref<!tpu.dma_semaphore, #tpu.memory_space<semaphore_mem>>)
      %dma_wait3A_491 = arith.constant 0 : i32
      %dma_wait3A_492 = tpu.memref_slice %arg4[%mul3A_2, %dma_wait3A_491] : memref<4096x4xf32, #tpu.memory_space<hbm>> -> memref<128x4xf32, #tpu.memory_space<hbm>>
      %dma_wait3A_493 = arith.constant 0 : i32
      %dma_wait3A_494 = tpu.memref_slice %arg4[%mul3A_2, %dma_wait3A_493] : memref<4096x4xf32, #tpu.memory_space<hbm>> -> memref<128x4xf32, #tpu.memory_space<hbm>>
      tpu.wait_dma2 semaphore(%run_scoped3A : memref<!tpu.dma_semaphore, #tpu.memory_space<semaphore_mem>>) src(%arg7 : memref<128x4xf32, #tpu.memory_space<vmem>>) dst(%dma_wait3A_494 : memref<128x4xf32, #tpu.memory_space<hbm>>)
      tpu.yield
    }) : () -> ()
    return
  }
}

module attributes {stable_mosaic.version = 14 : i64} {
  func.func @_proj_body(%arg0: memref<1000x128xf32, #tpu.memory_space<vmem>>, %arg1: memref<4x128xf32, #tpu.memory_space<vmem>>, %arg2: memref<8x4xf32, #tpu.memory_space<vmem>>, %arg3: memref<1008x4xf32, #tpu.memory_space<vmem>>) attributes {dimension_semantics = [], scalar_prefetch = 0 : i64, scratch_operands = 0 : i64, tpu.core_type = #tpu.core_type<tc>} {
    %get3A = arith.constant 0 : index
    %get3A_0 = arith.constant 0 : index
    %get3A_1 = vector.load %arg0[%get3A, %get3A_0] : memref<1000x128xf32, #tpu.memory_space<vmem>>, vector<1000x128xf32>
    %get3A_2 = arith.constant 0 : index
    %get3A_3 = arith.constant 0 : index
    %get3A_4 = vector.load %arg1[%get3A_2, %get3A_3] : memref<4x128xf32, #tpu.memory_space<vmem>>, vector<4x128xf32>
    %dot_general3A = arith.constant dense<0.000000e+00> : vector<1000x4xf32>
    %dot_general3A_5 = tpu.matmul %get3A_1, %get3A_4, %dot_general3A {dimension_numbers = #tpu.dot_dimension_numbers<[1], [1], [0], [0], [0, 0, 1, 0], [], []>, transpose_lhs_hint = false} : vector<1000x128xf32>, vector<4x128xf32>, vector<1000x4xf32> -> vector<1000x4xf32>
    %mul3A = arith.constant 5.000000e-03 : f32
    %mul3A_6 = vector.broadcast %mul3A : f32 to vector<1000x4xf32>
    %mul3A_7 = arith.mulf %dot_general3A_5, %mul3A_6 : vector<1000x4xf32>
    %swap3A = arith.constant 0 : index
    %swap3A_8 = arith.constant 0 : index
    %swap3A_9 = vector.load %arg3[%swap3A, %swap3A_8] : memref<1008x4xf32, #tpu.memory_space<vmem>>, vector<1000x4xf32>
    tpu.vector_store %arg3[%swap3A, %swap3A_8], %mul3A_7 {strides = array<i32>} : memref<1008x4xf32, #tpu.memory_space<vmem>>, vector<1000x4xf32>,
    %get3A_10 = arith.constant 0 : index
    %get3A_11 = arith.constant 0 : index
    %get3A_12 = vector.load %arg2[%get3A_10, %get3A_11] : memref<8x4xf32, #tpu.memory_space<vmem>>, vector<8x4xf32>
    %swap3A_13 = arith.constant 1000 : index
    %swap3A_14 = arith.constant 0 : index
    %swap3A_15 = vector.load %arg3[%swap3A_13, %swap3A_14] : memref<1008x4xf32, #tpu.memory_space<vmem>>, vector<8x4xf32>
    tpu.vector_store %arg3[%swap3A_13, %swap3A_14], %get3A_12 {strides = array<i32>} : memref<1008x4xf32, #tpu.memory_space<vmem>>, vector<8x4xf32>,
    return
  }
}

</mosaic_0001>

<sc_bundles>
// kernel: kernel.4.cloned.1.call-start
scs
__scs_entry_jumppad:
0x0: {  	(pc) =	sbr.rel $0x88, $3  }
0x1: {  	(tag) =	ssettag $0x0;
	lr =	simm.s32 $0x1  }
0x2: {  	[smem:$0x3F9D] =	sst lr;
	_ =	strace $0xD0000000  }
0x3: {  	_ = 	snop  }
0x4: {  	_ = 	snop  }
0x5: {  	_ = 	snop  }
0x6: {  	_ = 	snop  }
0x7: {  	_ = 	snop  }
__scs_overlays_trampoline_lowered:
0x8: {  	[smem:$0x3FAC] =	sst s0  }
0x9: {  	[smem:$0x3FAD] =	sst s1  }
0xa: {  	[smem:$0x3FAE] =	sst s2  }
0xb: {  	[smem:$0x3FAF] =	sst s3  }
0xc: {  	[smem:$0x3FB0] =	sst s4  }
0xd: {  	[smem:$0x3FB1] =	sst s5  }
0xe: {  	[smem:$0x3FB2] =	sst s6  }
0xf: {  	[smem:$0x3FB3] =	sst s7  }
0x10: {  	[smem:$0x3FB4] =	sst s8  }
0x11: {  	[smem:$0x3FB5] =	sst s9;
	s0 =	simm.s32 @!p0 $0x0  }
0x12: {  	s1 =	sld [smem:$0x3F9B];
	s0 =	simm.s32 @p0 $0x1  }
0x13: {  	[smem:$0x3FB6] =	sst s0;
	s0 =	simm.s32 @!p1 $0x0  }
0x14: {  	s2 =	sld [smem:$0x3F9A];
	s0 =	simm.s32 @p1 $0x1  }
0x15: {  	[smem:$0x3FB7] =	sst s0;
	s0 =	simm.s32 @!p2 $0x0  }
0x16: {  	s3 =	sld [smem:$0x3FDB];
	s0 =	simm.s32 @p2 $0x1  }
0x17: {  	s4 =	simm.s32 $0x1BF5;
	[smem:$0x3FB9] =	sst s0  }
0x18: {  	s0 =	sld [smem:$0x3F9C];
	_ =	swait.ge [sflag:s4], $0x0  }
0x19: {  	s7 =	sld [smem:$0x3F9D]  }
0x1a: {  	s8 =	sadd.s32 $0xFFFFE003, lr  }
0x1b: {  	s9 =	sadd.s32 $0xFFFFFEF7, lr;
	s5 =	simm.s32 $0xFFFFFFFF;
	p2 =	slt.u32 s8, $0xFFFFF086  }
0x1c: {  	p1 =	slt.u32 s9, $0xF7A;
	s5 =	simm.s32 @!p2 $0x0  }
0x1d: {  	s5 =	simm.s32 @p1 $0x1;
	p0 =	seq.s32 s7, s2  }
0x1e: {  	s7 =	smul.u32 @!p0 $0xF7A, s2;
	p2 =	seq.s32 @!p0 s5, $0x0  }
0x1f: {  	s9 =	smul.u32 $0xF7A, s1;
	s8 =	simm.s32 @!p0 $0x1BF5;
	p2 =	por !p2, p0  }
0x20: {  	[sflag:s8] =	ssyncset.s32 @!p0 $0xFFFFF086;
	s6 =	sadd.s32 @!p0 s3, s7;
	s7 =	simm.s32 @!p0 $0x108  }
0x21: {  	s3 =	sadd.s32 s3, s9;
	s6 =	sadd.s32 @!p0 $0x88, s6;
	s7 =	simm.s32 @p2 $0x1082  }
0x22: {  	[simem:s7], [sflag:s8] =	dma.local @!p0 [hbm:s6], $0xF7A  }
0x23: {  	s9 =	sor.u32 $0xD0000000, s2;
	s6 =	simm.s32 $0x108;
	_ =	swait.ge @!p0 [sflag:s8], $0x0  }
0x24: {  	s3 =	sadd.s32 $0x88, s3;
	s6 =	simm.s32 @!p1 $0x1082;
	[sflag:s4] =	ssyncset.s32 $0xFFFFF086  }
0x25: {  	[simem:s6], [sflag:s4] =	dma.local [hbm:s3], $0xF7A  }
0x26: {  	[smem:$0x3F9D] =	sst s1;
	(tag) =	ssettag s2;
	_ =	strace s9  }
0x27: {  	s1 =	sld [smem:$0x3FAD]  }
0x28: {  	s2 =	sld [smem:$0x3FAE]  }
0x29: {  	s4 =	sld [smem:$0x3FB0]  }
0x2a: {  	p0 =	seq.s32 s5, $0x0;
	s5 =	sld [smem:$0x3FB1]  }
0x2b: {  	s6 =	sld [smem:$0x3FB2]  }
0x2c: {  	s7 =	sld [smem:$0x3FB3]  }
0x2d: {  	s3 =	simm.s32 $0x108;
	s8 =	sld [smem:$0x3FB4]  }
0x2e: {  	s3 =	simm.s32 @!p0 $0x1082;
	s9 =	sld [smem:$0x3FB5]  }
0x2f: {  	lr =	sadd.s32 s0, s3;
	s0 =	sld [smem:$0x3FAC]  }
0x30: {  	s3 =	sld [smem:$0x3FAF]  }
0x31: {  	[smem:$0x3FB8] =	sst s10  }
0x32: {  	s10 =	sld [smem:$0x3FB6];
	_ =	sdelay $0x3  }
0x33: {  	p0 =	seq.s32 s10, $0x1;
	s10 =	sld [smem:$0x3FB8];
	_ =	sdelay $0x3  }
0x34: {  	[smem:$0x3FB8] =	sst s10  }
0x35: {  	s10 =	sld [smem:$0x3FB7];
	_ =	sdelay $0x3  }
0x36: {  	p1 =	seq.s32 s10, $0x1;
	s10 =	sld [smem:$0x3FB8];
	_ =	sdelay $0x3  }
0x37: {  	[smem:$0x3FB8] =	sst s10  }
0x38: {  	s10 =	sld [smem:$0x3FB9]  }
0x39: {  	_ = 	snop;
	(pc) =	sbr.ind lr, $3  }
0x3a: {  	_ = 	snop  }
0x3b: {  	_ = 	snop  }
0x3c: {  	p2 =	seq.s32 s10, $0x1;
	s10 =	sld [smem:$0x3FB8]  }
0x3d: {  	_ =	shalt  }
0x3e: {  	_ =	shalt  }
0x3f: {  	_ =	shalt  }
0x40: {  	_ =	shalt  }
0x41: {  	_ =	shalt  }
0x42: {  	_ =	shalt  }
0x43: {  	_ =	shalt  }
0x44: {  	_ =	shalt  }
0x45: {  	_ =	shalt  }
0x46: {  	_ =	shalt  }
0x47: {  	_ =	shalt  }
0x48: {  	_ =	shalt  }
0x49: {  	_ =	shalt  }
0x4a: {  	_ =	shalt  }
0x4b: {  	_ =	shalt  }
0x4c: {  	_ =	shalt  }
0x4d: {  	_ =	shalt  }
0x4e: {  	_ =	shalt  }
0x4f: {  	_ =	shalt  }
0x50: {  	_ =	shalt  }
0x51: {  	_ =	shalt  }
0x52: {  	_ =	shalt  }
0x53: {  	_ =	shalt  }
0x54: {  	_ =	shalt  }
0x55: {  	_ =	shalt  }
0x56: {  	_ =	shalt  }
0x57: {  	_ =	shalt  }
0x58: {  	_ =	shalt  }
0x59: {  	_ =	shalt  }
0x5a: {  	_ =	shalt  }
0x5b: {  	_ =	shalt  }
0x5c: {  	_ =	shalt  }
0x5d: {  	_ =	shalt  }
0x5e: {  	_ =	shalt  }
0x5f: {  	_ =	shalt  }
0x60: {  	_ =	shalt  }
0x61: {  	_ =	shalt  }
0x62: {  	_ =	shalt  }
0x63: {  	_ =	shalt  }
0x64: {  	_ =	shalt  }
0x65: {  	_ =	shalt  }
0x66: {  	_ =	shalt  }
0x67: {  	_ =	shalt  }
0x68: {  	_ =	shalt  }
0x69: {  	_ =	shalt  }
0x6a: {  	_ =	shalt  }
0x6b: {  	_ =	shalt  }
0x6c: {  	_ =	shalt  }
0x6d: {  	_ =	shalt  }
0x6e: {  	_ =	shalt  }
0x6f: {  	_ =	shalt  }
0x70: {  	_ =	shalt  }
0x71: {  	_ =	shalt  }
0x72: {  	_ =	shalt  }
0x73: {  	_ =	shalt  }
0x74: {  	_ =	shalt  }
0x75: {  	_ =	shalt  }
0x76: {  	_ =	shalt  }
0x77: {  	_ =	shalt  }
0x78: {  	_ =	shalt  }
0x79: {  	_ =	shalt  }
0x7a: {  	_ =	shalt  }
0x7b: {  	_ =	shalt  }
0x7c: {  	_ =	shalt  }
0x7d: {  	_ =	shalt  }
0x7e: {  	_ =	shalt  }
0x7f: {  	_ =	shalt  }
0x80: {  	_ =	shalt  }
0x81: {  	_ =	shalt  }
0x82: {  	_ =	shalt  }
0x83: {  	_ =	shalt  }
0x84: {  	_ =	shalt  }
0x85: {  	_ =	shalt  }
0x86: {  	_ =	shalt  }
0x87: {  	_ =	shalt  }
.Lfunc_end0:
.L_simem_size_0:
called_computation_lowered:
.L_overlay_start_0:
0x88: {  	s2 =	sld [smem:$0x3FD9]  }
0x89: {  	s3 =	sld [smem:$0x3FFE];
	_ =	sdelay $0x1  }
0x8a: {  	s1 =	srdreg.scid  }
0x8b: {  	s0 =	sand.u32 $0x1, s1  }
0x8c: {  	s17 =	sshll.u32 s0, $0xA;
	s2 =	sadd.s32 s3, s2  }
0x8d: {  	s2 =	sadd.s32 s2, s17  }
0x8e: {  	[smem:$0x3FC4] =	sst s2  }
0x8f: {  	_ = 	snop  }
0x90: {  	s2 =	sld [smem:$0x3FD0];
	(tm) =	ssettm $0x1  }
0x91: {  	s18 =	sld [smem:$0x3FFB];
	_ =	sdelay $0x3  }
0x92: {  	_ =	strace s18  }
0x93: {  	s3 =	sld [smem:$0x3FFC];
	_ =	sdelay $0x3  }
0x94: {  	_ =	strace s3  }
0x95: {  	s3 =	sld [smem:$0x3FFD];
	_ =	sdelay $0x3  }
0x96: {  	_ =	strace s3  }
0x97: {  	_ =	strace $0x8FFFFFFF  }
0x98: {  	s19 =	sld [smem:$0x3FDB];
	_ =	sdelay $0x1  }
0x99: {  	s4 =	simm.s32 $_scs_section_size  }
0x9a: {  	s5 =	simm.s32 $_size__tile_overlayer_lowered;
	s6 =	simm.s32 $_tile_overlayer_lowered  }
0x9b: {  	s22 =	simm.s32 $0x1BFF;
	s21 =	sshll.u32 s6, $0x1;
	s3 =	sadd.s32 s4, s19  }
0x9c: {  	s7 =	simm.s32 $0x0;
	s20 =	sshll.u32 s5, $0x1;
	s5 =	sadd.s32 s21, s3  }
0x9d: {  	[timem:s7], [sflag:s22] =	dma.local [hbm:s5], s20  }
0x9e: {  	_ =	swait.ge [sflag:s22], s20  }
0x9f: {  	s4 =	ssub.s32 $0x0, s20;
	[sflag:s22] =	ssyncset.done $0x0  }
0xa0: {  	[sflag:s22] =	ssyncadd.s32 s4;
	_ =	sdelay $0x1  }
0xa1: {  	s23 =	simm.s32 $0x1B8B  }
0xa2: {  	_ =	swait.ge [sflag:s23], $0x1  }
0xa3: {  	[sflag:s23] =	ssyncset.done $0x0  }
0xa4: {  	s25 =	simm.s32 $0x1B8E;
	s24 =	sld [smem:$0x3FFE];
	[sflag:s23] =	ssyncadd.s32 $0xFFFFFFFF  }
0xa5: {  	s26 =	simm.s32 $execute0_lowered;
	[smem:$0x3FD2] =	sst s25  }
0xa6: {  	s5 =	sshll.u32 s26, $0x1;
	_ =	strace $0x80000046;
	[dreg:$0x1] =	wrdreg $0xFFFFFFFF  }
0xa7: {  	s28 =	simm.s32 $_size_execute0_lowered;
	s3 =	sadd.s32 s3, s5;
	[dreg:$0x0] =	wrdreg $0x0  }
0xa8: {  	s5 =	sshll.u32 s28, $0x1;
	[dreg:$0x2] =	wrdreg s3  }
0xa9: {  	[dreg:$0x3] =	wrdreg s5  }
0xaa: {  	[dreg:$0x4] =	wrdreg $0xC0  }
0xab: {  	_ =	task [dreg:s7], $0x5FFFF  }
0xac: {  	[dreg:$0x1] =	wrdreg $0xFFFFFFFF  }
0xad: {  	[dreg:$0x0] =	wrdreg $0x60  }
0xae: {  	[dreg:$0x2] =	wrdreg s2  }
0xaf: {  	[dreg:$0x3] =	wrdreg s24  }
0xb0: {  	[dreg:$0x4] =	wrdreg $0x9  }
0xb1: {  	_ =	task.clear_ibuf [dreg:s7], $0x5FFFF;
	_ =	strace $0x90000046  }
0xb2: {  	s29 =	simm.s32 $0x9;
	_ =	strace $0x80000048  }
0xb3: {  	_ =	swait.ge [sflag:s29], $0x1  }
0xb4: {  	[sflag:s29] =	ssyncadd.s32 $0xFFFFFFFF  }
0xb5: {  	_ =	strace $0x90000048  }
0xb6: {  	_ =	sfence  }
0xb7: {  	s30 =	sld [smem:$0x0];
	_ =	sdelay $0x2  }
0xb8: {  	s31 =	sshll.u32 s1, $0xD;
	s1 =	sshrl.u32 s1, $0x2  }
0xb9: {  	s3 =	sand.u32 $0x4000, s31;
	s1 =	sadd.s32 s1, s30  }
0xba: {  	s0 =	sor.u32 s3, s0;
	s1 =	sshll.u32 s1, $0x11  }
0xbb: {  	s0 =	sor.u32 s1, s0  }
0xbc: {  	s0 =	sadd.s32 $0x8F2B, s0  }
0xbd: {  	[sflag:s0] =	ssyncadd.remote.s32 $0x1  }
0xbe: {  	_ =	sfence.sel $0xFFFF  }
0xbf: {  	[dreg:$0x0] =	wrdreg $0xFFFFFFFF;
	(pc) =	sbr.abs _section_cstart, $3  }
0xc0: {  	[dreg:$0x1] =	wrdreg $0xFFFFFFFF  }
0xc1: {  	_ =	task.clear_ibuf [dreg:s7], $0x2FFFF;
	_ =	strace $0x9FFFFFFF  }
0xc2: {  	(tm) =	ssettm $0x7FFFFFFF  }
0xc3: {  	_ =	shalt  }
tec
execute0_lowered:
.L_overlay_start_1:
0x0: {  	(tag) =	ssettag $0x1  }
0x1: {  	v2 =	vlaneseq.u32;
	v3 =	vimm.bf16 $0.0e+00  }
0x2: {  	v12 =	vimm.s32 $0x440;
	vm0 =	vcmask $0x704;
	vm4 =	vcmask $0xB08  }
0x3: {  	vm5 =	vcmask $0xF0C;
	vm6 =	vcmask $0x1310;
	vm3 =	vcmask $0x1714  }
0x4: {  	v15 =	vimm.s32 $0xFEDCBA98;
	vm1 =	vcmask $0x1B18;
	vm7 =	vcmask $0x300  }
0x5: {  	vm2 =	vcmask $0x1F1C;
	v4 =	vor.u32 $0x10, v2;
	v13 =	vsel vm0, $0x441, v12  }
0x6: {  	v5 =	vor.u32 $0x20, v2;
	v6 =	vor.u32 $0x30, v2;
	v14 =	vsel vm4, $0x442, v13  }
0x7: {  	v7 =	vor.u32 $0x40, v2;
	v8 =	vor.u32 $0x50, v2;
	v14 =	vsel vm5, $0x443, v14  }
0x8: {  	v9 =	vor.u32 $0x60, v2;
	v10 =	vor.u32 $0x70, v2;
	v14 =	vsel vm6, $0x444, v14  }
0x9: {  	v11 =	vor.u32 $0x400, v2;
	v12 =	vor.u32 $0x410, v2;
	v14 =	vsel vm3, $0x445, v14  }
0xa: {  	v15 =	vunpack.c.l.s4.s8 v15;
	v16 =	vsel vm1, $0x446, v14;
	v14 =	vimm.s32 $0x100F  }
0xb: {  	v0 =	vmul.u32 $0x80, v2;
	v20 =	vor.u32 $0x1000, v2;
	v17 =	vsel vm7, $0x1440, v14  }
0xc: {  	s0 =	rddreg [dreg:$0x0];
	v22 =	vor.u32 $0x1020, v2;
	v31 =	vor.u32 $0x1430, v2;
	v17 =	vsel vm0, $0x1441, v17  }
0xd: {  	s4 =	rddreg [dreg:$0x1];
	v15 =	vunpack.c.0.s8.s32 v15;
	v1 =	vor.u32 $0x1, v0;
	v17 =	vsel vm4, $0x1442, v17  }
0xe: {  	s1 =	rddreg [dreg:$0x2];
	v13 =	vor.u32 $0x420, v2;
	[tilespmem:$0x1FFC0] =	vst v1;
	v1 =	vor.u32 $0x2, v0;
	v19 =	vsel vm5, $0x1443, v17  }
0xf: {  	s5 =	srdreg.scid;
	s3 =	simm.s32 $0x0;
	s2 =	stileid.u32;
	[tilespmem:$0x1FFE0] =	vst v0;
	v0 =	vor.u32 $0x3, v0;
	v18 =	vand.u32 $0xF, v15;
	v21 =	vsel vm6, $0x1444, v19  }
0x10: {  	s14 =	simm.s32 $0x800;
	s15 =	simm.s32 $0x3;
	s16 =	simm.s32 $0x1;
	v14 =	vor.u32 $0x430, v2;
	v16 =	vsel vm2, $0x447, v16;
	v23 =	vsel vm3, $0x1445, v21  }
0x11: {  	s17 =	simm.s32 $0x1800;
	s18 =	simm.s32 $0x2800;
	s5 =	sand.u32 $0x1, s5;
	v16 =	vcombine.low v16, v18;
	vm0 =	vmmov $0xff;
	v24 =	vsel vm1, $0x1446, v23  }
0x12: {  	s19 =	simm.s32 $0x2;
	s6 =	sshll.u32 s2, $0x8;
	s7 =	sshll.u32 s5, $0x7;
	v21 =	vor.u32 $0x1010, v2;
	vm1 =	vcmask $0x2320;
	v25 =	vsel vm2, $0x1447, v24  }
0x13: {  	s20 =	simm.s32 $0x0;
	s5 =	ssub.s32 $0x2, s5;
	s6 =	sor.u32 s7, s6;
	v23 =	vor.u32 $0x1030, v2;
	v26 =	vsel vm1, $0x1008, v25;
	vm1 =	vcmask $0x2724  }
0x14: {  	[smem:$0x7FF] =	sst s3;
	s31 =	sshrl.u32 s5, $0x1;
	s7 =	sshll.u32 s6, $0x5;
	[tilespmem:$0x1FFD0] =	vst v1;
	v24 =	vor.u32 $0x1040, v2;
	v27 =	vsel vm1, $0x1009, v26;
	vm1 =	vcmask $0x2B28  }
0x15: {  	s6 =	sshll.u32 s6, $0x4;
	s13 =	ssub.s32 s5, s31;
	[tilespmem:$0x1FFF0] =	vst v0;
	s11 =	sadd.s32 s7, s4;
	v25 =	vor.u32 $0x1050, v2;
	v28 =	vsel vm1, $0x100A, v27;
	vm1 =	vcmask $0x2F2C  }
0x16: {  	s12 =	sadd.s32 s6, s4;
	s13 =	smax.u32 s13, $0x1;
	_ =	strace $0x80000047;
	v26 =	vor.u32 $0x1060, v2;
	v29 =	vsel vm1, $0x100B, v28;
	vm1 =	vcmask $0x3330  }
0x17: {  	s4 =	sadd.s32 $0x600, s11;
	s5 =	sadd.s32 $0x800, s11;
	s6 =	sadd.s32 $0xA00, s11;
	v27 =	vor.u32 $0x1070, v2;
	v30 =	vsel vm1, $0x100C, v29;
	vm1 =	vcmask $0x3734  }
0x18: {  	s7 =	sadd.s32 $0xC00, s11;
	s8 =	sadd.s32 $0xE00, s11;
	s9 =	sadd.s32 $0x1000, s11;
	v28 =	vor.u32 $0x1400, v2;
	v32 =	vsel vm1, $0x100D, v30;
	vm1 =	vcmask $0x3B38  }
0x19: {  	s10 =	sadd.s32 $0x1200, s11;
	s11 =	sadd.s32 $0x1400, s11;
	s12 =	sadd.s32 $0x20600, s12;
	v29 =	vor.u32 $0x1410, v2;
	v30 =	vor.u32 $0x1420, v2;
	v32 =	vsel vm1, $0x100E, v32  }
.LBB2_1:
0x1a: {  	[tilespmem:s14], [sflag:$0x1] =	stream.linear.gather [hbm4b:s4+s3], $0x1000, $0x38;
	[tilespmem:$0x6800] =	vst v63  }
0x1b: {  	v0 =	vimm.s32 $0x3E8  }
0x1c: {  	[tilespmem:s3], [sflag:$0x3] =	stream.linear.gather [hbm4b:s0+s3], $0x800, $0x38;
	[tilespmem:$0x6800] =	vst v63  }
0x1d: {  	_ =	swait.ge [sflag:s15], $0x800  }
0x1e: {  	v35 =	vmov s3;
	[sflag:s15] =	ssyncset.done $0x0  }
0x1f: {  	v34 =	vshll.u32 v35, $0x7;
	[sflag:s15] =	ssyncadd.s32 $0xFFFFF800  }
0x20: {  	v36 =	vand.u32 $0x380, v34;
	v34 =	vld.idx.msk [tilespmem:v0+s3+$0x0], $0xffff;
	v0 =	vimm.s32 $0x7D8  }
0x21: {  	v33 =	vshll.u32 v35, $0x8  }
0x22: {  	v33 =	vand.u32 $0x800, v33  }
0x23: {  	v33 =	vor.u32 v36, v33  }
0x24: {  	v37 =	vor.u32 v2, v33  }
0x25: {  	v38 =	vor.u32 v4, v33;
	v36 =	vld.idx.msk [tilespmem:v0+s3+$0x0], $0xffff;
	_ =	swait.ge [sflag:s16], $0x1000  }
0x26: {  	v39 =	vor.u32 v5, v33;
	[sflag:s16] =	ssyncset.done $0x0  }
0x27: {  	v40 =	vor.u32 v6, v33;
	[sflag:s16] =	ssyncadd.s32 $0xFFFFF000  }
0x28: {  	v41 =	vor.u32 v7, v33;
	[tilespmem:s17], [sflag:$0x2] =	stream.linear.gather [hbm4b:s5+s3], $0x1000, $0x38;
	[tilespmem:$0x6800] =	vst v63  }
0x29: {  	v42 =	vor.u32 v16, v33;
	v37 =	vld.idx.msk [tilespmem:v37+s14+$0x0], $0xffff  }
0x2a: {  	v43 =	vor.u32 v8, v33;
	v38 =	vld.idx.msk [tilespmem:v38+s14+$0x0], $0xffff  }
0x2b: {  	v45 =	vor.u32 v9, v33;
	v39 =	vld.idx.msk [tilespmem:v39+s14+$0x0], $0xffff  }
0x2c: {  	v47 =	vor.u32 v10, v33;
	v40 =	vld.idx.msk [tilespmem:v40+s14+$0x0], $0xffff  }
0x2d: {  	v49 =	vor.u32 v11, v33;
	v41 =	vld.idx.msk [tilespmem:v41+s14+$0x0], $0xffff  }
0x2e: {  	v51 =	vor.u32 v12, v33;
	v42 =	vld.idx.msk [tilespmem:v42+s14+$0x0], $0xffff  }
0x2f: {  	v53 =	vor.u32 v13, v33;
	v43 =	vld.idx.msk [tilespmem:v43+s14+$0x0], $0xffff  }
0x30: {  	v33 =	vor.u32 v14, v33;
	v45 =	vld.idx.msk [tilespmem:v45+s14+$0x0], $0xffff  }
0x31: {  	v47 =	vld.idx.msk [tilespmem:v47+s14+$0x0], $0xffff  }
0x32: {  	v49 =	vld.idx.msk [tilespmem:v49+s14+$0x0], $0xffff;
	v44 =	vadd.s32 $0x3F0, v37  }
0x33: {  	v51 =	vld.idx.msk [tilespmem:v51+s14+$0x0], $0xffff  }
0x34: {  	v53 =	vld.idx.msk [tilespmem:v53+s14+$0x0], $0xffff;
	v46 =	vadd.s32 $0x3F0, v38  }
0x35: {  	v33 =	vld.idx.msk [tilespmem:v33+s14+$0x0], $0xffff  }
0x36: {  	v48 =	vadd.s32 $0x3F0, v39;
	v58 =	vld.idx.msk [tilespmem:v37+s3+$0x0], $0xffff  }
0x37: {  	v44 =	vld.idx.msk [tilespmem:v44+s3+$0x0], $0xffff  }
0x38: {  	v50 =	vadd.s32 $0x3F0, v40;
	v38 =	vld.idx.msk [tilespmem:v38+s3+$0x0], $0xffff  }
0x39: {  	v46 =	vld.idx.msk [tilespmem:v46+s3+$0x0], $0xffff  }
0x3a: {  	v52 =	vadd.s32 $0x3F0, v41;
	v39 =	vld.idx.msk [tilespmem:v39+s3+$0x0], $0xffff  }
0x3b: {  	v48 =	vld.idx.msk [tilespmem:v48+s3+$0x0], $0xffff  }
0x3c: {  	v54 =	vadd.s32 $0x3F0, v43;
	v40 =	vld.idx.msk [tilespmem:v40+s3+$0x0], $0xffff;
	v44 =	vadd.bf16 v3, v44  }
0x3d: {  	v50 =	vld.idx.msk [tilespmem:v50+s3+$0x0], $0xffff  }
0x3e: {  	v55 =	vadd.s32 $0x3F0, v45;
	v41 =	vld.idx.msk [tilespmem:v41+s3+$0x0], $0xffff;
	v44 =	vadd.bf16 v46, v44  }
0x3f: {  	v61 =	vadd.s32 $0x3F0, v51;
	v52 =	vld.idx.msk [tilespmem:v52+s3+$0x0], $0xffff  }
0x40: {  	v56 =	vadd.s32 $0x3F0, v47;
	v43 =	vld.idx.msk [tilespmem:v43+s3+$0x0], $0xffff;
	v44 =	vadd.bf16 v48, v44  }
0x41: {  	v54 =	vld.idx.msk [tilespmem:v54+s3+$0x0], $0xffff  }
0x42: {  	s21 =	simm.s32 $0x1;
	v57 =	vadd.s32 $0x3F0, v49;
	v45 =	vld.idx.msk [tilespmem:v45+s3+$0x0], $0xffff;
	v44 =	vadd.bf16 v50, v44  }
0x43: {  	v59 =	vadd.s32 $0x3F0, v53;
	v37 =	vmov s21;
	v55 =	vld.idx.msk [tilespmem:v55+s3+$0x0], $0xffff;
	v58 =	vadd.bf16 v3, v58  }
0x44: {  	v48 =	vld.idx.msk [tilespmem:v61+s3+$0x0], $0xffff;
	v61 =	vshll.u32 v37, $0x7;
	v50 =	vshll.u32 v37, $0x8;
	v44 =	vadd.bf16 v52, v44  }
0x45: {  	v42 =	vnsel vm0, $0x3E9, v42;
	v56 =	vld.idx.msk [tilespmem:v56+s3+$0x0], $0xffff;
	v61 =	vand.u32 $0x380, v61;
	v50 =	vand.u32 $0x800, v50  }
0x46: {  	v47 =	vld.idx.msk [tilespmem:v47+s3+$0x0], $0xffff;
	v38 =	vadd.bf16 v38, v58;
	v50 =	vor.u32 v61, v50;
	v44 =	vadd.bf16 v54, v44  }
0x47: {  	v46 =	vld.idx.msk [tilespmem:v57+s3+$0x0], $0xffff;
	v62 =	vor.u32 v2, v50  }
0x48: {  	v49 =	vld.idx.msk [tilespmem:v49+s3+$0x0], $0xffff;
	v57 =	vadd.s32 $0x3F0, v33;
	v38 =	vadd.bf16 v39, v38;
	v44 =	vadd.bf16 v55, v44  }
0x49: {  	v60 =	vadd.s32 $0x3F0, v42;
	v51 =	vld.idx.msk [tilespmem:v51+s3+$0x0], $0xffff  }
0x4a: {  	v59 =	vld.idx.msk [tilespmem:v59+s3+$0x0], $0xffff;
	v38 =	vadd.bf16 v40, v38;
	v44 =	vadd.bf16 v56, v44  }
0x4b: {  	v42 =	vld.idx.msk [tilespmem:v42+s3+$0x0], $0xffff;
	v63 =	vor.u32 v4, v50  }
0x4c: {  	v38 =	vadd.bf16 v41, v38;
	v58 =	vor.u32 v5, v50;
	v55 =	vld.idx.msk [tilespmem:v62+s14+$0x0], $0xffff;
	v44 =	vadd.bf16 v46, v44  }
0x4d: {  	v52 =	vld.idx.msk [tilespmem:v57+s3+$0x0], $0xffff;
	v61 =	vor.u32 v7, v50  }
0x4e: {  	v38 =	vadd.bf16 v43, v38;
	v54 =	vld.idx.msk [tilespmem:v60+s3+$0x0], $0xffff;
	v60 =	vor.u32 v6, v50;
	v44 =	vadd.bf16 v48, v44  }
0x4f: {  	v33 =	vld.idx.msk [tilespmem:v33+s3+$0x0], $0xffff  }
0x50: {  	v38 =	vadd.bf16 v45, v38;
	v39 =	vld.idx.msk [tilespmem:v63+s14+$0x0], $0xffff;
	v56 =	vor.u32 v12, v50;
	v44 =	vadd.bf16 v59, v44  }
0x51: {  	v40 =	vld.idx.msk [tilespmem:v58+s14+$0x0], $0xffff;
	v63 =	vadd.s32 $0x3F0, v55  }
0x52: {  	v38 =	vadd.bf16 v47, v38;
	v62 =	vor.u32 v16, v50;
	v43 =	vld.idx.msk [tilespmem:v61+s14+$0x0], $0xffff;
	v44 =	vadd.bf16 v52, v44  }
0x53: {  	v45 =	vor.u32 v8, v50;
	v41 =	vld.idx.msk [tilespmem:v60+s14+$0x0], $0xffff  }
0x54: {  	v47 =	vor.u32 v9, v50;
	v38 =	vadd.bf16 v49, v38;
	v46 =	vld.idx.msk [tilespmem:v53+s3+$0x0], $0xffff;
	v61 =	vadd.bf16 v54, v44  }
0x55: {  	v49 =	vld.idx.msk [tilespmem:v56+s14+$0x0], $0xffff;
	v52 =	vadd.s32 $0x3F0, v39  }
0x56: {  	v60 =	vor.u32 v10, v50;
	v38 =	vadd.bf16 v51, v38;
	v51 =	vld.idx.msk [tilespmem:v63+s3+$0x0], $0xffff;
	v63 =	vand.u32 $0xFFFF0000, v61  }
0x57: {  	v59 =	vld.idx.msk [tilespmem:v62+s14+$0x0], $0xffff;
	v62 =	vadd.s32 $0x3F0, v40;
	v48 =	vshll.u32 v61, $0x10;
	(xrf2) =	vadd.scan.msk.f32 $0xffff, v63  }
0x58: {  	v53 =	vor.u32 v11, v50;
	v44 =	vld.idx.msk [tilespmem:v45+s14+$0x0], $0xffff;
	(xrf2) =	vadd.scan.msk.f32 $0xffff, v48  }
0x59: {  	v57 =	vadd.s32 $0x3F0, v41;
	v38 =	vadd.bf16 v46, v38;
	v45 =	vld.idx.msk [tilespmem:v47+s14+$0x0], $0xffff  }
0x5a: {  	v52 =	vld.idx.msk [tilespmem:v52+s3+$0x0], $0xffff  }
0x5b: {  	v46 =	vld.idx.msk [tilespmem:v60+s14+$0x0], $0xffff;
	v33 =	vadd.bf16 v33, v38;
	v47 =	vadd.s32 $0x3F0, v43  }
0x5c: {  	v60 =	vld.idx.msk [tilespmem:v62+s3+$0x0], $0xffff;
	v61 =	vor.u32 v13, v50  }
0x5d: {  	v42 =	vadd.bf16 v42, v33;
	v48 =	vld.idx.msk [tilespmem:v53+s14+$0x0], $0xffff;
	v62 =	vadd.s32 $0x3F0, v44;
	v63 =	vadd.bf16 v3, v51  }
0x5e: {  	v50 =	vor.u32 v14, v50;
	v53 =	vld.idx.msk [tilespmem:v57+s3+$0x0], $0xffff  }
0x5f: {  	v0 =	vld.idx.msk [tilespmem:v55+s3+$0x0], $0xffff;
	v56 =	vshll.u32 v42, $0x10;
	v57 =	vadd.s32 $0x3F0, v45;
	v33 =	vadd.bf16 v52, v63  }
0x60: {  	v47 =	vld.idx.msk [tilespmem:v47+s3+$0x0], $0xffff;
	(xrf2) =	vadd.scan.msk.f32 $0xffff, v56;
	v52 =	vadd.s32 $0x3F0, v46  }
0x61: {  	v42 =	vand.u32 $0xFFFF0000, v42;
	v51 =	vld.idx.msk [tilespmem:v61+s14+$0x0], $0xffff;
	v38 =	vadd.bf16 v60, v33;
	v58, _, _ =	vpop (xrf2)  }
0x62: {  	vm1 =	veq.s32 v35, v2;
	v56 =	vld.idx.msk [tilespmem:v62+s3+$0x0], $0xffff;
	(xrf2) =	vadd.scan.msk.f32 $0xffff, v42;
	v62, _, _ =	vpop (xrf2)  }
0x63: {  	v50 =	vld.idx.msk [tilespmem:v50+s14+$0x0], $0xffff;
	v60 =	vadd.s32 $0x3F0, v48;
	v38 =	vadd.bf16 v53, v38;
	v35 =	vbroadcast v62, $0xF  }
0x64: {  	v1 =	vshll.u32 v36, $0x10;
	v55 =	vadd.s32 $0x3F0, v49;
	v63 =	vld.idx.msk [tilespmem:v57+s3+$0x0], $0xffff  }
0x65: {  	v54 =	vld.idx.msk [tilespmem:v52+s3+$0x0], $0xffff;
	v61 =	vbroadcast v58, $0xF;
	v38 =	vadd.bf16 v47, v38;
	v62 =	vnsel vm1, $0x0, v35  }
0x66: {  	v15 =	vand.u32 $0xFFFF0000, v36;
	v58 =	vld.idx.msk [tilespmem:v39+s3+$0x0], $0xffff;
	v39 =	vadd.f32 v62, v1;
	v62 =	vadd.s32 $0x3F0, v51  }
0x67: {  	v33 =	vshll.u32 v34, $0x10;
	v57 =	vld.idx.msk [tilespmem:v40+s3+$0x0], $0xffff;
	v61 =	vnsel vm1, $0x0, v61;
	v35 =	vadd.bf16 v56, v38  }
0x68: {  	s31 =	simm.s32 $0x2;
	v34 =	vand.u32 $0xFFFF0000, v34;
	v53 =	vld.idx.msk [tilespmem:v60+s3+$0x0], $0xffff;
	v38 =	vadd.f32 v61, v15;
	v61 =	vadd.s32 $0x3F0, v50  }
0x69: {  	[tilespmem:$0x1FFA0] =	vst v15;
	v40 =	vmovc v33;
	v52 =	vld.idx.msk [tilespmem:v55+s3+$0x0], $0xffff;
	v55 =	vnsel vm0, $0x3E9, v59;
	v42 =	vmov s31;
	v56 =	vadd.bf16 v63, v35  }
0x6a: {  	[tilespmem:$0x1FFB0] =	vst v1;
	s21 =	simm.s32 $0x3;
	v59 =	vld.idx.msk [tilespmem:v41+s3+$0x0], $0xffff;
	v41 =	vmov v34;
	v47, _, _ =	vpop (xrf2);
	v60 =	vadd.bf16 v3, v0;
	v63 =	vadd.s32 $0x3F0, v55  }
.LBB2_2:
0x6b: {  	p0 =	sne.s32 s21, $0xF;
	v0 =	vshll.u32 v42, $0x8;
	v1 =	vshll.u32 v42, $0x7;
	v54 =	vadd.bf16 v54, v56;
	v56 =	vld.idx.msk [tilespmem:v62+s3+$0x0], $0xffff  }
0x6c: {  	v0 =	vand.u32 $0x800, v0;
	v1 =	vand.u32 $0x380, v1;
	v58 =	vadd.bf16 v58, v60;
	v43 =	vld.idx.msk [tilespmem:v43+s3+$0x0], $0xffff;
	v60, _, _ =	vpop (xrf2)  }
0x6d: {  	v47 =	vbroadcast v47, $0xF;
	v0 =	vor.u32 v1, v0;
	v1 =	vadd.bf16 v53, v54;
	v53 =	vld.idx.msk [tilespmem:v61+s3+$0x0], $0xffff  }
0x6e: {  	v54 =	vor.u32 v2, v0;
	v57 =	vadd.bf16 v57, v58;
	v44 =	vld.idx.msk [tilespmem:v44+s3+$0x0], $0xffff;
	v58 =	vbroadcast v60, $0xF  }
0x6f: {  	v47 =	vnsel vm1, $0x0, v47;
	v1 =	vadd.bf16 v52, v1;
	v52 =	vld.idx.msk [tilespmem:v63+s3+$0x0], $0xffff  }
0x70: {  	v60 =	vor.u32 v4, v0;
	v57 =	vadd.bf16 v59, v57;
	v45 =	vld.idx.msk [tilespmem:v45+s3+$0x0], $0xffff;
	v58 =	vnsel vm1, $0x0, v58  }
0x71: {  	v40 =	vadd.f32 v47, v40;
	v46 =	vld.idx.msk [tilespmem:v46+s3+$0x0], $0xffff;
	v1 =	vadd.bf16 v56, v1  }
0x72: {  	v47 =	vor.u32 v5, v0;
	v41 =	vadd.f32 v58, v41;
	v43 =	vadd.bf16 v43, v57;
	v48 =	vld.idx.msk [tilespmem:v48+s3+$0x0], $0xffff  }
0x73: {  	v54 =	vld.idx.msk [tilespmem:v54+s14+$0x0], $0xffff;
	v1 =	vadd.bf16 v53, v1  }
0x74: {  	v53 =	vor.u32 v6, v0;
	v43 =	vadd.bf16 v44, v43;
	v44 =	vld.idx.msk [tilespmem:v49+s3+$0x0], $0xffff  }
0x75: {  	v56 =	vld.idx.msk [tilespmem:v60+s14+$0x0], $0xffff;
	v1 =	vadd.bf16 v52, v1  }
0x76: {  	v49 =	vor.u32 v7, v0;
	v43 =	vadd.bf16 v45, v43;
	v45 =	vld.idx.msk [tilespmem:v51+s3+$0x0], $0xffff  }
0x77: {  	v51 =	vor.u32 v16, v0;
	v47 =	vld.idx.msk [tilespmem:v47+s14+$0x0], $0xffff;
	v52 =	vshll.u32 v1, $0x10;
	v1 =	vand.u32 $0xFFFF0000, v1  }
0x78: {  	v57 =	vor.u32 v8, v0;
	v43 =	vadd.bf16 v46, v43;
	v46 =	vld.idx.msk [tilespmem:v50+s3+$0x0], $0xffff;
	(xrf2) =	vadd.scan.msk.f32 $0xffff, v1  }
0x79: {  	v1 =	vadd.s32 $0x3F0, v54;
	v59 =	vld.idx.msk [tilespmem:v53+s14+$0x0], $0xffff  }
0x7a: {  	v50 =	vor.u32 v9, v0;
	v48 =	vadd.bf16 v48, v43;
	v53 =	vld.idx.msk [tilespmem:v55+s3+$0x0], $0xffff  }
0x7b: {  	v55 =	vadd.s32 $0x3F0, v56;
	v43 =	vld.idx.msk [tilespmem:v49+s14+$0x0], $0xffff;
	(xrf2) =	vadd.scan.msk.f32 $0xffff, v52  }
0x7c: {  	v49 =	vor.u32 v10, v0;
	v60 =	vld.idx.msk [tilespmem:v51+s14+$0x0], $0xffff;
	v48 =	vadd.bf16 v44, v48  }
0x7d: {  	v51 =	vadd.s32 $0x3F0, v47;
	v44 =	vld.idx.msk [tilespmem:v57+s14+$0x0], $0xffff  }
0x7e: {  	v52 =	vor.u32 v11, v0;
	v1 =	vld.idx.msk [tilespmem:v1+s3+$0x0], $0xffff;
	v48 =	vadd.bf16 v45, v48  }
0x7f: {  	v57 =	vadd.s32 $0x3F0, v59;
	v45 =	vld.idx.msk [tilespmem:v50+s14+$0x0], $0xffff  }
0x80: {  	v50 =	vld.idx.msk [tilespmem:v55+s3+$0x0], $0xffff;
	v55 =	vor.u32 v12, v0;
	v48 =	vadd.bf16 v46, v48  }
0x81: {  	v58 =	vadd.s32 $0x3F0, v43;
	v46 =	vld.idx.msk [tilespmem:v49+s14+$0x0], $0xffff  }
0x82: {  	v61 =	vld.idx.msk [tilespmem:v51+s3+$0x0], $0xffff;
	v51 =	vor.u32 v13, v0;
	v53 =	vadd.bf16 v53, v48;
	v49, _, _ =	vpop (xrf2)  }
0x83: {  	v62 =	vadd.s32 $0x3F0, v44;
	v48 =	vld.idx.msk [tilespmem:v52+s14+$0x0], $0xffff;
	v52 =	vbroadcast v49, $0xF  }
0x84: {  	vm1 =	veq.s32 v37, v2;
	v0 =	vor.u32 v14, v0;
	v1 =	vadd.bf16 v3, v1;
	v57 =	vld.idx.msk [tilespmem:v57+s3+$0x0], $0xffff  }
0x85: {  	v63 =	vadd.s32 $0x3F0, v45;
	v15 =	vshll.u32 v53, $0x10;
	v49 =	vld.idx.msk [tilespmem:v55+s14+$0x0], $0xffff;
	v52 =	vnsel vm1, $0x0, v52;
	v55, _, _ =	vpop (xrf2)  }
0x86: {  	v53 =	vand.u32 $0xFFFF0000, v53;
	v1 =	vadd.bf16 v50, v1;
	v58 =	vld.idx.msk [tilespmem:v58+s3+$0x0], $0xffff;
	v38 =	vadd.f32 v52, v38;
	(xrf2) =	vadd.scan.msk.f32 $0xffff, v15  }
0x87: {  	v37 =	vmov v42;
	v52 =	vadd.s32 $0x3F0, v46;
	v55 =	vbroadcast v55, $0xF;
	v51 =	vld.idx.msk [tilespmem:v51+s14+$0x0], $0xffff  }
0x88: {  	v1 =	vadd.bf16 v61, v1;
	v42 =	vld.idx.msk [tilespmem:v62+s3+$0x0], $0xffff  }
0x89: {  	v61 =	vadd.s32 $0x3F0, v48;
	v50 =	vld.idx.msk [tilespmem:v0+s14+$0x0], $0xffff;
	v0 =	vnsel vm1, $0x0, v55;
	(xrf2) =	vadd.scan.msk.f32 $0xffff, v53  }
0x8a: {  	v1 =	vadd.bf16 v57, v1;
	v55 =	vld.idx.msk [tilespmem:v63+s3+$0x0], $0xffff;
	v39 =	vadd.f32 v0, v39  }
0x8b: {  	v63 =	vadd.s32 $0x3F0, v49;
	v0 =	vld.idx.msk [tilespmem:v54+s3+$0x0], $0xffff  }
0x8c: {  	v1 =	vadd.bf16 v58, v1;
	v54 =	vld.idx.msk [tilespmem:v52+s3+$0x0], $0xffff  }
.Ltmp0:
0x8d: {  	v62 =	vadd.s32 $0x3F0, v51;
	v58 =	vld.idx.msk [tilespmem:v56+s3+$0x0], $0xffff;
	(pc) =	sbr.rel @p0 .LBB2_2-.Ltmp0, $4  }
0x8e: {  	v1 =	vadd.bf16 v42, v1;
	v53 =	vld.idx.msk [tilespmem:v61+s3+$0x0], $0xffff  }
0x8f: {  	v61 =	vadd.s32 $0x3F0, v50;
	v57 =	vld.idx.msk [tilespmem:v47+s3+$0x0], $0xffff  }
0x90: {  	v56 =	vadd.bf16 v55, v1;
	v55 =	vnsel vm0, $0x3E9, v60;
	v52 =	vld.idx.msk [tilespmem:v63+s3+$0x0], $0xffff;
	v47, _, _ =	vpop (xrf2)  }
0x91: {  	v42 =	vmov s21;
	s21 =	sadd.s32 $0x1, s21;
	v60 =	vadd.bf16 v3, v0;
	v63 =	vadd.s32 $0x3F0, v55;
	v59 =	vld.idx.msk [tilespmem:v59+s3+$0x0], $0xffff  }
0x92: {  	_ =	sdelay $0x1  }
0x93: {  	v0 =	vshll.u32 v42, $0x8;
	v1 =	vshll.u32 v42, $0x7  }
0x94: {  	v0 =	vand.u32 $0x800, v0;
	v1 =	vand.u32 $0x380, v1  }
0x95: {  	v0 =	vor.u32 v1, v0;
	v1 =	vld.idx.msk [tilespmem:v61+s3+$0x0], $0xffff;
	_ =	sdelay $0x4  }
0x96: {  	[tilespmem:$0x1FF50] =	vst v1;
	v1 =	vld.idx.msk [tilespmem:v44+s3+$0x0], $0xffff;
	_ =	sdelay $0x4  }
0x97: {  	[tilespmem:$0x1FF00] =	vst v1;
	v1 =	vld.idx.msk [tilespmem:v63+s3+$0x0], $0xffff;
	_ =	sdelay $0x4  }
0x98: {  	[tilespmem:$0x1FF70] =	vst v1;
	v1 =	vld.idx.msk [tilespmem:v46+s3+$0x0], $0xffff  }
0x99: {  	v15 =	vld.idx.msk [tilespmem:v62+s3+$0x0], $0xffff;
	_ =	sdelay $0x1  }
0x9a: {  	v17 =	vor.u32 v4, v0  }
0x9b: {  	v44 =	vor.u32 v9, v0  }
0x9c: {  	[tilespmem:$0x1FF10] =	vst v1;
	v1 =	vld.idx.msk [tilespmem:v48+s3+$0x0], $0xffff  }
0x9d: {  	v36 =	vor.u32 v16, v0;
	[tilespmem:$0x1FF30] =	vst v15;
	v15 =	vld.idx.msk [tilespmem:v43+s3+$0x0], $0xffff  }
0x9e: {  	v43 =	vor.u32 v2, v0;
	v63 =	vld.idx.msk [tilespmem:v45+s3+$0x0], $0xffff  }
0x9f: {  	v18 =	vor.u32 v5, v0;
	v45 =	vld.idx.msk [tilespmem:v17+s14+$0x0], $0xffff  }
0xa0: {  	v44 =	vld.idx.msk [tilespmem:v44+s14+$0x0], $0xffff  }
0xa1: {  	[tilespmem:$0x1FF20] =	vst v1;
	v1 =	vld.idx.msk [tilespmem:v49+s3+$0x0], $0xffff  }
0xa2: {  	v19 =	vor.u32 v6, v0;
	v62 =	vld.idx.msk [tilespmem:v36+s14+$0x0], $0xffff  }
0xa3: {  	v61 =	vld.idx.msk [tilespmem:v43+s14+$0x0], $0xffff  }
0xa4: {  	v46 =	vld.idx.msk [tilespmem:v18+s14+$0x0], $0xffff  }
0xa5: {  	v35 =	vor.u32 v7, v0;
	[tilespmem:$0x1FEF0] =	vst v15;
	v15 =	vld.idx.msk [tilespmem:v55+s3+$0x0], $0xffff  }
0xa6: {  	v58 =	vadd.bf16 v58, v60;
	[tilespmem:$0x1FF40] =	vst v1;
	v1 =	vld.idx.msk [tilespmem:v51+s3+$0x0], $0xffff  }
0xa7: {  	v48 =	vld.idx.msk [tilespmem:v19+s14+$0x0], $0xffff  }
0xa8: {  	v57 =	vadd.bf16 v57, v58;
	v58 =	vadd.s32 $0x3F0, v44;
	v44 =	vld.idx.msk [tilespmem:v44+s3+$0x0], $0xffff;
	v19 =	vadd.s32 $0x3F0, v45  }
0xa9: {  	v55 =	vadd.s32 $0x3F0, v46;
	v45 =	vld.idx.msk [tilespmem:v45+s3+$0x0], $0xffff  }
0xaa: {  	v49 =	vld.idx.msk [tilespmem:v35+s14+$0x0], $0xffff  }
0xab: {  	v35 =	vor.u32 v10, v0;
	[tilespmem:$0x1FF60] =	vst v1;
	v1 =	vld.idx.msk [tilespmem:v50+s3+$0x0], $0xffff  }
0xac: {  	[tilespmem:$0x1FF90] =	vst v15;
	v15 =	vor.u32 v11, v0;
	v46 =	vld.idx.msk [tilespmem:v46+s3+$0x0], $0xffff  }
0xad: {  	v18 =	vadd.s32 $0x3F0, v48;
	v19 =	vld.idx.msk [tilespmem:v19+s3+$0x0], $0xffff  }
0xae: {  	v36 =	vld.idx.msk [tilespmem:v55+s3+$0x0], $0xffff  }
0xaf: {  	v43 =	vor.u32 v8, v0;
	v48 =	vld.idx.msk [tilespmem:v48+s3+$0x0], $0xffff  }
0xb0: {  	v35 =	vld.idx.msk [tilespmem:v35+s14+$0x0], $0xffff;
	[tilespmem:$0x1FF80] =	vst v1;
	v1 =	vadd.s32 $0x3F0, v61  }
0xb1: {  	v51 =	vld.idx.msk [tilespmem:v15+s14+$0x0], $0xffff  }
0xb2: {  	v17 =	vadd.s32 $0x3F0, v49;
	v18 =	vld.idx.msk [tilespmem:v18+s3+$0x0], $0xffff  }
0xb3: {  	v15 =	vor.u32 v13, v0;
	v61 =	vld.idx.msk [tilespmem:v61+s3+$0x0], $0xffff  }
0xb4: {  	v50 =	vld.idx.msk [tilespmem:v43+s14+$0x0], $0xffff  }
0xb5: {  	v43 =	vld.idx.msk [tilespmem:v1+s3+$0x0], $0xffff  }
0xb6: {  	v49 =	vld.idx.msk [tilespmem:v49+s3+$0x0], $0xffff;
	v1 =	vor.u32 v12, v0  }
0xb7: {  	v17 =	vld.idx.msk [tilespmem:v17+s3+$0x0], $0xffff  }
0xb8: {  	v15 =	vld.idx.msk [tilespmem:v15+s14+$0x0], $0xffff;
	v0 =	vor.u32 v14, v0;
	v60 =	vadd.bf16 v3, v61  }
0xb9: {  	v57 =	vadd.bf16 v59, v57;
	v59 =	vadd.s32 $0x3F0, v35;
	v35 =	vld.idx.msk [tilespmem:v35+s3+$0x0], $0xffff  }
0xba: {  	v61 =	vadd.bf16 v45, v60;
	v45 =	vld [tilespmem:$0x1FEF0];
	v43 =	vadd.bf16 v3, v43  }
0xbb: {  	v55 =	vld.idx.msk [tilespmem:v1+s14+$0x0], $0xffff;
	v1 =	vadd.s32 $0x3F0, v50  }
0xbc: {  	v60 =	vld [tilespmem:$0x1FF00];
	v19 =	vadd.bf16 v19, v43  }
0xbd: {  	v0 =	vld.idx.msk [tilespmem:v0+s14+$0x0], $0xffff  }
0xbe: {  	v50 =	vld.idx.msk [tilespmem:v50+s3+$0x0], $0xffff;
	v19 =	vadd.bf16 v36, v19  }
0xbf: {  	v36 =	vld.idx.msk [tilespmem:v58+s3+$0x0], $0xffff  }
0xc0: {  	v1 =	vld.idx.msk [tilespmem:v1+s3+$0x0], $0xffff;
	v18 =	vadd.bf16 v18, v19;
	v19 =	vadd.bf16 v46, v61  }
0xc1: {  	v43 =	vadd.bf16 v45, v57;
	v45 =	vadd.s32 $0x3F0, v51;
	v61 =	vadd.bf16 v54, v56;
	v54 =	vld [tilespmem:$0x1FF40]  }
0xc2: {  	v17 =	vadd.bf16 v17, v18;
	v18 =	vadd.bf16 v48, v19;
	v19 =	vld.idx.msk [tilespmem:v59+s3+$0x0], $0xffff  }
0xc3: {  	v46 =	vadd.s32 $0x3F0, v55;
	v59 =	vld [tilespmem:$0x1FF10]  }
0xc4: {  	v58 =	vadd.bf16 v53, v61;
	v53 =	vld [tilespmem:$0x1FF30]  }
0xc5: {  	v56 =	vld.idx.msk [tilespmem:v55+s3+$0x0], $0xffff  }
0xc6: {  	v57 =	vadd.s32 $0x3F0, v15;
	v1 =	vadd.bf16 v1, v17;
	v17 =	vadd.bf16 v49, v18;
	v18 =	vld.idx.msk [tilespmem:v45+s3+$0x0], $0xffff  }
0xc7: {  	v45 =	vadd.bf16 v52, v58;
	v52 =	vld.idx.msk [tilespmem:v51+s3+$0x0], $0xffff  }
0xc8: {  	v43 =	vadd.bf16 v60, v43;
	v60 =	vadd.s32 $0x3F0, v0;
	v61 =	vld.idx.msk [tilespmem:v46+s3+$0x0], $0xffff  }
0xc9: {  	v46 =	vnsel vm0, $0x3E9, v62;
	v62 =	vld [tilespmem:$0x1FF20];
	v1 =	vadd.bf16 v36, v1  }
0xca: {  	v43 =	vadd.bf16 v63, v43;
	v58 =	vld [tilespmem:$0x1FF60]  }
0xcb: {  	v17 =	vadd.bf16 v50, v17;
	v1 =	vadd.bf16 v19, v1;
	v19 =	vld.idx.msk [tilespmem:v57+s3+$0x0], $0xffff  }
0xcc: {  	v43 =	vadd.bf16 v59, v43;
	v57 =	vld [tilespmem:$0x1FF50]  }
0xcd: {  	v17 =	vadd.bf16 v44, v17;
	v1 =	vadd.bf16 v18, v1;
	v18 =	vld.idx.msk [tilespmem:v60+s3+$0x0], $0xffff  }
0xce: {  	v63 =	vadd.s32 $0x3F0, v46;
	v43 =	vadd.bf16 v62, v43;
	v60 =	vld [tilespmem:$0x1FF70]  }
0xcf: {  	v17 =	vadd.bf16 v35, v17;
	v1 =	vadd.bf16 v61, v1;
	v61 =	vld [tilespmem:$0x1FF80]  }
0xd0: {  	v15 =	vld.idx.msk [tilespmem:v15+s3+$0x0], $0xffff;
	v44 =	vadd.bf16 v53, v45;
	v43 =	vadd.bf16 v54, v43  }
0xd1: {  	v17 =	vadd.bf16 v52, v17;
	v1 =	vadd.bf16 v19, v1;
	v19 =	vld [tilespmem:$0x1FF90]  }
0xd2: {  	v0 =	vld.idx.msk [tilespmem:v0+s3+$0x0], $0xffff;
	v35 =	vadd.bf16 v57, v44;
	v43 =	vadd.bf16 v58, v43  }
0xd3: {  	v59 =	vld.idx.msk [tilespmem:v63+s3+$0x0], $0xffff;
	v17 =	vadd.bf16 v56, v17  }
0xd4: {  	v35 =	vadd.bf16 v60, v35;
	v43 =	vadd.bf16 v61, v43  }
0xd5: {  	v62 =	vld.idx.msk [tilespmem:v46+s3+$0x0], $0xffff;
	v1 =	vadd.bf16 v18, v1  }
0xd6: {  	v15 =	vadd.bf16 v15, v17;
	v63 =	vand.u32 $0xFFFF0000, v35;
	v19 =	vadd.bf16 v19, v43  }
0xd7: {  	v17 =	vshll.u32 v35, $0x10;
	(xrf2) =	vadd.scan.msk.f32 $0xffff, v63  }
0xd8: {  	v1 =	vadd.bf16 v59, v1;
	v0 =	vadd.bf16 v0, v15;
	(xrf2) =	vadd.scan.msk.f32 $0xffff, v17;
	v17 =	vshll.u32 v19, $0x10  }
0xd9: {  	v15 =	vand.u32 $0xFFFF0000, v19;
	(xrf2) =	vadd.scan.msk.f32 $0xffff, v17  }
0xda: {  	v0 =	vadd.bf16 v62, v0;
	(xrf2) =	vadd.scan.msk.f32 $0xffff, v15;
	v15 =	vand.u32 $0xFFFF0000, v1  }
0xdb: {  	v1 =	vshll.u32 v1, $0x10;
	(xrf2) =	vadd.scan.msk.f32 $0xffff, v15  }
0xdc: {  	(xrf2) =	vadd.scan.msk.f32 $0xffff, v1;
	v1 =	vshll.u32 v0, $0x10  }
0xdd: {  	v0 =	vand.u32 $0xFFFF0000, v0;
	(xrf2) =	vadd.scan.msk.f32 $0xffff, v1  }
0xde: {  	(xrf2) =	vadd.scan.msk.f32 $0xffff, v0;
	_ =	sdelay $0x1  }
0xdf: {  	v1 =	vbroadcast v47, $0xF;
	v0, _, _ =	vpop (xrf2)  }
0xe0: {  	v15, _, _ =	vpop (xrf2);
	v0 =	vbroadcast v0, $0xF  }
0xe1: {  	v1 =	vnsel vm1, $0x0, v1;
	v17, _, _ =	vpop (xrf2);
	v15 =	vbroadcast v15, $0xF  }
0xe2: {  	v0 =	vnsel vm1, $0x0, v0;
	vm1 =	veq.s32 v37, v2;
	v17 =	vbroadcast v17, $0xF;
	v18, _, _ =	vpop (xrf2)  }
0xe3: {  	v1 =	vadd.f32 v1, v40;
	v0 =	vadd.f32 v0, v41;
	v15 =	vnsel vm1, $0x0, v15;
	v19, _, _ =	vpop (xrf2)  }
0xe4: {  	v17 =	vnsel vm1, $0x0, v17;
	v18 =	vbroadcast v18, $0xF;
	v44, _, _ =	vpop (xrf2);
	v19 =	vbroadcast v19, $0xF  }
0xe5: {  	v15 =	vadd.f32 v15, v38;
	v17 =	vadd.f32 v17, v39;
	v45, _, _ =	vpop (xrf2)  }
0xe6: {  	v18 =	vnsel vm1, $0x0, v18;
	v35 =	vbroadcast v44, $0xF;
	v19 =	vnsel vm1, $0x0, v19;
	v46, _, _ =	vpop (xrf2)  }
0xe7: {  	v1 =	vadd.f32 v18, v1;
	vm1 =	veq.s32 v42, v2;
	v18 =	vbroadcast v45, $0xF;
	v47, _, _ =	vpop (xrf2)  }
0xe8: {  	v35 =	vnsel vm1, $0x0, v35;
	v37 =	vbroadcast v46, $0xF;
	v36 =	vbroadcast v47, $0xF  }
0xe9: {  	v0 =	vadd.f32 v19, v0;
	v15 =	vadd.f32 v35, v15;
	v18 =	vnsel vm1, $0x0, v18  }
0xea: {  	v17 =	vadd.f32 v18, v17;
	v18 =	vnsel vm1, $0x0, v37;
	v19 =	vnsel vm1, $0x0, v36  }
0xeb: {  	v1 =	vadd.f32 v18, v1;
	v0 =	vadd.f32 v19, v0;
	_ =	sdelay $0x1  }
0xec: {  	v19 =	vmax.f32 v17, v15;
	v18 =	vmax.f32 v1, v0  }
0xed: {  	v18 =	vmax.f32 v18, v19  }
0xee: {  	v1 =	vsub.f32 v1, v18  }
0xef: {  	v0 =	vsub.f32 v0, v18  }
0xf0: {  	v17 =	vsub.f32 v17, v18;
	v1 =	vmul.f32 $1.442695020e+00, v1  }
0xf1: {  	v15 =	vsub.f32 v15, v18;
	v0 =	vmul.f32 $1.442695020e+00, v0  }
0xf2: {  	(erf) = vpow2.f32 v1;
	v1 =	vmul.f32 $1.442695020e+00, v17  }
0xf3: {  	(erf) = vpow2.f32 v0;
	v0 =	vmul.f32 $1.442695020e+00, v15  }
0xf4: {  	(erf) = vpow2.f32 v1  }
0xf5: {  	(erf) = vpow2.f32 v0;
	_ =	sdelay $0x5  }
0xf6: {  	v0 =	vpop (erf)  }
0xf7: {  	v1 =	vpop (erf)  }
0xf8: {  	v15 =	vpop (erf)  }
0xf9: {  	v17 =	vpop (erf)  }
0xfa: {  	v18 =	vadd.f32 v1, v0;
	v19 =	vadd.f32 v17, v15;
	_ =	sdelay $0x1  }
0xfb: {  	v18 =	vadd.f32 v19, v18;
	_ =	sdelay $0x1  }
0xfc: {  	(erf) = vrcp.f32 v18;
	_ =	sdelay $0x3  }
0xfd: {  	v19 =	vld [tilespmem:$0x1FFE0]  }
0xfe: {  	v48 =	vld [tilespmem:$0x1FFC0];
	_ =	sdelay $0x3  }
0xff: {  	v18 =	vpop (erf)  }
0x100: {  	v0 =	vmul.f32 v18, v0  }
0x101: {  	v1 =	vmul.f32 v18, v1  }
0x102: {  	[tilespmem:v19+s18+$0x0] =	vst.idx.msk $0xffff, v0  }
0x103: {  	v0 =	vmul.f32 v18, v15;
	[tilespmem:v48+s18+$0x0] =	vst.idx.msk $0xffff, v1;
	v1 =	vmul.f32 v18, v17;
	v18 =	vld [tilespmem:$0x1FFD0];
	_ =	sdelay $0x3  }
0x104: {  	s21 =	simm.s32 $0x0  }
0x105: {  	v38 =	vmov s21  }
0x106: {  	v15 =	vshll.u32 v38, $0x8;
	v19 =	vshll.u32 v38, $0x7  }
0x107: {  	v15 =	vand.u32 $0x800, v15;
	v17 =	vand.u32 $0x380, v19  }
0x108: {  	[tilespmem:v18+s18+$0x0] =	vst.idx.msk $0xffff, v0;
	v0 =	vor.u32 v15, v17;
	v15 =	vld [tilespmem:$0x1FFF0];
	_ =	sdelay $0x7  }
0x109: {  	[tilespmem:v15+s18+$0x0] =	vst.idx.msk $0xffff, v1;
	v1 =	vor.u32 v20, v0  }
0x10a: {  	v15 =	vor.u32 v21, v0;
	_ =	swait.ge [sflag:s19], $0x1000  }
0x10b: {  	v17 =	vor.u32 v22, v0;
	[sflag:s19] =	ssyncset.done $0x0  }
0x10c: {  	v18 =	vor.u32 v23, v0;
	[sflag:s19] =	ssyncadd.s32 $0xFFFFF000  }
0x10d: {  	v19 =	vor.u32 v24, v0;
	[tilespmem:s14], [sflag:$0x1] =	stream.linear.gather [hbm4b:s6+s21], $0x1000, $0x38;
	[tilespmem:$0x6800] =	vst v63  }
0x10e: {  	v49 =	vor.u32 v32, v0;
	v1 =	vld.idx.msk [tilespmem:v1+s14+$0x0], $0xffff  }
0x10f: {  	v50 =	vor.u32 v25, v0;
	v15 =	vld.idx.msk [tilespmem:v15+s14+$0x0], $0xffff  }
0x110: {  	v52 =	vor.u32 v26, v0;
	v17 =	vld.idx.msk [tilespmem:v17+s14+$0x0], $0xffff  }
0x111: {  	v54 =	vor.u32 v27, v0;
	v18 =	vld.idx.msk [tilespmem:v18+s14+$0x0], $0xffff  }
0x112: {  	v56 =	vor.u32 v28, v0;
	v19 =	vld.idx.msk [tilespmem:v19+s14+$0x0], $0xffff  }
0x113: {  	v58 =	vor.u32 v29, v0;
	v35 =	vld.idx.msk [tilespmem:v49+s14+$0x0], $0xffff  }
0x114: {  	v60 =	vor.u32 v30, v0;
	v36 =	vld.idx.msk [tilespmem:v50+s14+$0x0], $0xffff  }
0x115: {  	v0 =	vor.u32 v31, v0;
	v39 =	vld.idx.msk [tilespmem:v52+s14+$0x0], $0xffff  }
0x116: {  	v41 =	vld.idx.msk [tilespmem:v54+s14+$0x0], $0xffff  }
0x117: {  	v43 =	vld.idx.msk [tilespmem:v56+s14+$0x0], $0xffff  }
0x118: {  	v45 =	vld.idx.msk [tilespmem:v58+s14+$0x0], $0xffff;
	v51 =	vadd.s32 $0x3F0, v1  }
0x119: {  	v47 =	vld.idx.msk [tilespmem:v60+s14+$0x0], $0xffff  }
0x11a: {  	v0 =	vld.idx.msk [tilespmem:v0+s14+$0x0], $0xffff;
	v53 =	vadd.s32 $0x3F0, v15  }
0x11b: {  	v1 =	vld.idx.msk [tilespmem:v1+s3+$0x0], $0xffff  }
0x11c: {  	v55 =	vadd.s32 $0x3F0, v17;
	v15 =	vld.idx.msk [tilespmem:v15+s3+$0x0], $0xffff  }
0x11d: {  	v37 =	vld.idx.msk [tilespmem:v51+s3+$0x0], $0xffff  }
0x11e: {  	v57 =	vadd.s32 $0x3F0, v18;
	v17 =	vld.idx.msk [tilespmem:v17+s3+$0x0], $0xffff  }
0x11f: {  	v40 =	vld.idx.msk [tilespmem:v53+s3+$0x0], $0xffff  }
0x120: {  	v59 =	vadd.s32 $0x3F0, v19;
	v18 =	vld.idx.msk [tilespmem:v18+s3+$0x0], $0xffff  }
0x121: {  	v42 =	vld.idx.msk [tilespmem:v55+s3+$0x0], $0xffff  }
0x122: {  	v61 =	vadd.s32 $0x3F0, v36;
	v19 =	vld.idx.msk [tilespmem:v19+s3+$0x0], $0xffff;
	v37 =	vadd.bf16 v3, v37  }
0x123: {  	v62 =	vadd.s32 $0x3F0, v39;
	v44 =	vld.idx.msk [tilespmem:v57+s3+$0x0], $0xffff  }
0x124: {  	v63 =	vadd.s32 $0x3F0, v41;
	v36 =	vld.idx.msk [tilespmem:v36+s3+$0x0], $0xffff;
	v37 =	vadd.bf16 v40, v37  }
0x125: {  	v46 =	vld.idx.msk [tilespmem:v59+s3+$0x0], $0xffff  }
0x126: {  	v39 =	vld.idx.msk [tilespmem:v39+s3+$0x0], $0xffff;
	v42 =	vadd.bf16 v42, v37  }
0x127: {  	s30 =	simm.s32 $0x1;
	v56 =	vadd.s32 $0x3F0, v43;
	v58 =	vadd.s32 $0x3F0, v47;
	v48 =	vld.idx.msk [tilespmem:v61+s3+$0x0], $0xffff  }
0x128: {  	v49 =	vld.idx.msk [tilespmem:v62+s3+$0x0], $0xffff;
	v57 =	vadd.s32 $0x3F0, v45;
	v37 =	vmov s30;
	v42 =	vadd.bf16 v44, v42  }
0x129: {  	v50 =	vld.idx.msk [tilespmem:v63+s3+$0x0], $0xffff;
	v1 =	vadd.bf16 v3, v1;
	v62 =	vshll.u32 v37, $0x8;
	v63 =	vshll.u32 v37, $0x7  }
0x12a: {  	v41 =	vld.idx.msk [tilespmem:v41+s3+$0x0], $0xffff;
	v44 =	vand.u32 $0x800, v62;
	v55 =	vand.u32 $0x380, v63;
	v42 =	vadd.bf16 v46, v42  }
0x12b: {  	v60 =	vadd.s32 $0x3F0, v0;
	v0 =	vld.idx.msk [tilespmem:v0+s3+$0x0], $0xffff;
	v1 =	vadd.bf16 v15, v1;
	v46 =	vor.u32 v44, v55  }
0x12c: {  	v59 =	vld.idx.msk [tilespmem:v56+s3+$0x0], $0xffff;
	v15 =	vor.u32 v20, v46;
	v42 =	vadd.bf16 v48, v42  }
0x12d: {  	v53 =	vld.idx.msk [tilespmem:v58+s3+$0x0], $0xffff;
	v1 =	vadd.bf16 v17, v1  }
0x12e: {  	v35 =	vnsel vm0, $0x3E9, v35;
	v58 =	vld.idx.msk [tilespmem:v43+s3+$0x0], $0xffff;
	v17 =	vor.u32 v21, v46;
	v42 =	vadd.bf16 v49, v42  }
0x12f: {  	v61 =	vadd.s32 $0x3F0, v35;
	v52 =	vld.idx.msk [tilespmem:v57+s3+$0x0], $0xffff;
	v1 =	vadd.bf16 v18, v1  }
0x130: {  	v45 =	vld.idx.msk [tilespmem:v45+s3+$0x0], $0xffff;
	v18 =	vor.u32 v22, v46;
	v42 =	vadd.bf16 v50, v42  }
0x131: {  	v1 =	vadd.bf16 v19, v1;
	v19 =	vor.u32 v23, v46;
	v15 =	vld.idx.msk [tilespmem:v15+s14+$0x0], $0xffff  }
0x132: {  	v57 =	vld.idx.msk [tilespmem:v60+s3+$0x0], $0xffff;
	v60 =	vor.u32 v32, v46;
	v40 =	vadd.bf16 v59, v42  }
0x133: {  	v1 =	vadd.bf16 v36, v1;
	v17 =	vld.idx.msk [tilespmem:v17+s14+$0x0], $0xffff  }
0x134: {  	v48 =	vld.idx.msk [tilespmem:v61+s3+$0x0], $0xffff;
	v59 =	vor.u32 v24, v46;
	v40 =	vadd.bf16 v52, v40  }
0x135: {  	v1 =	vadd.bf16 v39, v1;
	v61 =	vor.u32 v25, v46;
	v18 =	vld.idx.msk [tilespmem:v18+s14+$0x0], $0xffff  }
0x136: {  	v19 =	vld.idx.msk [tilespmem:v19+s14+$0x0], $0xffff;
	v62 =	vadd.s32 $0x3F0, v15;
	v40 =	vadd.bf16 v53, v40  }
0x137: {  	v1 =	vadd.bf16 v41, v1;
	v55 =	vld.idx.msk [tilespmem:v60+s14+$0x0], $0xffff  }
0x138: {  	v42 =	vld.idx.msk [tilespmem:v47+s3+$0x0], $0xffff;
	v40 =	vadd.bf16 v57, v40;
	v57 =	vadd.s32 $0x3F0, v17  }
0x139: {  	v63 =	vor.u32 v26, v46;
	v1 =	vadd.bf16 v58, v1;
	v43 =	vld.idx.msk [tilespmem:v59+s14+$0x0], $0xffff  }
0x13a: {  	v44 =	vld.idx.msk [tilespmem:v61+s14+$0x0], $0xffff;
	v59 =	vadd.s32 $0x3F0, v18  }
0x13b: {  	v58 =	vor.u32 v27, v46;
	v1 =	vadd.bf16 v45, v1;
	v60 =	vld.idx.msk [tilespmem:v62+s3+$0x0], $0xffff  }
0x13c: {  	v35 =	vld.idx.msk [tilespmem:v35+s3+$0x0], $0xffff;
	v56 =	vadd.s32 $0x3F0, v19  }
0x13d: {  	v61 =	vor.u32 v28, v46;
	v1 =	vadd.bf16 v42, v1;
	v41 =	vld.idx.msk [tilespmem:v57+s3+$0x0], $0xffff  }
0x13e: {  	v45 =	vld.idx.msk [tilespmem:v63+s14+$0x0], $0xffff;
	v40 =	vadd.bf16 v48, v40;
	v62 =	vadd.s32 $0x3F0, v43  }
0x13f: {  	v0 =	vadd.bf16 v0, v1;
	v1 =	vld.idx.msk [tilespmem:v59+s3+$0x0], $0xffff  }
0x140: {  	v47 =	vld.idx.msk [tilespmem:v58+s14+$0x0], $0xffff;
	v58 =	vadd.s32 $0x3F0, v44;
	v54 =	vand.u32 $0xFFFF0000, v40;
	v59 =	vadd.bf16 v3, v60  }
0x141: {  	v63 =	vor.u32 v30, v46;
	(xrf2) =	vadd.scan.msk.f32 $0xffff, v54;
	v60 =	vld.idx.msk [tilespmem:v56+s3+$0x0], $0xffff  }
0x142: {  	v48 =	vld.idx.msk [tilespmem:v61+s14+$0x0], $0xffff;
	v0 =	vadd.bf16 v35, v0;
	v40 =	vshll.u32 v40, $0x10;
	v35 =	vadd.bf16 v41, v59  }
0x143: {  	(xrf2) =	vadd.scan.msk.f32 $0xffff, v40;
	v40 =	vld.idx.msk [tilespmem:v62+s3+$0x0], $0xffff  }
0x144: {  	v57 =	vor.u32 v29, v46;
	v1 =	vadd.bf16 v1, v35  }
0x145: {  	v62 =	vld.idx.msk [tilespmem:v58+s3+$0x0], $0xffff  }
0x146: {  	v46 =	vor.u32 v31, v46;
	v1 =	vadd.bf16 v60, v1  }
0x147: {  	v51 =	vld.idx.msk [tilespmem:v63+s14+$0x0], $0xffff;
	v61 =	vadd.s32 $0x3F0, v45  }
0x148: {  	v15 =	vld.idx.msk [tilespmem:v15+s3+$0x0], $0xffff;
	v56 =	vshll.u32 v0, $0x10;
	v63 =	vadd.s32 $0x3F0, v48;
	v1 =	vadd.bf16 v40, v1  }
0x149: {  	(xrf2) =	vadd.scan.msk.f32 $0xffff, v56;
	v49 =	vld.idx.msk [tilespmem:v57+s14+$0x0], $0xffff  }
0x14a: {  	v0 =	vand.u32 $0xFFFF0000, v0;
	v57 =	vadd.s32 $0x3F0, v47;
	v1 =	vadd.bf16 v62, v1;
	v62 =	vld [tilespmem:$0x1FFA0]  }
0x14b: {  	v50 =	vld.idx.msk [tilespmem:v46+s14+$0x0], $0xffff;
	v58, _, _ =	vpop (xrf2);
	(xrf2) =	vadd.scan.msk.f32 $0xffff, v0  }
0x14c: {  	v46 =	vld.idx.msk [tilespmem:v61+s3+$0x0], $0xffff;
	v59 =	vbroadcast v58, $0xF  }
0x14d: {  	vm1 =	veq.s32 v38, v2;
	v53 =	vld.idx.msk [tilespmem:v63+s3+$0x0], $0xffff  }
0x14e: {  	v63 =	vld [tilespmem:$0x1FFB0];
	v52 =	vadd.s32 $0x3F0, v49;
	v60, _, _ =	vpop (xrf2);
	v39 =	vnsel vm1, $0x0, v59  }
0x14f: {  	v54 =	vld.idx.msk [tilespmem:v57+s3+$0x0], $0xffff;
	v61 =	vbroadcast v60, $0xF;
	v38 =	vadd.f32 v39, v62;
	v62 =	vadd.s32 $0x3F0, v51  }
0x150: {  	v58 =	vld.idx.msk [tilespmem:v17+s3+$0x0], $0xffff  }
0x151: {  	s31 =	simm.s32 $0x2;
	v57 =	vld.idx.msk [tilespmem:v18+s3+$0x0], $0xffff;
	v17 =	vnsel vm1, $0x0, v61;
	v61 =	vadd.s32 $0x3F0, v50  }
0x152: {  	v55 =	vnsel vm0, $0x3E9, v55;
	v42 =	vmov s31;
	v41 =	vmovc v34;
	v40 =	vmovc v33;
	v59 =	vld.idx.msk [tilespmem:v19+s3+$0x0], $0xffff;
	v56 =	vadd.bf16 v46, v1  }
0x153: {  	s21 =	simm.s32 $0x3;
	v60 =	vadd.bf16 v3, v15;
	v52 =	vld.idx.msk [tilespmem:v52+s3+$0x0], $0xffff;
	v46, _, _ =	vpop (xrf2);
	v39 =	vadd.f32 v17, v63;
	v63 =	vadd.s32 $0x3F0, v55  }
.LBB2_4:
0x154: {  	p0 =	sne.s32 s21, $0xF;
	v0 =	vshll.u32 v42, $0x8;
	v1 =	vshll.u32 v42, $0x7;
	v15 =	vadd.bf16 v54, v56;
	v17 =	vld.idx.msk [tilespmem:v62+s3+$0x0], $0xffff  }
0x155: {  	v0 =	vand.u32 $0x800, v0;
	v1 =	vand.u32 $0x380, v1;
	v18 =	vadd.bf16 v58, v60;
	v19 =	vld.idx.msk [tilespmem:v43+s3+$0x0], $0xffff;
	v35, _, _ =	vpop (xrf2)  }
0x156: {  	v36 =	vbroadcast v46, $0xF;
	v0 =	vor.u32 v0, v1;
	v1 =	vadd.bf16 v53, v15;
	v15 =	vld.idx.msk [tilespmem:v61+s3+$0x0], $0xffff  }
0x157: {  	v35 =	vbroadcast v35, $0xF;
	v43 =	vor.u32 v20, v0;
	v18 =	vadd.bf16 v57, v18;
	v44 =	vld.idx.msk [tilespmem:v44+s3+$0x0], $0xffff  }
0x158: {  	v36 =	vnsel vm1, $0x0, v36;
	v1 =	vadd.bf16 v52, v1;
	v46 =	vld.idx.msk [tilespmem:v63+s3+$0x0], $0xffff  }
0x159: {  	v52 =	vor.u32 v21, v0;
	v35 =	vnsel vm1, $0x0, v35;
	v18 =	vadd.bf16 v59, v18;
	v45 =	vld.idx.msk [tilespmem:v45+s3+$0x0], $0xffff  }
0x15a: {  	v40 =	vadd.f32 v36, v40;
	v47 =	vld.idx.msk [tilespmem:v47+s3+$0x0], $0xffff;
	v1 =	vadd.bf16 v17, v1  }
0x15b: {  	v41 =	vadd.f32 v35, v41;
	v17 =	vor.u32 v22, v0;
	v18 =	vadd.bf16 v19, v18;
	v19 =	vld.idx.msk [tilespmem:v48+s3+$0x0], $0xffff  }
0x15c: {  	v35 =	vld.idx.msk [tilespmem:v43+s14+$0x0], $0xffff;
	v1 =	vadd.bf16 v15, v1  }
0x15d: {  	v15 =	vor.u32 v23, v0;
	v18 =	vadd.bf16 v44, v18;
	v36 =	vld.idx.msk [tilespmem:v49+s3+$0x0], $0xffff  }
0x15e: {  	v52 =	vld.idx.msk [tilespmem:v52+s14+$0x0], $0xffff;
	v1 =	vadd.bf16 v46, v1  }
0x15f: {  	v43 =	vor.u32 v24, v0;
	v18 =	vadd.bf16 v45, v18;
	v45 =	vld.idx.msk [tilespmem:v51+s3+$0x0], $0xffff  }
0x160: {  	v44 =	vor.u32 v32, v0;
	v17 =	vld.idx.msk [tilespmem:v17+s14+$0x0], $0xffff;
	v46 =	vshll.u32 v1, $0x10;
	v1 =	vand.u32 $0xFFFF0000, v1  }
0x161: {  	v48 =	vor.u32 v25, v0;
	v18 =	vadd.bf16 v47, v18;
	v47 =	vld.idx.msk [tilespmem:v50+s3+$0x0], $0xffff;
	(xrf2) =	vadd.scan.msk.f32 $0xffff, v1  }
0x162: {  	v1 =	vadd.s32 $0x3F0, v35;
	v15 =	vld.idx.msk [tilespmem:v15+s14+$0x0], $0xffff  }
0x163: {  	v49 =	vor.u32 v26, v0;
	v18 =	vadd.bf16 v19, v18;
	v19 =	vld.idx.msk [tilespmem:v55+s3+$0x0], $0xffff  }
0x164: {  	v50 =	vadd.s32 $0x3F0, v52;
	v43 =	vld.idx.msk [tilespmem:v43+s14+$0x0], $0xffff;
	(xrf2) =	vadd.scan.msk.f32 $0xffff, v46  }
0x165: {  	v46 =	vor.u32 v27, v0;
	v55 =	vld.idx.msk [tilespmem:v44+s14+$0x0], $0xffff;
	v18 =	vadd.bf16 v36, v18  }
0x166: {  	v36 =	vadd.s32 $0x3F0, v17;
	v44 =	vld.idx.msk [tilespmem:v48+s14+$0x0], $0xffff  }
0x167: {  	v48 =	vor.u32 v28, v0;
	v1 =	vld.idx.msk [tilespmem:v1+s3+$0x0], $0xffff;
	v18 =	vadd.bf16 v45, v18  }
0x168: {  	v51 =	vadd.s32 $0x3F0, v15;
	v45 =	vld.idx.msk [tilespmem:v49+s14+$0x0], $0xffff  }
0x169: {  	v49 =	vor.u32 v29, v0;
	v50 =	vld.idx.msk [tilespmem:v50+s3+$0x0], $0xffff;
	v18 =	vadd.bf16 v47, v18  }
0x16a: {  	v53 =	vadd.s32 $0x3F0, v43;
	v47 =	vld.idx.msk [tilespmem:v46+s14+$0x0], $0xffff  }
0x16b: {  	v46 =	vor.u32 v30, v0;
	v36 =	vld.idx.msk [tilespmem:v36+s3+$0x0], $0xffff;
	v18 =	vadd.bf16 v19, v18;
	v19, _, _ =	vpop (xrf2)  }
0x16c: {  	v54 =	vadd.s32 $0x3F0, v44;
	v48 =	vld.idx.msk [tilespmem:v48+s14+$0x0], $0xffff;
	v19 =	vbroadcast v19, $0xF  }
0x16d: {  	vm1 =	veq.s32 v37, v2;
	v0 =	vor.u32 v31, v0;
	v1 =	vadd.bf16 v3, v1;
	v56 =	vld.idx.msk [tilespmem:v51+s3+$0x0], $0xffff  }
0x16e: {  	v57 =	vadd.s32 $0x3F0, v45;
	v59 =	vshll.u32 v18, $0x10;
	v49 =	vld.idx.msk [tilespmem:v49+s14+$0x0], $0xffff;
	v19 =	vnsel vm1, $0x0, v19;
	v58, _, _ =	vpop (xrf2)  }
0x16f: {  	v18 =	vand.u32 $0xFFFF0000, v18;
	v1 =	vadd.bf16 v50, v1;
	v53 =	vld.idx.msk [tilespmem:v53+s3+$0x0], $0xffff;
	v38 =	vadd.f32 v19, v38;
	(xrf2) =	vadd.scan.msk.f32 $0xffff, v59  }
0x170: {  	v37 =	vmov v42;
	v19 =	vadd.s32 $0x3F0, v47;
	v51 =	vld.idx.msk [tilespmem:v46+s14+$0x0], $0xffff;
	v46 =	vbroadcast v58, $0xF  }
0x171: {  	v1 =	vadd.bf16 v36, v1;
	v36 =	vld.idx.msk [tilespmem:v54+s3+$0x0], $0xffff  }
0x172: {  	v42 =	vadd.s32 $0x3F0, v48;
	v50 =	vld.idx.msk [tilespmem:v0+s14+$0x0], $0xffff;
	v0 =	vnsel vm1, $0x0, v46;
	(xrf2) =	vadd.scan.msk.f32 $0xffff, v18  }
0x173: {  	v1 =	vadd.bf16 v56, v1;
	v18 =	vld.idx.msk [tilespmem:v57+s3+$0x0], $0xffff;
	v39 =	vadd.f32 v0, v39  }
0x174: {  	v0 =	vld.idx.msk [tilespmem:v35+s3+$0x0], $0xffff;
	v35 =	vadd.s32 $0x3F0, v49  }
0x175: {  	v1 =	vadd.bf16 v53, v1;
	v54 =	vld.idx.msk [tilespmem:v19+s3+$0x0], $0xffff  }
.Ltmp1:
0x176: {  	v62 =	vadd.s32 $0x3F0, v51;
	v58 =	vld.idx.msk [tilespmem:v52+s3+$0x0], $0xffff;
	(pc) =	sbr.rel @p0 .LBB2_4-.Ltmp1, $4  }
0x177: {  	v1 =	vadd.bf16 v36, v1;
	v53 =	vld.idx.msk [tilespmem:v42+s3+$0x0], $0xffff  }
0x178: {  	v61 =	vadd.s32 $0x3F0, v50;
	v57 =	vld.idx.msk [tilespmem:v17+s3+$0x0], $0xffff  }
0x179: {  	v55 =	vnsel vm0, $0x3E9, v55;
	v56 =	vadd.bf16 v18, v1;
	v52 =	vld.idx.msk [tilespmem:v35+s3+$0x0], $0xffff;
	v46, _, _ =	vpop (xrf2)  }
0x17a: {  	v63 =	vadd.s32 $0x3F0, v55;
	v42 =	vmov s21;
	s21 =	sadd.s32 $0x1, s21;
	v60 =	vadd.bf16 v3, v0;
	v59 =	vld.idx.msk [tilespmem:v15+s3+$0x0], $0xffff  }
0x17b: {  	_ =	sdelay $0x1  }
0x17c: {  	v0 =	vshll.u32 v42, $0x8;
	v1 =	vshll.u32 v42, $0x7  }
0x17d: {  	v0 =	vand.u32 $0x800, v0;
	v1 =	vand.u32 $0x380, v1  }
0x17e: {  	v0 =	vor.u32 v0, v1;
	v1 =	vld.idx.msk [tilespmem:v61+s3+$0x0], $0xffff;
	_ =	sdelay $0x4  }
0x17f: {  	[tilespmem:$0x1FEB0] =	vst v1;
	v1 =	vld.idx.msk [tilespmem:v44+s3+$0x0], $0xffff;
	_ =	sdelay $0x4  }
0x180: {  	[tilespmem:$0x1FE50] =	vst v1;
	v1 =	vld.idx.msk [tilespmem:v63+s3+$0x0], $0xffff;
	_ =	sdelay $0x4  }
0x181: {  	[tilespmem:$0x1FED0] =	vst v1;
	v1 =	vld.idx.msk [tilespmem:v45+s3+$0x0], $0xffff;
	_ =	sdelay $0x4  }
0x182: {  	[tilespmem:$0x1FE60] =	vst v1;
	v1 =	vld.idx.msk [tilespmem:v47+s3+$0x0], $0xffff;
	_ =	sdelay $0x3  }
0x183: {  	v36 =	vor.u32 v21, v0  }
0x184: {  	[tilespmem:$0x1FE70] =	vst v1;
	v1 =	vld.idx.msk [tilespmem:v48+s3+$0x0], $0xffff  }
0x185: {  	v15 =	vld.idx.msk [tilespmem:v62+s3+$0x0], $0xffff  }
0x186: {  	v35 =	vor.u32 v24, v0  }
0x187: {  	v18 =	vor.u32 v20, v0  }
0x188: {  	v44 =	vld.idx.msk [tilespmem:v36+s14+$0x0], $0xffff;
	v45 =	vor.u32 v22, v0  }
0x189: {  	[tilespmem:$0x1FE80] =	vst v1;
	v1 =	vld.idx.msk [tilespmem:v49+s3+$0x0], $0xffff  }
0x18a: {  	[tilespmem:$0x1FE90] =	vst v15;
	v15 =	vld.idx.msk [tilespmem:v43+s3+$0x0], $0xffff;
	v36 =	vor.u32 v32, v0  }
0x18b: {  	v61 =	vld.idx.msk [tilespmem:v35+s14+$0x0], $0xffff;
	v35 =	vor.u32 v27, v0  }
0x18c: {  	v43 =	vld.idx.msk [tilespmem:v18+s14+$0x0], $0xffff  }
0x18d: {  	v19 =	vadd.s32 $0x3F0, v44;
	v45 =	vld.idx.msk [tilespmem:v45+s14+$0x0], $0xffff  }
0x18e: {  	[tilespmem:$0x1FEA0] =	vst v1;
	v1 =	vld.idx.msk [tilespmem:v51+s3+$0x0], $0xffff  }
0x18f: {  	v62 =	vld.idx.msk [tilespmem:v36+s14+$0x0], $0xffff;
	v48 =	vor.u32 v23, v0  }
0x190: {  	v35 =	vld.idx.msk [tilespmem:v35+s14+$0x0], $0xffff;
	v47 =	vor.u32 v25, v0  }
0x191: {  	v17 =	vor.u32 v26, v0;
	v44 =	vld.idx.msk [tilespmem:v44+s3+$0x0], $0xffff  }
0x192: {  	v19 =	vld.idx.msk [tilespmem:v19+s3+$0x0], $0xffff  }
0x193: {  	v36 =	vadd.s32 $0x3F0, v45;
	[tilespmem:$0x1FEC0] =	vst v1;
	v1 =	vld.idx.msk [tilespmem:v50+s3+$0x0], $0xffff  }
0x194: {  	[tilespmem:$0x1FE40] =	vst v15;
	v15 =	vor.u32 v28, v0;
	v48 =	vld.idx.msk [tilespmem:v48+s14+$0x0], $0xffff  }
0x195: {  	v63 =	vld.idx.msk [tilespmem:v47+s14+$0x0], $0xffff  }
0x196: {  	v49 =	vld.idx.msk [tilespmem:v17+s14+$0x0], $0xffff;
	v17 =	vadd.s32 $0x3F0, v61  }
0x197: {  	v45 =	vld.idx.msk [tilespmem:v45+s3+$0x0], $0xffff  }
0x198: {  	v36 =	vld.idx.msk [tilespmem:v36+s3+$0x0], $0xffff;
	[tilespmem:$0x1FEE0] =	vst v1;
	v1 =	vadd.s32 $0x3F0, v43  }
0x199: {  	v50 =	vld.idx.msk [tilespmem:v15+s14+$0x0], $0xffff  }
0x19a: {  	v18 =	vadd.s32 $0x3F0, v48;
	v43 =	vld.idx.msk [tilespmem:v43+s3+$0x0], $0xffff  }
0x19b: {  	v17 =	vld.idx.msk [tilespmem:v17+s3+$0x0], $0xffff;
	v15 =	vor.u32 v30, v0  }
0x19c: {  	v58 =	vadd.bf16 v58, v60;
	v48 =	vld.idx.msk [tilespmem:v48+s3+$0x0], $0xffff  }
0x19d: {  	v47 =	vld.idx.msk [tilespmem:v1+s3+$0x0], $0xffff;
	v1 =	vor.u32 v29, v0  }
0x19e: {  	v57 =	vadd.bf16 v57, v58;
	v58 =	vadd.s32 $0x3F0, v49;
	v49 =	vld.idx.msk [tilespmem:v49+s3+$0x0], $0xffff;
	v0 =	vor.u32 v31, v0  }
0x19f: {  	v18 =	vld.idx.msk [tilespmem:v18+s3+$0x0], $0xffff;
	v43 =	vadd.bf16 v3, v43  }
0x1a0: {  	v15 =	vld.idx.msk [tilespmem:v15+s14+$0x0], $0xffff  }
0x1a1: {  	v60 =	vadd.bf16 v44, v43;
	v44 =	vadd.s32 $0x3F0, v50;
	v50 =	vld.idx.msk [tilespmem:v50+s3+$0x0], $0xffff  }
0x1a2: {  	v51 =	vld.idx.msk [tilespmem:v1+s14+$0x0], $0xffff;
	v47 =	vadd.bf16 v3, v47  }
0x1a3: {  	v0 =	vld.idx.msk [tilespmem:v0+s14+$0x0], $0xffff  }
0x1a4: {  	v1 =	vadd.s32 $0x3F0, v63;
	v19 =	vadd.bf16 v19, v47;
	v47 =	vadd.bf16 v59, v57;
	v59 =	vld [tilespmem:$0x1FE40]  }
0x1a5: {  	v57 =	vadd.s32 $0x3F0, v35;
	v35 =	vld.idx.msk [tilespmem:v35+s3+$0x0], $0xffff  }
0x1a6: {  	v19 =	vadd.bf16 v36, v19;
	v36 =	vld.idx.msk [tilespmem:v58+s3+$0x0], $0xffff  }
0x1a7: {  	v58 =	vld.idx.msk [tilespmem:v63+s3+$0x0], $0xffff  }
0x1a8: {  	v63 =	vld [tilespmem:$0x1FE60]  }
0x1a9: {  	v1 =	vld.idx.msk [tilespmem:v1+s3+$0x0], $0xffff  }
0x1aa: {  	v18 =	vadd.bf16 v18, v19;
	v19 =	vadd.bf16 v45, v60;
	v60 =	vld [tilespmem:$0x1FE50]  }
0x1ab: {  	v45 =	vadd.s32 $0x3F0, v51;
	v43 =	vadd.bf16 v59, v47;
	v47 =	vld.idx.msk [tilespmem:v61+s3+$0x0], $0xffff  }
0x1ac: {  	v61 =	vadd.bf16 v54, v56;
	v59 =	vld [tilespmem:$0x1FE70]  }
0x1ad: {  	v17 =	vadd.bf16 v17, v18;
	v18 =	vadd.bf16 v48, v19;
	v19 =	vld.idx.msk [tilespmem:v57+s3+$0x0], $0xffff  }
0x1ae: {  	v56 =	vld.idx.msk [tilespmem:v51+s3+$0x0], $0xffff  }
0x1af: {  	v54 =	vadd.s32 $0x3F0, v15;
	v57 =	vadd.bf16 v53, v61;
	v53 =	vld [tilespmem:$0x1FE90]  }
0x1b0: {  	v1 =	vadd.bf16 v1, v17;
	v61 =	vld.idx.msk [tilespmem:v45+s3+$0x0], $0xffff  }
0x1b1: {  	v43 =	vadd.bf16 v60, v43;
	v17 =	vadd.bf16 v47, v18;
	v18 =	vld.idx.msk [tilespmem:v44+s3+$0x0], $0xffff  }
0x1b2: {  	v60 =	vadd.s32 $0x3F0, v0;
	v1 =	vadd.bf16 v36, v1;
	v44 =	vadd.bf16 v52, v57;
	v57 =	vld [tilespmem:$0x1FEB0]  }
0x1b3: {  	v43 =	vadd.bf16 v63, v43;
	v63 =	vld [tilespmem:$0x1FE80]  }
0x1b4: {  	v1 =	vadd.bf16 v19, v1;
	v19 =	vld.idx.msk [tilespmem:v54+s3+$0x0], $0xffff  }
0x1b5: {  	v54 =	vld [tilespmem:$0x1FEA0]  }
0x1b6: {  	v17 =	vadd.bf16 v58, v17;
	v58 =	vld [tilespmem:$0x1FEC0];
	v43 =	vadd.bf16 v59, v43  }
0x1b7: {  	v62 =	vnsel vm0, $0x3E9, v62;
	v1 =	vadd.bf16 v18, v1;
	v18 =	vld.idx.msk [tilespmem:v60+s3+$0x0], $0xffff  }
0x1b8: {  	v52 =	vadd.s32 $0x3F0, v62;
	v17 =	vadd.bf16 v49, v17;
	v60 =	vld [tilespmem:$0x1FED0];
	v43 =	vadd.bf16 v63, v43  }
0x1b9: {  	v44 =	vadd.bf16 v53, v44;
	v1 =	vadd.bf16 v61, v1;
	v61 =	vld [tilespmem:$0x1FEE0]  }
0x1ba: {  	v55 =	vld.idx.msk [tilespmem:v55+s3+$0x0], $0xffff;
	v17 =	vadd.bf16 v35, v17;
	v43 =	vadd.bf16 v54, v43  }
0x1bb: {  	v15 =	vld.idx.msk [tilespmem:v15+s3+$0x0], $0xffff;
	v35 =	vadd.bf16 v57, v44  }
0x1bc: {  	v0 =	vld.idx.msk [tilespmem:v0+s3+$0x0], $0xffff;
	v17 =	vadd.bf16 v50, v17;
	v43 =	vadd.bf16 v58, v43  }
0x1bd: {  	v59 =	vld.idx.msk [tilespmem:v52+s3+$0x0], $0xffff;
	v1 =	vadd.bf16 v19, v1;
	v35 =	vadd.bf16 v60, v35  }
0x1be: {  	v17 =	vadd.bf16 v56, v17;
	v43 =	vadd.bf16 v61, v43  }
0x1bf: {  	v62 =	vld.idx.msk [tilespmem:v62+s3+$0x0], $0xffff;
	v1 =	vadd.bf16 v18, v1  }
0x1c0: {  	v63 =	vand.u32 $0xFFFF0000, v35;
	v15 =	vadd.bf16 v15, v17;
	v19 =	vadd.bf16 v55, v43  }
0x1c1: {  	v17 =	vshll.u32 v35, $0x10;
	(xrf2) =	vadd.scan.msk.f32 $0xffff, v63  }
0x1c2: {  	v1 =	vadd.bf16 v59, v1;
	(xrf2) =	vadd.scan.msk.f32 $0xffff, v17;
	v0 =	vadd.bf16 v0, v15;
	v17 =	vshll.u32 v19, $0x10  }
0x1c3: {  	v15 =	vand.u32 $0xFFFF0000, v19;
	(xrf2) =	vadd.scan.msk.f32 $0xffff, v17  }
0x1c4: {  	v0 =	vadd.bf16 v62, v0;
	(xrf2) =	vadd.scan.msk.f32 $0xffff, v15;
	v15 =	vand.u32 $0xFFFF0000, v1  }
0x1c5: {  	v1 =	vshll.u32 v1, $0x10;
	(xrf2) =	vadd.scan.msk.f32 $0xffff, v15  }
0x1c6: {  	(xrf2) =	vadd.scan.msk.f32 $0xffff, v1;
	v1 =	vshll.u32 v0, $0x10  }
0x1c7: {  	v0 =	vand.u32 $0xFFFF0000, v0;
	(xrf2) =	vadd.scan.msk.f32 $0xffff, v1  }
0x1c8: {  	(xrf2) =	vadd.scan.msk.f32 $0xffff, v0;
	_ =	sdelay $0x1  }
0x1c9: {  	v1 =	vbroadcast v46, $0xF;
	v0, _, _ =	vpop (xrf2)  }
0x1ca: {  	v15, _, _ =	vpop (xrf2);
	v0 =	vbroadcast v0, $0xF  }
0x1cb: {  	v1 =	vnsel vm1, $0x0, v1;
	v17, _, _ =	vpop (xrf2);
	v15 =	vbroadcast v15, $0xF  }
0x1cc: {  	v0 =	vnsel vm1, $0x0, v0;
	vm1 =	veq.s32 v37, v2;
	v17 =	vbroadcast v17, $0xF;
	v18, _, _ =	vpop (xrf2)  }
0x1cd: {  	v1 =	vadd.f32 v1, v40;
	v0 =	vadd.f32 v0, v41;
	v15 =	vnsel vm1, $0x0, v15;
	v19, _, _ =	vpop (xrf2)  }
0x1ce: {  	v17 =	vnsel vm1, $0x0, v17;
	v18 =	vbroadcast v18, $0xF;
	v41, _, _ =	vpop (xrf2);
	v19 =	vbroadcast v19, $0xF  }
0x1cf: {  	v15 =	vadd.f32 v15, v38;
	v17 =	vadd.f32 v17, v39;
	v43, _, _ =	vpop (xrf2)  }
0x1d0: {  	v18 =	vnsel vm1, $0x0, v18;
	v35 =	vbroadcast v41, $0xF;
	v19 =	vnsel vm1, $0x0, v19;
	v44, _, _ =	vpop (xrf2)  }
0x1d1: {  	v1 =	vadd.f32 v18, v1;
	vm1 =	veq.s32 v42, v2;
	v18 =	vbroadcast v43, $0xF;
	v45, _, _ =	vpop (xrf2)  }
0x1d2: {  	v35 =	vnsel vm1, $0x0, v35;
	v37 =	vbroadcast v44, $0xF;
	v36 =	vbroadcast v45, $0xF  }
0x1d3: {  	v0 =	vadd.f32 v19, v0;
	v15 =	vadd.f32 v35, v15;
	v18 =	vnsel vm1, $0x0, v18  }
0x1d4: {  	v17 =	vadd.f32 v18, v17;
	v18 =	vnsel vm1, $0x0, v37;
	v19 =	vnsel vm1, $0x0, v36  }
0x1d5: {  	v1 =	vadd.f32 v18, v1;
	v0 =	vadd.f32 v19, v0;
	_ =	sdelay $0x1  }
0x1d6: {  	v19 =	vmax.f32 v17, v15;
	v18 =	vmax.f32 v1, v0  }
0x1d7: {  	v18 =	vmax.f32 v18, v19  }
0x1d8: {  	v1 =	vsub.f32 v1, v18  }
0x1d9: {  	v0 =	vsub.f32 v0, v18  }
0x1da: {  	v17 =	vsub.f32 v17, v18;
	v1 =	vmul.f32 $1.442695020e+00, v1  }
0x1db: {  	v15 =	vsub.f32 v15, v18;
	v0 =	vmul.f32 $1.442695020e+00, v0  }
0x1dc: {  	(erf) = vpow2.f32 v1;
	v1 =	vmul.f32 $1.442695020e+00, v17  }
0x1dd: {  	(erf) = vpow2.f32 v0;
	v0 =	vmul.f32 $1.442695020e+00, v15  }
0x1de: {  	(erf) = vpow2.f32 v1  }
0x1df: {  	(erf) = vpow2.f32 v0;
	_ =	sdelay $0x5  }
0x1e0: {  	v0 =	vpop (erf)  }
0x1e1: {  	v1 =	vpop (erf)  }
0x1e2: {  	v15 =	vpop (erf)  }
0x1e3: {  	v17 =	vpop (erf)  }
0x1e4: {  	v18 =	vadd.f32 v1, v0;
	v19 =	vadd.f32 v17, v15;
	_ =	sdelay $0x1  }
0x1e5: {  	v18 =	vadd.f32 v19, v18;
	_ =	sdelay $0x1  }
0x1e6: {  	(erf) = vrcp.f32 v18;
	_ =	sdelay $0x1  }
0x1e7: {  	v46 =	vld [tilespmem:$0x1FFE0];
	_ =	sdelay $0x4  }
0x1e8: {  	v18 =	vor.u32 $0x800, v46  }
0x1e9: {  	v19 =	vor.u32 $0x801, v46  }
0x1ea: {  	v48 =	vor.u32 $0x802, v46;
	v47 =	vpop (erf)  }
0x1eb: {  	s21 =	simm.s32 $0x0;
	v37 =	vor.u32 $0x803, v46;
	v0 =	vmul.f32 v47, v0  }
0x1ec: {  	v38 =	vmov s21;
	v1 =	vmul.f32 v47, v1  }
0x1ed: {  	[tilespmem:v18+s18+$0x0] =	vst.idx.msk $0xffff, v0;
	v0 =	vmul.f32 v47, v15;
	v15 =	vshll.u32 v38, $0x8;
	v18 =	vshll.u32 v38, $0x7  }
0x1ee: {  	[tilespmem:v19+s18+$0x0] =	vst.idx.msk $0xffff, v1;
	v1 =	vmul.f32 v47, v17;
	v15 =	vand.u32 $0x800, v15;
	v17 =	vand.u32 $0x380, v18  }
0x1ef: {  	[tilespmem:v48+s18+$0x0] =	vst.idx.msk $0xffff, v0;
	v0 =	vor.u32 v17, v15  }
0x1f0: {  	[tilespmem:v37+s18+$0x0] =	vst.idx.msk $0xffff, v1;
	v1 =	vor.u32 v2, v0  }
0x1f1: {  	v15 =	vor.u32 v4, v0;
	_ =	swait.ge [sflag:s16], $0x1000  }
0x1f2: {  	v17 =	vor.u32 v5, v0;
	[sflag:s16] =	ssyncset.done $0x0  }
0x1f3: {  	v18 =	vor.u32 v6, v0;
	[sflag:s16] =	ssyncadd.s32 $0xFFFFF000  }
0x1f4: {  	v19 =	vor.u32 v7, v0;
	[tilespmem:s17], [sflag:$0x2] =	stream.linear.gather [hbm4b:s7+s21], $0x1000, $0x38;
	[tilespmem:$0x6800] =	vst v63  }
0x1f5: {  	v49 =	vor.u32 v16, v0;
	v1 =	vld.idx.msk [tilespmem:v1+s14+$0x0], $0xffff  }
0x1f6: {  	v50 =	vor.u32 v8, v0;
	v15 =	vld.idx.msk [tilespmem:v15+s14+$0x0], $0xffff  }
0x1f7: {  	v52 =	vor.u32 v9, v0;
	v17 =	vld.idx.msk [tilespmem:v17+s14+$0x0], $0xffff  }
0x1f8: {  	v54 =	vor.u32 v10, v0;
	v18 =	vld.idx.msk [tilespmem:v18+s14+$0x0], $0xffff  }
0x1f9: {  	v56 =	vor.u32 v11, v0;
	v19 =	vld.idx.msk [tilespmem:v19+s14+$0x0], $0xffff  }
0x1fa: {  	v58 =	vor.u32 v12, v0;
	v35 =	vld.idx.msk [tilespmem:v49+s14+$0x0], $0xffff  }
0x1fb: {  	v60 =	vor.u32 v13, v0;
	v36 =	vld.idx.msk [tilespmem:v50+s14+$0x0], $0xffff  }
0x1fc: {  	v0 =	vor.u32 v14, v0;
	v39 =	vld.idx.msk [tilespmem:v52+s14+$0x0], $0xffff  }
0x1fd: {  	v41 =	vld.idx.msk [tilespmem:v54+s14+$0x0], $0xffff  }
0x1fe: {  	v43 =	vld.idx.msk [tilespmem:v56+s14+$0x0], $0xffff  }
0x1ff: {  	v45 =	vld.idx.msk [tilespmem:v58+s14+$0x0], $0xffff;
	v51 =	vadd.s32 $0x3F0, v1  }
0x200: {  	v47 =	vld.idx.msk [tilespmem:v60+s14+$0x0], $0xffff  }
0x201: {  	v0 =	vld.idx.msk [tilespmem:v0+s14+$0x0], $0xffff;
	v53 =	vadd.s32 $0x3F0, v15  }
0x202: {  	v1 =	vld.idx.msk [tilespmem:v1+s3+$0x0], $0xffff  }
0x203: {  	v55 =	vadd.s32 $0x3F0, v17;
	v15 =	vld.idx.msk [tilespmem:v15+s3+$0x0], $0xffff  }
0x204: {  	v37 =	vld.idx.msk [tilespmem:v51+s3+$0x0], $0xffff  }
0x205: {  	v57 =	vadd.s32 $0x3F0, v18;
	v17 =	vld.idx.msk [tilespmem:v17+s3+$0x0], $0xffff  }
0x206: {  	v40 =	vld.idx.msk [tilespmem:v53+s3+$0x0], $0xffff  }
0x207: {  	v59 =	vadd.s32 $0x3F0, v19;
	v18 =	vld.idx.msk [tilespmem:v18+s3+$0x0], $0xffff  }
0x208: {  	v42 =	vld.idx.msk [tilespmem:v55+s3+$0x0], $0xffff  }
0x209: {  	v61 =	vadd.s32 $0x3F0, v36;
	v19 =	vld.idx.msk [tilespmem:v19+s3+$0x0], $0xffff;
	v37 =	vadd.bf16 v3, v37  }
0x20a: {  	v62 =	vadd.s32 $0x3F0, v39;
	v44 =	vld.idx.msk [tilespmem:v57+s3+$0x0], $0xffff  }
0x20b: {  	v63 =	vadd.s32 $0x3F0, v41;
	v36 =	vld.idx.msk [tilespmem:v36+s3+$0x0], $0xffff;
	v37 =	vadd.bf16 v40, v37  }
0x20c: {  	v46 =	vld.idx.msk [tilespmem:v59+s3+$0x0], $0xffff  }
0x20d: {  	v39 =	vld.idx.msk [tilespmem:v39+s3+$0x0], $0xffff;
	v42 =	vadd.bf16 v42, v37  }
0x20e: {  	s30 =	simm.s32 $0x1;
	v56 =	vadd.s32 $0x3F0, v43;
	v58 =	vadd.s32 $0x3F0, v47;
	v48 =	vld.idx.msk [tilespmem:v61+s3+$0x0], $0xffff  }
0x20f: {  	v49 =	vld.idx.msk [tilespmem:v62+s3+$0x0], $0xffff;
	v57 =	vadd.s32 $0x3F0, v45;
	v37 =	vmov s30;
	v42 =	vadd.bf16 v44, v42  }
0x210: {  	v50 =	vld.idx.msk [tilespmem:v63+s3+$0x0], $0xffff;
	v1 =	vadd.bf16 v3, v1;
	v62 =	vshll.u32 v37, $0x8;
	v63 =	vshll.u32 v37, $0x7  }
0x211: {  	v41 =	vld.idx.msk [tilespmem:v41+s3+$0x0], $0xffff;
	v44 =	vand.u32 $0x800, v62;
	v55 =	vand.u32 $0x380, v63;
	v42 =	vadd.bf16 v46, v42  }
0x212: {  	v60 =	vadd.s32 $0x3F0, v0;
	v0 =	vld.idx.msk [tilespmem:v0+s3+$0x0], $0xffff;
	v1 =	vadd.bf16 v15, v1;
	v46 =	vor.u32 v55, v44  }
0x213: {  	v59 =	vld.idx.msk [tilespmem:v56+s3+$0x0], $0xffff;
	v15 =	vor.u32 v2, v46;
	v42 =	vadd.bf16 v48, v42  }
0x214: {  	v53 =	vld.idx.msk [tilespmem:v58+s3+$0x0], $0xffff;
	v1 =	vadd.bf16 v17, v1  }
0x215: {  	v35 =	vnsel vm0, $0x3E9, v35;
	v58 =	vld.idx.msk [tilespmem:v43+s3+$0x0], $0xffff;
	v17 =	vor.u32 v4, v46;
	v42 =	vadd.bf16 v49, v42  }
0x216: {  	v61 =	vadd.s32 $0x3F0, v35;
	v52 =	vld.idx.msk [tilespmem:v57+s3+$0x0], $0xffff;
	v1 =	vadd.bf16 v18, v1  }
0x217: {  	v45 =	vld.idx.msk [tilespmem:v45+s3+$0x0], $0xffff;
	v18 =	vor.u32 v5, v46;
	v42 =	vadd.bf16 v50, v42  }
0x218: {  	v1 =	vadd.bf16 v19, v1;
	v19 =	vor.u32 v6, v46;
	v15 =	vld.idx.msk [tilespmem:v15+s14+$0x0], $0xffff  }
0x219: {  	v57 =	vld.idx.msk [tilespmem:v60+s3+$0x0], $0xffff;
	v60 =	vor.u32 v16, v46;
	v40 =	vadd.bf16 v59, v42  }
0x21a: {  	v1 =	vadd.bf16 v36, v1;
	v17 =	vld.idx.msk [tilespmem:v17+s14+$0x0], $0xffff  }
0x21b: {  	v48 =	vld.idx.msk [tilespmem:v61+s3+$0x0], $0xffff;
	v59 =	vor.u32 v7, v46;
	v40 =	vadd.bf16 v52, v40  }
0x21c: {  	v1 =	vadd.bf16 v39, v1;
	v61 =	vor.u32 v8, v46;
	v18 =	vld.idx.msk [tilespmem:v18+s14+$0x0], $0xffff  }
0x21d: {  	v19 =	vld.idx.msk [tilespmem:v19+s14+$0x0], $0xffff;
	v62 =	vadd.s32 $0x3F0, v15;
	v40 =	vadd.bf16 v53, v40  }
0x21e: {  	v1 =	vadd.bf16 v41, v1;
	v55 =	vld.idx.msk [tilespmem:v60+s14+$0x0], $0xffff  }
0x21f: {  	v42 =	vld.idx.msk [tilespmem:v47+s3+$0x0], $0xffff;
	v40 =	vadd.bf16 v57, v40;
	v57 =	vadd.s32 $0x3F0, v17  }
0x220: {  	v63 =	vor.u32 v9, v46;
	v1 =	vadd.bf16 v58, v1;
	v43 =	vld.idx.msk [tilespmem:v59+s14+$0x0], $0xffff  }
0x221: {  	v44 =	vld.idx.msk [tilespmem:v61+s14+$0x0], $0xffff;
	v59 =	vadd.s32 $0x3F0, v18  }
0x222: {  	v58 =	vor.u32 v10, v46;
	v1 =	vadd.bf16 v45, v1;
	v60 =	vld.idx.msk [tilespmem:v62+s3+$0x0], $0xffff  }
0x223: {  	v35 =	vld.idx.msk [tilespmem:v35+s3+$0x0], $0xffff;
	v56 =	vadd.s32 $0x3F0, v19  }
0x224: {  	v61 =	vor.u32 v11, v46;
	v1 =	vadd.bf16 v42, v1;
	v41 =	vld.idx.msk [tilespmem:v57+s3+$0x0], $0xffff  }
0x225: {  	v45 =	vld.idx.msk [tilespmem:v63+s14+$0x0], $0xffff;
	v40 =	vadd.bf16 v48, v40;
	v62 =	vadd.s32 $0x3F0, v43  }
0x226: {  	v0 =	vadd.bf16 v0, v1;
	v1 =	vld.idx.msk [tilespmem:v59+s3+$0x0], $0xffff  }
0x227: {  	v47 =	vld.idx.msk [tilespmem:v58+s14+$0x0], $0xffff;
	v58 =	vadd.s32 $0x3F0, v44;
	v54 =	vand.u32 $0xFFFF0000, v40;
	v59 =	vadd.bf16 v3, v60  }
0x228: {  	v63 =	vor.u32 v13, v46;
	(xrf2) =	vadd.scan.msk.f32 $0xffff, v54;
	v60 =	vld.idx.msk [tilespmem:v56+s3+$0x0], $0xffff  }
0x229: {  	v48 =	vld.idx.msk [tilespmem:v61+s14+$0x0], $0xffff;
	v0 =	vadd.bf16 v35, v0;
	v40 =	vshll.u32 v40, $0x10;
	v35 =	vadd.bf16 v41, v59  }
0x22a: {  	(xrf2) =	vadd.scan.msk.f32 $0xffff, v40;
	v40 =	vld.idx.msk [tilespmem:v62+s3+$0x0], $0xffff  }
0x22b: {  	v57 =	vor.u32 v12, v46;
	v1 =	vadd.bf16 v1, v35  }
0x22c: {  	v62 =	vld.idx.msk [tilespmem:v58+s3+$0x0], $0xffff  }
0x22d: {  	v46 =	vor.u32 v14, v46;
	v1 =	vadd.bf16 v60, v1  }
0x22e: {  	v51 =	vld.idx.msk [tilespmem:v63+s14+$0x0], $0xffff;
	v61 =	vadd.s32 $0x3F0, v45  }
0x22f: {  	v15 =	vld.idx.msk [tilespmem:v15+s3+$0x0], $0xffff;
	v56 =	vshll.u32 v0, $0x10;
	v63 =	vadd.s32 $0x3F0, v48;
	v1 =	vadd.bf16 v40, v1  }
0x230: {  	(xrf2) =	vadd.scan.msk.f32 $0xffff, v56;
	v49 =	vld.idx.msk [tilespmem:v57+s14+$0x0], $0xffff  }
0x231: {  	v0 =	vand.u32 $0xFFFF0000, v0;
	v57 =	vadd.s32 $0x3F0, v47;
	v1 =	vadd.bf16 v62, v1;
	v62 =	vld [tilespmem:$0x1FFA0]  }
0x232: {  	v50 =	vld.idx.msk [tilespmem:v46+s14+$0x0], $0xffff;
	v58, _, _ =	vpop (xrf2);
	(xrf2) =	vadd.scan.msk.f32 $0xffff, v0  }
0x233: {  	v46 =	vld.idx.msk [tilespmem:v61+s3+$0x0], $0xffff;
	v59 =	vbroadcast v58, $0xF  }
0x234: {  	vm1 =	veq.s32 v38, v2;
	v53 =	vld.idx.msk [tilespmem:v63+s3+$0x0], $0xffff  }
0x235: {  	v63 =	vld [tilespmem:$0x1FFB0];
	v52 =	vadd.s32 $0x3F0, v49;
	v60, _, _ =	vpop (xrf2);
	v39 =	vnsel vm1, $0x0, v59  }
0x236: {  	v54 =	vld.idx.msk [tilespmem:v57+s3+$0x0], $0xffff;
	v61 =	vbroadcast v60, $0xF;
	v38 =	vadd.f32 v39, v62;
	v62 =	vadd.s32 $0x3F0, v51  }
0x237: {  	v58 =	vld.idx.msk [tilespmem:v17+s3+$0x0], $0xffff  }
0x238: {  	s31 =	simm.s32 $0x2;
	v57 =	vld.idx.msk [tilespmem:v18+s3+$0x0], $0xffff;
	v17 =	vnsel vm1, $0x0, v61;
	v61 =	vadd.s32 $0x3F0, v50  }
0x239: {  	v55 =	vnsel vm0, $0x3E9, v55;
	v42 =	vmov s31;
	v41 =	vmovc v34;
	v40 =	vmovc v33;
	v59 =	vld.idx.msk [tilespmem:v19+s3+$0x0], $0xffff;
	v56 =	vadd.bf16 v46, v1  }
0x23a: {  	s21 =	simm.s32 $0x3;
	v60 =	vadd.bf16 v3, v15;
	v52 =	vld.idx.msk [tilespmem:v52+s3+$0x0], $0xffff;
	v46, _, _ =	vpop (xrf2);
	v39 =	vadd.f32 v17, v63;
	v63 =	vadd.s32 $0x3F0, v55  }
.LBB2_6:
0x23b: {  	p0 =	sne.s32 s21, $0xF;
	v0 =	vshll.u32 v42, $0x8;
	v1 =	vshll.u32 v42, $0x7;
	v15 =	vadd.bf16 v54, v56;
	v17 =	vld.idx.msk [tilespmem:v62+s3+$0x0], $0xffff  }
0x23c: {  	v0 =	vand.u32 $0x800, v0;
	v1 =	vand.u32 $0x380, v1;
	v18 =	vadd.bf16 v58, v60;
	v19 =	vld.idx.msk [tilespmem:v43+s3+$0x0], $0xffff;
	v35, _, _ =	vpop (xrf2)  }
0x23d: {  	v36 =	vbroadcast v46, $0xF;
	v0 =	vor.u32 v1, v0;
	v1 =	vadd.bf16 v53, v15;
	v15 =	vld.idx.msk [tilespmem:v61+s3+$0x0], $0xffff  }
0x23e: {  	v35 =	vbroadcast v35, $0xF;
	v43 =	vor.u32 v2, v0;
	v18 =	vadd.bf16 v57, v18;
	v44 =	vld.idx.msk [tilespmem:v44+s3+$0x0], $0xffff  }
0x23f: {  	v36 =	vnsel vm1, $0x0, v36;
	v1 =	vadd.bf16 v52, v1;
	v46 =	vld.idx.msk [tilespmem:v63+s3+$0x0], $0xffff  }
0x240: {  	v52 =	vor.u32 v4, v0;
	v35 =	vnsel vm1, $0x0, v35;
	v18 =	vadd.bf16 v59, v18;
	v45 =	vld.idx.msk [tilespmem:v45+s3+$0x0], $0xffff  }
0x241: {  	v40 =	vadd.f32 v36, v40;
	v47 =	vld.idx.msk [tilespmem:v47+s3+$0x0], $0xffff;
	v1 =	vadd.bf16 v17, v1  }
0x242: {  	v41 =	vadd.f32 v35, v41;
	v17 =	vor.u32 v5, v0;
	v18 =	vadd.bf16 v19, v18;
	v19 =	vld.idx.msk [tilespmem:v48+s3+$0x0], $0xffff  }
0x243: {  	v35 =	vld.idx.msk [tilespmem:v43+s14+$0x0], $0xffff;
	v1 =	vadd.bf16 v15, v1  }
0x244: {  	v15 =	vor.u32 v6, v0;
	v18 =	vadd.bf16 v44, v18;
	v36 =	vld.idx.msk [tilespmem:v49+s3+$0x0], $0xffff  }
0x245: {  	v52 =	vld.idx.msk [tilespmem:v52+s14+$0x0], $0xffff;
	v1 =	vadd.bf16 v46, v1  }
0x246: {  	v43 =	vor.u32 v7, v0;
	v18 =	vadd.bf16 v45, v18;
	v45 =	vld.idx.msk [tilespmem:v51+s3+$0x0], $0xffff  }
0x247: {  	v44 =	vor.u32 v16, v0;
	v17 =	vld.idx.msk [tilespmem:v17+s14+$0x0], $0xffff;
	v46 =	vshll.u32 v1, $0x10;
	v1 =	vand.u32 $0xFFFF0000, v1  }
0x248: {  	v48 =	vor.u32 v8, v0;
	v18 =	vadd.bf16 v47, v18;
	v47 =	vld.idx.msk [tilespmem:v50+s3+$0x0], $0xffff;
	(xrf2) =	vadd.scan.msk.f32 $0xffff, v1  }
0x249: {  	v1 =	vadd.s32 $0x3F0, v35;
	v15 =	vld.idx.msk [tilespmem:v15+s14+$0x0], $0xffff  }
0x24a: {  	v49 =	vor.u32 v9, v0;
	v18 =	vadd.bf16 v19, v18;
	v19 =	vld.idx.msk [tilespmem:v55+s3+$0x0], $0xffff  }
0x24b: {  	v50 =	vadd.s32 $0x3F0, v52;
	v43 =	vld.idx.msk [tilespmem:v43+s14+$0x0], $0xffff;
	(xrf2) =	vadd.scan.msk.f32 $0xffff, v46  }
0x24c: {  	v46 =	vor.u32 v10, v0;
	v55 =	vld.idx.msk [tilespmem:v44+s14+$0x0], $0xffff;
	v18 =	vadd.bf16 v36, v18  }
0x24d: {  	v36 =	vadd.s32 $0x3F0, v17;
	v44 =	vld.idx.msk [tilespmem:v48+s14+$0x0], $0xffff  }
0x24e: {  	v48 =	vor.u32 v11, v0;
	v1 =	vld.idx.msk [tilespmem:v1+s3+$0x0], $0xffff;
	v18 =	vadd.bf16 v45, v18  }
0x24f: {  	v51 =	vadd.s32 $0x3F0, v15;
	v45 =	vld.idx.msk [tilespmem:v49+s14+$0x0], $0xffff  }
0x250: {  	v49 =	vor.u32 v12, v0;
	v50 =	vld.idx.msk [tilespmem:v50+s3+$0x0], $0xffff;
	v18 =	vadd.bf16 v47, v18  }
0x251: {  	v53 =	vadd.s32 $0x3F0, v43;
	v47 =	vld.idx.msk [tilespmem:v46+s14+$0x0], $0xffff  }
0x252: {  	v46 =	vor.u32 v13, v0;
	v36 =	vld.idx.msk [tilespmem:v36+s3+$0x0], $0xffff;
	v18 =	vadd.bf16 v19, v18;
	v19, _, _ =	vpop (xrf2)  }
0x253: {  	v54 =	vadd.s32 $0x3F0, v44;
	v48 =	vld.idx.msk [tilespmem:v48+s14+$0x0], $0xffff;
	v19 =	vbroadcast v19, $0xF  }
0x254: {  	vm1 =	veq.s32 v37, v2;
	v0 =	vor.u32 v14, v0;
	v1 =	vadd.bf16 v3, v1;
	v56 =	vld.idx.msk [tilespmem:v51+s3+$0x0], $0xffff  }
0x255: {  	v57 =	vadd.s32 $0x3F0, v45;
	v59 =	vshll.u32 v18, $0x10;
	v49 =	vld.idx.msk [tilespmem:v49+s14+$0x0], $0xffff;
	v19 =	vnsel vm1, $0x0, v19;
	v58, _, _ =	vpop (xrf2)  }
0x256: {  	v18 =	vand.u32 $0xFFFF0000, v18;
	v1 =	vadd.bf16 v50, v1;
	v53 =	vld.idx.msk [tilespmem:v53+s3+$0x0], $0xffff;
	v38 =	vadd.f32 v19, v38;
	(xrf2) =	vadd.scan.msk.f32 $0xffff, v59  }
0x257: {  	v37 =	vmov v42;
	v19 =	vadd.s32 $0x3F0, v47;
	v51 =	vld.idx.msk [tilespmem:v46+s14+$0x0], $0xffff;
	v46 =	vbroadcast v58, $0xF  }
0x258: {  	v1 =	vadd.bf16 v36, v1;
	v36 =	vld.idx.msk [tilespmem:v54+s3+$0x0], $0xffff  }
0x259: {  	v42 =	vadd.s32 $0x3F0, v48;
	v50 =	vld.idx.msk [tilespmem:v0+s14+$0x0], $0xffff;
	v0 =	vnsel vm1, $0x0, v46;
	(xrf2) =	vadd.scan.msk.f32 $0xffff, v18  }
0x25a: {  	v1 =	vadd.bf16 v56, v1;
	v18 =	vld.idx.msk [tilespmem:v57+s3+$0x0], $0xffff;
	v39 =	vadd.f32 v0, v39  }
0x25b: {  	v0 =	vld.idx.msk [tilespmem:v35+s3+$0x0], $0xffff;
	v35 =	vadd.s32 $0x3F0, v49  }
0x25c: {  	v1 =	vadd.bf16 v53, v1;
	v54 =	vld.idx.msk [tilespmem:v19+s3+$0x0], $0xffff  }
.Ltmp2:
0x25d: {  	v62 =	vadd.s32 $0x3F0, v51;
	v58 =	vld.idx.msk [tilespmem:v52+s3+$0x0], $0xffff;
	(pc) =	sbr.rel @p0 .LBB2_6-.Ltmp2, $4  }
0x25e: {  	v1 =	vadd.bf16 v36, v1;
	v53 =	vld.idx.msk [tilespmem:v42+s3+$0x0], $0xffff  }
0x25f: {  	v61 =	vadd.s32 $0x3F0, v50;
	v57 =	vld.idx.msk [tilespmem:v17+s3+$0x0], $0xffff  }
0x260: {  	v55 =	vnsel vm0, $0x3E9, v55;
	v56 =	vadd.bf16 v18, v1;
	v52 =	vld.idx.msk [tilespmem:v35+s3+$0x0], $0xffff;
	v46, _, _ =	vpop (xrf2)  }
0x261: {  	v63 =	vadd.s32 $0x3F0, v55;
	v42 =	vmov s21;
	s21 =	sadd.s32 $0x1, s21;
	v60 =	vadd.bf16 v3, v0;
	v59 =	vld.idx.msk [tilespmem:v15+s3+$0x0], $0xffff  }
0x262: {  	_ =	sdelay $0x1  }
0x263: {  	v0 =	vshll.u32 v42, $0x8;
	v1 =	vshll.u32 v42, $0x7  }
0x264: {  	v0 =	vand.u32 $0x800, v0;
	v1 =	vand.u32 $0x380, v1  }
0x265: {  	v0 =	vor.u32 v1, v0;
	v1 =	vld.idx.msk [tilespmem:v61+s3+$0x0], $0xffff;
	_ =	sdelay $0x4  }
0x266: {  	[tilespmem:$0x1FE00] =	vst v1;
	v1 =	vld.idx.msk [tilespmem:v44+s3+$0x0], $0xffff;
	_ =	sdelay $0x4  }
0x267: {  	[tilespmem:$0x1FDA0] =	vst v1;
	v1 =	vld.idx.msk [tilespmem:v63+s3+$0x0], $0xffff;
	_ =	sdelay $0x4  }
0x268: {  	[tilespmem:$0x1FE20] =	vst v1;
	v1 =	vld.idx.msk [tilespmem:v45+s3+$0x0], $0xffff;
	_ =	sdelay $0x4  }
0x269: {  	[tilespmem:$0x1FDB0] =	vst v1;
	v1 =	vld.idx.msk [tilespmem:v47+s3+$0x0], $0xffff;
	_ =	sdelay $0x3  }
0x26a: {  	v36 =	vor.u32 v4, v0  }
0x26b: {  	[tilespmem:$0x1FDC0] =	vst v1;
	v1 =	vld.idx.msk [tilespmem:v48+s3+$0x0], $0xffff  }
0x26c: {  	v15 =	vld.idx.msk [tilespmem:v62+s3+$0x0], $0xffff  }
0x26d: {  	v35 =	vor.u32 v7, v0  }
0x26e: {  	v18 =	vor.u32 v2, v0  }
0x26f: {  	v44 =	vld.idx.msk [tilespmem:v36+s14+$0x0], $0xffff;
	v45 =	vor.u32 v5, v0  }
0x270: {  	[tilespmem:$0x1FDD0] =	vst v1;
	v1 =	vld.idx.msk [tilespmem:v49+s3+$0x0], $0xffff  }
0x271: {  	[tilespmem:$0x1FDE0] =	vst v15;
	v15 =	vld.idx.msk [tilespmem:v43+s3+$0x0], $0xffff;
	v36 =	vor.u32 v16, v0  }
0x272: {  	v61 =	vld.idx.msk [tilespmem:v35+s14+$0x0], $0xffff;
	v35 =	vor.u32 v10, v0  }
0x273: {  	v43 =	vld.idx.msk [tilespmem:v18+s14+$0x0], $0xffff  }
0x274: {  	v19 =	vadd.s32 $0x3F0, v44;
	v45 =	vld.idx.msk [tilespmem:v45+s14+$0x0], $0xffff  }
0x275: {  	[tilespmem:$0x1FDF0] =	vst v1;
	v1 =	vld.idx.msk [tilespmem:v51+s3+$0x0], $0xffff  }
0x276: {  	v62 =	vld.idx.msk [tilespmem:v36+s14+$0x0], $0xffff;
	v48 =	vor.u32 v6, v0  }
0x277: {  	v35 =	vld.idx.msk [tilespmem:v35+s14+$0x0], $0xffff;
	v47 =	vor.u32 v8, v0  }
0x278: {  	v17 =	vor.u32 v9, v0;
	v44 =	vld.idx.msk [tilespmem:v44+s3+$0x0], $0xffff  }
0x279: {  	v19 =	vld.idx.msk [tilespmem:v19+s3+$0x0], $0xffff  }
0x27a: {  	v36 =	vadd.s32 $0x3F0, v45;
	[tilespmem:$0x1FE10] =	vst v1;
	v1 =	vld.idx.msk [tilespmem:v50+s3+$0x0], $0xffff  }
0x27b: {  	[tilespmem:$0x1FD90] =	vst v15;
	v15 =	vor.u32 v11, v0;
	v48 =	vld.idx.msk [tilespmem:v48+s14+$0x0], $0xffff  }
0x27c: {  	v63 =	vld.idx.msk [tilespmem:v47+s14+$0x0], $0xffff  }
0x27d: {  	v49 =	vld.idx.msk [tilespmem:v17+s14+$0x0], $0xffff;
	v17 =	vadd.s32 $0x3F0, v61  }
0x27e: {  	v45 =	vld.idx.msk [tilespmem:v45+s3+$0x0], $0xffff  }
0x27f: {  	v36 =	vld.idx.msk [tilespmem:v36+s3+$0x0], $0xffff;
	[tilespmem:$0x1FE30] =	vst v1;
	v1 =	vadd.s32 $0x3F0, v43  }
0x280: {  	v50 =	vld.idx.msk [tilespmem:v15+s14+$0x0], $0xffff  }
0x281: {  	v18 =	vadd.s32 $0x3F0, v48;
	v43 =	vld.idx.msk [tilespmem:v43+s3+$0x0], $0xffff  }
0x282: {  	v17 =	vld.idx.msk [tilespmem:v17+s3+$0x0], $0xffff;
	v15 =	vor.u32 v13, v0  }
0x283: {  	v58 =	vadd.bf16 v58, v60;
	v48 =	vld.idx.msk [tilespmem:v48+s3+$0x0], $0xffff  }
0x284: {  	v47 =	vld.idx.msk [tilespmem:v1+s3+$0x0], $0xffff;
	v1 =	vor.u32 v12, v0  }
0x285: {  	v57 =	vadd.bf16 v57, v58;
	v58 =	vadd.s32 $0x3F0, v49;
	v49 =	vld.idx.msk [tilespmem:v49+s3+$0x0], $0xffff;
	v0 =	vor.u32 v14, v0  }
0x286: {  	v18 =	vld.idx.msk [tilespmem:v18+s3+$0x0], $0xffff;
	v43 =	vadd.bf16 v3, v43  }
0x287: {  	v15 =	vld.idx.msk [tilespmem:v15+s14+$0x0], $0xffff  }
0x288: {  	v60 =	vadd.bf16 v44, v43;
	v44 =	vadd.s32 $0x3F0, v50;
	v50 =	vld.idx.msk [tilespmem:v50+s3+$0x0], $0xffff  }
0x289: {  	v51 =	vld.idx.msk [tilespmem:v1+s14+$0x0], $0xffff;
	v47 =	vadd.bf16 v3, v47  }
0x28a: {  	v0 =	vld.idx.msk [tilespmem:v0+s14+$0x0], $0xffff  }
0x28b: {  	v1 =	vadd.s32 $0x3F0, v63;
	v19 =	vadd.bf16 v19, v47;
	v47 =	vadd.bf16 v59, v57;
	v59 =	vld [tilespmem:$0x1FD90]  }
0x28c: {  	v57 =	vadd.s32 $0x3F0, v35;
	v35 =	vld.idx.msk [tilespmem:v35+s3+$0x0], $0xffff  }
0x28d: {  	v19 =	vadd.bf16 v36, v19;
	v36 =	vld.idx.msk [tilespmem:v58+s3+$0x0], $0xffff  }
0x28e: {  	v58 =	vld.idx.msk [tilespmem:v63+s3+$0x0], $0xffff  }
0x28f: {  	v63 =	vld [tilespmem:$0x1FDB0]  }
0x290: {  	v1 =	vld.idx.msk [tilespmem:v1+s3+$0x0], $0xffff  }
0x291: {  	v18 =	vadd.bf16 v18, v19;
	v19 =	vadd.bf16 v45, v60;
	v60 =	vld [tilespmem:$0x1FDA0]  }
0x292: {  	v45 =	vadd.s32 $0x3F0, v51;
	v43 =	vadd.bf16 v59, v47;
	v47 =	vld.idx.msk [tilespmem:v61+s3+$0x0], $0xffff  }
0x293: {  	v61 =	vadd.bf16 v54, v56;
	v59 =	vld [tilespmem:$0x1FDC0]  }
0x294: {  	v17 =	vadd.bf16 v17, v18;
	v18 =	vadd.bf16 v48, v19;
	v19 =	vld.idx.msk [tilespmem:v57+s3+$0x0], $0xffff  }
0x295: {  	v56 =	vld.idx.msk [tilespmem:v51+s3+$0x0], $0xffff  }
0x296: {  	v54 =	vadd.s32 $0x3F0, v15;
	v57 =	vadd.bf16 v53, v61;
	v53 =	vld [tilespmem:$0x1FDE0]  }
0x297: {  	v1 =	vadd.bf16 v1, v17;
	v61 =	vld.idx.msk [tilespmem:v45+s3+$0x0], $0xffff  }
0x298: {  	v43 =	vadd.bf16 v60, v43;
	v17 =	vadd.bf16 v47, v18;
	v18 =	vld.idx.msk [tilespmem:v44+s3+$0x0], $0xffff  }
0x299: {  	v60 =	vadd.s32 $0x3F0, v0;
	v1 =	vadd.bf16 v36, v1;
	v44 =	vadd.bf16 v52, v57;
	v57 =	vld [tilespmem:$0x1FE00]  }
0x29a: {  	v43 =	vadd.bf16 v63, v43;
	v63 =	vld [tilespmem:$0x1FDD0]  }
0x29b: {  	v1 =	vadd.bf16 v19, v1;
	v19 =	vld.idx.msk [tilespmem:v54+s3+$0x0], $0xffff  }
0x29c: {  	v54 =	vld [tilespmem:$0x1FDF0]  }
0x29d: {  	v17 =	vadd.bf16 v58, v17;
	v58 =	vld [tilespmem:$0x1FE10];
	v43 =	vadd.bf16 v59, v43  }
0x29e: {  	v62 =	vnsel vm0, $0x3E9, v62;
	v1 =	vadd.bf16 v18, v1;
	v18 =	vld.idx.msk [tilespmem:v60+s3+$0x0], $0xffff  }
0x29f: {  	v52 =	vadd.s32 $0x3F0, v62;
	v17 =	vadd.bf16 v49, v17;
	v60 =	vld [tilespmem:$0x1FE20];
	v43 =	vadd.bf16 v63, v43  }
0x2a0: {  	v44 =	vadd.bf16 v53, v44;
	v1 =	vadd.bf16 v61, v1;
	v61 =	vld [tilespmem:$0x1FE30]  }
0x2a1: {  	v55 =	vld.idx.msk [tilespmem:v55+s3+$0x0], $0xffff;
	v17 =	vadd.bf16 v35, v17;
	v43 =	vadd.bf16 v54, v43  }
0x2a2: {  	v15 =	vld.idx.msk [tilespmem:v15+s3+$0x0], $0xffff;
	v35 =	vadd.bf16 v57, v44  }
0x2a3: {  	v0 =	vld.idx.msk [tilespmem:v0+s3+$0x0], $0xffff;
	v17 =	vadd.bf16 v50, v17;
	v43 =	vadd.bf16 v58, v43  }
0x2a4: {  	v59 =	vld.idx.msk [tilespmem:v52+s3+$0x0], $0xffff;
	v1 =	vadd.bf16 v19, v1;
	v35 =	vadd.bf16 v60, v35  }
0x2a5: {  	v17 =	vadd.bf16 v56, v17;
	v43 =	vadd.bf16 v61, v43  }
0x2a6: {  	v62 =	vld.idx.msk [tilespmem:v62+s3+$0x0], $0xffff;
	v1 =	vadd.bf16 v18, v1  }
0x2a7: {  	v63 =	vand.u32 $0xFFFF0000, v35;
	v15 =	vadd.bf16 v15, v17;
	v19 =	vadd.bf16 v55, v43  }
0x2a8: {  	v17 =	vshll.u32 v35, $0x10;
	(xrf2) =	vadd.scan.msk.f32 $0xffff, v63  }
0x2a9: {  	v1 =	vadd.bf16 v59, v1;
	(xrf2) =	vadd.scan.msk.f32 $0xffff, v17;
	v0 =	vadd.bf16 v0, v15;
	v17 =	vshll.u32 v19, $0x10  }
0x2aa: {  	v15 =	vand.u32 $0xFFFF0000, v19;
	(xrf2) =	vadd.scan.msk.f32 $0xffff, v17  }
0x2ab: {  	v0 =	vadd.bf16 v62, v0;
	(xrf2) =	vadd.scan.msk.f32 $0xffff, v15;
	v15 =	vand.u32 $0xFFFF0000, v1  }
0x2ac: {  	v1 =	vshll.u32 v1, $0x10;
	(xrf2) =	vadd.scan.msk.f32 $0xffff, v15  }
0x2ad: {  	(xrf2) =	vadd.scan.msk.f32 $0xffff, v1;
	v1 =	vshll.u32 v0, $0x10  }
0x2ae: {  	v0 =	vand.u32 $0xFFFF0000, v0;
	(xrf2) =	vadd.scan.msk.f32 $0xffff, v1  }
0x2af: {  	(xrf2) =	vadd.scan.msk.f32 $0xffff, v0;
	_ =	sdelay $0x1  }
0x2b0: {  	v1 =	vbroadcast v46, $0xF;
	v0, _, _ =	vpop (xrf2)  }
0x2b1: {  	v15, _, _ =	vpop (xrf2);
	v0 =	vbroadcast v0, $0xF  }
0x2b2: {  	v1 =	vnsel vm1, $0x0, v1;
	v17, _, _ =	vpop (xrf2);
	v15 =	vbroadcast v15, $0xF  }
0x2b3: {  	v0 =	vnsel vm1, $0x0, v0;
	vm1 =	veq.s32 v37, v2;
	v17 =	vbroadcast v17, $0xF;
	v18, _, _ =	vpop (xrf2)  }
0x2b4: {  	v1 =	vadd.f32 v1, v40;
	v0 =	vadd.f32 v0, v41;
	v15 =	vnsel vm1, $0x0, v15;
	v19, _, _ =	vpop (xrf2)  }
0x2b5: {  	v17 =	vnsel vm1, $0x0, v17;
	v18 =	vbroadcast v18, $0xF;
	v41, _, _ =	vpop (xrf2);
	v19 =	vbroadcast v19, $0xF  }
0x2b6: {  	v15 =	vadd.f32 v15, v38;
	v17 =	vadd.f32 v17, v39;
	v43, _, _ =	vpop (xrf2)  }
0x2b7: {  	v18 =	vnsel vm1, $0x0, v18;
	v35 =	vbroadcast v41, $0xF;
	v19 =	vnsel vm1, $0x0, v19;
	v44, _, _ =	vpop (xrf2)  }
0x2b8: {  	v1 =	vadd.f32 v18, v1;
	vm1 =	veq.s32 v42, v2;
	v18 =	vbroadcast v43, $0xF;
	v45, _, _ =	vpop (xrf2)  }
0x2b9: {  	v35 =	vnsel vm1, $0x0, v35;
	v37 =	vbroadcast v44, $0xF;
	v36 =	vbroadcast v45, $0xF  }
0x2ba: {  	v0 =	vadd.f32 v19, v0;
	v15 =	vadd.f32 v35, v15;
	v18 =	vnsel vm1, $0x0, v18  }
0x2bb: {  	v17 =	vadd.f32 v18, v17;
	v18 =	vnsel vm1, $0x0, v37;
	v19 =	vnsel vm1, $0x0, v36  }
0x2bc: {  	v1 =	vadd.f32 v18, v1;
	v0 =	vadd.f32 v19, v0;
	_ =	sdelay $0x1  }
0x2bd: {  	v19 =	vmax.f32 v17, v15;
	v18 =	vmax.f32 v1, v0  }
0x2be: {  	v18 =	vmax.f32 v18, v19  }
0x2bf: {  	v1 =	vsub.f32 v1, v18  }
0x2c0: {  	v0 =	vsub.f32 v0, v18  }
0x2c1: {  	v17 =	vsub.f32 v17, v18;
	v1 =	vmul.f32 $1.442695020e+00, v1  }
0x2c2: {  	v15 =	vsub.f32 v15, v18;
	v0 =	vmul.f32 $1.442695020e+00, v0  }
0x2c3: {  	(erf) = vpow2.f32 v1;
	v1 =	vmul.f32 $1.442695020e+00, v17  }
0x2c4: {  	(erf) = vpow2.f32 v0;
	v0 =	vmul.f32 $1.442695020e+00, v15  }
0x2c5: {  	(erf) = vpow2.f32 v1  }
0x2c6: {  	(erf) = vpow2.f32 v0;
	_ =	sdelay $0x5  }
0x2c7: {  	v0 =	vpop (erf)  }
0x2c8: {  	v1 =	vpop (erf)  }
0x2c9: {  	v15 =	vpop (erf)  }
0x2ca: {  	v17 =	vpop (erf)  }
0x2cb: {  	v18 =	vadd.f32 v1, v0;
	v19 =	vadd.f32 v17, v15;
	_ =	sdelay $0x1  }
0x2cc: {  	v18 =	vadd.f32 v19, v18;
	_ =	sdelay $0x1  }
0x2cd: {  	(erf) = vrcp.f32 v18;
	_ =	sdelay $0x1  }
0x2ce: {  	v46 =	vld [tilespmem:$0x1FFE0];
	_ =	sdelay $0x4  }
0x2cf: {  	v18 =	vor.u32 $0x1000, v46  }
0x2d0: {  	v19 =	vor.u32 $0x1001, v46  }
0x2d1: {  	v48 =	vor.u32 $0x1002, v46;
	v47 =	vpop (erf)  }
0x2d2: {  	s21 =	simm.s32 $0x0;
	v37 =	vor.u32 $0x1003, v46;
	v0 =	vmul.f32 v47, v0  }
0x2d3: {  	v38 =	vmov s21;
	v1 =	vmul.f32 v47, v1  }
0x2d4: {  	[tilespmem:v18+s18+$0x0] =	vst.idx.msk $0xffff, v0;
	v0 =	vmul.f32 v47, v15;
	v15 =	vshll.u32 v38, $0x8;
	v18 =	vshll.u32 v38, $0x7  }
0x2d5: {  	[tilespmem:v19+s18+$0x0] =	vst.idx.msk $0xffff, v1;
	v1 =	vmul.f32 v47, v17;
	v15 =	vand.u32 $0x800, v15;
	v17 =	vand.u32 $0x380, v18  }
0x2d6: {  	[tilespmem:v48+s18+$0x0] =	vst.idx.msk $0xffff, v0;
	v0 =	vor.u32 v15, v17  }
0x2d7: {  	[tilespmem:v37+s18+$0x0] =	vst.idx.msk $0xffff, v1;
	v1 =	vor.u32 v20, v0  }
0x2d8: {  	v15 =	vor.u32 v21, v0;
	_ =	swait.ge [sflag:s19], $0x1000  }
0x2d9: {  	v17 =	vor.u32 v22, v0;
	[sflag:s19] =	ssyncset.done $0x0  }
0x2da: {  	v18 =	vor.u32 v23, v0;
	[sflag:s19] =	ssyncadd.s32 $0xFFFFF000  }
0x2db: {  	v19 =	vor.u32 v24, v0;
	[tilespmem:s14], [sflag:$0x1] =	stream.linear.gather [hbm4b:s8+s21], $0x1000, $0x38;
	[tilespmem:$0x6800] =	vst v63  }
0x2dc: {  	v49 =	vor.u32 v32, v0;
	v1 =	vld.idx.msk [tilespmem:v1+s14+$0x0], $0xffff  }
0x2dd: {  	v50 =	vor.u32 v25, v0;
	v15 =	vld.idx.msk [tilespmem:v15+s14+$0x0], $0xffff  }
0x2de: {  	v52 =	vor.u32 v26, v0;
	v17 =	vld.idx.msk [tilespmem:v17+s14+$0x0], $0xffff  }
0x2df: {  	v54 =	vor.u32 v27, v0;
	v18 =	vld.idx.msk [tilespmem:v18+s14+$0x0], $0xffff  }
0x2e0: {  	v56 =	vor.u32 v28, v0;
	v19 =	vld.idx.msk [tilespmem:v19+s14+$0x0], $0xffff  }
0x2e1: {  	v58 =	vor.u32 v29, v0;
	v35 =	vld.idx.msk [tilespmem:v49+s14+$0x0], $0xffff  }
0x2e2: {  	v60 =	vor.u32 v30, v0;
	v36 =	vld.idx.msk [tilespmem:v50+s14+$0x0], $0xffff  }
0x2e3: {  	v0 =	vor.u32 v31, v0;
	v39 =	vld.idx.msk [tilespmem:v52+s14+$0x0], $0xffff  }
0x2e4: {  	v41 =	vld.idx.msk [tilespmem:v54+s14+$0x0], $0xffff  }
0x2e5: {  	v43 =	vld.idx.msk [tilespmem:v56+s14+$0x0], $0xffff  }
0x2e6: {  	v45 =	vld.idx.msk [tilespmem:v58+s14+$0x0], $0xffff;
	v51 =	vadd.s32 $0x3F0, v1  }
0x2e7: {  	v47 =	vld.idx.msk [tilespmem:v60+s14+$0x0], $0xffff  }
0x2e8: {  	v0 =	vld.idx.msk [tilespmem:v0+s14+$0x0], $0xffff;
	v53 =	vadd.s32 $0x3F0, v15  }
0x2e9: {  	v1 =	vld.idx.msk [tilespmem:v1+s3+$0x0], $0xffff  }
0x2ea: {  	v55 =	vadd.s32 $0x3F0, v17;
	v15 =	vld.idx.msk [tilespmem:v15+s3+$0x0], $0xffff  }
0x2eb: {  	v37 =	vld.idx.msk [tilespmem:v51+s3+$0x0], $0xffff  }
0x2ec: {  	v57 =	vadd.s32 $0x3F0, v18;
	v17 =	vld.idx.msk [tilespmem:v17+s3+$0x0], $0xffff  }
0x2ed: {  	v40 =	vld.idx.msk [tilespmem:v53+s3+$0x0], $0xffff  }
0x2ee: {  	v59 =	vadd.s32 $0x3F0, v19;
	v18 =	vld.idx.msk [tilespmem:v18+s3+$0x0], $0xffff  }
0x2ef: {  	v42 =	vld.idx.msk [tilespmem:v55+s3+$0x0], $0xffff  }
0x2f0: {  	v61 =	vadd.s32 $0x3F0, v36;
	v19 =	vld.idx.msk [tilespmem:v19+s3+$0x0], $0xffff;
	v37 =	vadd.bf16 v3, v37  }
0x2f1: {  	v62 =	vadd.s32 $0x3F0, v39;
	v44 =	vld.idx.msk [tilespmem:v57+s3+$0x0], $0xffff  }
0x2f2: {  	v63 =	vadd.s32 $0x3F0, v41;
	v36 =	vld.idx.msk [tilespmem:v36+s3+$0x0], $0xffff;
	v37 =	vadd.bf16 v40, v37  }
0x2f3: {  	v46 =	vld.idx.msk [tilespmem:v59+s3+$0x0], $0xffff  }
0x2f4: {  	v39 =	vld.idx.msk [tilespmem:v39+s3+$0x0], $0xffff;
	v42 =	vadd.bf16 v42, v37  }
0x2f5: {  	s30 =	simm.s32 $0x1;
	v56 =	vadd.s32 $0x3F0, v43;
	v58 =	vadd.s32 $0x3F0, v47;
	v48 =	vld.idx.msk [tilespmem:v61+s3+$0x0], $0xffff  }
0x2f6: {  	v49 =	vld.idx.msk [tilespmem:v62+s3+$0x0], $0xffff;
	v57 =	vadd.s32 $0x3F0, v45;
	v37 =	vmov s30;
	v42 =	vadd.bf16 v44, v42  }
0x2f7: {  	v50 =	vld.idx.msk [tilespmem:v63+s3+$0x0], $0xffff;
	v1 =	vadd.bf16 v3, v1;
	v62 =	vshll.u32 v37, $0x8;
	v63 =	vshll.u32 v37, $0x7  }
0x2f8: {  	v41 =	vld.idx.msk [tilespmem:v41+s3+$0x0], $0xffff;
	v44 =	vand.u32 $0x800, v62;
	v55 =	vand.u32 $0x380, v63;
	v42 =	vadd.bf16 v46, v42  }
0x2f9: {  	v60 =	vadd.s32 $0x3F0, v0;
	v0 =	vld.idx.msk [tilespmem:v0+s3+$0x0], $0xffff;
	v1 =	vadd.bf16 v15, v1;
	v46 =	vor.u32 v44, v55  }
0x2fa: {  	v59 =	vld.idx.msk [tilespmem:v56+s3+$0x0], $0xffff;
	v15 =	vor.u32 v20, v46;
	v42 =	vadd.bf16 v48, v42  }
0x2fb: {  	v53 =	vld.idx.msk [tilespmem:v58+s3+$0x0], $0xffff;
	v1 =	vadd.bf16 v17, v1  }
0x2fc: {  	v35 =	vnsel vm0, $0x3E9, v35;
	v58 =	vld.idx.msk [tilespmem:v43+s3+$0x0], $0xffff;
	v17 =	vor.u32 v21, v46;
	v42 =	vadd.bf16 v49, v42  }
0x2fd: {  	v61 =	vadd.s32 $0x3F0, v35;
	v52 =	vld.idx.msk [tilespmem:v57+s3+$0x0], $0xffff;
	v1 =	vadd.bf16 v18, v1  }
0x2fe: {  	v45 =	vld.idx.msk [tilespmem:v45+s3+$0x0], $0xffff;
	v18 =	vor.u32 v22, v46;
	v42 =	vadd.bf16 v50, v42  }
0x2ff: {  	v1 =	vadd.bf16 v19, v1;
	v19 =	vor.u32 v23, v46;
	v15 =	vld.idx.msk [tilespmem:v15+s14+$0x0], $0xffff  }
0x300: {  	v57 =	vld.idx.msk [tilespmem:v60+s3+$0x0], $0xffff;
	v60 =	vor.u32 v32, v46;
	v40 =	vadd.bf16 v59, v42  }
0x301: {  	v1 =	vadd.bf16 v36, v1;
	v17 =	vld.idx.msk [tilespmem:v17+s14+$0x0], $0xffff  }
0x302: {  	v48 =	vld.idx.msk [tilespmem:v61+s3+$0x0], $0xffff;
	v59 =	vor.u32 v24, v46;
	v40 =	vadd.bf16 v52, v40  }
0x303: {  	v1 =	vadd.bf16 v39, v1;
	v61 =	vor.u32 v25, v46;
	v18 =	vld.idx.msk [tilespmem:v18+s14+$0x0], $0xffff  }
0x304: {  	v19 =	vld.idx.msk [tilespmem:v19+s14+$0x0], $0xffff;
	v62 =	vadd.s32 $0x3F0, v15;
	v40 =	vadd.bf16 v53, v40  }
0x305: {  	v1 =	vadd.bf16 v41, v1;
	v55 =	vld.idx.msk [tilespmem:v60+s14+$0x0], $0xffff  }
0x306: {  	v42 =	vld.idx.msk [tilespmem:v47+s3+$0x0], $0xffff;
	v40 =	vadd.bf16 v57, v40;
	v57 =	vadd.s32 $0x3F0, v17  }
0x307: {  	v63 =	vor.u32 v26, v46;
	v1 =	vadd.bf16 v58, v1;
	v43 =	vld.idx.msk [tilespmem:v59+s14+$0x0], $0xffff  }
0x308: {  	v44 =	vld.idx.msk [tilespmem:v61+s14+$0x0], $0xffff;
	v59 =	vadd.s32 $0x3F0, v18  }
0x309: {  	v58 =	vor.u32 v27, v46;
	v1 =	vadd.bf16 v45, v1;
	v60 =	vld.idx.msk [tilespmem:v62+s3+$0x0], $0xffff  }
0x30a: {  	v35 =	vld.idx.msk [tilespmem:v35+s3+$0x0], $0xffff;
	v56 =	vadd.s32 $0x3F0, v19  }
0x30b: {  	v61 =	vor.u32 v28, v46;
	v1 =	vadd.bf16 v42, v1;
	v41 =	vld.idx.msk [tilespmem:v57+s3+$0x0], $0xffff  }
0x30c: {  	v45 =	vld.idx.msk [tilespmem:v63+s14+$0x0], $0xffff;
	v40 =	vadd.bf16 v48, v40;
	v62 =	vadd.s32 $0x3F0, v43  }
0x30d: {  	v0 =	vadd.bf16 v0, v1;
	v1 =	vld.idx.msk [tilespmem:v59+s3+$0x0], $0xffff  }
0x30e: {  	v47 =	vld.idx.msk [tilespmem:v58+s14+$0x0], $0xffff;
	v58 =	vadd.s32 $0x3F0, v44;
	v54 =	vand.u32 $0xFFFF0000, v40;
	v59 =	vadd.bf16 v3, v60  }
0x30f: {  	v63 =	vor.u32 v30, v46;
	(xrf2) =	vadd.scan.msk.f32 $0xffff, v54;
	v60 =	vld.idx.msk [tilespmem:v56+s3+$0x0], $0xffff  }
0x310: {  	v48 =	vld.idx.msk [tilespmem:v61+s14+$0x0], $0xffff;
	v0 =	vadd.bf16 v35, v0;
	v40 =	vshll.u32 v40, $0x10;
	v35 =	vadd.bf16 v41, v59  }
0x311: {  	(xrf2) =	vadd.scan.msk.f32 $0xffff, v40;
	v40 =	vld.idx.msk [tilespmem:v62+s3+$0x0], $0xffff  }
0x312: {  	v57 =	vor.u32 v29, v46;
	v1 =	vadd.bf16 v1, v35  }
0x313: {  	v62 =	vld.idx.msk [tilespmem:v58+s3+$0x0], $0xffff  }
0x314: {  	v46 =	vor.u32 v31, v46;
	v1 =	vadd.bf16 v60, v1  }
0x315: {  	v51 =	vld.idx.msk [tilespmem:v63+s14+$0x0], $0xffff;
	v61 =	vadd.s32 $0x3F0, v45  }
0x316: {  	v15 =	vld.idx.msk [tilespmem:v15+s3+$0x0], $0xffff;
	v56 =	vshll.u32 v0, $0x10;
	v63 =	vadd.s32 $0x3F0, v48;
	v1 =	vadd.bf16 v40, v1  }
0x317: {  	(xrf2) =	vadd.scan.msk.f32 $0xffff, v56;
	v49 =	vld.idx.msk [tilespmem:v57+s14+$0x0], $0xffff  }
0x318: {  	v0 =	vand.u32 $0xFFFF0000, v0;
	v57 =	vadd.s32 $0x3F0, v47;
	v1 =	vadd.bf16 v62, v1;
	v62 =	vld [tilespmem:$0x1FFA0]  }
0x319: {  	v50 =	vld.idx.msk [tilespmem:v46+s14+$0x0], $0xffff;
	v58, _, _ =	vpop (xrf2);
	(xrf2) =	vadd.scan.msk.f32 $0xffff, v0  }
0x31a: {  	v46 =	vld.idx.msk [tilespmem:v61+s3+$0x0], $0xffff;
	v59 =	vbroadcast v58, $0xF  }
0x31b: {  	vm1 =	veq.s32 v38, v2;
	v53 =	vld.idx.msk [tilespmem:v63+s3+$0x0], $0xffff  }
0x31c: {  	v63 =	vld [tilespmem:$0x1FFB0];
	v52 =	vadd.s32 $0x3F0, v49;
	v60, _, _ =	vpop (xrf2);
	v39 =	vnsel vm1, $0x0, v59  }
0x31d: {  	v54 =	vld.idx.msk [tilespmem:v57+s3+$0x0], $0xffff;
	v61 =	vbroadcast v60, $0xF;
	v38 =	vadd.f32 v39, v62;
	v62 =	vadd.s32 $0x3F0, v51  }
0x31e: {  	v58 =	vld.idx.msk [tilespmem:v17+s3+$0x0], $0xffff  }
0x31f: {  	s31 =	simm.s32 $0x2;
	v57 =	vld.idx.msk [tilespmem:v18+s3+$0x0], $0xffff;
	v17 =	vnsel vm1, $0x0, v61;
	v61 =	vadd.s32 $0x3F0, v50  }
0x320: {  	v55 =	vnsel vm0, $0x3E9, v55;
	v42 =	vmov s31;
	v41 =	vmovc v34;
	v40 =	vmovc v33;
	v59 =	vld.idx.msk [tilespmem:v19+s3+$0x0], $0xffff;
	v56 =	vadd.bf16 v46, v1  }
0x321: {  	s21 =	simm.s32 $0x3;
	v60 =	vadd.bf16 v3, v15;
	v52 =	vld.idx.msk [tilespmem:v52+s3+$0x0], $0xffff;
	v46, _, _ =	vpop (xrf2);
	v39 =	vadd.f32 v17, v63;
	v63 =	vadd.s32 $0x3F0, v55  }
.LBB2_8:
0x322: {  	p0 =	sne.s32 s21, $0xF;
	v0 =	vshll.u32 v42, $0x8;
	v1 =	vshll.u32 v42, $0x7;
	v15 =	vadd.bf16 v54, v56;
	v17 =	vld.idx.msk [tilespmem:v62+s3+$0x0], $0xffff  }
0x323: {  	v0 =	vand.u32 $0x800, v0;
	v1 =	vand.u32 $0x380, v1;
	v18 =	vadd.bf16 v58, v60;
	v19 =	vld.idx.msk [tilespmem:v43+s3+$0x0], $0xffff;
	v35, _, _ =	vpop (xrf2)  }
0x324: {  	v36 =	vbroadcast v46, $0xF;
	v0 =	vor.u32 v0, v1;
	v1 =	vadd.bf16 v53, v15;
	v15 =	vld.idx.msk [tilespmem:v61+s3+$0x0], $0xffff  }
0x325: {  	v35 =	vbroadcast v35, $0xF;
	v43 =	vor.u32 v20, v0;
	v18 =	vadd.bf16 v57, v18;
	v44 =	vld.idx.msk [tilespmem:v44+s3+$0x0], $0xffff  }
0x326: {  	v36 =	vnsel vm1, $0x0, v36;
	v1 =	vadd.bf16 v52, v1;
	v46 =	vld.idx.msk [tilespmem:v63+s3+$0x0], $0xffff  }
0x327: {  	v52 =	vor.u32 v21, v0;
	v35 =	vnsel vm1, $0x0, v35;
	v18 =	vadd.bf16 v59, v18;
	v45 =	vld.idx.msk [tilespmem:v45+s3+$0x0], $0xffff  }
0x328: {  	v40 =	vadd.f32 v36, v40;
	v47 =	vld.idx.msk [tilespmem:v47+s3+$0x0], $0xffff;
	v1 =	vadd.bf16 v17, v1  }
0x329: {  	v41 =	vadd.f32 v35, v41;
	v17 =	vor.u32 v22, v0;
	v18 =	vadd.bf16 v19, v18;
	v19 =	vld.idx.msk [tilespmem:v48+s3+$0x0], $0xffff  }
0x32a: {  	v35 =	vld.idx.msk [tilespmem:v43+s14+$0x0], $0xffff;
	v1 =	vadd.bf16 v15, v1  }
0x32b: {  	v15 =	vor.u32 v23, v0;
	v18 =	vadd.bf16 v44, v18;
	v36 =	vld.idx.msk [tilespmem:v49+s3+$0x0], $0xffff  }
0x32c: {  	v52 =	vld.idx.msk [tilespmem:v52+s14+$0x0], $0xffff;
	v1 =	vadd.bf16 v46, v1  }
0x32d: {  	v43 =	vor.u32 v24, v0;
	v18 =	vadd.bf16 v45, v18;
	v45 =	vld.idx.msk [tilespmem:v51+s3+$0x0], $0xffff  }
0x32e: {  	v44 =	vor.u32 v32, v0;
	v17 =	vld.idx.msk [tilespmem:v17+s14+$0x0], $0xffff;
	v46 =	vshll.u32 v1, $0x10;
	v1 =	vand.u32 $0xFFFF0000, v1  }
0x32f: {  	v48 =	vor.u32 v25, v0;
	v18 =	vadd.bf16 v47, v18;
	v47 =	vld.idx.msk [tilespmem:v50+s3+$0x0], $0xffff;
	(xrf2) =	vadd.scan.msk.f32 $0xffff, v1  }
0x330: {  	v1 =	vadd.s32 $0x3F0, v35;
	v15 =	vld.idx.msk [tilespmem:v15+s14+$0x0], $0xffff  }
0x331: {  	v49 =	vor.u32 v26, v0;
	v18 =	vadd.bf16 v19, v18;
	v19 =	vld.idx.msk [tilespmem:v55+s3+$0x0], $0xffff  }
0x332: {  	v50 =	vadd.s32 $0x3F0, v52;
	v43 =	vld.idx.msk [tilespmem:v43+s14+$0x0], $0xffff;
	(xrf2) =	vadd.scan.msk.f32 $0xffff, v46  }
0x333: {  	v46 =	vor.u32 v27, v0;
	v55 =	vld.idx.msk [tilespmem:v44+s14+$0x0], $0xffff;
	v18 =	vadd.bf16 v36, v18  }
0x334: {  	v36 =	vadd.s32 $0x3F0, v17;
	v44 =	vld.idx.msk [tilespmem:v48+s14+$0x0], $0xffff  }
0x335: {  	v48 =	vor.u32 v28, v0;
	v1 =	vld.idx.msk [tilespmem:v1+s3+$0x0], $0xffff;
	v18 =	vadd.bf16 v45, v18  }
0x336: {  	v51 =	vadd.s32 $0x3F0, v15;
	v45 =	vld.idx.msk [tilespmem:v49+s14+$0x0], $0xffff  }
0x337: {  	v49 =	vor.u32 v29, v0;
	v50 =	vld.idx.msk [tilespmem:v50+s3+$0x0], $0xffff;
	v18 =	vadd.bf16 v47, v18  }
0x338: {  	v53 =	vadd.s32 $0x3F0, v43;
	v47 =	vld.idx.msk [tilespmem:v46+s14+$0x0], $0xffff  }
0x339: {  	v46 =	vor.u32 v30, v0;
	v36 =	vld.idx.msk [tilespmem:v36+s3+$0x0], $0xffff;
	v18 =	vadd.bf16 v19, v18;
	v19, _, _ =	vpop (xrf2)  }
0x33a: {  	v54 =	vadd.s32 $0x3F0, v44;
	v48 =	vld.idx.msk [tilespmem:v48+s14+$0x0], $0xffff;
	v19 =	vbroadcast v19, $0xF  }
0x33b: {  	vm1 =	veq.s32 v37, v2;
	v0 =	vor.u32 v31, v0;
	v1 =	vadd.bf16 v3, v1;
	v56 =	vld.idx.msk [tilespmem:v51+s3+$0x0], $0xffff  }
0x33c: {  	v57 =	vadd.s32 $0x3F0, v45;
	v59 =	vshll.u32 v18, $0x10;
	v49 =	vld.idx.msk [tilespmem:v49+s14+$0x0], $0xffff;
	v19 =	vnsel vm1, $0x0, v19;
	v58, _, _ =	vpop (xrf2)  }
0x33d: {  	v18 =	vand.u32 $0xFFFF0000, v18;
	v1 =	vadd.bf16 v50, v1;
	v53 =	vld.idx.msk [tilespmem:v53+s3+$0x0], $0xffff;
	v38 =	vadd.f32 v19, v38;
	(xrf2) =	vadd.scan.msk.f32 $0xffff, v59  }
0x33e: {  	v37 =	vmov v42;
	v19 =	vadd.s32 $0x3F0, v47;
	v51 =	vld.idx.msk [tilespmem:v46+s14+$0x0], $0xffff;
	v46 =	vbroadcast v58, $0xF  }
0x33f: {  	v1 =	vadd.bf16 v36, v1;
	v36 =	vld.idx.msk [tilespmem:v54+s3+$0x0], $0xffff  }
0x340: {  	v42 =	vadd.s32 $0x3F0, v48;
	v50 =	vld.idx.msk [tilespmem:v0+s14+$0x0], $0xffff;
	v0 =	vnsel vm1, $0x0, v46;
	(xrf2) =	vadd.scan.msk.f32 $0xffff, v18  }
0x341: {  	v1 =	vadd.bf16 v56, v1;
	v18 =	vld.idx.msk [tilespmem:v57+s3+$0x0], $0xffff;
	v39 =	vadd.f32 v0, v39  }
0x342: {  	v0 =	vld.idx.msk [tilespmem:v35+s3+$0x0], $0xffff;
	v35 =	vadd.s32 $0x3F0, v49  }
0x343: {  	v1 =	vadd.bf16 v53, v1;
	v54 =	vld.idx.msk [tilespmem:v19+s3+$0x0], $0xffff  }
.Ltmp3:
0x344: {  	v62 =	vadd.s32 $0x3F0, v51;
	v58 =	vld.idx.msk [tilespmem:v52+s3+$0x0], $0xffff;
	(pc) =	sbr.rel @p0 .LBB2_8-.Ltmp3, $4  }
0x345: {  	v1 =	vadd.bf16 v36, v1;
	v53 =	vld.idx.msk [tilespmem:v42+s3+$0x0], $0xffff  }
0x346: {  	v61 =	vadd.s32 $0x3F0, v50;
	v57 =	vld.idx.msk [tilespmem:v17+s3+$0x0], $0xffff  }
0x347: {  	v55 =	vnsel vm0, $0x3E9, v55;
	v56 =	vadd.bf16 v18, v1;
	v52 =	vld.idx.msk [tilespmem:v35+s3+$0x0], $0xffff;
	v46, _, _ =	vpop (xrf2)  }
0x348: {  	v63 =	vadd.s32 $0x3F0, v55;
	v42 =	vmov s21;
	s21 =	sadd.s32 $0x1, s21;
	v60 =	vadd.bf16 v3, v0;
	v59 =	vld.idx.msk [tilespmem:v15+s3+$0x0], $0xffff  }
0x349: {  	_ =	sdelay $0x1  }
0x34a: {  	v0 =	vshll.u32 v42, $0x8;
	v1 =	vshll.u32 v42, $0x7  }
0x34b: {  	v0 =	vand.u32 $0x800, v0;
	v1 =	vand.u32 $0x380, v1  }
0x34c: {  	v0 =	vor.u32 v0, v1;
	v1 =	vld.idx.msk [tilespmem:v61+s3+$0x0], $0xffff;
	_ =	sdelay $0x4  }
0x34d: {  	[tilespmem:$0x1FD50] =	vst v1;
	v1 =	vld.idx.msk [tilespmem:v44+s3+$0x0], $0xffff;
	_ =	sdelay $0x4  }
0x34e: {  	[tilespmem:$0x1FCF0] =	vst v1;
	v1 =	vld.idx.msk [tilespmem:v63+s3+$0x0], $0xffff;
	_ =	sdelay $0x4  }
0x34f: {  	[tilespmem:$0x1FD70] =	vst v1;
	v1 =	vld.idx.msk [tilespmem:v45+s3+$0x0], $0xffff;
	_ =	sdelay $0x4  }
0x350: {  	[tilespmem:$0x1FD00] =	vst v1;
	v1 =	vld.idx.msk [tilespmem:v47+s3+$0x0], $0xffff;
	_ =	sdelay $0x3  }
0x351: {  	v36 =	vor.u32 v21, v0  }
0x352: {  	[tilespmem:$0x1FD10] =	vst v1;
	v1 =	vld.idx.msk [tilespmem:v48+s3+$0x0], $0xffff  }
0x353: {  	v15 =	vld.idx.msk [tilespmem:v62+s3+$0x0], $0xffff  }
0x354: {  	v35 =	vor.u32 v24, v0  }
0x355: {  	v18 =	vor.u32 v20, v0  }
0x356: {  	v44 =	vld.idx.msk [tilespmem:v36+s14+$0x0], $0xffff;
	v45 =	vor.u32 v22, v0  }
0x357: {  	[tilespmem:$0x1FD20] =	vst v1;
	v1 =	vld.idx.msk [tilespmem:v49+s3+$0x0], $0xffff  }
0x358: {  	[tilespmem:$0x1FD30] =	vst v15;
	v15 =	vld.idx.msk [tilespmem:v43+s3+$0x0], $0xffff;
	v36 =	vor.u32 v32, v0  }
0x359: {  	v61 =	vld.idx.msk [tilespmem:v35+s14+$0x0], $0xffff;
	v35 =	vor.u32 v27, v0  }
0x35a: {  	v43 =	vld.idx.msk [tilespmem:v18+s14+$0x0], $0xffff  }
0x35b: {  	v19 =	vadd.s32 $0x3F0, v44;
	v45 =	vld.idx.msk [tilespmem:v45+s14+$0x0], $0xffff  }
0x35c: {  	[tilespmem:$0x1FD40] =	vst v1;
	v1 =	vld.idx.msk [tilespmem:v51+s3+$0x0], $0xffff  }
0x35d: {  	v62 =	vld.idx.msk [tilespmem:v36+s14+$0x0], $0xffff;
	v48 =	vor.u32 v23, v0  }
0x35e: {  	v35 =	vld.idx.msk [tilespmem:v35+s14+$0x0], $0xffff;
	v47 =	vor.u32 v25, v0  }
0x35f: {  	v17 =	vor.u32 v26, v0;
	v44 =	vld.idx.msk [tilespmem:v44+s3+$0x0], $0xffff  }
0x360: {  	v19 =	vld.idx.msk [tilespmem:v19+s3+$0x0], $0xffff  }
0x361: {  	v36 =	vadd.s32 $0x3F0, v45;
	[tilespmem:$0x1FD60] =	vst v1;
	v1 =	vld.idx.msk [tilespmem:v50+s3+$0x0], $0xffff  }
0x362: {  	[tilespmem:$0x1FCE0] =	vst v15;
	v15 =	vor.u32 v28, v0;
	v48 =	vld.idx.msk [tilespmem:v48+s14+$0x0], $0xffff  }
0x363: {  	v63 =	vld.idx.msk [tilespmem:v47+s14+$0x0], $0xffff  }
0x364: {  	v49 =	vld.idx.msk [tilespmem:v17+s14+$0x0], $0xffff;
	v17 =	vadd.s32 $0x3F0, v61  }
0x365: {  	v45 =	vld.idx.msk [tilespmem:v45+s3+$0x0], $0xffff  }
0x366: {  	v36 =	vld.idx.msk [tilespmem:v36+s3+$0x0], $0xffff;
	[tilespmem:$0x1FD80] =	vst v1;
	v1 =	vadd.s32 $0x3F0, v43  }
0x367: {  	v50 =	vld.idx.msk [tilespmem:v15+s14+$0x0], $0xffff  }
0x368: {  	v18 =	vadd.s32 $0x3F0, v48;
	v43 =	vld.idx.msk [tilespmem:v43+s3+$0x0], $0xffff  }
0x369: {  	v17 =	vld.idx.msk [tilespmem:v17+s3+$0x0], $0xffff;
	v15 =	vor.u32 v30, v0  }
0x36a: {  	v58 =	vadd.bf16 v58, v60;
	v48 =	vld.idx.msk [tilespmem:v48+s3+$0x0], $0xffff  }
0x36b: {  	v47 =	vld.idx.msk [tilespmem:v1+s3+$0x0], $0xffff;
	v1 =	vor.u32 v29, v0  }
0x36c: {  	v57 =	vadd.bf16 v57, v58;
	v58 =	vadd.s32 $0x3F0, v49;
	v49 =	vld.idx.msk [tilespmem:v49+s3+$0x0], $0xffff;
	v0 =	vor.u32 v31, v0  }
0x36d: {  	v18 =	vld.idx.msk [tilespmem:v18+s3+$0x0], $0xffff;
	v43 =	vadd.bf16 v3, v43  }
0x36e: {  	v15 =	vld.idx.msk [tilespmem:v15+s14+$0x0], $0xffff  }
0x36f: {  	v60 =	vadd.bf16 v44, v43;
	v44 =	vadd.s32 $0x3F0, v50;
	v50 =	vld.idx.msk [tilespmem:v50+s3+$0x0], $0xffff  }
0x370: {  	v51 =	vld.idx.msk [tilespmem:v1+s14+$0x0], $0xffff;
	v47 =	vadd.bf16 v3, v47  }
0x371: {  	v0 =	vld.idx.msk [tilespmem:v0+s14+$0x0], $0xffff  }
0x372: {  	v1 =	vadd.s32 $0x3F0, v63;
	v19 =	vadd.bf16 v19, v47;
	v47 =	vadd.bf16 v59, v57;
	v59 =	vld [tilespmem:$0x1FCE0]  }
0x373: {  	v57 =	vadd.s32 $0x3F0, v35;
	v35 =	vld.idx.msk [tilespmem:v35+s3+$0x0], $0xffff  }
0x374: {  	v19 =	vadd.bf16 v36, v19;
	v36 =	vld.idx.msk [tilespmem:v58+s3+$0x0], $0xffff  }
0x375: {  	v58 =	vld.idx.msk [tilespmem:v63+s3+$0x0], $0xffff  }
0x376: {  	v63 =	vld [tilespmem:$0x1FD00]  }
0x377: {  	v1 =	vld.idx.msk [tilespmem:v1+s3+$0x0], $0xffff  }
0x378: {  	v18 =	vadd.bf16 v18, v19;
	v19 =	vadd.bf16 v45, v60;
	v60 =	vld [tilespmem:$0x1FCF0]  }
0x379: {  	v45 =	vadd.s32 $0x3F0, v51;
	v43 =	vadd.bf16 v59, v47;
	v47 =	vld.idx.msk [tilespmem:v61+s3+$0x0], $0xffff  }
0x37a: {  	v61 =	vadd.bf16 v54, v56;
	v59 =	vld [tilespmem:$0x1FD10]  }
0x37b: {  	v17 =	vadd.bf16 v17, v18;
	v18 =	vadd.bf16 v48, v19;
	v19 =	vld.idx.msk [tilespmem:v57+s3+$0x0], $0xffff  }
0x37c: {  	v56 =	vld.idx.msk [tilespmem:v51+s3+$0x0], $0xffff  }
0x37d: {  	v54 =	vadd.s32 $0x3F0, v15;
	v57 =	vadd.bf16 v53, v61;
	v53 =	vld [tilespmem:$0x1FD30]  }
0x37e: {  	v1 =	vadd.bf16 v1, v17;
	v61 =	vld.idx.msk [tilespmem:v45+s3+$0x0], $0xffff  }
0x37f: {  	v43 =	vadd.bf16 v60, v43;
	v17 =	vadd.bf16 v47, v18;
	v18 =	vld.idx.msk [tilespmem:v44+s3+$0x0], $0xffff  }
0x380: {  	v60 =	vadd.s32 $0x3F0, v0;
	v1 =	vadd.bf16 v36, v1;
	v44 =	vadd.bf16 v52, v57;
	v57 =	vld [tilespmem:$0x1FD50]  }
0x381: {  	v43 =	vadd.bf16 v63, v43;
	v63 =	vld [tilespmem:$0x1FD20]  }
0x382: {  	v1 =	vadd.bf16 v19, v1;
	v19 =	vld.idx.msk [tilespmem:v54+s3+$0x0], $0xffff  }
0x383: {  	v54 =	vld [tilespmem:$0x1FD40]  }
0x384: {  	v17 =	vadd.bf16 v58, v17;
	v58 =	vld [tilespmem:$0x1FD60];
	v43 =	vadd.bf16 v59, v43  }
0x385: {  	v62 =	vnsel vm0, $0x3E9, v62;
	v1 =	vadd.bf16 v18, v1;
	v18 =	vld.idx.msk [tilespmem:v60+s3+$0x0], $0xffff  }
0x386: {  	v52 =	vadd.s32 $0x3F0, v62;
	v17 =	vadd.bf16 v49, v17;
	v60 =	vld [tilespmem:$0x1FD70];
	v43 =	vadd.bf16 v63, v43  }
0x387: {  	v44 =	vadd.bf16 v53, v44;
	v1 =	vadd.bf16 v61, v1;
	v61 =	vld [tilespmem:$0x1FD80]  }
0x388: {  	v55 =	vld.idx.msk [tilespmem:v55+s3+$0x0], $0xffff;
	v17 =	vadd.bf16 v35, v17;
	v43 =	vadd.bf16 v54, v43  }
0x389: {  	v15 =	vld.idx.msk [tilespmem:v15+s3+$0x0], $0xffff;
	v35 =	vadd.bf16 v57, v44  }
0x38a: {  	v0 =	vld.idx.msk [tilespmem:v0+s3+$0x0], $0xffff;
	v17 =	vadd.bf16 v50, v17;
	v43 =	vadd.bf16 v58, v43  }
0x38b: {  	v59 =	vld.idx.msk [tilespmem:v52+s3+$0x0], $0xffff;
	v1 =	vadd.bf16 v19, v1;
	v35 =	vadd.bf16 v60, v35  }
0x38c: {  	v17 =	vadd.bf16 v56, v17;
	v43 =	vadd.bf16 v61, v43  }
0x38d: {  	v62 =	vld.idx.msk [tilespmem:v62+s3+$0x0], $0xffff;
	v1 =	vadd.bf16 v18, v1  }
0x38e: {  	v63 =	vand.u32 $0xFFFF0000, v35;
	v15 =	vadd.bf16 v15, v17;
	v19 =	vadd.bf16 v55, v43  }
0x38f: {  	v17 =	vshll.u32 v35, $0x10;
	(xrf2) =	vadd.scan.msk.f32 $0xffff, v63  }
0x390: {  	v1 =	vadd.bf16 v59, v1;
	(xrf2) =	vadd.scan.msk.f32 $0xffff, v17;
	v0 =	vadd.bf16 v0, v15;
	v17 =	vshll.u32 v19, $0x10  }
0x391: {  	v15 =	vand.u32 $0xFFFF0000, v19;
	(xrf2) =	vadd.scan.msk.f32 $0xffff, v17  }
0x392: {  	v0 =	vadd.bf16 v62, v0;
	(xrf2) =	vadd.scan.msk.f32 $0xffff, v15;
	v15 =	vand.u32 $0xFFFF0000, v1  }
0x393: {  	v1 =	vshll.u32 v1, $0x10;
	(xrf2) =	vadd.scan.msk.f32 $0xffff, v15  }
0x394: {  	(xrf2) =	vadd.scan.msk.f32 $0xffff, v1;
	v1 =	vshll.u32 v0, $0x10  }
0x395: {  	v0 =	vand.u32 $0xFFFF0000, v0;
	(xrf2) =	vadd.scan.msk.f32 $0xffff, v1  }
0x396: {  	(xrf2) =	vadd.scan.msk.f32 $0xffff, v0;
	_ =	sdelay $0x1  }
0x397: {  	v1 =	vbroadcast v46, $0xF;
	v0, _, _ =	vpop (xrf2)  }
0x398: {  	v15, _, _ =	vpop (xrf2);
	v0 =	vbroadcast v0, $0xF  }
0x399: {  	v1 =	vnsel vm1, $0x0, v1;
	v17, _, _ =	vpop (xrf2);
	v15 =	vbroadcast v15, $0xF  }
0x39a: {  	v0 =	vnsel vm1, $0x0, v0;
	vm1 =	veq.s32 v37, v2;
	v17 =	vbroadcast v17, $0xF;
	v18, _, _ =	vpop (xrf2)  }
0x39b: {  	v1 =	vadd.f32 v1, v40;
	v0 =	vadd.f32 v0, v41;
	v15 =	vnsel vm1, $0x0, v15;
	v19, _, _ =	vpop (xrf2)  }
0x39c: {  	v17 =	vnsel vm1, $0x0, v17;
	v18 =	vbroadcast v18, $0xF;
	v41, _, _ =	vpop (xrf2);
	v19 =	vbroadcast v19, $0xF  }
0x39d: {  	v15 =	vadd.f32 v15, v38;
	v17 =	vadd.f32 v17, v39;
	v43, _, _ =	vpop (xrf2)  }
0x39e: {  	v18 =	vnsel vm1, $0x0, v18;
	v35 =	vbroadcast v41, $0xF;
	v19 =	vnsel vm1, $0x0, v19;
	v44, _, _ =	vpop (xrf2)  }
0x39f: {  	v1 =	vadd.f32 v18, v1;
	vm1 =	veq.s32 v42, v2;
	v18 =	vbroadcast v43, $0xF;
	v45, _, _ =	vpop (xrf2)  }
0x3a0: {  	v35 =	vnsel vm1, $0x0, v35;
	v37 =	vbroadcast v44, $0xF;
	v36 =	vbroadcast v45, $0xF  }
0x3a1: {  	v0 =	vadd.f32 v19, v0;
	v15 =	vadd.f32 v35, v15;
	v18 =	vnsel vm1, $0x0, v18  }
0x3a2: {  	v17 =	vadd.f32 v18, v17;
	v18 =	vnsel vm1, $0x0, v37;
	v19 =	vnsel vm1, $0x0, v36  }
0x3a3: {  	v1 =	vadd.f32 v18, v1;
	v0 =	vadd.f32 v19, v0;
	_ =	sdelay $0x1  }
0x3a4: {  	v19 =	vmax.f32 v17, v15;
	v18 =	vmax.f32 v1, v0  }
0x3a5: {  	v18 =	vmax.f32 v18, v19  }
0x3a6: {  	v1 =	vsub.f32 v1, v18  }
0x3a7: {  	v0 =	vsub.f32 v0, v18  }
0x3a8: {  	v17 =	vsub.f32 v17, v18;
	v1 =	vmul.f32 $1.442695020e+00, v1  }
0x3a9: {  	v15 =	vsub.f32 v15, v18;
	v0 =	vmul.f32 $1.442695020e+00, v0  }
0x3aa: {  	(erf) = vpow2.f32 v1;
	v1 =	vmul.f32 $1.442695020e+00, v17  }
0x3ab: {  	(erf) = vpow2.f32 v0;
	v0 =	vmul.f32 $1.442695020e+00, v15  }
0x3ac: {  	(erf) = vpow2.f32 v1  }
0x3ad: {  	(erf) = vpow2.f32 v0;
	_ =	sdelay $0x5  }
0x3ae: {  	v0 =	vpop (erf)  }
0x3af: {  	v1 =	vpop (erf)  }
0x3b0: {  	v15 =	vpop (erf)  }
0x3b1: {  	v17 =	vpop (erf)  }
0x3b2: {  	v18 =	vadd.f32 v1, v0;
	v19 =	vadd.f32 v17, v15;
	_ =	sdelay $0x1  }
0x3b3: {  	v18 =	vadd.f32 v19, v18;
	_ =	sdelay $0x1  }
0x3b4: {  	(erf) = vrcp.f32 v18;
	_ =	sdelay $0x1  }
0x3b5: {  	v46 =	vld [tilespmem:$0x1FFE0];
	_ =	sdelay $0x4  }
0x3b6: {  	v18 =	vor.u32 $0x1800, v46  }
0x3b7: {  	v19 =	vor.u32 $0x1801, v46  }
0x3b8: {  	v48 =	vor.u32 $0x1802, v46;
	v47 =	vpop (erf)  }
0x3b9: {  	s21 =	simm.s32 $0x0;
	v37 =	vor.u32 $0x1803, v46;
	v0 =	vmul.f32 v47, v0  }
0x3ba: {  	v38 =	vmov s21;
	v1 =	vmul.f32 v47, v1  }
0x3bb: {  	[tilespmem:v18+s18+$0x0] =	vst.idx.msk $0xffff, v0;
	v0 =	vmul.f32 v47, v15;
	v15 =	vshll.u32 v38, $0x8;
	v18 =	vshll.u32 v38, $0x7  }
0x3bc: {  	[tilespmem:v19+s18+$0x0] =	vst.idx.msk $0xffff, v1;
	v1 =	vmul.f32 v47, v17;
	v15 =	vand.u32 $0x800, v15;
	v17 =	vand.u32 $0x380, v18  }
0x3bd: {  	[tilespmem:v48+s18+$0x0] =	vst.idx.msk $0xffff, v0;
	v0 =	vor.u32 v17, v15  }
0x3be: {  	[tilespmem:v37+s18+$0x0] =	vst.idx.msk $0xffff, v1;
	v1 =	vor.u32 v2, v0  }
0x3bf: {  	v15 =	vor.u32 v4, v0;
	_ =	swait.ge [sflag:s16], $0x1000  }
0x3c0: {  	v17 =	vor.u32 v5, v0;
	[sflag:s16] =	ssyncset.done $0x0  }
0x3c1: {  	v18 =	vor.u32 v6, v0;
	[sflag:s16] =	ssyncadd.s32 $0xFFFFF000  }
0x3c2: {  	v19 =	vor.u32 v7, v0;
	[tilespmem:s17], [sflag:$0x2] =	stream.linear.gather [hbm4b:s9+s21], $0x1000, $0x38;
	[tilespmem:$0x6800] =	vst v63  }
0x3c3: {  	v49 =	vor.u32 v16, v0;
	v1 =	vld.idx.msk [tilespmem:v1+s14+$0x0], $0xffff  }
0x3c4: {  	v50 =	vor.u32 v8, v0;
	v15 =	vld.idx.msk [tilespmem:v15+s14+$0x0], $0xffff  }
0x3c5: {  	v52 =	vor.u32 v9, v0;
	v17 =	vld.idx.msk [tilespmem:v17+s14+$0x0], $0xffff  }
0x3c6: {  	v54 =	vor.u32 v10, v0;
	v18 =	vld.idx.msk [tilespmem:v18+s14+$0x0], $0xffff  }
0x3c7: {  	v56 =	vor.u32 v11, v0;
	v19 =	vld.idx.msk [tilespmem:v19+s14+$0x0], $0xffff  }
0x3c8: {  	v58 =	vor.u32 v12, v0;
	v35 =	vld.idx.msk [tilespmem:v49+s14+$0x0], $0xffff  }
0x3c9: {  	v60 =	vor.u32 v13, v0;
	v36 =	vld.idx.msk [tilespmem:v50+s14+$0x0], $0xffff  }
0x3ca: {  	v0 =	vor.u32 v14, v0;
	v39 =	vld.idx.msk [tilespmem:v52+s14+$0x0], $0xffff  }
0x3cb: {  	v41 =	vld.idx.msk [tilespmem:v54+s14+$0x0], $0xffff  }
0x3cc: {  	v43 =	vld.idx.msk [tilespmem:v56+s14+$0x0], $0xffff  }
0x3cd: {  	v45 =	vld.idx.msk [tilespmem:v58+s14+$0x0], $0xffff;
	v51 =	vadd.s32 $0x3F0, v1  }
0x3ce: {  	v47 =	vld.idx.msk [tilespmem:v60+s14+$0x0], $0xffff  }
0x3cf: {  	v0 =	vld.idx.msk [tilespmem:v0+s14+$0x0], $0xffff;
	v53 =	vadd.s32 $0x3F0, v15  }
0x3d0: {  	v1 =	vld.idx.msk [tilespmem:v1+s3+$0x0], $0xffff  }
0x3d1: {  	v55 =	vadd.s32 $0x3F0, v17;
	v15 =	vld.idx.msk [tilespmem:v15+s3+$0x0], $0xffff  }
0x3d2: {  	v37 =	vld.idx.msk [tilespmem:v51+s3+$0x0], $0xffff  }
0x3d3: {  	v57 =	vadd.s32 $0x3F0, v18;
	v17 =	vld.idx.msk [tilespmem:v17+s3+$0x0], $0xffff  }
0x3d4: {  	v40 =	vld.idx.msk [tilespmem:v53+s3+$0x0], $0xffff  }
0x3d5: {  	v59 =	vadd.s32 $0x3F0, v19;
	v18 =	vld.idx.msk [tilespmem:v18+s3+$0x0], $0xffff  }
0x3d6: {  	v42 =	vld.idx.msk [tilespmem:v55+s3+$0x0], $0xffff  }
0x3d7: {  	v61 =	vadd.s32 $0x3F0, v36;
	v19 =	vld.idx.msk [tilespmem:v19+s3+$0x0], $0xffff;
	v37 =	vadd.bf16 v3, v37  }
0x3d8: {  	v62 =	vadd.s32 $0x3F0, v39;
	v44 =	vld.idx.msk [tilespmem:v57+s3+$0x0], $0xffff  }
0x3d9: {  	v63 =	vadd.s32 $0x3F0, v41;
	v36 =	vld.idx.msk [tilespmem:v36+s3+$0x0], $0xffff;
	v37 =	vadd.bf16 v40, v37  }
0x3da: {  	v46 =	vld.idx.msk [tilespmem:v59+s3+$0x0], $0xffff  }
0x3db: {  	v39 =	vld.idx.msk [tilespmem:v39+s3+$0x0], $0xffff;
	v42 =	vadd.bf16 v42, v37  }
0x3dc: {  	s30 =	simm.s32 $0x1;
	v56 =	vadd.s32 $0x3F0, v43;
	v58 =	vadd.s32 $0x3F0, v47;
	v48 =	vld.idx.msk [tilespmem:v61+s3+$0x0], $0xffff  }
0x3dd: {  	v49 =	vld.idx.msk [tilespmem:v62+s3+$0x0], $0xffff;
	v57 =	vadd.s32 $0x3F0, v45;
	v37 =	vmov s30;
	v42 =	vadd.bf16 v44, v42  }
0x3de: {  	v50 =	vld.idx.msk [tilespmem:v63+s3+$0x0], $0xffff;
	v1 =	vadd.bf16 v3, v1;
	v62 =	vshll.u32 v37, $0x8;
	v63 =	vshll.u32 v37, $0x7  }
0x3df: {  	v41 =	vld.idx.msk [tilespmem:v41+s3+$0x0], $0xffff;
	v44 =	vand.u32 $0x800, v62;
	v55 =	vand.u32 $0x380, v63;
	v42 =	vadd.bf16 v46, v42  }
0x3e0: {  	v60 =	vadd.s32 $0x3F0, v0;
	v0 =	vld.idx.msk [tilespmem:v0+s3+$0x0], $0xffff;
	v1 =	vadd.bf16 v15, v1;
	v46 =	vor.u32 v55, v44  }
0x3e1: {  	v59 =	vld.idx.msk [tilespmem:v56+s3+$0x0], $0xffff;
	v15 =	vor.u32 v2, v46;
	v42 =	vadd.bf16 v48, v42  }
0x3e2: {  	v53 =	vld.idx.msk [tilespmem:v58+s3+$0x0], $0xffff;
	v1 =	vadd.bf16 v17, v1  }
0x3e3: {  	v35 =	vnsel vm0, $0x3E9, v35;
	v58 =	vld.idx.msk [tilespmem:v43+s3+$0x0], $0xffff;
	v17 =	vor.u32 v4, v46;
	v42 =	vadd.bf16 v49, v42  }
0x3e4: {  	v61 =	vadd.s32 $0x3F0, v35;
	v52 =	vld.idx.msk [tilespmem:v57+s3+$0x0], $0xffff;
	v1 =	vadd.bf16 v18, v1  }
0x3e5: {  	v45 =	vld.idx.msk [tilespmem:v45+s3+$0x0], $0xffff;
	v18 =	vor.u32 v5, v46;
	v42 =	vadd.bf16 v50, v42  }
0x3e6: {  	v1 =	vadd.bf16 v19, v1;
	v19 =	vor.u32 v6, v46;
	v15 =	vld.idx.msk [tilespmem:v15+s14+$0x0], $0xffff  }
0x3e7: {  	v57 =	vld.idx.msk [tilespmem:v60+s3+$0x0], $0xffff;
	v60 =	vor.u32 v16, v46;
	v40 =	vadd.bf16 v59, v42  }
0x3e8: {  	v1 =	vadd.bf16 v36, v1;
	v17 =	vld.idx.msk [tilespmem:v17+s14+$0x0], $0xffff  }
0x3e9: {  	v48 =	vld.idx.msk [tilespmem:v61+s3+$0x0], $0xffff;
	v59 =	vor.u32 v7, v46;
	v40 =	vadd.bf16 v52, v40  }
0x3ea: {  	v1 =	vadd.bf16 v39, v1;
	v61 =	vor.u32 v8, v46;
	v18 =	vld.idx.msk [tilespmem:v18+s14+$0x0], $0xffff  }
0x3eb: {  	v19 =	vld.idx.msk [tilespmem:v19+s14+$0x0], $0xffff;
	v62 =	vadd.s32 $0x3F0, v15;
	v40 =	vadd.bf16 v53, v40  }
0x3ec: {  	v1 =	vadd.bf16 v41, v1;
	v55 =	vld.idx.msk [tilespmem:v60+s14+$0x0], $0xffff  }
0x3ed: {  	v42 =	vld.idx.msk [tilespmem:v47+s3+$0x0], $0xffff;
	v40 =	vadd.bf16 v57, v40;
	v57 =	vadd.s32 $0x3F0, v17  }
0x3ee: {  	v63 =	vor.u32 v9, v46;
	v1 =	vadd.bf16 v58, v1;
	v43 =	vld.idx.msk [tilespmem:v59+s14+$0x0], $0xffff  }
0x3ef: {  	v44 =	vld.idx.msk [tilespmem:v61+s14+$0x0], $0xffff;
	v59 =	vadd.s32 $0x3F0, v18  }
0x3f0: {  	v58 =	vor.u32 v10, v46;
	v1 =	vadd.bf16 v45, v1;
	v60 =	vld.idx.msk [tilespmem:v62+s3+$0x0], $0xffff  }
0x3f1: {  	v35 =	vld.idx.msk [tilespmem:v35+s3+$0x0], $0xffff;
	v56 =	vadd.s32 $0x3F0, v19  }
0x3f2: {  	v61 =	vor.u32 v11, v46;
	v1 =	vadd.bf16 v42, v1;
	v41 =	vld.idx.msk [tilespmem:v57+s3+$0x0], $0xffff  }
0x3f3: {  	v45 =	vld.idx.msk [tilespmem:v63+s14+$0x0], $0xffff;
	v40 =	vadd.bf16 v48, v40;
	v62 =	vadd.s32 $0x3F0, v43  }
0x3f4: {  	v0 =	vadd.bf16 v0, v1;
	v1 =	vld.idx.msk [tilespmem:v59+s3+$0x0], $0xffff  }
0x3f5: {  	v47 =	vld.idx.msk [tilespmem:v58+s14+$0x0], $0xffff;
	v58 =	vadd.s32 $0x3F0, v44;
	v54 =	vand.u32 $0xFFFF0000, v40;
	v59 =	vadd.bf16 v3, v60  }
0x3f6: {  	v63 =	vor.u32 v13, v46;
	(xrf2) =	vadd.scan.msk.f32 $0xffff, v54;
	v60 =	vld.idx.msk [tilespmem:v56+s3+$0x0], $0xffff  }
0x3f7: {  	v48 =	vld.idx.msk [tilespmem:v61+s14+$0x0], $0xffff;
	v0 =	vadd.bf16 v35, v0;
	v40 =	vshll.u32 v40, $0x10;
	v35 =	vadd.bf16 v41, v59  }
0x3f8: {  	(xrf2) =	vadd.scan.msk.f32 $0xffff, v40;
	v40 =	vld.idx.msk [tilespmem:v62+s3+$0x0], $0xffff  }
0x3f9: {  	v57 =	vor.u32 v12, v46;
	v1 =	vadd.bf16 v1, v35  }
0x3fa: {  	v62 =	vld.idx.msk [tilespmem:v58+s3+$0x0], $0xffff  }
0x3fb: {  	v46 =	vor.u32 v14, v46;
	v1 =	vadd.bf16 v60, v1  }
0x3fc: {  	v51 =	vld.idx.msk [tilespmem:v63+s14+$0x0], $0xffff;
	v61 =	vadd.s32 $0x3F0, v45  }
0x3fd: {  	v15 =	vld.idx.msk [tilespmem:v15+s3+$0x0], $0xffff;
	v56 =	vshll.u32 v0, $0x10;
	v63 =	vadd.s32 $0x3F0, v48;
	v1 =	vadd.bf16 v40, v1  }
0x3fe: {  	(xrf2) =	vadd.scan.msk.f32 $0xffff, v56;
	v49 =	vld.idx.msk [tilespmem:v57+s14+$0x0], $0xffff  }
0x3ff: {  	v0 =	vand.u32 $0xFFFF0000, v0;
	v57 =	vadd.s32 $0x3F0, v47;
	v1 =	vadd.bf16 v62, v1;
	v62 =	vld [tilespmem:$0x1FFA0]  }
0x400: {  	v50 =	vld.idx.msk [tilespmem:v46+s14+$0x0], $0xffff;
	v58, _, _ =	vpop (xrf2);
	(xrf2) =	vadd.scan.msk.f32 $0xffff, v0  }
0x401: {  	v46 =	vld.idx.msk [tilespmem:v61+s3+$0x0], $0xffff;
	v59 =	vbroadcast v58, $0xF  }
0x402: {  	vm1 =	veq.s32 v38, v2;
	v53 =	vld.idx.msk [tilespmem:v63+s3+$0x0], $0xffff  }
0x403: {  	v63 =	vld [tilespmem:$0x1FFB0];
	v52 =	vadd.s32 $0x3F0, v49;
	v60, _, _ =	vpop (xrf2);
	v39 =	vnsel vm1, $0x0, v59  }
0x404: {  	v54 =	vld.idx.msk [tilespmem:v57+s3+$0x0], $0xffff;
	v61 =	vbroadcast v60, $0xF;
	v38 =	vadd.f32 v39, v62;
	v62 =	vadd.s32 $0x3F0, v51  }
0x405: {  	v58 =	vld.idx.msk [tilespmem:v17+s3+$0x0], $0xffff  }
0x406: {  	s31 =	simm.s32 $0x2;
	v57 =	vld.idx.msk [tilespmem:v18+s3+$0x0], $0xffff;
	v17 =	vnsel vm1, $0x0, v61;
	v61 =	vadd.s32 $0x3F0, v50  }
0x407: {  	v55 =	vnsel vm0, $0x3E9, v55;
	v42 =	vmov s31;
	v41 =	vmovc v34;
	v40 =	vmovc v33;
	v59 =	vld.idx.msk [tilespmem:v19+s3+$0x0], $0xffff;
	v56 =	vadd.bf16 v46, v1  }
0x408: {  	s21 =	simm.s32 $0x3;
	v60 =	vadd.bf16 v3, v15;
	v52 =	vld.idx.msk [tilespmem:v52+s3+$0x0], $0xffff;
	v46, _, _ =	vpop (xrf2);
	v39 =	vadd.f32 v17, v63;
	v63 =	vadd.s32 $0x3F0, v55  }
.LBB2_10:
0x409: {  	p0 =	sne.s32 s21, $0xF;
	v0 =	vshll.u32 v42, $0x8;
	v1 =	vshll.u32 v42, $0x7;
	v15 =	vadd.bf16 v54, v56;
	v17 =	vld.idx.msk [tilespmem:v62+s3+$0x0], $0xffff  }
0x40a: {  	v0 =	vand.u32 $0x800, v0;
	v1 =	vand.u32 $0x380, v1;
	v18 =	vadd.bf16 v58, v60;
	v19 =	vld.idx.msk [tilespmem:v43+s3+$0x0], $0xffff;
	v35, _, _ =	vpop (xrf2)  }
0x40b: {  	v36 =	vbroadcast v46, $0xF;
	v0 =	vor.u32 v1, v0;
	v1 =	vadd.bf16 v53, v15;
	v15 =	vld.idx.msk [tilespmem:v61+s3+$0x0], $0xffff  }
0x40c: {  	v35 =	vbroadcast v35, $0xF;
	v43 =	vor.u32 v2, v0;
	v18 =	vadd.bf16 v57, v18;
	v44 =	vld.idx.msk [tilespmem:v44+s3+$0x0], $0xffff  }
0x40d: {  	v36 =	vnsel vm1, $0x0, v36;
	v1 =	vadd.bf16 v52, v1;
	v46 =	vld.idx.msk [tilespmem:v63+s3+$0x0], $0xffff  }
0x40e: {  	v52 =	vor.u32 v4, v0;
	v35 =	vnsel vm1, $0x0, v35;
	v18 =	vadd.bf16 v59, v18;
	v45 =	vld.idx.msk [tilespmem:v45+s3+$0x0], $0xffff  }
0x40f: {  	v40 =	vadd.f32 v36, v40;
	v47 =	vld.idx.msk [tilespmem:v47+s3+$0x0], $0xffff;
	v1 =	vadd.bf16 v17, v1  }
0x410: {  	v41 =	vadd.f32 v35, v41;
	v17 =	vor.u32 v5, v0;
	v18 =	vadd.bf16 v19, v18;
	v19 =	vld.idx.msk [tilespmem:v48+s3+$0x0], $0xffff  }
0x411: {  	v35 =	vld.idx.msk [tilespmem:v43+s14+$0x0], $0xffff;
	v1 =	vadd.bf16 v15, v1  }
0x412: {  	v15 =	vor.u32 v6, v0;
	v18 =	vadd.bf16 v44, v18;
	v36 =	vld.idx.msk [tilespmem:v49+s3+$0x0], $0xffff  }
0x413: {  	v52 =	vld.idx.msk [tilespmem:v52+s14+$0x0], $0xffff;
	v1 =	vadd.bf16 v46, v1  }
0x414: {  	v43 =	vor.u32 v7, v0;
	v18 =	vadd.bf16 v45, v18;
	v45 =	vld.idx.msk [tilespmem:v51+s3+$0x0], $0xffff  }
0x415: {  	v44 =	vor.u32 v16, v0;
	v17 =	vld.idx.msk [tilespmem:v17+s14+$0x0], $0xffff;
	v46 =	vshll.u32 v1, $0x10;
	v1 =	vand.u32 $0xFFFF0000, v1  }
0x416: {  	v48 =	vor.u32 v8, v0;
	v18 =	vadd.bf16 v47, v18;
	v47 =	vld.idx.msk [tilespmem:v50+s3+$0x0], $0xffff;
	(xrf2) =	vadd.scan.msk.f32 $0xffff, v1  }
0x417: {  	v1 =	vadd.s32 $0x3F0, v35;
	v15 =	vld.idx.msk [tilespmem:v15+s14+$0x0], $0xffff  }
0x418: {  	v49 =	vor.u32 v9, v0;
	v18 =	vadd.bf16 v19, v18;
	v19 =	vld.idx.msk [tilespmem:v55+s3+$0x0], $0xffff  }
0x419: {  	v50 =	vadd.s32 $0x3F0, v52;
	v43 =	vld.idx.msk [tilespmem:v43+s14+$0x0], $0xffff;
	(xrf2) =	vadd.scan.msk.f32 $0xffff, v46  }
0x41a: {  	v46 =	vor.u32 v10, v0;
	v55 =	vld.idx.msk [tilespmem:v44+s14+$0x0], $0xffff;
	v18 =	vadd.bf16 v36, v18  }
0x41b: {  	v36 =	vadd.s32 $0x3F0, v17;
	v44 =	vld.idx.msk [tilespmem:v48+s14+$0x0], $0xffff  }
0x41c: {  	v48 =	vor.u32 v11, v0;
	v1 =	vld.idx.msk [tilespmem:v1+s3+$0x0], $0xffff;
	v18 =	vadd.bf16 v45, v18  }
0x41d: {  	v51 =	vadd.s32 $0x3F0, v15;
	v45 =	vld.idx.msk [tilespmem:v49+s14+$0x0], $0xffff  }
0x41e: {  	v49 =	vor.u32 v12, v0;
	v50 =	vld.idx.msk [tilespmem:v50+s3+$0x0], $0xffff;
	v18 =	vadd.bf16 v47, v18  }
0x41f: {  	v53 =	vadd.s32 $0x3F0, v43;
	v47 =	vld.idx.msk [tilespmem:v46+s14+$0x0], $0xffff  }
0x420: {  	v46 =	vor.u32 v13, v0;
	v36 =	vld.idx.msk [tilespmem:v36+s3+$0x0], $0xffff;
	v18 =	vadd.bf16 v19, v18;
	v19, _, _ =	vpop (xrf2)  }
0x421: {  	v54 =	vadd.s32 $0x3F0, v44;
	v48 =	vld.idx.msk [tilespmem:v48+s14+$0x0], $0xffff;
	v19 =	vbroadcast v19, $0xF  }
0x422: {  	vm1 =	veq.s32 v37, v2;
	v0 =	vor.u32 v14, v0;
	v1 =	vadd.bf16 v3, v1;
	v56 =	vld.idx.msk [tilespmem:v51+s3+$0x0], $0xffff  }
0x423: {  	v57 =	vadd.s32 $0x3F0, v45;
	v59 =	vshll.u32 v18, $0x10;
	v49 =	vld.idx.msk [tilespmem:v49+s14+$0x0], $0xffff;
	v19 =	vnsel vm1, $0x0, v19;
	v58, _, _ =	vpop (xrf2)  }
0x424: {  	v18 =	vand.u32 $0xFFFF0000, v18;
	v1 =	vadd.bf16 v50, v1;
	v53 =	vld.idx.msk [tilespmem:v53+s3+$0x0], $0xffff;
	v38 =	vadd.f32 v19, v38;
	(xrf2) =	vadd.scan.msk.f32 $0xffff, v59  }
0x425: {  	v37 =	vmov v42;
	v19 =	vadd.s32 $0x3F0, v47;
	v51 =	vld.idx.msk [tilespmem:v46+s14+$0x0], $0xffff;
	v46 =	vbroadcast v58, $0xF  }
0x426: {  	v1 =	vadd.bf16 v36, v1;
	v36 =	vld.idx.msk [tilespmem:v54+s3+$0x0], $0xffff  }
0x427: {  	v42 =	vadd.s32 $0x3F0, v48;
	v50 =	vld.idx.msk [tilespmem:v0+s14+$0x0], $0xffff;
	v0 =	vnsel vm1, $0x0, v46;
	(xrf2) =	vadd.scan.msk.f32 $0xffff, v18  }
0x428: {  	v1 =	vadd.bf16 v56, v1;
	v18 =	vld.idx.msk [tilespmem:v57+s3+$0x0], $0xffff;
	v39 =	vadd.f32 v0, v39  }
0x429: {  	v0 =	vld.idx.msk [tilespmem:v35+s3+$0x0], $0xffff;
	v35 =	vadd.s32 $0x3F0, v49  }
0x42a: {  	v1 =	vadd.bf16 v53, v1;
	v54 =	vld.idx.msk [tilespmem:v19+s3+$0x0], $0xffff  }
.Ltmp4:
0x42b: {  	v62 =	vadd.s32 $0x3F0, v51;
	v58 =	vld.idx.msk [tilespmem:v52+s3+$0x0], $0xffff;
	(pc) =	sbr.rel @p0 .LBB2_10-.Ltmp4, $4  }
0x42c: {  	v1 =	vadd.bf16 v36, v1;
	v53 =	vld.idx.msk [tilespmem:v42+s3+$0x0], $0xffff  }
0x42d: {  	v61 =	vadd.s32 $0x3F0, v50;
	v57 =	vld.idx.msk [tilespmem:v17+s3+$0x0], $0xffff  }
0x42e: {  	v55 =	vnsel vm0, $0x3E9, v55;
	v56 =	vadd.bf16 v18, v1;
	v52 =	vld.idx.msk [tilespmem:v35+s3+$0x0], $0xffff;
	v46, _, _ =	vpop (xrf2)  }
0x42f: {  	v63 =	vadd.s32 $0x3F0, v55;
	v42 =	vmov s21;
	s21 =	sadd.s32 $0x1, s21;
	v60 =	vadd.bf16 v3, v0;
	v59 =	vld.idx.msk [tilespmem:v15+s3+$0x0], $0xffff  }
0x430: {  	_ =	sdelay $0x1  }
0x431: {  	v0 =	vshll.u32 v42, $0x8;
	v1 =	vshll.u32 v42, $0x7  }
0x432: {  	v0 =	vand.u32 $0x800, v0;
	v1 =	vand.u32 $0x380, v1  }
0x433: {  	v0 =	vor.u32 v1, v0;
	v1 =	vld.idx.msk [tilespmem:v61+s3+$0x0], $0xffff;
	_ =	sdelay $0x4  }
0x434: {  	[tilespmem:$0x1FCA0] =	vst v1;
	v1 =	vld.idx.msk [tilespmem:v44+s3+$0x0], $0xffff;
	_ =	sdelay $0x4  }
0x435: {  	[tilespmem:$0x1FC40] =	vst v1;
	v1 =	vld.idx.msk [tilespmem:v63+s3+$0x0], $0xffff;
	_ =	sdelay $0x4  }
0x436: {  	[tilespmem:$0x1FCC0] =	vst v1;
	v1 =	vld.idx.msk [tilespmem:v45+s3+$0x0], $0xffff;
	_ =	sdelay $0x4  }
0x437: {  	[tilespmem:$0x1FC50] =	vst v1;
	v1 =	vld.idx.msk [tilespmem:v47+s3+$0x0], $0xffff;
	_ =	sdelay $0x3  }
0x438: {  	v36 =	vor.u32 v4, v0  }
0x439: {  	[tilespmem:$0x1FC60] =	vst v1;
	v1 =	vld.idx.msk [tilespmem:v48+s3+$0x0], $0xffff  }
0x43a: {  	v15 =	vld.idx.msk [tilespmem:v62+s3+$0x0], $0xffff  }
0x43b: {  	v35 =	vor.u32 v7, v0  }
0x43c: {  	v18 =	vor.u32 v2, v0  }
0x43d: {  	v44 =	vld.idx.msk [tilespmem:v36+s14+$0x0], $0xffff;
	v45 =	vor.u32 v5, v0  }
0x43e: {  	[tilespmem:$0x1FC70] =	vst v1;
	v1 =	vld.idx.msk [tilespmem:v49+s3+$0x0], $0xffff  }
0x43f: {  	[tilespmem:$0x1FC80] =	vst v15;
	v15 =	vld.idx.msk [tilespmem:v43+s3+$0x0], $0xffff;
	v36 =	vor.u32 v16, v0  }
0x440: {  	v61 =	vld.idx.msk [tilespmem:v35+s14+$0x0], $0xffff;
	v35 =	vor.u32 v10, v0  }
0x441: {  	v43 =	vld.idx.msk [tilespmem:v18+s14+$0x0], $0xffff  }
0x442: {  	v19 =	vadd.s32 $0x3F0, v44;
	v45 =	vld.idx.msk [tilespmem:v45+s14+$0x0], $0xffff  }
0x443: {  	[tilespmem:$0x1FC90] =	vst v1;
	v1 =	vld.idx.msk [tilespmem:v51+s3+$0x0], $0xffff  }
0x444: {  	v62 =	vld.idx.msk [tilespmem:v36+s14+$0x0], $0xffff;
	v48 =	vor.u32 v6, v0  }
0x445: {  	v35 =	vld.idx.msk [tilespmem:v35+s14+$0x0], $0xffff;
	v47 =	vor.u32 v8, v0  }
0x446: {  	v17 =	vor.u32 v9, v0;
	v44 =	vld.idx.msk [tilespmem:v44+s3+$0x0], $0xffff  }
0x447: {  	v19 =	vld.idx.msk [tilespmem:v19+s3+$0x0], $0xffff  }
0x448: {  	v36 =	vadd.s32 $0x3F0, v45;
	[tilespmem:$0x1FCB0] =	vst v1;
	v1 =	vld.idx.msk [tilespmem:v50+s3+$0x0], $0xffff  }
0x449: {  	[tilespmem:$0x1FC30] =	vst v15;
	v15 =	vor.u32 v11, v0;
	v48 =	vld.idx.msk [tilespmem:v48+s14+$0x0], $0xffff  }
0x44a: {  	v63 =	vld.idx.msk [tilespmem:v47+s14+$0x0], $0xffff  }
0x44b: {  	v49 =	vld.idx.msk [tilespmem:v17+s14+$0x0], $0xffff;
	v17 =	vadd.s32 $0x3F0, v61  }
0x44c: {  	v45 =	vld.idx.msk [tilespmem:v45+s3+$0x0], $0xffff  }
0x44d: {  	v36 =	vld.idx.msk [tilespmem:v36+s3+$0x0], $0xffff;
	[tilespmem:$0x1FCD0] =	vst v1;
	v1 =	vadd.s32 $0x3F0, v43  }
0x44e: {  	v50 =	vld.idx.msk [tilespmem:v15+s14+$0x0], $0xffff  }
0x44f: {  	v18 =	vadd.s32 $0x3F0, v48;
	v43 =	vld.idx.msk [tilespmem:v43+s3+$0x0], $0xffff  }
0x450: {  	v17 =	vld.idx.msk [tilespmem:v17+s3+$0x0], $0xffff;
	v15 =	vor.u32 v13, v0  }
0x451: {  	v58 =	vadd.bf16 v58, v60;
	v48 =	vld.idx.msk [tilespmem:v48+s3+$0x0], $0xffff  }
0x452: {  	v47 =	vld.idx.msk [tilespmem:v1+s3+$0x0], $0xffff;
	v1 =	vor.u32 v12, v0  }
0x453: {  	v57 =	vadd.bf16 v57, v58;
	v58 =	vadd.s32 $0x3F0, v49;
	v49 =	vld.idx.msk [tilespmem:v49+s3+$0x0], $0xffff;
	v0 =	vor.u32 v14, v0  }
0x454: {  	v18 =	vld.idx.msk [tilespmem:v18+s3+$0x0], $0xffff;
	v43 =	vadd.bf16 v3, v43  }
0x455: {  	v15 =	vld.idx.msk [tilespmem:v15+s14+$0x0], $0xffff  }
0x456: {  	v60 =	vadd.bf16 v44, v43;
	v44 =	vadd.s32 $0x3F0, v50;
	v50 =	vld.idx.msk [tilespmem:v50+s3+$0x0], $0xffff  }
0x457: {  	v51 =	vld.idx.msk [tilespmem:v1+s14+$0x0], $0xffff;
	v47 =	vadd.bf16 v3, v47  }
0x458: {  	v0 =	vld.idx.msk [tilespmem:v0+s14+$0x0], $0xffff  }
0x459: {  	v1 =	vadd.s32 $0x3F0, v63;
	v19 =	vadd.bf16 v19, v47;
	v47 =	vadd.bf16 v59, v57;
	v59 =	vld [tilespmem:$0x1FC30]  }
0x45a: {  	v57 =	vadd.s32 $0x3F0, v35;
	v35 =	vld.idx.msk [tilespmem:v35+s3+$0x0], $0xffff  }
0x45b: {  	v19 =	vadd.bf16 v36, v19;
	v36 =	vld.idx.msk [tilespmem:v58+s3+$0x0], $0xffff  }
0x45c: {  	v58 =	vld.idx.msk [tilespmem:v63+s3+$0x0], $0xffff  }
0x45d: {  	v63 =	vld [tilespmem:$0x1FC50]  }
0x45e: {  	v1 =	vld.idx.msk [tilespmem:v1+s3+$0x0], $0xffff  }
0x45f: {  	v18 =	vadd.bf16 v18, v19;
	v19 =	vadd.bf16 v45, v60;
	v60 =	vld [tilespmem:$0x1FC40]  }
0x460: {  	v45 =	vadd.s32 $0x3F0, v51;
	v43 =	vadd.bf16 v59, v47;
	v47 =	vld.idx.msk [tilespmem:v61+s3+$0x0], $0xffff  }
0x461: {  	v61 =	vadd.bf16 v54, v56;
	v59 =	vld [tilespmem:$0x1FC60]  }
0x462: {  	v17 =	vadd.bf16 v17, v18;
	v18 =	vadd.bf16 v48, v19;
	v19 =	vld.idx.msk [tilespmem:v57+s3+$0x0], $0xffff  }
0x463: {  	v56 =	vld.idx.msk [tilespmem:v51+s3+$0x0], $0xffff  }
0x464: {  	v54 =	vadd.s32 $0x3F0, v15;
	v57 =	vadd.bf16 v53, v61;
	v53 =	vld [tilespmem:$0x1FC80]  }
0x465: {  	v1 =	vadd.bf16 v1, v17;
	v61 =	vld.idx.msk [tilespmem:v45+s3+$0x0], $0xffff  }
0x466: {  	v43 =	vadd.bf16 v60, v43;
	v17 =	vadd.bf16 v47, v18;
	v18 =	vld.idx.msk [tilespmem:v44+s3+$0x0], $0xffff  }
0x467: {  	v60 =	vadd.s32 $0x3F0, v0;
	v1 =	vadd.bf16 v36, v1;
	v44 =	vadd.bf16 v52, v57;
	v57 =	vld [tilespmem:$0x1FCA0]  }
0x468: {  	v43 =	vadd.bf16 v63, v43;
	v63 =	vld [tilespmem:$0x1FC70]  }
0x469: {  	v1 =	vadd.bf16 v19, v1;
	v19 =	vld.idx.msk [tilespmem:v54+s3+$0x0], $0xffff  }
0x46a: {  	v54 =	vld [tilespmem:$0x1FC90]  }
0x46b: {  	v17 =	vadd.bf16 v58, v17;
	v58 =	vld [tilespmem:$0x1FCB0];
	v43 =	vadd.bf16 v59, v43  }
0x46c: {  	v62 =	vnsel vm0, $0x3E9, v62;
	v1 =	vadd.bf16 v18, v1;
	v18 =	vld.idx.msk [tilespmem:v60+s3+$0x0], $0xffff  }
0x46d: {  	v52 =	vadd.s32 $0x3F0, v62;
	v17 =	vadd.bf16 v49, v17;
	v60 =	vld [tilespmem:$0x1FCC0];
	v43 =	vadd.bf16 v63, v43  }
0x46e: {  	v44 =	vadd.bf16 v53, v44;
	v1 =	vadd.bf16 v61, v1;
	v61 =	vld [tilespmem:$0x1FCD0]  }
0x46f: {  	v55 =	vld.idx.msk [tilespmem:v55+s3+$0x0], $0xffff;
	v17 =	vadd.bf16 v35, v17;
	v43 =	vadd.bf16 v54, v43  }
0x470: {  	v15 =	vld.idx.msk [tilespmem:v15+s3+$0x0], $0xffff;
	v35 =	vadd.bf16 v57, v44  }
0x471: {  	v0 =	vld.idx.msk [tilespmem:v0+s3+$0x0], $0xffff;
	v17 =	vadd.bf16 v50, v17;
	v43 =	vadd.bf16 v58, v43  }
0x472: {  	v59 =	vld.idx.msk [tilespmem:v52+s3+$0x0], $0xffff;
	v1 =	vadd.bf16 v19, v1;
	v35 =	vadd.bf16 v60, v35  }
0x473: {  	v17 =	vadd.bf16 v56, v17;
	v43 =	vadd.bf16 v61, v43  }
0x474: {  	v62 =	vld.idx.msk [tilespmem:v62+s3+$0x0], $0xffff;
	v1 =	vadd.bf16 v18, v1  }
0x475: {  	v63 =	vand.u32 $0xFFFF0000, v35;
	v15 =	vadd.bf16 v15, v17;
	v19 =	vadd.bf16 v55, v43  }
0x476: {  	v17 =	vshll.u32 v35, $0x10;
	(xrf2) =	vadd.scan.msk.f32 $0xffff, v63  }
0x477: {  	v1 =	vadd.bf16 v59, v1;
	(xrf2) =	vadd.scan.msk.f32 $0xffff, v17;
	v0 =	vadd.bf16 v0, v15;
	v17 =	vshll.u32 v19, $0x10  }
0x478: {  	v15 =	vand.u32 $0xFFFF0000, v19;
	(xrf2) =	vadd.scan.msk.f32 $0xffff, v17  }
0x479: {  	v0 =	vadd.bf16 v62, v0;
	(xrf2) =	vadd.scan.msk.f32 $0xffff, v15;
	v15 =	vand.u32 $0xFFFF0000, v1  }
0x47a: {  	v1 =	vshll.u32 v1, $0x10;
	(xrf2) =	vadd.scan.msk.f32 $0xffff, v15  }
0x47b: {  	(xrf2) =	vadd.scan.msk.f32 $0xffff, v1;
	v1 =	vshll.u32 v0, $0x10  }
0x47c: {  	v0 =	vand.u32 $0xFFFF0000, v0;
	(xrf2) =	vadd.scan.msk.f32 $0xffff, v1  }
0x47d: {  	(xrf2) =	vadd.scan.msk.f32 $0xffff, v0;
	_ =	sdelay $0x1  }
0x47e: {  	v1 =	vbroadcast v46, $0xF;
	v0, _, _ =	vpop (xrf2)  }
0x47f: {  	v15, _, _ =	vpop (xrf2);
	v0 =	vbroadcast v0, $0xF  }
0x480: {  	v1 =	vnsel vm1, $0x0, v1;
	v17, _, _ =	vpop (xrf2);
	v15 =	vbroadcast v15, $0xF  }
0x481: {  	v0 =	vnsel vm1, $0x0, v0;
	vm1 =	veq.s32 v37, v2;
	v17 =	vbroadcast v17, $0xF;
	v18, _, _ =	vpop (xrf2)  }
0x482: {  	v1 =	vadd.f32 v1, v40;
	v0 =	vadd.f32 v0, v41;
	v15 =	vnsel vm1, $0x0, v15;
	v19, _, _ =	vpop (xrf2)  }
0x483: {  	v17 =	vnsel vm1, $0x0, v17;
	v18 =	vbroadcast v18, $0xF;
	v41, _, _ =	vpop (xrf2);
	v19 =	vbroadcast v19, $0xF  }
0x484: {  	v15 =	vadd.f32 v15, v38;
	v17 =	vadd.f32 v17, v39;
	v43, _, _ =	vpop (xrf2)  }
0x485: {  	v18 =	vnsel vm1, $0x0, v18;
	v35 =	vbroadcast v41, $0xF;
	v19 =	vnsel vm1, $0x0, v19;
	v44, _, _ =	vpop (xrf2)  }
0x486: {  	v1 =	vadd.f32 v18, v1;
	vm1 =	veq.s32 v42, v2;
	v18 =	vbroadcast v43, $0xF;
	v45, _, _ =	vpop (xrf2)  }
0x487: {  	v35 =	vnsel vm1, $0x0, v35;
	v37 =	vbroadcast v44, $0xF;
	v36 =	vbroadcast v45, $0xF  }
0x488: {  	v0 =	vadd.f32 v19, v0;
	v15 =	vadd.f32 v35, v15;
	v18 =	vnsel vm1, $0x0, v18  }
0x489: {  	v17 =	vadd.f32 v18, v17;
	v18 =	vnsel vm1, $0x0, v37;
	v19 =	vnsel vm1, $0x0, v36  }
0x48a: {  	v1 =	vadd.f32 v18, v1;
	v0 =	vadd.f32 v19, v0;
	_ =	sdelay $0x1  }
0x48b: {  	v19 =	vmax.f32 v17, v15;
	v18 =	vmax.f32 v1, v0  }
0x48c: {  	v18 =	vmax.f32 v18, v19  }
0x48d: {  	v1 =	vsub.f32 v1, v18  }
0x48e: {  	v0 =	vsub.f32 v0, v18  }
0x48f: {  	v17 =	vsub.f32 v17, v18;
	v1 =	vmul.f32 $1.442695020e+00, v1  }
0x490: {  	v15 =	vsub.f32 v15, v18;
	v0 =	vmul.f32 $1.442695020e+00, v0  }
0x491: {  	(erf) = vpow2.f32 v1;
	v1 =	vmul.f32 $1.442695020e+00, v17  }
0x492: {  	(erf) = vpow2.f32 v0;
	v0 =	vmul.f32 $1.442695020e+00, v15  }
0x493: {  	(erf) = vpow2.f32 v1  }
0x494: {  	(erf) = vpow2.f32 v0;
	_ =	sdelay $0x5  }
0x495: {  	v0 =	vpop (erf)  }
0x496: {  	v1 =	vpop (erf)  }
0x497: {  	v15 =	vpop (erf)  }
0x498: {  	v17 =	vpop (erf)  }
0x499: {  	v18 =	vadd.f32 v1, v0;
	v19 =	vadd.f32 v17, v15;
	_ =	sdelay $0x1  }
0x49a: {  	v18 =	vadd.f32 v19, v18;
	_ =	sdelay $0x1  }
0x49b: {  	(erf) = vrcp.f32 v18;
	_ =	sdelay $0x1  }
0x49c: {  	v46 =	vld [tilespmem:$0x1FFE0];
	_ =	sdelay $0x4  }
0x49d: {  	v18 =	vor.u32 $0x2000, v46  }
0x49e: {  	v19 =	vor.u32 $0x2001, v46  }
0x49f: {  	v48 =	vor.u32 $0x2002, v46;
	v47 =	vpop (erf)  }
0x4a0: {  	s21 =	simm.s32 $0x0;
	v37 =	vor.u32 $0x2003, v46;
	v0 =	vmul.f32 v47, v0  }
0x4a1: {  	v38 =	vmov s21;
	v1 =	vmul.f32 v47, v1  }
0x4a2: {  	[tilespmem:v18+s18+$0x0] =	vst.idx.msk $0xffff, v0;
	v0 =	vmul.f32 v47, v15;
	v15 =	vshll.u32 v38, $0x8;
	v18 =	vshll.u32 v38, $0x7  }
0x4a3: {  	[tilespmem:v19+s18+$0x0] =	vst.idx.msk $0xffff, v1;
	v1 =	vmul.f32 v47, v17;
	v15 =	vand.u32 $0x800, v15;
	v17 =	vand.u32 $0x380, v18  }
0x4a4: {  	[tilespmem:v48+s18+$0x0] =	vst.idx.msk $0xffff, v0;
	v0 =	vor.u32 v15, v17  }
0x4a5: {  	[tilespmem:v37+s18+$0x0] =	vst.idx.msk $0xffff, v1;
	v1 =	vor.u32 v20, v0  }
0x4a6: {  	v15 =	vor.u32 v21, v0;
	_ =	swait.ge [sflag:s19], $0x1000  }
0x4a7: {  	v17 =	vor.u32 v22, v0;
	[sflag:s19] =	ssyncset.done $0x0  }
0x4a8: {  	v18 =	vor.u32 v23, v0;
	[sflag:s19] =	ssyncadd.s32 $0xFFFFF000  }
0x4a9: {  	v19 =	vor.u32 v24, v0;
	[tilespmem:s14], [sflag:$0x1] =	stream.linear.gather [hbm4b:s10+s21], $0x1000, $0x38;
	[tilespmem:$0x6800] =	vst v63  }
0x4aa: {  	v49 =	vor.u32 v32, v0;
	v1 =	vld.idx.msk [tilespmem:v1+s14+$0x0], $0xffff  }
0x4ab: {  	v50 =	vor.u32 v25, v0;
	v15 =	vld.idx.msk [tilespmem:v15+s14+$0x0], $0xffff  }
0x4ac: {  	v52 =	vor.u32 v26, v0;
	v17 =	vld.idx.msk [tilespmem:v17+s14+$0x0], $0xffff  }
0x4ad: {  	v54 =	vor.u32 v27, v0;
	v18 =	vld.idx.msk [tilespmem:v18+s14+$0x0], $0xffff  }
0x4ae: {  	v56 =	vor.u32 v28, v0;
	v19 =	vld.idx.msk [tilespmem:v19+s14+$0x0], $0xffff  }
0x4af: {  	v58 =	vor.u32 v29, v0;
	v35 =	vld.idx.msk [tilespmem:v49+s14+$0x0], $0xffff  }
0x4b0: {  	v60 =	vor.u32 v30, v0;
	v36 =	vld.idx.msk [tilespmem:v50+s14+$0x0], $0xffff  }
0x4b1: {  	v0 =	vor.u32 v31, v0;
	v39 =	vld.idx.msk [tilespmem:v52+s14+$0x0], $0xffff  }
0x4b2: {  	v41 =	vld.idx.msk [tilespmem:v54+s14+$0x0], $0xffff  }
0x4b3: {  	v43 =	vld.idx.msk [tilespmem:v56+s14+$0x0], $0xffff  }
0x4b4: {  	v45 =	vld.idx.msk [tilespmem:v58+s14+$0x0], $0xffff;
	v51 =	vadd.s32 $0x3F0, v1  }
0x4b5: {  	v47 =	vld.idx.msk [tilespmem:v60+s14+$0x0], $0xffff  }
0x4b6: {  	v0 =	vld.idx.msk [tilespmem:v0+s14+$0x0], $0xffff;
	v53 =	vadd.s32 $0x3F0, v15  }
0x4b7: {  	v1 =	vld.idx.msk [tilespmem:v1+s3+$0x0], $0xffff  }
0x4b8: {  	v55 =	vadd.s32 $0x3F0, v17;
	v15 =	vld.idx.msk [tilespmem:v15+s3+$0x0], $0xffff  }
0x4b9: {  	v37 =	vld.idx.msk [tilespmem:v51+s3+$0x0], $0xffff  }
0x4ba: {  	v57 =	vadd.s32 $0x3F0, v18;
	v17 =	vld.idx.msk [tilespmem:v17+s3+$0x0], $0xffff  }
0x4bb: {  	v40 =	vld.idx.msk [tilespmem:v53+s3+$0x0], $0xffff  }
0x4bc: {  	v59 =	vadd.s32 $0x3F0, v19;
	v18 =	vld.idx.msk [tilespmem:v18+s3+$0x0], $0xffff  }
0x4bd: {  	v42 =	vld.idx.msk [tilespmem:v55+s3+$0x0], $0xffff  }
0x4be: {  	v61 =	vadd.s32 $0x3F0, v36;
	v19 =	vld.idx.msk [tilespmem:v19+s3+$0x0], $0xffff;
	v37 =	vadd.bf16 v3, v37  }
0x4bf: {  	v62 =	vadd.s32 $0x3F0, v39;
	v44 =	vld.idx.msk [tilespmem:v57+s3+$0x0], $0xffff  }
0x4c0: {  	v63 =	vadd.s32 $0x3F0, v41;
	v36 =	vld.idx.msk [tilespmem:v36+s3+$0x0], $0xffff;
	v37 =	vadd.bf16 v40, v37  }
0x4c1: {  	v46 =	vld.idx.msk [tilespmem:v59+s3+$0x0], $0xffff  }
0x4c2: {  	v39 =	vld.idx.msk [tilespmem:v39+s3+$0x0], $0xffff;
	v42 =	vadd.bf16 v42, v37  }
0x4c3: {  	s30 =	simm.s32 $0x1;
	v56 =	vadd.s32 $0x3F0, v43;
	v58 =	vadd.s32 $0x3F0, v47;
	v48 =	vld.idx.msk [tilespmem:v61+s3+$0x0], $0xffff  }
0x4c4: {  	v49 =	vld.idx.msk [tilespmem:v62+s3+$0x0], $0xffff;
	v57 =	vadd.s32 $0x3F0, v45;
	v37 =	vmov s30;
	v42 =	vadd.bf16 v44, v42  }
0x4c5: {  	v50 =	vld.idx.msk [tilespmem:v63+s3+$0x0], $0xffff;
	v1 =	vadd.bf16 v3, v1;
	v62 =	vshll.u32 v37, $0x8;
	v63 =	vshll.u32 v37, $0x7  }
0x4c6: {  	v41 =	vld.idx.msk [tilespmem:v41+s3+$0x0], $0xffff;
	v44 =	vand.u32 $0x800, v62;
	v55 =	vand.u32 $0x380, v63;
	v42 =	vadd.bf16 v46, v42  }
0x4c7: {  	v60 =	vadd.s32 $0x3F0, v0;
	v0 =	vld.idx.msk [tilespmem:v0+s3+$0x0], $0xffff;
	v1 =	vadd.bf16 v15, v1;
	v46 =	vor.u32 v44, v55  }
0x4c8: {  	v59 =	vld.idx.msk [tilespmem:v56+s3+$0x0], $0xffff;
	v15 =	vor.u32 v20, v46;
	v42 =	vadd.bf16 v48, v42  }
0x4c9: {  	v53 =	vld.idx.msk [tilespmem:v58+s3+$0x0], $0xffff;
	v1 =	vadd.bf16 v17, v1  }
0x4ca: {  	v35 =	vnsel vm0, $0x3E9, v35;
	v58 =	vld.idx.msk [tilespmem:v43+s3+$0x0], $0xffff;
	v17 =	vor.u32 v21, v46;
	v42 =	vadd.bf16 v49, v42  }
0x4cb: {  	v61 =	vadd.s32 $0x3F0, v35;
	v52 =	vld.idx.msk [tilespmem:v57+s3+$0x0], $0xffff;
	v1 =	vadd.bf16 v18, v1  }
0x4cc: {  	v45 =	vld.idx.msk [tilespmem:v45+s3+$0x0], $0xffff;
	v18 =	vor.u32 v22, v46;
	v42 =	vadd.bf16 v50, v42  }
0x4cd: {  	v1 =	vadd.bf16 v19, v1;
	v19 =	vor.u32 v23, v46;
	v15 =	vld.idx.msk [tilespmem:v15+s14+$0x0], $0xffff  }
0x4ce: {  	v57 =	vld.idx.msk [tilespmem:v60+s3+$0x0], $0xffff;
	v60 =	vor.u32 v32, v46;
	v40 =	vadd.bf16 v59, v42  }
0x4cf: {  	v1 =	vadd.bf16 v36, v1;
	v17 =	vld.idx.msk [tilespmem:v17+s14+$0x0], $0xffff  }
0x4d0: {  	v48 =	vld.idx.msk [tilespmem:v61+s3+$0x0], $0xffff;
	v59 =	vor.u32 v24, v46;
	v40 =	vadd.bf16 v52, v40  }
0x4d1: {  	v1 =	vadd.bf16 v39, v1;
	v61 =	vor.u32 v25, v46;
	v18 =	vld.idx.msk [tilespmem:v18+s14+$0x0], $0xffff  }
0x4d2: {  	v19 =	vld.idx.msk [tilespmem:v19+s14+$0x0], $0xffff;
	v62 =	vadd.s32 $0x3F0, v15;
	v40 =	vadd.bf16 v53, v40  }
0x4d3: {  	v1 =	vadd.bf16 v41, v1;
	v55 =	vld.idx.msk [tilespmem:v60+s14+$0x0], $0xffff  }
0x4d4: {  	v42 =	vld.idx.msk [tilespmem:v47+s3+$0x0], $0xffff;
	v40 =	vadd.bf16 v57, v40;
	v57 =	vadd.s32 $0x3F0, v17  }
0x4d5: {  	v63 =	vor.u32 v26, v46;
	v1 =	vadd.bf16 v58, v1;
	v43 =	vld.idx.msk [tilespmem:v59+s14+$0x0], $0xffff  }
0x4d6: {  	v44 =	vld.idx.msk [tilespmem:v61+s14+$0x0], $0xffff;
	v59 =	vadd.s32 $0x3F0, v18  }
0x4d7: {  	v58 =	vor.u32 v27, v46;
	v1 =	vadd.bf16 v45, v1;
	v60 =	vld.idx.msk [tilespmem:v62+s3+$0x0], $0xffff  }
0x4d8: {  	v35 =	vld.idx.msk [tilespmem:v35+s3+$0x0], $0xffff;
	v56 =	vadd.s32 $0x3F0, v19  }
0x4d9: {  	v61 =	vor.u32 v28, v46;
	v1 =	vadd.bf16 v42, v1;
	v41 =	vld.idx.msk [tilespmem:v57+s3+$0x0], $0xffff  }
0x4da: {  	v45 =	vld.idx.msk [tilespmem:v63+s14+$0x0], $0xffff;
	v40 =	vadd.bf16 v48, v40;
	v62 =	vadd.s32 $0x3F0, v43  }
0x4db: {  	v0 =	vadd.bf16 v0, v1;
	v1 =	vld.idx.msk [tilespmem:v59+s3+$0x0], $0xffff  }
0x4dc: {  	v47 =	vld.idx.msk [tilespmem:v58+s14+$0x0], $0xffff;
	v58 =	vadd.s32 $0x3F0, v44;
	v54 =	vand.u32 $0xFFFF0000, v40;
	v59 =	vadd.bf16 v3, v60  }
0x4dd: {  	v63 =	vor.u32 v30, v46;
	(xrf2) =	vadd.scan.msk.f32 $0xffff, v54;
	v60 =	vld.idx.msk [tilespmem:v56+s3+$0x0], $0xffff  }
0x4de: {  	v48 =	vld.idx.msk [tilespmem:v61+s14+$0x0], $0xffff;
	v0 =	vadd.bf16 v35, v0;
	v40 =	vshll.u32 v40, $0x10;
	v35 =	vadd.bf16 v41, v59  }
0x4df: {  	(xrf2) =	vadd.scan.msk.f32 $0xffff, v40;
	v40 =	vld.idx.msk [tilespmem:v62+s3+$0x0], $0xffff  }
0x4e0: {  	v57 =	vor.u32 v29, v46;
	v1 =	vadd.bf16 v1, v35  }
0x4e1: {  	v62 =	vld.idx.msk [tilespmem:v58+s3+$0x0], $0xffff  }
0x4e2: {  	v46 =	vor.u32 v31, v46;
	v1 =	vadd.bf16 v60, v1  }
0x4e3: {  	v51 =	vld.idx.msk [tilespmem:v63+s14+$0x0], $0xffff;
	v61 =	vadd.s32 $0x3F0, v45  }
0x4e4: {  	v15 =	vld.idx.msk [tilespmem:v15+s3+$0x0], $0xffff;
	v56 =	vshll.u32 v0, $0x10;
	v63 =	vadd.s32 $0x3F0, v48;
	v1 =	vadd.bf16 v40, v1  }
0x4e5: {  	(xrf2) =	vadd.scan.msk.f32 $0xffff, v56;
	v49 =	vld.idx.msk [tilespmem:v57+s14+$0x0], $0xffff  }
0x4e6: {  	v0 =	vand.u32 $0xFFFF0000, v0;
	v57 =	vadd.s32 $0x3F0, v47;
	v1 =	vadd.bf16 v62, v1;
	v62 =	vld [tilespmem:$0x1FFA0]  }
0x4e7: {  	v50 =	vld.idx.msk [tilespmem:v46+s14+$0x0], $0xffff;
	v58, _, _ =	vpop (xrf2);
	(xrf2) =	vadd.scan.msk.f32 $0xffff, v0  }
0x4e8: {  	v46 =	vld.idx.msk [tilespmem:v61+s3+$0x0], $0xffff;
	v59 =	vbroadcast v58, $0xF  }
0x4e9: {  	vm1 =	veq.s32 v38, v2;
	v53 =	vld.idx.msk [tilespmem:v63+s3+$0x0], $0xffff  }
0x4ea: {  	v63 =	vld [tilespmem:$0x1FFB0];
	v52 =	vadd.s32 $0x3F0, v49;
	v60, _, _ =	vpop (xrf2);
	v39 =	vnsel vm1, $0x0, v59  }
0x4eb: {  	v54 =	vld.idx.msk [tilespmem:v57+s3+$0x0], $0xffff;
	v61 =	vbroadcast v60, $0xF;
	v38 =	vadd.f32 v39, v62;
	v62 =	vadd.s32 $0x3F0, v51  }
0x4ec: {  	v58 =	vld.idx.msk [tilespmem:v17+s3+$0x0], $0xffff  }
0x4ed: {  	s31 =	simm.s32 $0x2;
	v57 =	vld.idx.msk [tilespmem:v18+s3+$0x0], $0xffff;
	v17 =	vnsel vm1, $0x0, v61;
	v61 =	vadd.s32 $0x3F0, v50  }
0x4ee: {  	v55 =	vnsel vm0, $0x3E9, v55;
	v42 =	vmov s31;
	v41 =	vmovc v34;
	v40 =	vmovc v33;
	v59 =	vld.idx.msk [tilespmem:v19+s3+$0x0], $0xffff;
	v56 =	vadd.bf16 v46, v1  }
0x4ef: {  	s21 =	simm.s32 $0x3;
	v60 =	vadd.bf16 v3, v15;
	v52 =	vld.idx.msk [tilespmem:v52+s3+$0x0], $0xffff;
	v46, _, _ =	vpop (xrf2);
	v39 =	vadd.f32 v17, v63;
	v63 =	vadd.s32 $0x3F0, v55  }
.LBB2_12:
0x4f0: {  	p0 =	sne.s32 s21, $0xF;
	v0 =	vshll.u32 v42, $0x8;
	v1 =	vshll.u32 v42, $0x7;
	v15 =	vadd.bf16 v54, v56;
	v17 =	vld.idx.msk [tilespmem:v62+s3+$0x0], $0xffff  }
0x4f1: {  	v0 =	vand.u32 $0x800, v0;
	v1 =	vand.u32 $0x380, v1;
	v18 =	vadd.bf16 v58, v60;
	v19 =	vld.idx.msk [tilespmem:v43+s3+$0x0], $0xffff;
	v35, _, _ =	vpop (xrf2)  }
0x4f2: {  	v36 =	vbroadcast v46, $0xF;
	v0 =	vor.u32 v0, v1;
	v1 =	vadd.bf16 v53, v15;
	v15 =	vld.idx.msk [tilespmem:v61+s3+$0x0], $0xffff  }
0x4f3: {  	v35 =	vbroadcast v35, $0xF;
	v43 =	vor.u32 v20, v0;
	v18 =	vadd.bf16 v57, v18;
	v44 =	vld.idx.msk [tilespmem:v44+s3+$0x0], $0xffff  }
0x4f4: {  	v36 =	vnsel vm1, $0x0, v36;
	v1 =	vadd.bf16 v52, v1;
	v46 =	vld.idx.msk [tilespmem:v63+s3+$0x0], $0xffff  }
0x4f5: {  	v52 =	vor.u32 v21, v0;
	v35 =	vnsel vm1, $0x0, v35;
	v18 =	vadd.bf16 v59, v18;
	v45 =	vld.idx.msk [tilespmem:v45+s3+$0x0], $0xffff  }
0x4f6: {  	v40 =	vadd.f32 v36, v40;
	v47 =	vld.idx.msk [tilespmem:v47+s3+$0x0], $0xffff;
	v1 =	vadd.bf16 v17, v1  }
0x4f7: {  	v41 =	vadd.f32 v35, v41;
	v17 =	vor.u32 v22, v0;
	v18 =	vadd.bf16 v19, v18;
	v19 =	vld.idx.msk [tilespmem:v48+s3+$0x0], $0xffff  }
0x4f8: {  	v35 =	vld.idx.msk [tilespmem:v43+s14+$0x0], $0xffff;
	v1 =	vadd.bf16 v15, v1  }
0x4f9: {  	v15 =	vor.u32 v23, v0;
	v18 =	vadd.bf16 v44, v18;
	v36 =	vld.idx.msk [tilespmem:v49+s3+$0x0], $0xffff  }
0x4fa: {  	v52 =	vld.idx.msk [tilespmem:v52+s14+$0x0], $0xffff;
	v1 =	vadd.bf16 v46, v1  }
0x4fb: {  	v43 =	vor.u32 v24, v0;
	v18 =	vadd.bf16 v45, v18;
	v45 =	vld.idx.msk [tilespmem:v51+s3+$0x0], $0xffff  }
0x4fc: {  	v44 =	vor.u32 v32, v0;
	v17 =	vld.idx.msk [tilespmem:v17+s14+$0x0], $0xffff;
	v46 =	vshll.u32 v1, $0x10;
	v1 =	vand.u32 $0xFFFF0000, v1  }
0x4fd: {  	v48 =	vor.u32 v25, v0;
	v18 =	vadd.bf16 v47, v18;
	v47 =	vld.idx.msk [tilespmem:v50+s3+$0x0], $0xffff;
	(xrf2) =	vadd.scan.msk.f32 $0xffff, v1  }
0x4fe: {  	v1 =	vadd.s32 $0x3F0, v35;
	v15 =	vld.idx.msk [tilespmem:v15+s14+$0x0], $0xffff  }
0x4ff: {  	v49 =	vor.u32 v26, v0;
	v18 =	vadd.bf16 v19, v18;
	v19 =	vld.idx.msk [tilespmem:v55+s3+$0x0], $0xffff  }
0x500: {  	v50 =	vadd.s32 $0x3F0, v52;
	v43 =	vld.idx.msk [tilespmem:v43+s14+$0x0], $0xffff;
	(xrf2) =	vadd.scan.msk.f32 $0xffff, v46  }
0x501: {  	v46 =	vor.u32 v27, v0;
	v55 =	vld.idx.msk [tilespmem:v44+s14+$0x0], $0xffff;
	v18 =	vadd.bf16 v36, v18  }
0x502: {  	v36 =	vadd.s32 $0x3F0, v17;
	v44 =	vld.idx.msk [tilespmem:v48+s14+$0x0], $0xffff  }
0x503: {  	v48 =	vor.u32 v28, v0;
	v1 =	vld.idx.msk [tilespmem:v1+s3+$0x0], $0xffff;
	v18 =	vadd.bf16 v45, v18  }
0x504: {  	v51 =	vadd.s32 $0x3F0, v15;
	v45 =	vld.idx.msk [tilespmem:v49+s14+$0x0], $0xffff  }
0x505: {  	v49 =	vor.u32 v29, v0;
	v50 =	vld.idx.msk [tilespmem:v50+s3+$0x0], $0xffff;
	v18 =	vadd.bf16 v47, v18  }
0x506: {  	v53 =	vadd.s32 $0x3F0, v43;
	v47 =	vld.idx.msk [tilespmem:v46+s14+$0x0], $0xffff  }
0x507: {  	v46 =	vor.u32 v30, v0;
	v36 =	vld.idx.msk [tilespmem:v36+s3+$0x0], $0xffff;
	v18 =	vadd.bf16 v19, v18;
	v19, _, _ =	vpop (xrf2)  }
0x508: {  	v54 =	vadd.s32 $0x3F0, v44;
	v48 =	vld.idx.msk [tilespmem:v48+s14+$0x0], $0xffff;
	v19 =	vbroadcast v19, $0xF  }
0x509: {  	vm1 =	veq.s32 v37, v2;
	v0 =	vor.u32 v31, v0;
	v1 =	vadd.bf16 v3, v1;
	v56 =	vld.idx.msk [tilespmem:v51+s3+$0x0], $0xffff  }
0x50a: {  	v57 =	vadd.s32 $0x3F0, v45;
	v59 =	vshll.u32 v18, $0x10;
	v49 =	vld.idx.msk [tilespmem:v49+s14+$0x0], $0xffff;
	v19 =	vnsel vm1, $0x0, v19;
	v58, _, _ =	vpop (xrf2)  }
0x50b: {  	v18 =	vand.u32 $0xFFFF0000, v18;
	v1 =	vadd.bf16 v50, v1;
	v53 =	vld.idx.msk [tilespmem:v53+s3+$0x0], $0xffff;
	v38 =	vadd.f32 v19, v38;
	(xrf2) =	vadd.scan.msk.f32 $0xffff, v59  }
0x50c: {  	v37 =	vmov v42;
	v19 =	vadd.s32 $0x3F0, v47;
	v51 =	vld.idx.msk [tilespmem:v46+s14+$0x0], $0xffff;
	v46 =	vbroadcast v58, $0xF  }
0x50d: {  	v1 =	vadd.bf16 v36, v1;
	v36 =	vld.idx.msk [tilespmem:v54+s3+$0x0], $0xffff  }
0x50e: {  	v42 =	vadd.s32 $0x3F0, v48;
	v50 =	vld.idx.msk [tilespmem:v0+s14+$0x0], $0xffff;
	v0 =	vnsel vm1, $0x0, v46;
	(xrf2) =	vadd.scan.msk.f32 $0xffff, v18  }
0x50f: {  	v1 =	vadd.bf16 v56, v1;
	v18 =	vld.idx.msk [tilespmem:v57+s3+$0x0], $0xffff;
	v39 =	vadd.f32 v0, v39  }
0x510: {  	v0 =	vld.idx.msk [tilespmem:v35+s3+$0x0], $0xffff;
	v35 =	vadd.s32 $0x3F0, v49  }
0x511: {  	v1 =	vadd.bf16 v53, v1;
	v54 =	vld.idx.msk [tilespmem:v19+s3+$0x0], $0xffff  }
.Ltmp5:
0x512: {  	v62 =	vadd.s32 $0x3F0, v51;
	v58 =	vld.idx.msk [tilespmem:v52+s3+$0x0], $0xffff;
	(pc) =	sbr.rel @p0 .LBB2_12-.Ltmp5, $4  }
0x513: {  	v1 =	vadd.bf16 v36, v1;
	v53 =	vld.idx.msk [tilespmem:v42+s3+$0x0], $0xffff  }
0x514: {  	v61 =	vadd.s32 $0x3F0, v50;
	v57 =	vld.idx.msk [tilespmem:v17+s3+$0x0], $0xffff  }
0x515: {  	v55 =	vnsel vm0, $0x3E9, v55;
	v56 =	vadd.bf16 v18, v1;
	v52 =	vld.idx.msk [tilespmem:v35+s3+$0x0], $0xffff;
	v46, _, _ =	vpop (xrf2)  }
0x516: {  	v63 =	vadd.s32 $0x3F0, v55;
	v42 =	vmov s21;
	s21 =	sadd.s32 $0x1, s21;
	v60 =	vadd.bf16 v3, v0;
	v59 =	vld.idx.msk [tilespmem:v15+s3+$0x0], $0xffff  }
0x517: {  	_ =	sdelay $0x1  }
0x518: {  	v0 =	vshll.u32 v42, $0x8;
	v1 =	vshll.u32 v42, $0x7  }
0x519: {  	v0 =	vand.u32 $0x800, v0;
	v1 =	vand.u32 $0x380, v1  }
0x51a: {  	v0 =	vor.u32 v0, v1;
	v1 =	vld.idx.msk [tilespmem:v61+s3+$0x0], $0xffff;
	_ =	sdelay $0x4  }
0x51b: {  	[tilespmem:$0x1FBF0] =	vst v1;
	v1 =	vld.idx.msk [tilespmem:v44+s3+$0x0], $0xffff;
	_ =	sdelay $0x4  }
0x51c: {  	[tilespmem:$0x1FB90] =	vst v1;
	v1 =	vld.idx.msk [tilespmem:v63+s3+$0x0], $0xffff;
	_ =	sdelay $0x4  }
0x51d: {  	[tilespmem:$0x1FC10] =	vst v1;
	v1 =	vld.idx.msk [tilespmem:v45+s3+$0x0], $0xffff;
	_ =	sdelay $0x4  }
0x51e: {  	[tilespmem:$0x1FBA0] =	vst v1;
	v1 =	vld.idx.msk [tilespmem:v47+s3+$0x0], $0xffff;
	_ =	sdelay $0x3  }
0x51f: {  	v36 =	vor.u32 v21, v0  }
0x520: {  	[tilespmem:$0x1FBB0] =	vst v1;
	v1 =	vld.idx.msk [tilespmem:v48+s3+$0x0], $0xffff  }
0x521: {  	v15 =	vld.idx.msk [tilespmem:v62+s3+$0x0], $0xffff  }
0x522: {  	v35 =	vor.u32 v24, v0  }
0x523: {  	v18 =	vor.u32 v20, v0  }
0x524: {  	v44 =	vld.idx.msk [tilespmem:v36+s14+$0x0], $0xffff;
	v45 =	vor.u32 v22, v0  }
0x525: {  	[tilespmem:$0x1FBC0] =	vst v1;
	v1 =	vld.idx.msk [tilespmem:v49+s3+$0x0], $0xffff  }
0x526: {  	[tilespmem:$0x1FBD0] =	vst v15;
	v15 =	vld.idx.msk [tilespmem:v43+s3+$0x0], $0xffff;
	v36 =	vor.u32 v32, v0  }
0x527: {  	v61 =	vld.idx.msk [tilespmem:v35+s14+$0x0], $0xffff;
	v35 =	vor.u32 v27, v0  }
0x528: {  	v43 =	vld.idx.msk [tilespmem:v18+s14+$0x0], $0xffff  }
0x529: {  	v19 =	vadd.s32 $0x3F0, v44;
	v45 =	vld.idx.msk [tilespmem:v45+s14+$0x0], $0xffff  }
0x52a: {  	[tilespmem:$0x1FBE0] =	vst v1;
	v1 =	vld.idx.msk [tilespmem:v51+s3+$0x0], $0xffff  }
0x52b: {  	v62 =	vld.idx.msk [tilespmem:v36+s14+$0x0], $0xffff;
	v48 =	vor.u32 v23, v0  }
0x52c: {  	v35 =	vld.idx.msk [tilespmem:v35+s14+$0x0], $0xffff;
	v47 =	vor.u32 v25, v0  }
0x52d: {  	v17 =	vor.u32 v26, v0;
	v44 =	vld.idx.msk [tilespmem:v44+s3+$0x0], $0xffff  }
0x52e: {  	v19 =	vld.idx.msk [tilespmem:v19+s3+$0x0], $0xffff  }
0x52f: {  	v36 =	vadd.s32 $0x3F0, v45;
	[tilespmem:$0x1FC00] =	vst v1;
	v1 =	vld.idx.msk [tilespmem:v50+s3+$0x0], $0xffff  }
0x530: {  	[tilespmem:$0x1FB80] =	vst v15;
	v15 =	vor.u32 v28, v0;
	v48 =	vld.idx.msk [tilespmem:v48+s14+$0x0], $0xffff  }
0x531: {  	v63 =	vld.idx.msk [tilespmem:v47+s14+$0x0], $0xffff  }
0x532: {  	v49 =	vld.idx.msk [tilespmem:v17+s14+$0x0], $0xffff;
	v17 =	vadd.s32 $0x3F0, v61  }
0x533: {  	v45 =	vld.idx.msk [tilespmem:v45+s3+$0x0], $0xffff  }
0x534: {  	v36 =	vld.idx.msk [tilespmem:v36+s3+$0x0], $0xffff;
	[tilespmem:$0x1FC20] =	vst v1;
	v1 =	vadd.s32 $0x3F0, v43  }
0x535: {  	v50 =	vld.idx.msk [tilespmem:v15+s14+$0x0], $0xffff  }
0x536: {  	v18 =	vadd.s32 $0x3F0, v48;
	v43 =	vld.idx.msk [tilespmem:v43+s3+$0x0], $0xffff  }
0x537: {  	v17 =	vld.idx.msk [tilespmem:v17+s3+$0x0], $0xffff;
	v15 =	vor.u32 v30, v0  }
0x538: {  	v58 =	vadd.bf16 v58, v60;
	v48 =	vld.idx.msk [tilespmem:v48+s3+$0x0], $0xffff  }
0x539: {  	v47 =	vld.idx.msk [tilespmem:v1+s3+$0x0], $0xffff;
	v1 =	vor.u32 v29, v0  }
0x53a: {  	v57 =	vadd.bf16 v57, v58;
	v58 =	vadd.s32 $0x3F0, v49;
	v49 =	vld.idx.msk [tilespmem:v49+s3+$0x0], $0xffff;
	v0 =	vor.u32 v31, v0  }
0x53b: {  	v18 =	vld.idx.msk [tilespmem:v18+s3+$0x0], $0xffff;
	v43 =	vadd.bf16 v3, v43  }
0x53c: {  	v15 =	vld.idx.msk [tilespmem:v15+s14+$0x0], $0xffff  }
0x53d: {  	v60 =	vadd.bf16 v44, v43;
	v44 =	vadd.s32 $0x3F0, v50;
	v50 =	vld.idx.msk [tilespmem:v50+s3+$0x0], $0xffff  }
0x53e: {  	v51 =	vld.idx.msk [tilespmem:v1+s14+$0x0], $0xffff;
	v47 =	vadd.bf16 v3, v47  }
0x53f: {  	v0 =	vld.idx.msk [tilespmem:v0+s14+$0x0], $0xffff  }
0x540: {  	v1 =	vadd.s32 $0x3F0, v63;
	v19 =	vadd.bf16 v19, v47;
	v47 =	vadd.bf16 v59, v57;
	v59 =	vld [tilespmem:$0x1FB80]  }
0x541: {  	v57 =	vadd.s32 $0x3F0, v35;
	v35 =	vld.idx.msk [tilespmem:v35+s3+$0x0], $0xffff  }
0x542: {  	v19 =	vadd.bf16 v36, v19;
	v36 =	vld.idx.msk [tilespmem:v58+s3+$0x0], $0xffff  }
0x543: {  	v58 =	vld.idx.msk [tilespmem:v63+s3+$0x0], $0xffff  }
0x544: {  	v63 =	vld [tilespmem:$0x1FBA0]  }
0x545: {  	v1 =	vld.idx.msk [tilespmem:v1+s3+$0x0], $0xffff  }
0x546: {  	v18 =	vadd.bf16 v18, v19;
	v19 =	vadd.bf16 v45, v60;
	v60 =	vld [tilespmem:$0x1FB90]  }
0x547: {  	v45 =	vadd.s32 $0x3F0, v51;
	v43 =	vadd.bf16 v59, v47;
	v47 =	vld.idx.msk [tilespmem:v61+s3+$0x0], $0xffff  }
0x548: {  	v61 =	vadd.bf16 v54, v56;
	v59 =	vld [tilespmem:$0x1FBB0]  }
0x549: {  	v17 =	vadd.bf16 v17, v18;
	v18 =	vadd.bf16 v48, v19;
	v19 =	vld.idx.msk [tilespmem:v57+s3+$0x0], $0xffff  }
0x54a: {  	v56 =	vld.idx.msk [tilespmem:v51+s3+$0x0], $0xffff  }
0x54b: {  	v54 =	vadd.s32 $0x3F0, v15;
	v57 =	vadd.bf16 v53, v61;
	v53 =	vld [tilespmem:$0x1FBD0]  }
0x54c: {  	v1 =	vadd.bf16 v1, v17;
	v61 =	vld.idx.msk [tilespmem:v45+s3+$0x0], $0xffff  }
0x54d: {  	v43 =	vadd.bf16 v60, v43;
	v17 =	vadd.bf16 v47, v18;
	v18 =	vld.idx.msk [tilespmem:v44+s3+$0x0], $0xffff  }
0x54e: {  	v60 =	vadd.s32 $0x3F0, v0;
	v1 =	vadd.bf16 v36, v1;
	v44 =	vadd.bf16 v52, v57;
	v57 =	vld [tilespmem:$0x1FBF0]  }
0x54f: {  	v43 =	vadd.bf16 v63, v43;
	v63 =	vld [tilespmem:$0x1FBC0]  }
0x550: {  	v1 =	vadd.bf16 v19, v1;
	v19 =	vld.idx.msk [tilespmem:v54+s3+$0x0], $0xffff  }
0x551: {  	v54 =	vld [tilespmem:$0x1FBE0]  }
0x552: {  	v17 =	vadd.bf16 v58, v17;
	v58 =	vld [tilespmem:$0x1FC00];
	v43 =	vadd.bf16 v59, v43  }
0x553: {  	v62 =	vnsel vm0, $0x3E9, v62;
	v1 =	vadd.bf16 v18, v1;
	v18 =	vld.idx.msk [tilespmem:v60+s3+$0x0], $0xffff  }
0x554: {  	v52 =	vadd.s32 $0x3F0, v62;
	v17 =	vadd.bf16 v49, v17;
	v60 =	vld [tilespmem:$0x1FC10];
	v43 =	vadd.bf16 v63, v43  }
0x555: {  	v44 =	vadd.bf16 v53, v44;
	v1 =	vadd.bf16 v61, v1;
	v61 =	vld [tilespmem:$0x1FC20]  }
0x556: {  	v55 =	vld.idx.msk [tilespmem:v55+s3+$0x0], $0xffff;
	v17 =	vadd.bf16 v35, v17;
	v43 =	vadd.bf16 v54, v43  }
0x557: {  	v15 =	vld.idx.msk [tilespmem:v15+s3+$0x0], $0xffff;
	v35 =	vadd.bf16 v57, v44  }
0x558: {  	v0 =	vld.idx.msk [tilespmem:v0+s3+$0x0], $0xffff;
	v17 =	vadd.bf16 v50, v17;
	v43 =	vadd.bf16 v58, v43  }
0x559: {  	v59 =	vld.idx.msk [tilespmem:v52+s3+$0x0], $0xffff;
	v1 =	vadd.bf16 v19, v1;
	v35 =	vadd.bf16 v60, v35  }
0x55a: {  	v17 =	vadd.bf16 v56, v17;
	v43 =	vadd.bf16 v61, v43  }
0x55b: {  	v62 =	vld.idx.msk [tilespmem:v62+s3+$0x0], $0xffff;
	v1 =	vadd.bf16 v18, v1  }
0x55c: {  	v63 =	vand.u32 $0xFFFF0000, v35;
	v15 =	vadd.bf16 v15, v17;
	v19 =	vadd.bf16 v55, v43  }
0x55d: {  	v17 =	vshll.u32 v35, $0x10;
	(xrf2) =	vadd.scan.msk.f32 $0xffff, v63  }
0x55e: {  	v1 =	vadd.bf16 v59, v1;
	(xrf2) =	vadd.scan.msk.f32 $0xffff, v17;
	v0 =	vadd.bf16 v0, v15;
	v17 =	vshll.u32 v19, $0x10  }
0x55f: {  	v15 =	vand.u32 $0xFFFF0000, v19;
	(xrf2) =	vadd.scan.msk.f32 $0xffff, v17  }
0x560: {  	v0 =	vadd.bf16 v62, v0;
	(xrf2) =	vadd.scan.msk.f32 $0xffff, v15;
	v15 =	vand.u32 $0xFFFF0000, v1  }
0x561: {  	v1 =	vshll.u32 v1, $0x10;
	(xrf2) =	vadd.scan.msk.f32 $0xffff, v15  }
0x562: {  	(xrf2) =	vadd.scan.msk.f32 $0xffff, v1;
	v1 =	vshll.u32 v0, $0x10  }
0x563: {  	v0 =	vand.u32 $0xFFFF0000, v0;
	(xrf2) =	vadd.scan.msk.f32 $0xffff, v1  }
0x564: {  	(xrf2) =	vadd.scan.msk.f32 $0xffff, v0;
	_ =	sdelay $0x1  }
0x565: {  	v1 =	vbroadcast v46, $0xF;
	v0, _, _ =	vpop (xrf2)  }
0x566: {  	v15, _, _ =	vpop (xrf2);
	v0 =	vbroadcast v0, $0xF  }
0x567: {  	v1 =	vnsel vm1, $0x0, v1;
	v17, _, _ =	vpop (xrf2);
	v15 =	vbroadcast v15, $0xF  }
0x568: {  	v0 =	vnsel vm1, $0x0, v0;
	vm1 =	veq.s32 v37, v2;
	v17 =	vbroadcast v17, $0xF;
	v18, _, _ =	vpop (xrf2)  }
0x569: {  	v1 =	vadd.f32 v1, v40;
	v0 =	vadd.f32 v0, v41;
	v15 =	vnsel vm1, $0x0, v15;
	v19, _, _ =	vpop (xrf2)  }
0x56a: {  	v17 =	vnsel vm1, $0x0, v17;
	v18 =	vbroadcast v18, $0xF;
	v41, _, _ =	vpop (xrf2);
	v19 =	vbroadcast v19, $0xF  }
0x56b: {  	v15 =	vadd.f32 v15, v38;
	v17 =	vadd.f32 v17, v39;
	v43, _, _ =	vpop (xrf2)  }
0x56c: {  	v18 =	vnsel vm1, $0x0, v18;
	v35 =	vbroadcast v41, $0xF;
	v19 =	vnsel vm1, $0x0, v19;
	v44, _, _ =	vpop (xrf2)  }
0x56d: {  	v1 =	vadd.f32 v18, v1;
	vm1 =	veq.s32 v42, v2;
	v18 =	vbroadcast v43, $0xF;
	v45, _, _ =	vpop (xrf2)  }
0x56e: {  	v35 =	vnsel vm1, $0x0, v35;
	v37 =	vbroadcast v44, $0xF;
	v36 =	vbroadcast v45, $0xF  }
0x56f: {  	v0 =	vadd.f32 v19, v0;
	v15 =	vadd.f32 v35, v15;
	v18 =	vnsel vm1, $0x0, v18  }
0x570: {  	v17 =	vadd.f32 v18, v17;
	v18 =	vnsel vm1, $0x0, v37;
	v19 =	vnsel vm1, $0x0, v36  }
0x571: {  	v1 =	vadd.f32 v18, v1;
	v0 =	vadd.f32 v19, v0;
	_ =	sdelay $0x1  }
0x572: {  	v19 =	vmax.f32 v17, v15;
	v18 =	vmax.f32 v1, v0  }
0x573: {  	v18 =	vmax.f32 v18, v19  }
0x574: {  	v1 =	vsub.f32 v1, v18  }
0x575: {  	v0 =	vsub.f32 v0, v18  }
0x576: {  	v17 =	vsub.f32 v17, v18;
	v1 =	vmul.f32 $1.442695020e+00, v1  }
0x577: {  	v15 =	vsub.f32 v15, v18;
	v0 =	vmul.f32 $1.442695020e+00, v0  }
0x578: {  	(erf) = vpow2.f32 v1;
	v1 =	vmul.f32 $1.442695020e+00, v17  }
0x579: {  	(erf) = vpow2.f32 v0;
	v0 =	vmul.f32 $1.442695020e+00, v15  }
0x57a: {  	(erf) = vpow2.f32 v1  }
0x57b: {  	(erf) = vpow2.f32 v0;
	_ =	sdelay $0x5  }
0x57c: {  	v0 =	vpop (erf)  }
0x57d: {  	v1 =	vpop (erf)  }
0x57e: {  	v15 =	vpop (erf)  }
0x57f: {  	v17 =	vpop (erf)  }
0x580: {  	v18 =	vadd.f32 v1, v0;
	v19 =	vadd.f32 v17, v15;
	_ =	sdelay $0x1  }
0x581: {  	v18 =	vadd.f32 v19, v18;
	_ =	sdelay $0x1  }
0x582: {  	(erf) = vrcp.f32 v18;
	_ =	sdelay $0x1  }
0x583: {  	v46 =	vld [tilespmem:$0x1FFE0];
	_ =	sdelay $0x4  }
0x584: {  	v18 =	vor.u32 $0x2800, v46  }
0x585: {  	v19 =	vor.u32 $0x2801, v46  }
0x586: {  	v48 =	vor.u32 $0x2802, v46;
	v47 =	vpop (erf)  }
0x587: {  	s21 =	simm.s32 $0x0;
	v37 =	vor.u32 $0x2803, v46;
	v0 =	vmul.f32 v47, v0  }
0x588: {  	v38 =	vmov s21;
	v1 =	vmul.f32 v47, v1  }
0x589: {  	[tilespmem:v18+s18+$0x0] =	vst.idx.msk $0xffff, v0;
	v0 =	vmul.f32 v47, v15;
	v15 =	vshll.u32 v38, $0x8;
	v18 =	vshll.u32 v38, $0x7  }
0x58a: {  	[tilespmem:v19+s18+$0x0] =	vst.idx.msk $0xffff, v1;
	v1 =	vmul.f32 v47, v17;
	v15 =	vand.u32 $0x800, v15;
	v17 =	vand.u32 $0x380, v18  }
0x58b: {  	[tilespmem:v48+s18+$0x0] =	vst.idx.msk $0xffff, v0;
	v0 =	vor.u32 v17, v15  }
0x58c: {  	[tilespmem:v37+s18+$0x0] =	vst.idx.msk $0xffff, v1;
	v1 =	vor.u32 v2, v0  }
0x58d: {  	v15 =	vor.u32 v4, v0;
	_ =	swait.ge [sflag:s16], $0x1000  }
0x58e: {  	v17 =	vor.u32 v5, v0;
	[sflag:s16] =	ssyncset.done $0x0  }
0x58f: {  	v18 =	vor.u32 v6, v0;
	[sflag:s16] =	ssyncadd.s32 $0xFFFFF000  }
0x590: {  	v19 =	vor.u32 v7, v0;
	[tilespmem:s17], [sflag:$0x2] =	stream.linear.gather [hbm4b:s11+s21], $0x1000, $0x38;
	[tilespmem:$0x6800] =	vst v63  }
0x591: {  	v49 =	vor.u32 v16, v0;
	v1 =	vld.idx.msk [tilespmem:v1+s14+$0x0], $0xffff  }
0x592: {  	v50 =	vor.u32 v8, v0;
	v15 =	vld.idx.msk [tilespmem:v15+s14+$0x0], $0xffff  }
0x593: {  	v52 =	vor.u32 v9, v0;
	v17 =	vld.idx.msk [tilespmem:v17+s14+$0x0], $0xffff  }
0x594: {  	v54 =	vor.u32 v10, v0;
	v18 =	vld.idx.msk [tilespmem:v18+s14+$0x0], $0xffff  }
0x595: {  	v56 =	vor.u32 v11, v0;
	v19 =	vld.idx.msk [tilespmem:v19+s14+$0x0], $0xffff  }
0x596: {  	v58 =	vor.u32 v12, v0;
	v35 =	vld.idx.msk [tilespmem:v49+s14+$0x0], $0xffff  }
0x597: {  	v60 =	vor.u32 v13, v0;
	v36 =	vld.idx.msk [tilespmem:v50+s14+$0x0], $0xffff  }
0x598: {  	v0 =	vor.u32 v14, v0;
	v39 =	vld.idx.msk [tilespmem:v52+s14+$0x0], $0xffff  }
0x599: {  	v41 =	vld.idx.msk [tilespmem:v54+s14+$0x0], $0xffff  }
0x59a: {  	v43 =	vld.idx.msk [tilespmem:v56+s14+$0x0], $0xffff  }
0x59b: {  	v45 =	vld.idx.msk [tilespmem:v58+s14+$0x0], $0xffff;
	v51 =	vadd.s32 $0x3F0, v1  }
0x59c: {  	v47 =	vld.idx.msk [tilespmem:v60+s14+$0x0], $0xffff  }
0x59d: {  	v0 =	vld.idx.msk [tilespmem:v0+s14+$0x0], $0xffff;
	v53 =	vadd.s32 $0x3F0, v15  }
0x59e: {  	v1 =	vld.idx.msk [tilespmem:v1+s3+$0x0], $0xffff  }
0x59f: {  	v55 =	vadd.s32 $0x3F0, v17;
	v15 =	vld.idx.msk [tilespmem:v15+s3+$0x0], $0xffff  }
0x5a0: {  	v37 =	vld.idx.msk [tilespmem:v51+s3+$0x0], $0xffff  }
0x5a1: {  	v57 =	vadd.s32 $0x3F0, v18;
	v17 =	vld.idx.msk [tilespmem:v17+s3+$0x0], $0xffff  }
0x5a2: {  	v40 =	vld.idx.msk [tilespmem:v53+s3+$0x0], $0xffff  }
0x5a3: {  	v59 =	vadd.s32 $0x3F0, v19;
	v18 =	vld.idx.msk [tilespmem:v18+s3+$0x0], $0xffff  }
0x5a4: {  	v42 =	vld.idx.msk [tilespmem:v55+s3+$0x0], $0xffff  }
0x5a5: {  	v61 =	vadd.s32 $0x3F0, v36;
	v19 =	vld.idx.msk [tilespmem:v19+s3+$0x0], $0xffff;
	v37 =	vadd.bf16 v3, v37  }
0x5a6: {  	v62 =	vadd.s32 $0x3F0, v39;
	v44 =	vld.idx.msk [tilespmem:v57+s3+$0x0], $0xffff  }
0x5a7: {  	v63 =	vadd.s32 $0x3F0, v41;
	v36 =	vld.idx.msk [tilespmem:v36+s3+$0x0], $0xffff;
	v37 =	vadd.bf16 v40, v37  }
0x5a8: {  	v46 =	vld.idx.msk [tilespmem:v59+s3+$0x0], $0xffff  }
0x5a9: {  	v39 =	vld.idx.msk [tilespmem:v39+s3+$0x0], $0xffff;
	v42 =	vadd.bf16 v42, v37  }
0x5aa: {  	s30 =	simm.s32 $0x1;
	v56 =	vadd.s32 $0x3F0, v43;
	v58 =	vadd.s32 $0x3F0, v47;
	v48 =	vld.idx.msk [tilespmem:v61+s3+$0x0], $0xffff  }
0x5ab: {  	v49 =	vld.idx.msk [tilespmem:v62+s3+$0x0], $0xffff;
	v57 =	vadd.s32 $0x3F0, v45;
	v37 =	vmov s30;
	v42 =	vadd.bf16 v44, v42  }
0x5ac: {  	v50 =	vld.idx.msk [tilespmem:v63+s3+$0x0], $0xffff;
	v1 =	vadd.bf16 v3, v1;
	v62 =	vshll.u32 v37, $0x8;
	v63 =	vshll.u32 v37, $0x7  }
0x5ad: {  	v41 =	vld.idx.msk [tilespmem:v41+s3+$0x0], $0xffff;
	v44 =	vand.u32 $0x800, v62;
	v55 =	vand.u32 $0x380, v63;
	v42 =	vadd.bf16 v46, v42  }
0x5ae: {  	v60 =	vadd.s32 $0x3F0, v0;
	v0 =	vld.idx.msk [tilespmem:v0+s3+$0x0], $0xffff;
	v1 =	vadd.bf16 v15, v1;
	v46 =	vor.u32 v55, v44  }
0x5af: {  	v59 =	vld.idx.msk [tilespmem:v56+s3+$0x0], $0xffff;
	v15 =	vor.u32 v2, v46;
	v42 =	vadd.bf16 v48, v42  }
0x5b0: {  	v53 =	vld.idx.msk [tilespmem:v58+s3+$0x0], $0xffff;
	v1 =	vadd.bf16 v17, v1  }
0x5b1: {  	v35 =	vnsel vm0, $0x3E9, v35;
	v58 =	vld.idx.msk [tilespmem:v43+s3+$0x0], $0xffff;
	v17 =	vor.u32 v4, v46;
	v42 =	vadd.bf16 v49, v42  }
0x5b2: {  	v61 =	vadd.s32 $0x3F0, v35;
	v52 =	vld.idx.msk [tilespmem:v57+s3+$0x0], $0xffff;
	v1 =	vadd.bf16 v18, v1  }
0x5b3: {  	v45 =	vld.idx.msk [tilespmem:v45+s3+$0x0], $0xffff;
	v18 =	vor.u32 v5, v46;
	v42 =	vadd.bf16 v50, v42  }
0x5b4: {  	v1 =	vadd.bf16 v19, v1;
	v19 =	vor.u32 v6, v46;
	v15 =	vld.idx.msk [tilespmem:v15+s14+$0x0], $0xffff  }
0x5b5: {  	v57 =	vld.idx.msk [tilespmem:v60+s3+$0x0], $0xffff;
	v60 =	vor.u32 v16, v46;
	v40 =	vadd.bf16 v59, v42  }
0x5b6: {  	v1 =	vadd.bf16 v36, v1;
	v17 =	vld.idx.msk [tilespmem:v17+s14+$0x0], $0xffff  }
0x5b7: {  	v48 =	vld.idx.msk [tilespmem:v61+s3+$0x0], $0xffff;
	v59 =	vor.u32 v7, v46;
	v40 =	vadd.bf16 v52, v40  }
0x5b8: {  	v1 =	vadd.bf16 v39, v1;
	v61 =	vor.u32 v8, v46;
	v18 =	vld.idx.msk [tilespmem:v18+s14+$0x0], $0xffff  }
0x5b9: {  	v19 =	vld.idx.msk [tilespmem:v19+s14+$0x0], $0xffff;
	v62 =	vadd.s32 $0x3F0, v15;
	v40 =	vadd.bf16 v53, v40  }
0x5ba: {  	v1 =	vadd.bf16 v41, v1;
	v55 =	vld.idx.msk [tilespmem:v60+s14+$0x0], $0xffff  }
0x5bb: {  	v42 =	vld.idx.msk [tilespmem:v47+s3+$0x0], $0xffff;
	v40 =	vadd.bf16 v57, v40;
	v57 =	vadd.s32 $0x3F0, v17  }
0x5bc: {  	v63 =	vor.u32 v9, v46;
	v1 =	vadd.bf16 v58, v1;
	v43 =	vld.idx.msk [tilespmem:v59+s14+$0x0], $0xffff  }
0x5bd: {  	v44 =	vld.idx.msk [tilespmem:v61+s14+$0x0], $0xffff;
	v59 =	vadd.s32 $0x3F0, v18  }
0x5be: {  	v58 =	vor.u32 v10, v46;
	v1 =	vadd.bf16 v45, v1;
	v60 =	vld.idx.msk [tilespmem:v62+s3+$0x0], $0xffff  }
0x5bf: {  	v35 =	vld.idx.msk [tilespmem:v35+s3+$0x0], $0xffff;
	v56 =	vadd.s32 $0x3F0, v19  }
0x5c0: {  	v61 =	vor.u32 v11, v46;
	v1 =	vadd.bf16 v42, v1;
	v41 =	vld.idx.msk [tilespmem:v57+s3+$0x0], $0xffff  }
0x5c1: {  	v45 =	vld.idx.msk [tilespmem:v63+s14+$0x0], $0xffff;
	v40 =	vadd.bf16 v48, v40;
	v62 =	vadd.s32 $0x3F0, v43  }
0x5c2: {  	v0 =	vadd.bf16 v0, v1;
	v1 =	vld.idx.msk [tilespmem:v59+s3+$0x0], $0xffff  }
0x5c3: {  	v47 =	vld.idx.msk [tilespmem:v58+s14+$0x0], $0xffff;
	v58 =	vadd.s32 $0x3F0, v44;
	v54 =	vand.u32 $0xFFFF0000, v40;
	v59 =	vadd.bf16 v3, v60  }
0x5c4: {  	v63 =	vor.u32 v13, v46;
	(xrf2) =	vadd.scan.msk.f32 $0xffff, v54;
	v60 =	vld.idx.msk [tilespmem:v56+s3+$0x0], $0xffff  }
0x5c5: {  	v48 =	vld.idx.msk [tilespmem:v61+s14+$0x0], $0xffff;
	v0 =	vadd.bf16 v35, v0;
	v40 =	vshll.u32 v40, $0x10;
	v35 =	vadd.bf16 v41, v59  }
0x5c6: {  	(xrf2) =	vadd.scan.msk.f32 $0xffff, v40;
	v40 =	vld.idx.msk [tilespmem:v62+s3+$0x0], $0xffff  }
0x5c7: {  	v57 =	vor.u32 v12, v46;
	v1 =	vadd.bf16 v1, v35  }
0x5c8: {  	v62 =	vld.idx.msk [tilespmem:v58+s3+$0x0], $0xffff  }
0x5c9: {  	v46 =	vor.u32 v14, v46;
	v1 =	vadd.bf16 v60, v1  }
0x5ca: {  	v51 =	vld.idx.msk [tilespmem:v63+s14+$0x0], $0xffff;
	v61 =	vadd.s32 $0x3F0, v45  }
0x5cb: {  	v15 =	vld.idx.msk [tilespmem:v15+s3+$0x0], $0xffff;
	v56 =	vshll.u32 v0, $0x10;
	v63 =	vadd.s32 $0x3F0, v48;
	v1 =	vadd.bf16 v40, v1  }
0x5cc: {  	(xrf2) =	vadd.scan.msk.f32 $0xffff, v56;
	v49 =	vld.idx.msk [tilespmem:v57+s14+$0x0], $0xffff  }
0x5cd: {  	v0 =	vand.u32 $0xFFFF0000, v0;
	v57 =	vadd.s32 $0x3F0, v47;
	v1 =	vadd.bf16 v62, v1;
	v62 =	vld [tilespmem:$0x1FFA0]  }
0x5ce: {  	v50 =	vld.idx.msk [tilespmem:v46+s14+$0x0], $0xffff;
	v58, _, _ =	vpop (xrf2);
	(xrf2) =	vadd.scan.msk.f32 $0xffff, v0  }
0x5cf: {  	v46 =	vld.idx.msk [tilespmem:v61+s3+$0x0], $0xffff;
	v59 =	vbroadcast v58, $0xF  }
0x5d0: {  	vm1 =	veq.s32 v38, v2;
	v53 =	vld.idx.msk [tilespmem:v63+s3+$0x0], $0xffff  }
0x5d1: {  	v63 =	vld [tilespmem:$0x1FFB0];
	v52 =	vadd.s32 $0x3F0, v49;
	v60, _, _ =	vpop (xrf2);
	v39 =	vnsel vm1, $0x0, v59  }
0x5d2: {  	v54 =	vld.idx.msk [tilespmem:v57+s3+$0x0], $0xffff;
	v61 =	vbroadcast v60, $0xF;
	v38 =	vadd.f32 v39, v62;
	v62 =	vadd.s32 $0x3F0, v51  }
0x5d3: {  	v58 =	vld.idx.msk [tilespmem:v17+s3+$0x0], $0xffff  }
0x5d4: {  	s31 =	simm.s32 $0x2;
	v57 =	vld.idx.msk [tilespmem:v18+s3+$0x0], $0xffff;
	v17 =	vnsel vm1, $0x0, v61;
	v61 =	vadd.s32 $0x3F0, v50  }
0x5d5: {  	v55 =	vnsel vm0, $0x3E9, v55;
	v42 =	vmov s31;
	v41 =	vmovc v34;
	v40 =	vmovc v33;
	v59 =	vld.idx.msk [tilespmem:v19+s3+$0x0], $0xffff;
	v56 =	vadd.bf16 v46, v1  }
0x5d6: {  	s21 =	simm.s32 $0x3;
	v60 =	vadd.bf16 v3, v15;
	v52 =	vld.idx.msk [tilespmem:v52+s3+$0x0], $0xffff;
	v46, _, _ =	vpop (xrf2);
	v39 =	vadd.f32 v17, v63;
	v63 =	vadd.s32 $0x3F0, v55  }
.LBB2_14:
0x5d7: {  	p0 =	sne.s32 s21, $0xF;
	v0 =	vshll.u32 v42, $0x8;
	v1 =	vshll.u32 v42, $0x7;
	v15 =	vadd.bf16 v54, v56;
	v17 =	vld.idx.msk [tilespmem:v62+s3+$0x0], $0xffff  }
0x5d8: {  	v0 =	vand.u32 $0x800, v0;
	v1 =	vand.u32 $0x380, v1;
	v18 =	vadd.bf16 v58, v60;
	v19 =	vld.idx.msk [tilespmem:v43+s3+$0x0], $0xffff;
	v35, _, _ =	vpop (xrf2)  }
0x5d9: {  	v36 =	vbroadcast v46, $0xF;
	v0 =	vor.u32 v1, v0;
	v1 =	vadd.bf16 v53, v15;
	v15 =	vld.idx.msk [tilespmem:v61+s3+$0x0], $0xffff  }
0x5da: {  	v35 =	vbroadcast v35, $0xF;
	v43 =	vor.u32 v2, v0;
	v18 =	vadd.bf16 v57, v18;
	v44 =	vld.idx.msk [tilespmem:v44+s3+$0x0], $0xffff  }
0x5db: {  	v36 =	vnsel vm1, $0x0, v36;
	v1 =	vadd.bf16 v52, v1;
	v46 =	vld.idx.msk [tilespmem:v63+s3+$0x0], $0xffff  }
0x5dc: {  	v52 =	vor.u32 v4, v0;
	v35 =	vnsel vm1, $0x0, v35;
	v18 =	vadd.bf16 v59, v18;
	v45 =	vld.idx.msk [tilespmem:v45+s3+$0x0], $0xffff  }
0x5dd: {  	v40 =	vadd.f32 v36, v40;
	v47 =	vld.idx.msk [tilespmem:v47+s3+$0x0], $0xffff;
	v1 =	vadd.bf16 v17, v1  }
0x5de: {  	v41 =	vadd.f32 v35, v41;
	v17 =	vor.u32 v5, v0;
	v18 =	vadd.bf16 v19, v18;
	v19 =	vld.idx.msk [tilespmem:v48+s3+$0x0], $0xffff  }
0x5df: {  	v35 =	vld.idx.msk [tilespmem:v43+s14+$0x0], $0xffff;
	v1 =	vadd.bf16 v15, v1  }
0x5e0: {  	v15 =	vor.u32 v6, v0;
	v18 =	vadd.bf16 v44, v18;
	v36 =	vld.idx.msk [tilespmem:v49+s3+$0x0], $0xffff  }
0x5e1: {  	v52 =	vld.idx.msk [tilespmem:v52+s14+$0x0], $0xffff;
	v1 =	vadd.bf16 v46, v1  }
0x5e2: {  	v43 =	vor.u32 v7, v0;
	v18 =	vadd.bf16 v45, v18;
	v45 =	vld.idx.msk [tilespmem:v51+s3+$0x0], $0xffff  }
0x5e3: {  	v44 =	vor.u32 v16, v0;
	v17 =	vld.idx.msk [tilespmem:v17+s14+$0x0], $0xffff;
	v46 =	vshll.u32 v1, $0x10;
	v1 =	vand.u32 $0xFFFF0000, v1  }
0x5e4: {  	v48 =	vor.u32 v8, v0;
	v18 =	vadd.bf16 v47, v18;
	v47 =	vld.idx.msk [tilespmem:v50+s3+$0x0], $0xffff;
	(xrf2) =	vadd.scan.msk.f32 $0xffff, v1  }
0x5e5: {  	v1 =	vadd.s32 $0x3F0, v35;
	v15 =	vld.idx.msk [tilespmem:v15+s14+$0x0], $0xffff  }
0x5e6: {  	v49 =	vor.u32 v9, v0;
	v18 =	vadd.bf16 v19, v18;
	v19 =	vld.idx.msk [tilespmem:v55+s3+$0x0], $0xffff  }
0x5e7: {  	v50 =	vadd.s32 $0x3F0, v52;
	v43 =	vld.idx.msk [tilespmem:v43+s14+$0x0], $0xffff;
	(xrf2) =	vadd.scan.msk.f32 $0xffff, v46  }
0x5e8: {  	v46 =	vor.u32 v10, v0;
	v55 =	vld.idx.msk [tilespmem:v44+s14+$0x0], $0xffff;
	v18 =	vadd.bf16 v36, v18  }
0x5e9: {  	v36 =	vadd.s32 $0x3F0, v17;
	v44 =	vld.idx.msk [tilespmem:v48+s14+$0x0], $0xffff  }
0x5ea: {  	v48 =	vor.u32 v11, v0;
	v1 =	vld.idx.msk [tilespmem:v1+s3+$0x0], $0xffff;
	v18 =	vadd.bf16 v45, v18  }
0x5eb: {  	v51 =	vadd.s32 $0x3F0, v15;
	v45 =	vld.idx.msk [tilespmem:v49+s14+$0x0], $0xffff  }
0x5ec: {  	v49 =	vor.u32 v12, v0;
	v50 =	vld.idx.msk [tilespmem:v50+s3+$0x0], $0xffff;
	v18 =	vadd.bf16 v47, v18  }
0x5ed: {  	v53 =	vadd.s32 $0x3F0, v43;
	v47 =	vld.idx.msk [tilespmem:v46+s14+$0x0], $0xffff  }
0x5ee: {  	v46 =	vor.u32 v13, v0;
	v36 =	vld.idx.msk [tilespmem:v36+s3+$0x0], $0xffff;
	v18 =	vadd.bf16 v19, v18;
	v19, _, _ =	vpop (xrf2)  }
0x5ef: {  	v54 =	vadd.s32 $0x3F0, v44;
	v48 =	vld.idx.msk [tilespmem:v48+s14+$0x0], $0xffff;
	v19 =	vbroadcast v19, $0xF  }
0x5f0: {  	vm1 =	veq.s32 v37, v2;
	v0 =	vor.u32 v14, v0;
	v1 =	vadd.bf16 v3, v1;
	v56 =	vld.idx.msk [tilespmem:v51+s3+$0x0], $0xffff  }
0x5f1: {  	v57 =	vadd.s32 $0x3F0, v45;
	v59 =	vshll.u32 v18, $0x10;
	v49 =	vld.idx.msk [tilespmem:v49+s14+$0x0], $0xffff;
	v19 =	vnsel vm1, $0x0, v19;
	v58, _, _ =	vpop (xrf2)  }
0x5f2: {  	v18 =	vand.u32 $0xFFFF0000, v18;
	v1 =	vadd.bf16 v50, v1;
	v53 =	vld.idx.msk [tilespmem:v53+s3+$0x0], $0xffff;
	v38 =	vadd.f32 v19, v38;
	(xrf2) =	vadd.scan.msk.f32 $0xffff, v59  }
0x5f3: {  	v37 =	vmov v42;
	v19 =	vadd.s32 $0x3F0, v47;
	v51 =	vld.idx.msk [tilespmem:v46+s14+$0x0], $0xffff;
	v46 =	vbroadcast v58, $0xF  }
0x5f4: {  	v1 =	vadd.bf16 v36, v1;
	v36 =	vld.idx.msk [tilespmem:v54+s3+$0x0], $0xffff  }
0x5f5: {  	v42 =	vadd.s32 $0x3F0, v48;
	v50 =	vld.idx.msk [tilespmem:v0+s14+$0x0], $0xffff;
	v0 =	vnsel vm1, $0x0, v46;
	(xrf2) =	vadd.scan.msk.f32 $0xffff, v18  }
0x5f6: {  	v1 =	vadd.bf16 v56, v1;
	v18 =	vld.idx.msk [tilespmem:v57+s3+$0x0], $0xffff;
	v39 =	vadd.f32 v0, v39  }
0x5f7: {  	v0 =	vld.idx.msk [tilespmem:v35+s3+$0x0], $0xffff;
	v35 =	vadd.s32 $0x3F0, v49  }
0x5f8: {  	v1 =	vadd.bf16 v53, v1;
	v54 =	vld.idx.msk [tilespmem:v19+s3+$0x0], $0xffff  }
.Ltmp6:
0x5f9: {  	v62 =	vadd.s32 $0x3F0, v51;
	v58 =	vld.idx.msk [tilespmem:v52+s3+$0x0], $0xffff;
	(pc) =	sbr.rel @p0 .LBB2_14-.Ltmp6, $4  }
0x5fa: {  	v1 =	vadd.bf16 v36, v1;
	v53 =	vld.idx.msk [tilespmem:v42+s3+$0x0], $0xffff  }
0x5fb: {  	v61 =	vadd.s32 $0x3F0, v50;
	v57 =	vld.idx.msk [tilespmem:v17+s3+$0x0], $0xffff  }
0x5fc: {  	v55 =	vnsel vm0, $0x3E9, v55;
	v56 =	vadd.bf16 v18, v1;
	v52 =	vld.idx.msk [tilespmem:v35+s3+$0x0], $0xffff;
	v46, _, _ =	vpop (xrf2)  }
0x5fd: {  	v63 =	vadd.s32 $0x3F0, v55;
	v42 =	vmov s21;
	s21 =	sadd.s32 $0x1, s21;
	v60 =	vadd.bf16 v3, v0;
	v59 =	vld.idx.msk [tilespmem:v15+s3+$0x0], $0xffff  }
0x5fe: {  	_ =	sdelay $0x1  }
0x5ff: {  	v0 =	vshll.u32 v42, $0x8;
	v1 =	vshll.u32 v42, $0x7  }
0x600: {  	v0 =	vand.u32 $0x800, v0;
	v1 =	vand.u32 $0x380, v1  }
0x601: {  	v0 =	vor.u32 v1, v0;
	v1 =	vld.idx.msk [tilespmem:v61+s3+$0x0], $0xffff;
	_ =	sdelay $0x4  }
0x602: {  	[tilespmem:$0x1FB40] =	vst v1;
	v1 =	vld.idx.msk [tilespmem:v44+s3+$0x0], $0xffff;
	_ =	sdelay $0x4  }
0x603: {  	[tilespmem:$0x1FAE0] =	vst v1;
	v1 =	vld.idx.msk [tilespmem:v63+s3+$0x0], $0xffff;
	_ =	sdelay $0x4  }
0x604: {  	[tilespmem:$0x1FB60] =	vst v1;
	v1 =	vld.idx.msk [tilespmem:v45+s3+$0x0], $0xffff;
	_ =	sdelay $0x4  }
0x605: {  	[tilespmem:$0x1FAF0] =	vst v1;
	v1 =	vld.idx.msk [tilespmem:v47+s3+$0x0], $0xffff;
	_ =	sdelay $0x2  }
0x606: {  	v15 =	vld.idx.msk [tilespmem:v62+s3+$0x0], $0xffff;
	_ =	sdelay $0x1  }
0x607: {  	[tilespmem:$0x1FB00] =	vst v1;
	v1 =	vld.idx.msk [tilespmem:v48+s3+$0x0], $0xffff  }
0x608: {  	v18 =	vor.u32 v2, v0  }
0x609: {  	v36 =	vor.u32 v4, v0  }
0x60a: {  	v35 =	vor.u32 v7, v0;
	[tilespmem:$0x1FB20] =	vst v15;
	v15 =	vld.idx.msk [tilespmem:v43+s3+$0x0], $0xffff;
	_ =	sdelay $0x1  }
0x60b: {  	[tilespmem:$0x1FB10] =	vst v1;
	v1 =	vld.idx.msk [tilespmem:v49+s3+$0x0], $0xffff  }
0x60c: {  	v43 =	vld.idx.msk [tilespmem:v18+s14+$0x0], $0xffff;
	v45 =	vor.u32 v5, v0  }
0x60d: {  	v44 =	vld.idx.msk [tilespmem:v36+s14+$0x0], $0xffff;
	v36 =	vor.u32 v16, v0  }
0x60e: {  	v61 =	vld.idx.msk [tilespmem:v35+s14+$0x0], $0xffff;
	v35 =	vor.u32 v10, v0;
	[tilespmem:$0x1FAD0] =	vst v15  }
0x60f: {  	v58 =	vadd.bf16 v58, v60;
	v60 =	vld [tilespmem:$0x1FAD0];
	v48 =	vor.u32 v6, v0  }
0x610: {  	[tilespmem:$0x1FB30] =	vst v1;
	v1 =	vld.idx.msk [tilespmem:v51+s3+$0x0], $0xffff  }
0x611: {  	v45 =	vld.idx.msk [tilespmem:v45+s14+$0x0], $0xffff  }
0x612: {  	v17 =	vor.u32 v9, v0;
	v62 =	vld.idx.msk [tilespmem:v36+s14+$0x0], $0xffff  }
0x613: {  	v19 =	vadd.s32 $0x3F0, v44;
	v35 =	vld.idx.msk [tilespmem:v35+s14+$0x0], $0xffff  }
0x614: {  	v47 =	vor.u32 v8, v0;
	v48 =	vld.idx.msk [tilespmem:v48+s14+$0x0], $0xffff  }
0x615: {  	[tilespmem:$0x1FB50] =	vst v1;
	v1 =	vld.idx.msk [tilespmem:v50+s3+$0x0], $0xffff  }
0x616: {  	v44 =	vld.idx.msk [tilespmem:v44+s3+$0x0], $0xffff;
	v36 =	vadd.s32 $0x3F0, v45  }
0x617: {  	v49 =	vld.idx.msk [tilespmem:v17+s14+$0x0], $0xffff;
	v17 =	vadd.s32 $0x3F0, v61  }
0x618: {  	v19 =	vld.idx.msk [tilespmem:v19+s3+$0x0], $0xffff  }
0x619: {  	v15 =	vor.u32 v11, v0;
	v63 =	vld.idx.msk [tilespmem:v47+s14+$0x0], $0xffff  }
0x61a: {  	v45 =	vld.idx.msk [tilespmem:v45+s3+$0x0], $0xffff;
	[tilespmem:$0x1FB70] =	vst v1;
	v1 =	vadd.s32 $0x3F0, v43  }
0x61b: {  	v36 =	vld.idx.msk [tilespmem:v36+s3+$0x0], $0xffff  }
0x61c: {  	v17 =	vld.idx.msk [tilespmem:v17+s3+$0x0], $0xffff  }
0x61d: {  	v18 =	vadd.s32 $0x3F0, v48;
	v48 =	vld.idx.msk [tilespmem:v48+s3+$0x0], $0xffff  }
0x61e: {  	v50 =	vld.idx.msk [tilespmem:v15+s14+$0x0], $0xffff;
	v15 =	vor.u32 v13, v0  }
0x61f: {  	v47 =	vld.idx.msk [tilespmem:v1+s3+$0x0], $0xffff;
	v1 =	vor.u32 v12, v0  }
0x620: {  	v43 =	vld.idx.msk [tilespmem:v43+s3+$0x0], $0xffff;
	v0 =	vor.u32 v14, v0  }
0x621: {  	v57 =	vadd.bf16 v57, v58;
	v58 =	vadd.s32 $0x3F0, v49;
	v49 =	vld.idx.msk [tilespmem:v49+s3+$0x0], $0xffff  }
0x622: {  	v18 =	vld.idx.msk [tilespmem:v18+s3+$0x0], $0xffff  }
0x623: {  	v15 =	vld.idx.msk [tilespmem:v15+s14+$0x0], $0xffff  }
0x624: {  	v51 =	vld.idx.msk [tilespmem:v1+s14+$0x0], $0xffff;
	v47 =	vadd.bf16 v3, v47  }
0x625: {  	v43 =	vadd.bf16 v3, v43;
	v0 =	vld.idx.msk [tilespmem:v0+s14+$0x0], $0xffff  }
0x626: {  	v19 =	vadd.bf16 v19, v47;
	v47 =	vadd.bf16 v59, v57;
	v57 =	vadd.s32 $0x3F0, v35;
	v35 =	vld.idx.msk [tilespmem:v35+s3+$0x0], $0xffff  }
0x627: {  	v1 =	vadd.s32 $0x3F0, v63;
	v59 =	vadd.bf16 v44, v43;
	v44 =	vadd.s32 $0x3F0, v50;
	v50 =	vld.idx.msk [tilespmem:v50+s3+$0x0], $0xffff  }
0x628: {  	v43 =	vadd.bf16 v60, v47;
	v47 =	vld.idx.msk [tilespmem:v61+s3+$0x0], $0xffff  }
0x629: {  	v19 =	vadd.bf16 v36, v19;
	v36 =	vld.idx.msk [tilespmem:v58+s3+$0x0], $0xffff  }
0x62a: {  	v60 =	vld.idx.msk [tilespmem:v63+s3+$0x0], $0xffff  }
0x62b: {  	v63 =	vld [tilespmem:$0x1FAF0]  }
0x62c: {  	v61 =	vadd.bf16 v54, v56;
	v1 =	vld.idx.msk [tilespmem:v1+s3+$0x0], $0xffff  }
0x62d: {  	v18 =	vadd.bf16 v18, v19;
	v19 =	vadd.bf16 v45, v59;
	v59 =	vld [tilespmem:$0x1FAE0]  }
0x62e: {  	v56 =	vadd.bf16 v53, v61;
	v61 =	vnsel vm0, $0x3E9, v62;
	v62 =	vld [tilespmem:$0x1FB10]  }
0x62f: {  	v53 =	vld [tilespmem:$0x1FB30]  }
0x630: {  	v45 =	vadd.s32 $0x3F0, v51;
	v17 =	vadd.bf16 v17, v18;
	v18 =	vadd.bf16 v48, v19;
	v19 =	vld.idx.msk [tilespmem:v57+s3+$0x0], $0xffff  }
0x631: {  	v54 =	vadd.s32 $0x3F0, v15;
	v57 =	vld [tilespmem:$0x1FB00]  }
0x632: {  	v1 =	vadd.bf16 v1, v17;
	v17 =	vadd.bf16 v47, v18;
	v18 =	vld.idx.msk [tilespmem:v44+s3+$0x0], $0xffff  }
0x633: {  	v44 =	vadd.bf16 v52, v56;
	v52 =	vld [tilespmem:$0x1FB20]  }
0x634: {  	v56 =	vld [tilespmem:$0x1FB40];
	v43 =	vadd.bf16 v59, v43;
	v59 =	vadd.s32 $0x3F0, v0;
	v1 =	vadd.bf16 v36, v1  }
0x635: {  	v17 =	vadd.bf16 v60, v17;
	v60 =	vld.idx.msk [tilespmem:v45+s3+$0x0], $0xffff  }
0x636: {  	v43 =	vadd.bf16 v63, v43;
	v1 =	vadd.bf16 v19, v1;
	v19 =	vld.idx.msk [tilespmem:v54+s3+$0x0], $0xffff  }
0x637: {  	v54 =	vld.idx.msk [tilespmem:v51+s3+$0x0], $0xffff  }
0x638: {  	v43 =	vadd.bf16 v57, v43;
	v57 =	vld [tilespmem:$0x1FB50]  }
0x639: {  	v17 =	vadd.bf16 v49, v17;
	v1 =	vadd.bf16 v18, v1;
	v18 =	vld.idx.msk [tilespmem:v59+s3+$0x0], $0xffff  }
0x63a: {  	v63 =	vadd.s32 $0x3F0, v61;
	v59 =	vld [tilespmem:$0x1FB60];
	v43 =	vadd.bf16 v62, v43  }
0x63b: {  	v17 =	vadd.bf16 v35, v17;
	v1 =	vadd.bf16 v60, v1;
	v60 =	vld [tilespmem:$0x1FB70]  }
0x63c: {  	v55 =	vld.idx.msk [tilespmem:v55+s3+$0x0], $0xffff;
	v44 =	vadd.bf16 v52, v44;
	v43 =	vadd.bf16 v53, v43  }
0x63d: {  	v15 =	vld.idx.msk [tilespmem:v15+s3+$0x0], $0xffff;
	v17 =	vadd.bf16 v50, v17  }
0x63e: {  	v0 =	vld.idx.msk [tilespmem:v0+s3+$0x0], $0xffff;
	v35 =	vadd.bf16 v56, v44;
	v43 =	vadd.bf16 v57, v43  }
0x63f: {  	v58 =	vld.idx.msk [tilespmem:v63+s3+$0x0], $0xffff;
	v1 =	vadd.bf16 v19, v1;
	v17 =	vadd.bf16 v54, v17  }
0x640: {  	v35 =	vadd.bf16 v59, v35;
	v43 =	vadd.bf16 v60, v43  }
0x641: {  	v61 =	vld.idx.msk [tilespmem:v61+s3+$0x0], $0xffff;
	v1 =	vadd.bf16 v18, v1  }
0x642: {  	v15 =	vadd.bf16 v15, v17;
	v62 =	vand.u32 $0xFFFF0000, v35;
	v19 =	vadd.bf16 v55, v43  }
0x643: {  	v17 =	vshll.u32 v35, $0x10;
	(xrf2) =	vadd.scan.msk.f32 $0xffff, v62  }
0x644: {  	v1 =	vadd.bf16 v58, v1;
	v0 =	vadd.bf16 v0, v15;
	(xrf2) =	vadd.scan.msk.f32 $0xffff, v17;
	v17 =	vshll.u32 v19, $0x10  }
0x645: {  	v15 =	vand.u32 $0xFFFF0000, v19;
	(xrf2) =	vadd.scan.msk.f32 $0xffff, v17  }
0x646: {  	v0 =	vadd.bf16 v61, v0;
	(xrf2) =	vadd.scan.msk.f32 $0xffff, v15;
	v15 =	vand.u32 $0xFFFF0000, v1  }
0x647: {  	v1 =	vshll.u32 v1, $0x10;
	(xrf2) =	vadd.scan.msk.f32 $0xffff, v15  }
0x648: {  	(xrf2) =	vadd.scan.msk.f32 $0xffff, v1;
	v1 =	vshll.u32 v0, $0x10  }
0x649: {  	v0 =	vand.u32 $0xFFFF0000, v0;
	(xrf2) =	vadd.scan.msk.f32 $0xffff, v1  }
0x64a: {  	(xrf2) =	vadd.scan.msk.f32 $0xffff, v0;
	_ =	sdelay $0x1  }
0x64b: {  	v1 =	vbroadcast v46, $0xF;
	v0, _, _ =	vpop (xrf2)  }
0x64c: {  	v15, _, _ =	vpop (xrf2);
	v0 =	vbroadcast v0, $0xF  }
0x64d: {  	v1 =	vnsel vm1, $0x0, v1;
	v17, _, _ =	vpop (xrf2);
	v15 =	vbroadcast v15, $0xF  }
0x64e: {  	v0 =	vnsel vm1, $0x0, v0;
	vm1 =	veq.s32 v37, v2;
	v17 =	vbroadcast v17, $0xF;
	v18, _, _ =	vpop (xrf2)  }
0x64f: {  	v1 =	vadd.f32 v1, v40;
	v0 =	vadd.f32 v0, v41;
	v15 =	vnsel vm1, $0x0, v15;
	v19, _, _ =	vpop (xrf2)  }
0x650: {  	v17 =	vnsel vm1, $0x0, v17;
	v18 =	vbroadcast v18, $0xF;
	v63, _, _ =	vpop (xrf2);
	v19 =	vbroadcast v19, $0xF  }
0x651: {  	v15 =	vadd.f32 v15, v38;
	v17 =	vadd.f32 v17, v39;
	v40, _, _ =	vpop (xrf2)  }
0x652: {  	v18 =	vnsel vm1, $0x0, v18;
	v35 =	vbroadcast v63, $0xF;
	v19 =	vnsel vm1, $0x0, v19;
	v41, _, _ =	vpop (xrf2)  }
0x653: {  	v1 =	vadd.f32 v18, v1;
	vm1 =	veq.s32 v42, v2;
	v18 =	vbroadcast v40, $0xF;
	v42, _, _ =	vpop (xrf2)  }
0x654: {  	v35 =	vnsel vm1, $0x0, v35;
	v37 =	vbroadcast v41, $0xF;
	v36 =	vbroadcast v42, $0xF  }
0x655: {  	v0 =	vadd.f32 v19, v0;
	v15 =	vadd.f32 v35, v15;
	v18 =	vnsel vm1, $0x0, v18  }
0x656: {  	v17 =	vadd.f32 v18, v17;
	v18 =	vnsel vm1, $0x0, v37;
	v19 =	vnsel vm1, $0x0, v36  }
0x657: {  	v1 =	vadd.f32 v18, v1;
	v0 =	vadd.f32 v19, v0;
	_ =	sdelay $0x1  }
0x658: {  	v19 =	vmax.f32 v17, v15;
	v18 =	vmax.f32 v1, v0  }
0x659: {  	v18 =	vmax.f32 v18, v19  }
0x65a: {  	v1 =	vsub.f32 v1, v18  }
0x65b: {  	v0 =	vsub.f32 v0, v18  }
0x65c: {  	v17 =	vsub.f32 v17, v18;
	v1 =	vmul.f32 $1.442695020e+00, v1  }
0x65d: {  	v15 =	vsub.f32 v15, v18;
	v0 =	vmul.f32 $1.442695020e+00, v0  }
0x65e: {  	(erf) = vpow2.f32 v1;
	v1 =	vmul.f32 $1.442695020e+00, v17  }
0x65f: {  	(erf) = vpow2.f32 v0;
	v0 =	vmul.f32 $1.442695020e+00, v15  }
0x660: {  	(erf) = vpow2.f32 v1  }
0x661: {  	(erf) = vpow2.f32 v0;
	_ =	sdelay $0x5  }
0x662: {  	v0 =	vpop (erf)  }
0x663: {  	v1 =	vpop (erf)  }
0x664: {  	v15 =	vpop (erf)  }
0x665: {  	v17 =	vpop (erf)  }
0x666: {  	v18 =	vadd.f32 v1, v0;
	v19 =	vadd.f32 v17, v15;
	_ =	sdelay $0x1  }
0x667: {  	v18 =	vadd.f32 v19, v18;
	_ =	sdelay $0x1  }
0x668: {  	(erf) = vrcp.f32 v18;
	_ =	sdelay $0x1  }
0x669: {  	v43 =	vld [tilespmem:$0x1FFE0];
	_ =	sdelay $0x4  }
0x66a: {  	v18 =	vor.u32 $0x3000, v43  }
0x66b: {  	v19 =	vor.u32 $0x3001, v43  }
0x66c: {  	s21 =	simm.s32 $0x0;
	v45 =	vor.u32 $0x3002, v43;
	v44 =	vpop (erf)  }
0x66d: {  	v38 =	vmov s21;
	v37 =	vor.u32 $0x3003, v43;
	v0 =	vmul.f32 v44, v0  }
0x66e: {  	v46 =	vshll.u32 v38, $0x8;
	v47 =	vshll.u32 v38, $0x7;
	v1 =	vmul.f32 v44, v1  }
0x66f: {  	[tilespmem:v18+s18+$0x0] =	vst.idx.msk $0xffff, v0;
	v0 =	vmul.f32 v44, v15;
	v15 =	vand.u32 $0x800, v46;
	v18 =	vand.u32 $0x380, v47  }
0x670: {  	[tilespmem:v19+s18+$0x0] =	vst.idx.msk $0xffff, v1;
	v1 =	vmul.f32 v44, v17;
	v15 =	vor.u32 v15, v18  }
0x671: {  	[tilespmem:v45+s18+$0x0] =	vst.idx.msk $0xffff, v0;
	v0 =	vor.u32 v20, v15  }
0x672: {  	v17 =	vor.u32 v22, v15;
	[tilespmem:v37+s18+$0x0] =	vst.idx.msk $0xffff, v1  }
0x673: {  	v18 =	vor.u32 v23, v15;
	_ =	swait.ge [sflag:s19], $0x1000  }
0x674: {  	v19 =	vor.u32 v24, v15;
	[sflag:s19] =	ssyncset.done $0x0  }
0x675: {  	v48 =	vor.u32 v32, v15;
	[sflag:s19] =	ssyncadd.s32 $0xFFFFF000  }
0x676: {  	v49 =	vor.u32 v25, v15;
	v0 =	vld.idx.msk [tilespmem:v0+s14+$0x0], $0xffff  }
0x677: {  	v51 =	vor.u32 v26, v15;
	v17 =	vld.idx.msk [tilespmem:v17+s14+$0x0], $0xffff  }
0x678: {  	v53 =	vor.u32 v27, v15;
	v18 =	vld.idx.msk [tilespmem:v18+s14+$0x0], $0xffff  }
0x679: {  	v55 =	vor.u32 v28, v15;
	v19 =	vld.idx.msk [tilespmem:v19+s14+$0x0], $0xffff  }
0x67a: {  	v1 =	vor.u32 v21, v15;
	v35 =	vld.idx.msk [tilespmem:v48+s14+$0x0], $0xffff  }
0x67b: {  	v57 =	vor.u32 v29, v15;
	v36 =	vld.idx.msk [tilespmem:v49+s14+$0x0], $0xffff  }
0x67c: {  	v59 =	vor.u32 v30, v15;
	v39 =	vld.idx.msk [tilespmem:v51+s14+$0x0], $0xffff  }
0x67d: {  	v15 =	vor.u32 v31, v15;
	v41 =	vld.idx.msk [tilespmem:v53+s14+$0x0], $0xffff  }
0x67e: {  	v43 =	vld.idx.msk [tilespmem:v55+s14+$0x0], $0xffff  }
0x67f: {  	v1 =	vld.idx.msk [tilespmem:v1+s14+$0x0], $0xffff  }
0x680: {  	v45 =	vld.idx.msk [tilespmem:v57+s14+$0x0], $0xffff  }
0x681: {  	v47 =	vld.idx.msk [tilespmem:v59+s14+$0x0], $0xffff  }
0x682: {  	v15 =	vld.idx.msk [tilespmem:v15+s14+$0x0], $0xffff;
	v50 =	vadd.s32 $0x3F0, v0  }
0x683: {  	v0 =	vld.idx.msk [tilespmem:v0+s3+$0x0], $0xffff  }
0x684: {  	v54 =	vadd.s32 $0x3F0, v17;
	v52 =	vadd.s32 $0x3F0, v1;
	v17 =	vld.idx.msk [tilespmem:v17+s3+$0x0], $0xffff  }
0x685: {  	v56 =	vadd.s32 $0x3F0, v18;
	v18 =	vld.idx.msk [tilespmem:v18+s3+$0x0], $0xffff  }
0x686: {  	v58 =	vadd.s32 $0x3F0, v19;
	v19 =	vld.idx.msk [tilespmem:v19+s3+$0x0], $0xffff  }
0x687: {  	v37 =	vld.idx.msk [tilespmem:v50+s3+$0x0], $0xffff  }
0x688: {  	v60 =	vadd.s32 $0x3F0, v36;
	v36 =	vld.idx.msk [tilespmem:v36+s3+$0x0], $0xffff  }
0x689: {  	v40 =	vld.idx.msk [tilespmem:v52+s3+$0x0], $0xffff  }
0x68a: {  	v61 =	vadd.s32 $0x3F0, v39;
	v39 =	vld.idx.msk [tilespmem:v39+s3+$0x0], $0xffff  }
0x68b: {  	v42 =	vld.idx.msk [tilespmem:v54+s3+$0x0], $0xffff  }
0x68c: {  	v62 =	vadd.s32 $0x3F0, v41;
	v41 =	vld.idx.msk [tilespmem:v41+s3+$0x0], $0xffff;
	v37 =	vadd.bf16 v3, v37  }
0x68d: {  	v44 =	vld.idx.msk [tilespmem:v56+s3+$0x0], $0xffff  }
0x68e: {  	v1 =	vld.idx.msk [tilespmem:v1+s3+$0x0], $0xffff;
	v37 =	vadd.bf16 v40, v37  }
0x68f: {  	v46 =	vld.idx.msk [tilespmem:v58+s3+$0x0], $0xffff  }
0x690: {  	v63 =	vadd.s32 $0x3F0, v43;
	v57 =	vadd.s32 $0x3F0, v47;
	v43 =	vld.idx.msk [tilespmem:v43+s3+$0x0], $0xffff;
	v42 =	vadd.bf16 v42, v37  }
0x691: {  	s30 =	simm.s32 $0x1;
	v35 =	vnsel vm0, $0x3E9, v35;
	v59 =	vadd.s32 $0x3F0, v15;
	v48 =	vld.idx.msk [tilespmem:v60+s3+$0x0], $0xffff;
	v0 =	vadd.bf16 v3, v0  }
0x692: {  	v49 =	vld.idx.msk [tilespmem:v61+s3+$0x0], $0xffff;
	v56 =	vadd.s32 $0x3F0, v45;
	v37 =	vmov s30;
	v42 =	vadd.bf16 v44, v42  }
0x693: {  	v50 =	vld.idx.msk [tilespmem:v62+s3+$0x0], $0xffff;
	v0 =	vadd.bf16 v1, v0;
	v61 =	vshll.u32 v37, $0x8;
	v62 =	vshll.u32 v37, $0x7  }
0x694: {  	v15 =	vld.idx.msk [tilespmem:v15+s3+$0x0], $0xffff;
	v44 =	vand.u32 $0x800, v61;
	v55 =	vand.u32 $0x380, v62;
	v42 =	vadd.bf16 v46, v42  }
0x695: {  	v58 =	vld.idx.msk [tilespmem:v63+s3+$0x0], $0xffff;
	v46 =	vor.u32 v44, v55  }
0x696: {  	v53 =	vld.idx.msk [tilespmem:v57+s3+$0x0], $0xffff;
	v0 =	vadd.bf16 v17, v0;
	v1 =	vor.u32 v20, v46;
	v42 =	vadd.bf16 v48, v42  }
0x697: {  	v60 =	vadd.s32 $0x3F0, v35;
	v45 =	vld.idx.msk [tilespmem:v45+s3+$0x0], $0xffff  }
0x698: {  	v35 =	vld.idx.msk [tilespmem:v35+s3+$0x0], $0xffff;
	v0 =	vadd.bf16 v18, v0;
	v17 =	vor.u32 v21, v46;
	v42 =	vadd.bf16 v49, v42  }
0x699: {  	v52 =	vld.idx.msk [tilespmem:v56+s3+$0x0], $0xffff;
	v18 =	vor.u32 v22, v46  }
0x69a: {  	v63 =	vld.idx.msk [tilespmem:v59+s3+$0x0], $0xffff;
	v0 =	vadd.bf16 v19, v0;
	v19 =	vor.u32 v23, v46;
	v42 =	vadd.bf16 v50, v42  }
0x69b: {  	v59 =	vor.u32 v24, v46;
	v1 =	vld.idx.msk [tilespmem:v1+s14+$0x0], $0xffff  }
0x69c: {  	v56 =	vld.idx.msk [tilespmem:v60+s3+$0x0], $0xffff;
	v60 =	vor.u32 v32, v46;
	v40 =	vadd.bf16 v58, v42  }
0x69d: {  	v0 =	vadd.bf16 v36, v0;
	v17 =	vld.idx.msk [tilespmem:v17+s14+$0x0], $0xffff  }
0x69e: {  	v55 =	vor.u32 v26, v46;
	v18 =	vld.idx.msk [tilespmem:v18+s14+$0x0], $0xffff;
	v40 =	vadd.bf16 v52, v40  }
0x69f: {  	v61 =	vor.u32 v25, v46;
	v0 =	vadd.bf16 v39, v0;
	v19 =	vld.idx.msk [tilespmem:v19+s14+$0x0], $0xffff  }
0x6a0: {  	v39 =	vld.idx.msk [tilespmem:v59+s14+$0x0], $0xffff;
	v54 =	vadd.s32 $0x3F0, v1;
	v53 =	vadd.bf16 v53, v40  }
0x6a1: {  	v0 =	vadd.bf16 v41, v0;
	v51 =	vld.idx.msk [tilespmem:v60+s14+$0x0], $0xffff  }
0x6a2: {  	v42 =	vld.idx.msk [tilespmem:v47+s3+$0x0], $0xffff;
	v57 =	vadd.s32 $0x3F0, v17;
	v40 =	vadd.bf16 v63, v53  }
0x6a3: {  	v0 =	vadd.bf16 v43, v0;
	v41 =	vld.idx.msk [tilespmem:v55+s14+$0x0], $0xffff;
	v58 =	vor.u32 v27, v46  }
0x6a4: {  	v63 =	vadd.s32 $0x3F0, v18;
	v62 =	vadd.bf16 v56, v40;
	v40 =	vld.idx.msk [tilespmem:v61+s14+$0x0], $0xffff  }
0x6a5: {  	v0 =	vadd.bf16 v45, v0;
	v45 =	vld.idx.msk [tilespmem:v54+s3+$0x0], $0xffff;
	v56 =	vor.u32 v28, v46  }
0x6a6: {  	v60 =	vadd.s32 $0x3F0, v19;
	v1 =	vld.idx.msk [tilespmem:v1+s3+$0x0], $0xffff;
	v59 =	vand.u32 $0xFFFF0000, v62  }
0x6a7: {  	v0 =	vadd.bf16 v42, v0;
	v61 =	vld.idx.msk [tilespmem:v57+s3+$0x0], $0xffff;
	v43 =	vshll.u32 v62, $0x10;
	v62 =	vor.u32 v29, v46;
	(xrf2) =	vadd.scan.msk.f32 $0xffff, v59  }
0x6a8: {  	v57 =	vadd.s32 $0x3F0, v39;
	(xrf2) =	vadd.scan.msk.f32 $0xffff, v43;
	v43 =	vld.idx.msk [tilespmem:v58+s14+$0x0], $0xffff  }
0x6a9: {  	v0 =	vadd.bf16 v15, v0;
	v15 =	vld.idx.msk [tilespmem:v63+s3+$0x0], $0xffff;
	v59 =	vadd.s32 $0x3F0, v41  }
0x6aa: {  	v63 =	vadd.s32 $0x3F0, v40;
	v44 =	vld.idx.msk [tilespmem:v56+s14+$0x0], $0xffff;
	v55 =	vadd.bf16 v3, v45  }
0x6ab: {  	v58 =	vor.u32 v30, v46;
	v56 =	vld.idx.msk [tilespmem:v60+s3+$0x0], $0xffff  }
0x6ac: {  	v0 =	vadd.bf16 v35, v0;
	v46 =	vor.u32 v31, v46;
	v45 =	vld.idx.msk [tilespmem:v62+s14+$0x0], $0xffff;
	v35 =	vadd.bf16 v61, v55  }
0x6ad: {  	v61 =	vld.idx.msk [tilespmem:v57+s3+$0x0], $0xffff;
	v62 =	vadd.s32 $0x3F0, v43  }
0x6ae: {  	v60 =	vshll.u32 v0, $0x10;
	v48 =	vld.idx.msk [tilespmem:v59+s3+$0x0], $0xffff;
	v15 =	vadd.bf16 v15, v35  }
0x6af: {  	(xrf2) =	vadd.scan.msk.f32 $0xffff, v60;
	v63 =	vld.idx.msk [tilespmem:v63+s3+$0x0], $0xffff  }
0x6b0: {  	v0 =	vand.u32 $0xFFFF0000, v0;
	v47 =	vld.idx.msk [tilespmem:v58+s14+$0x0], $0xffff;
	v15 =	vadd.bf16 v56, v15  }
0x6b1: {  	v46 =	vld.idx.msk [tilespmem:v46+s14+$0x0], $0xffff;
	v58, _, _ =	vpop (xrf2);
	(xrf2) =	vadd.scan.msk.f32 $0xffff, v0  }
0x6b2: {  	v57 =	vadd.s32 $0x3F0, v44;
	v15 =	vadd.bf16 v61, v15;
	v50 =	vld.idx.msk [tilespmem:v62+s3+$0x0], $0xffff  }
0x6b3: {  	v55 =	vadd.s32 $0x3F0, v45;
	v62 =	vld [tilespmem:$0x1FFA0]  }
0x6b4: {  	v15 =	vadd.bf16 v63, v15;
	v63 =	vld [tilespmem:$0x1FFB0]  }
0x6b5: {  	s31 =	simm.s32 $0x2;
	v53 =	vld.idx.msk [tilespmem:v18+s3+$0x0], $0xffff;
	v52 =	vbroadcast v58, $0xF;
	v59, _, _ =	vpop (xrf2);
	v58 =	vadd.s32 $0x3F0, v47  }
0x6b6: {  	vm1 =	veq.s32 v38, v2;
	v38 =	vmov s31;
	v54 =	vld.idx.msk [tilespmem:v17+s3+$0x0], $0xffff;
	v60 =	vbroadcast v59, $0xF  }
0x6b7: {  	v51 =	vnsel vm0, $0x3E9, v51;
	v56 =	vadd.bf16 v3, v1;
	v49 =	vld.idx.msk [tilespmem:v57+s3+$0x0], $0xffff;
	v57 =	vadd.s32 $0x3F0, v46  }
0x6b8: {  	v61 =	vnsel vm1, $0x0, v52;
	v17 =	vnsel vm1, $0x0, v60;
	v52 =	vadd.bf16 v48, v15;
	v48 =	vld.idx.msk [tilespmem:v55+s3+$0x0], $0xffff  }
0x6b9: {  	s21 =	simm.s32 $0x3;
	v59 =	vadd.s32 $0x3F0, v51;
	v42, _, _ =	vpop (xrf2);
	v55 =	vld.idx.msk [tilespmem:v19+s3+$0x0], $0xffff;
	v36 =	vadd.f32 v61, v62;
	v35 =	vadd.f32 v17, v63  }
.LBB2_16:
0x6ba: {  	p0 =	sne.s32 s21, $0xF;
	v0 =	vshll.u32 v38, $0x8;
	v1 =	vshll.u32 v38, $0x7;
	v15 =	vadd.bf16 v50, v52;
	v17 =	vld.idx.msk [tilespmem:v58+s3+$0x0], $0xffff  }
0x6bb: {  	v0 =	vand.u32 $0x800, v0;
	v1 =	vand.u32 $0x380, v1;
	v18 =	vadd.bf16 v54, v56;
	v19 =	vld.idx.msk [tilespmem:v39+s3+$0x0], $0xffff;
	v39, _, _ =	vpop (xrf2)  }
0x6bc: {  	v42 =	vbroadcast v42, $0xF;
	v0 =	vor.u32 v0, v1;
	v1 =	vadd.bf16 v49, v15;
	v15 =	vld.idx.msk [tilespmem:v57+s3+$0x0], $0xffff  }
0x6bd: {  	v39 =	vbroadcast v39, $0xF;
	v49 =	vor.u32 v20, v0;
	v18 =	vadd.bf16 v53, v18;
	v40 =	vld.idx.msk [tilespmem:v40+s3+$0x0], $0xffff  }
0x6be: {  	v42 =	vnsel vm1, $0x0, v42;
	v1 =	vadd.bf16 v48, v1;
	v48 =	vld.idx.msk [tilespmem:v59+s3+$0x0], $0xffff  }
0x6bf: {  	v50 =	vor.u32 v21, v0;
	v39 =	vnsel vm1, $0x0, v39;
	v18 =	vadd.bf16 v55, v18;
	v41 =	vld.idx.msk [tilespmem:v41+s3+$0x0], $0xffff  }
0x6c0: {  	v33 =	vadd.f32 v42, v33;
	v43 =	vld.idx.msk [tilespmem:v43+s3+$0x0], $0xffff;
	v1 =	vadd.bf16 v17, v1  }
0x6c1: {  	v34 =	vadd.f32 v39, v34;
	v17 =	vor.u32 v22, v0;
	v18 =	vadd.bf16 v19, v18;
	v19 =	vld.idx.msk [tilespmem:v44+s3+$0x0], $0xffff  }
0x6c2: {  	v42 =	vld.idx.msk [tilespmem:v49+s14+$0x0], $0xffff;
	v1 =	vadd.bf16 v15, v1  }
0x6c3: {  	v15 =	vor.u32 v23, v0;
	v18 =	vadd.bf16 v40, v18;
	v40 =	vld.idx.msk [tilespmem:v45+s3+$0x0], $0xffff  }
0x6c4: {  	v49 =	vld.idx.msk [tilespmem:v50+s14+$0x0], $0xffff;
	v1 =	vadd.bf16 v48, v1  }
0x6c5: {  	v39 =	vor.u32 v24, v0;
	v18 =	vadd.bf16 v41, v18;
	v41 =	vld.idx.msk [tilespmem:v47+s3+$0x0], $0xffff  }
0x6c6: {  	v44 =	vor.u32 v32, v0;
	v17 =	vld.idx.msk [tilespmem:v17+s14+$0x0], $0xffff;
	v45 =	vshll.u32 v1, $0x10;
	v1 =	vand.u32 $0xFFFF0000, v1  }
0x6c7: {  	v47 =	vor.u32 v25, v0;
	v18 =	vadd.bf16 v43, v18;
	v43 =	vld.idx.msk [tilespmem:v46+s3+$0x0], $0xffff;
	(xrf2) =	vadd.scan.msk.f32 $0xffff, v1  }
0x6c8: {  	v1 =	vadd.s32 $0x3F0, v42;
	v15 =	vld.idx.msk [tilespmem:v15+s14+$0x0], $0xffff  }
0x6c9: {  	v46 =	vor.u32 v26, v0;
	v18 =	vadd.bf16 v19, v18;
	v19 =	vld.idx.msk [tilespmem:v51+s3+$0x0], $0xffff  }
0x6ca: {  	v48 =	vadd.s32 $0x3F0, v49;
	v39 =	vld.idx.msk [tilespmem:v39+s14+$0x0], $0xffff;
	(xrf2) =	vadd.scan.msk.f32 $0xffff, v45  }
0x6cb: {  	v45 =	vor.u32 v27, v0;
	v51 =	vld.idx.msk [tilespmem:v44+s14+$0x0], $0xffff;
	v18 =	vadd.bf16 v40, v18  }
0x6cc: {  	v44 =	vadd.s32 $0x3F0, v17;
	v40 =	vld.idx.msk [tilespmem:v47+s14+$0x0], $0xffff  }
0x6cd: {  	v47 =	vor.u32 v28, v0;
	v1 =	vld.idx.msk [tilespmem:v1+s3+$0x0], $0xffff;
	v18 =	vadd.bf16 v41, v18  }
0x6ce: {  	v50 =	vadd.s32 $0x3F0, v15;
	v41 =	vld.idx.msk [tilespmem:v46+s14+$0x0], $0xffff  }
0x6cf: {  	v46 =	vld.idx.msk [tilespmem:v48+s3+$0x0], $0xffff;
	v48 =	vor.u32 v29, v0;
	v18 =	vadd.bf16 v43, v18  }
0x6d0: {  	v52 =	vadd.s32 $0x3F0, v39;
	v43 =	vld.idx.msk [tilespmem:v45+s14+$0x0], $0xffff  }
0x6d1: {  	v54 =	vor.u32 v30, v0;
	v53 =	vld.idx.msk [tilespmem:v44+s3+$0x0], $0xffff;
	v18 =	vadd.bf16 v19, v18;
	v19, _, _ =	vpop (xrf2)  }
0x6d2: {  	v55 =	vadd.s32 $0x3F0, v40;
	v44 =	vld.idx.msk [tilespmem:v47+s14+$0x0], $0xffff;
	v19 =	vbroadcast v19, $0xF  }
0x6d3: {  	vm1 =	veq.s32 v37, v2;
	v0 =	vor.u32 v31, v0;
	v1 =	vadd.bf16 v3, v1;
	v50 =	vld.idx.msk [tilespmem:v50+s3+$0x0], $0xffff  }
0x6d4: {  	v56 =	vadd.s32 $0x3F0, v41;
	v57 =	vshll.u32 v18, $0x10;
	v45 =	vld.idx.msk [tilespmem:v48+s14+$0x0], $0xffff;
	v19 =	vnsel vm1, $0x0, v19;
	v48, _, _ =	vpop (xrf2)  }
0x6d5: {  	v18 =	vand.u32 $0xFFFF0000, v18;
	v1 =	vadd.bf16 v46, v1;
	v52 =	vld.idx.msk [tilespmem:v52+s3+$0x0], $0xffff;
	v36 =	vadd.f32 v19, v36;
	(xrf2) =	vadd.scan.msk.f32 $0xffff, v57  }
0x6d6: {  	v37 =	vmov v38;
	v19 =	vadd.s32 $0x3F0, v43;
	v48 =	vbroadcast v48, $0xF;
	v47 =	vld.idx.msk [tilespmem:v54+s14+$0x0], $0xffff  }
0x6d7: {  	v1 =	vadd.bf16 v53, v1;
	v38 =	vld.idx.msk [tilespmem:v55+s3+$0x0], $0xffff  }
0x6d8: {  	v53 =	vadd.s32 $0x3F0, v44;
	v46 =	vld.idx.msk [tilespmem:v0+s14+$0x0], $0xffff;
	v0 =	vnsel vm1, $0x0, v48;
	(xrf2) =	vadd.scan.msk.f32 $0xffff, v18  }
0x6d9: {  	v1 =	vadd.bf16 v50, v1;
	v18 =	vld.idx.msk [tilespmem:v56+s3+$0x0], $0xffff;
	v35 =	vadd.f32 v0, v35  }
0x6da: {  	v0 =	vld.idx.msk [tilespmem:v42+s3+$0x0], $0xffff;
	v42 =	vadd.s32 $0x3F0, v45  }
0x6db: {  	v1 =	vadd.bf16 v52, v1;
	v50 =	vld.idx.msk [tilespmem:v19+s3+$0x0], $0xffff  }
.Ltmp7:
0x6dc: {  	v58 =	vadd.s32 $0x3F0, v47;
	v54 =	vld.idx.msk [tilespmem:v49+s3+$0x0], $0xffff;
	(pc) =	sbr.rel @p0 .LBB2_16-.Ltmp7, $4  }
0x6dd: {  	v1 =	vadd.bf16 v38, v1;
	v49 =	vld.idx.msk [tilespmem:v53+s3+$0x0], $0xffff  }
0x6de: {  	v57 =	vadd.s32 $0x3F0, v46;
	v53 =	vld.idx.msk [tilespmem:v17+s3+$0x0], $0xffff  }
0x6df: {  	v51 =	vnsel vm0, $0x3E9, v51;
	v52 =	vadd.bf16 v18, v1;
	v48 =	vld.idx.msk [tilespmem:v42+s3+$0x0], $0xffff;
	v42, _, _ =	vpop (xrf2)  }
0x6e0: {  	v59 =	vadd.s32 $0x3F0, v51;
	v38 =	vmov s21;
	s21 =	sadd.s32 $0x1, s21;
	v56 =	vadd.bf16 v3, v0;
	v55 =	vld.idx.msk [tilespmem:v15+s3+$0x0], $0xffff  }
0x6e1: {  	_ =	sdelay $0x1  }
0x6e2: {  	v0 =	vshll.u32 v38, $0x8;
	v1 =	vshll.u32 v38, $0x7  }
0x6e3: {  	v0 =	vand.u32 $0x800, v0;
	v1 =	vand.u32 $0x380, v1  }
0x6e4: {  	v0 =	vor.u32 v0, v1;
	v1 =	vld.idx.msk [tilespmem:v57+s3+$0x0], $0xffff;
	_ =	sdelay $0x4  }
0x6e5: {  	[tilespmem:$0x1FAB0] =	vst v1;
	v1 =	vld.idx.msk [tilespmem:v40+s3+$0x0], $0xffff;
	_ =	sdelay $0x4  }
0x6e6: {  	[tilespmem:$0x1FA50] =	vst v1;
	v1 =	vld.idx.msk [tilespmem:v59+s3+$0x0], $0xffff;
	_ =	sdelay $0x1  }
0x6e7: {  	v15 =	vld.idx.msk [tilespmem:v58+s3+$0x0], $0xffff  }
0x6e8: {  	v47 =	vld.idx.msk [tilespmem:v47+s3+$0x0], $0xffff;
	v62 =	vor.u32 v21, v0  }
0x6e9: {  	v46 =	vld.idx.msk [tilespmem:v46+s3+$0x0], $0xffff;
	v58 =	vor.u32 v23, v0  }
0x6ea: {  	[tilespmem:$0x1FAC0] =	vst v1;
	v1 =	vld.idx.msk [tilespmem:v41+s3+$0x0], $0xffff  }
0x6eb: {  	v51 =	vld.idx.msk [tilespmem:v51+s3+$0x0], $0xffff;
	v19 =	vor.u32 v27, v0  }
0x6ec: {  	v63 =	vor.u32 v22, v0;
	[tilespmem:$0x1FA90] =	vst v15;
	v15 =	vld.idx.msk [tilespmem:v39+s3+$0x0], $0xffff  }
0x6ed: {  	v60 =	vor.u32 v32, v0;
	v40 =	vld.idx.msk [tilespmem:v62+s14+$0x0], $0xffff  }
0x6ee: {  	v61 =	vor.u32 v25, v0;
	v58 =	vld.idx.msk [tilespmem:v58+s14+$0x0], $0xffff  }
0x6ef: {  	[tilespmem:$0x1FA60] =	vst v1;
	v1 =	vld.idx.msk [tilespmem:v43+s3+$0x0], $0xffff  }
0x6f0: {  	v18 =	vor.u32 v20, v0;
	v19 =	vld.idx.msk [tilespmem:v19+s14+$0x0], $0xffff  }
0x6f1: {  	v57 =	vld.idx.msk [tilespmem:v63+s14+$0x0], $0xffff;
	v63 =	vor.u32 v26, v0  }
0x6f2: {  	v60 =	vld.idx.msk [tilespmem:v60+s14+$0x0], $0xffff  }
0x6f3: {  	v61 =	vld.idx.msk [tilespmem:v61+s14+$0x0], $0xffff  }
0x6f4: {  	v54 =	vadd.bf16 v54, v56;
	[tilespmem:$0x1FA70] =	vst v1;
	v1 =	vld.idx.msk [tilespmem:v44+s3+$0x0], $0xffff  }
0x6f5: {  	v41 =	vld.idx.msk [tilespmem:v18+s14+$0x0], $0xffff;
	v43 =	vor.u32 v24, v0  }
0x6f6: {  	v53 =	vadd.bf16 v53, v54;
	[tilespmem:$0x1FA40] =	vst v15;
	v15 =	vor.u32 v28, v0;
	v63 =	vld.idx.msk [tilespmem:v63+s14+$0x0], $0xffff  }
0x6f7: {  	v56 =	vld.idx.msk [tilespmem:v58+s3+$0x0], $0xffff  }
0x6f8: {  	v53 =	vadd.bf16 v55, v53;
	v55 =	vadd.s32 $0x3F0, v19;
	v19 =	vld.idx.msk [tilespmem:v19+s3+$0x0], $0xffff;
	v18 =	vadd.s32 $0x3F0, v58  }
0x6f9: {  	[tilespmem:$0x1FA80] =	vst v1;
	v1 =	vld.idx.msk [tilespmem:v45+s3+$0x0], $0xffff  }
0x6fa: {  	v62 =	vadd.s32 $0x3F0, v41;
	v59 =	vld.idx.msk [tilespmem:v43+s14+$0x0], $0xffff  }
0x6fb: {  	v44 =	vld.idx.msk [tilespmem:v15+s14+$0x0], $0xffff;
	v15 =	vor.u32 v30, v0  }
0x6fc: {  	v58 =	vld [tilespmem:$0x1FA40]  }
0x6fd: {  	v18 =	vld.idx.msk [tilespmem:v18+s3+$0x0], $0xffff  }
0x6fe: {  	v41 =	vld.idx.msk [tilespmem:v41+s3+$0x0], $0xffff;
	[tilespmem:$0x1FAA0] =	vst v1;
	v1 =	vadd.s32 $0x3F0, v40  }
0x6ff: {  	v62 =	vld.idx.msk [tilespmem:v62+s3+$0x0], $0xffff;
	v45 =	vadd.s32 $0x3F0, v57  }
0x700: {  	v17 =	vadd.s32 $0x3F0, v59;
	v15 =	vld.idx.msk [tilespmem:v15+s14+$0x0], $0xffff  }
0x701: {  	v40 =	vld.idx.msk [tilespmem:v40+s3+$0x0], $0xffff  }
0x702: {  	v57 =	vld.idx.msk [tilespmem:v57+s3+$0x0], $0xffff  }
0x703: {  	v43 =	vld.idx.msk [tilespmem:v1+s3+$0x0], $0xffff;
	v1 =	vor.u32 v29, v0  }
0x704: {  	v41 =	vadd.bf16 v3, v41;
	v39 =	vld.idx.msk [tilespmem:v45+s3+$0x0], $0xffff  }
0x705: {  	v17 =	vld.idx.msk [tilespmem:v17+s3+$0x0], $0xffff;
	v0 =	vor.u32 v31, v0  }
0x706: {  	v54 =	vadd.s32 $0x3F0, v63;
	v40 =	vadd.bf16 v40, v41;
	v41 =	vadd.bf16 v58, v53;
	v53 =	vld.idx.msk [tilespmem:v59+s3+$0x0], $0xffff  }
0x707: {  	v58 =	vld [tilespmem:$0x1FA50]  }
0x708: {  	v62 =	vadd.bf16 v3, v62;
	v45 =	vld.idx.msk [tilespmem:v1+s14+$0x0], $0xffff;
	v1 =	vadd.s32 $0x3F0, v61  }
0x709: {  	v59 =	vld [tilespmem:$0x1FA60]  }
0x70a: {  	v43 =	vadd.bf16 v43, v62;
	v0 =	vld.idx.msk [tilespmem:v0+s14+$0x0], $0xffff  }
0x70b: {  	v62 =	vadd.bf16 v57, v40;
	v40 =	vld.idx.msk [tilespmem:v54+s3+$0x0], $0xffff  }
0x70c: {  	v41 =	vadd.bf16 v58, v41;
	v57 =	vld.idx.msk [tilespmem:v61+s3+$0x0], $0xffff;
	v39 =	vadd.bf16 v39, v43  }
0x70d: {  	v1 =	vld.idx.msk [tilespmem:v1+s3+$0x0], $0xffff  }
0x70e: {  	v61 =	vadd.s32 $0x3F0, v15;
	v41 =	vadd.bf16 v59, v41;
	v59 =	vld [tilespmem:$0x1FA80];
	v18 =	vadd.bf16 v18, v39  }
0x70f: {  	v43 =	vadd.s32 $0x3F0, v44;
	v44 =	vld.idx.msk [tilespmem:v44+s3+$0x0], $0xffff  }
0x710: {  	v39 =	vld.idx.msk [tilespmem:v55+s3+$0x0], $0xffff;
	v17 =	vadd.bf16 v17, v18;
	v18 =	vadd.bf16 v56, v62  }
0x711: {  	v50 =	vadd.bf16 v50, v52;
	v62 =	vld.idx.msk [tilespmem:v63+s3+$0x0], $0xffff  }
0x712: {  	v54 =	vadd.s32 $0x3F0, v45;
	v1 =	vadd.bf16 v1, v17;
	v17 =	vadd.bf16 v53, v18;
	v53 =	vld [tilespmem:$0x1FA70]  }
0x713: {  	v61 =	vld.idx.msk [tilespmem:v61+s3+$0x0], $0xffff;
	v63 =	vadd.bf16 v49, v50  }
0x714: {  	v18 =	vld.idx.msk [tilespmem:v43+s3+$0x0], $0xffff;
	v17 =	vadd.bf16 v57, v17  }
0x715: {  	v43 =	vadd.bf16 v48, v63;
	v63 =	vld [tilespmem:$0x1FAA0]  }
0x716: {  	v56 =	vadd.s32 $0x3F0, v0;
	v1 =	vadd.bf16 v40, v1;
	v17 =	vadd.bf16 v62, v17;
	v62 =	vld [tilespmem:$0x1FA90]  }
0x717: {  	v57 =	vld.idx.msk [tilespmem:v54+s3+$0x0], $0xffff;
	v41 =	vadd.bf16 v53, v41  }
0x718: {  	v58 =	vnsel vm0, $0x3E9, v60;
	v1 =	vadd.bf16 v39, v1;
	v17 =	vadd.bf16 v19, v17;
	v19 =	vld [tilespmem:$0x1FAB0]  }
0x719: {  	v60 =	vadd.s32 $0x3F0, v58;
	v45 =	vld.idx.msk [tilespmem:v45+s3+$0x0], $0xffff;
	v41 =	vadd.bf16 v59, v41  }
0x71a: {  	v54 =	vld [tilespmem:$0x1FAC0];
	v1 =	vadd.bf16 v18, v1  }
0x71b: {  	v18 =	vld.idx.msk [tilespmem:v56+s3+$0x0], $0xffff;
	v43 =	vadd.bf16 v62, v43;
	v41 =	vadd.bf16 v63, v41  }
0x71c: {  	v15 =	vld.idx.msk [tilespmem:v15+s3+$0x0], $0xffff;
	v1 =	vadd.bf16 v57, v1;
	v17 =	vadd.bf16 v44, v17  }
0x71d: {  	v0 =	vld.idx.msk [tilespmem:v0+s3+$0x0], $0xffff;
	v19 =	vadd.bf16 v19, v43;
	v41 =	vadd.bf16 v47, v41  }
0x71e: {  	v53 =	vld.idx.msk [tilespmem:v60+s3+$0x0], $0xffff;
	v1 =	vadd.bf16 v61, v1;
	v17 =	vadd.bf16 v45, v17  }
0x71f: {  	v19 =	vadd.bf16 v54, v19;
	v41 =	vadd.bf16 v46, v41  }
0x720: {  	v56 =	vld.idx.msk [tilespmem:v58+s3+$0x0], $0xffff;
	v1 =	vadd.bf16 v18, v1  }
0x721: {  	v15 =	vadd.bf16 v15, v17;
	v55 =	vadd.bf16 v51, v41;
	v43 =	vand.u32 $0xFFFF0000, v19  }
0x722: {  	v17 =	vshll.u32 v19, $0x10;
	(xrf2) =	vadd.scan.msk.f32 $0xffff, v43  }
0x723: {  	v1 =	vadd.bf16 v53, v1;
	v0 =	vadd.bf16 v0, v15;
	(xrf2) =	vadd.scan.msk.f32 $0xffff, v17;
	v17 =	vshll.u32 v55, $0x10  }
0x724: {  	v15 =	vand.u32 $0xFFFF0000, v55;
	(xrf2) =	vadd.scan.msk.f32 $0xffff, v17  }
0x725: {  	v0 =	vadd.bf16 v56, v0;
	(xrf2) =	vadd.scan.msk.f32 $0xffff, v15;
	v15 =	vand.u32 $0xFFFF0000, v1  }
0x726: {  	v1 =	vshll.u32 v1, $0x10;
	(xrf2) =	vadd.scan.msk.f32 $0xffff, v15  }
0x727: {  	(xrf2) =	vadd.scan.msk.f32 $0xffff, v1;
	v1 =	vshll.u32 v0, $0x10  }
0x728: {  	v0 =	vand.u32 $0xFFFF0000, v0;
	(xrf2) =	vadd.scan.msk.f32 $0xffff, v1  }
0x729: {  	(xrf2) =	vadd.scan.msk.f32 $0xffff, v0;
	_ =	sdelay $0x1  }
0x72a: {  	v1 =	vbroadcast v42, $0xF;
	v0, _, _ =	vpop (xrf2)  }
0x72b: {  	v0 =	vbroadcast v0, $0xF;
	v15, _, _ =	vpop (xrf2)  }
0x72c: {  	v1 =	vnsel vm1, $0x0, v1;
	v17, _, _ =	vpop (xrf2);
	v15 =	vbroadcast v15, $0xF  }
0x72d: {  	v0 =	vnsel vm1, $0x0, v0;
	vm1 =	veq.s32 v37, v2;
	v18, _, _ =	vpop (xrf2);
	v17 =	vbroadcast v17, $0xF  }
0x72e: {  	v1 =	vadd.f32 v1, v33;
	v0 =	vadd.f32 v0, v34;
	v19, _, _ =	vpop (xrf2);
	v15 =	vnsel vm1, $0x0, v15  }
0x72f: {  	v18 =	vbroadcast v18, $0xF;
	v57, _, _ =	vpop (xrf2);
	v17 =	vnsel vm1, $0x0, v17;
	v19 =	vbroadcast v19, $0xF  }
0x730: {  	v15 =	vadd.f32 v15, v36;
	v58, _, _ =	vpop (xrf2);
	v17 =	vadd.f32 v17, v35  }
0x731: {  	v18 =	vnsel vm1, $0x0, v18;
	v33 =	vbroadcast v57, $0xF;
	v19 =	vnsel vm1, $0x0, v19;
	v59, _, _ =	vpop (xrf2)  }
0x732: {  	v1 =	vadd.f32 v18, v1;
	vm1 =	veq.s32 v38, v2;
	v18 =	vbroadcast v58, $0xF;
	v60, _, _ =	vpop (xrf2)  }
0x733: {  	v33 =	vnsel vm1, $0x0, v33;
	v35 =	vbroadcast v59, $0xF;
	v34 =	vbroadcast v60, $0xF  }
0x734: {  	v0 =	vadd.f32 v19, v0;
	v15 =	vadd.f32 v33, v15;
	v18 =	vnsel vm1, $0x0, v18  }
0x735: {  	v17 =	vadd.f32 v18, v17;
	v18 =	vnsel vm1, $0x0, v35;
	v19 =	vnsel vm1, $0x0, v34  }
0x736: {  	v1 =	vadd.f32 v18, v1;
	v0 =	vadd.f32 v19, v0;
	_ =	sdelay $0x1  }
0x737: {  	v19 =	vmax.f32 v17, v15;
	v18 =	vmax.f32 v1, v0  }
0x738: {  	v18 =	vmax.f32 v18, v19  }
0x739: {  	v1 =	vsub.f32 v1, v18  }
0x73a: {  	v0 =	vsub.f32 v0, v18  }
0x73b: {  	v17 =	vsub.f32 v17, v18;
	v1 =	vmul.f32 $1.442695020e+00, v1  }
0x73c: {  	v15 =	vsub.f32 v15, v18;
	v0 =	vmul.f32 $1.442695020e+00, v0  }
0x73d: {  	(erf) = vpow2.f32 v1;
	v1 =	vmul.f32 $1.442695020e+00, v17  }
0x73e: {  	(erf) = vpow2.f32 v0;
	v0 =	vmul.f32 $1.442695020e+00, v15  }
0x73f: {  	(erf) = vpow2.f32 v1  }
0x740: {  	(erf) = vpow2.f32 v0;
	_ =	sdelay $0x5  }
0x741: {  	v0 =	vpop (erf)  }
0x742: {  	v1 =	vpop (erf)  }
0x743: {  	v15 =	vpop (erf)  }
0x744: {  	v17 =	vpop (erf)  }
0x745: {  	v18 =	vadd.f32 v1, v0;
	v19 =	vadd.f32 v17, v15;
	_ =	sdelay $0x1  }
0x746: {  	v18 =	vadd.f32 v19, v18;
	_ =	sdelay $0x1  }
0x747: {  	(erf) = vrcp.f32 v18;
	_ =	sdelay $0x1  }
0x748: {  	v61 =	vld [tilespmem:$0x1FFE0];
	_ =	sdelay $0x4  }
0x749: {  	v18 =	vor.u32 $0x3800, v61  }
0x74a: {  	v19 =	vor.u32 $0x3801, v61  }
0x74b: {  	v63 =	vor.u32 $0x3802, v61;
	v62 =	vpop (erf)  }
0x74c: {  	v35 =	vor.u32 $0x3803, v61;
	v0 =	vmul.f32 v62, v0  }
0x74d: {  	v1 =	vmul.f32 v62, v1  }
0x74e: {  	[tilespmem:v18+s18+$0x0] =	vst.idx.msk $0xffff, v0;
	v0 =	vmul.f32 v62, v15  }
0x74f: {  	s20 =	sadd.s32 $0x1, s20;
	[tilespmem:v19+s18+$0x0] =	vst.idx.msk $0xffff, v1;
	v1 =	vmul.f32 v62, v17  }
0x750: {  	p0 =	sne.s32 s20, s13;
	[tilespmem:v63+s18+$0x0] =	vst.idx.msk $0xffff, v0  }
.Ltmp8:
0x751: {  	[tilespmem:v35+s18+$0x0] =	vst.idx.msk $0xffff, v1;
	(pc) =	sbr.rel @p0 .LBB2_1-.Ltmp8, $4  }
0x752: {  	[hbm4b:s12+s3] =	stream.linear.scatter [tilespmem:s18], [sflag:$0x3], $0x4000, $0x38;
	[tilespmem:$0x6800] =	vst v63  }
0x753: {  	_ =	swait.ge [sflag:s15], $0x4000  }
0x754: {  	[sflag:s15] =	ssyncset.done $0x0  }
0x755: {  	[sflag:s15] =	ssyncadd.s32 $0xFFFFC000  }
0x756: {  	_ =	sfence.sel $0x180000  }
0x757: {  	[bflag:$0x0] =	sbarrier.arrive $0xFFFF  }
0x758: {  	p0 =	sne.s32 s2, $0x0;
	_ =	strace $0x90000047  }
0x759: {  	s0 =	sadd.s32 @!p0 $0x100000, s1;
	[bflag:$0x2] =	sbarrier.arrive $0xFFFF  }
0x75a: {  	[sflag:s0] =	ssyncadd.tile.s32 @!p0 $0x1;
	_ =	shalt  }
.Lfunc_end2:
_tile_overlayer_lowered:
.L_overlay_start_2:
0x75b: {  	(tag) =	ssettag $0x2  }
0x75c: {  	s0 =	rddreg [dreg:$0x0];
	s2 =	stileid.u32  }
0x75d: {  	s1 =	rddreg [dreg:$0x1];
	p0 =	sne.s32 s2, $0x0  }
0x75e: {  	s3 =	rddreg [dreg:$0x2];
	[bflag:$0x3] =	sbarrier.arrive $0xFFFF;
	s2 =	simm.s32 @!p0 $0x1C03  }
0x75f: {  	[timem:s3], [sflag:s2] =	dma.local @!p0 [hbm:s0], s1  }
0x760: {  	s0 =	simm.s32 @!p0 $0x3  }
0x761: {  	_ =	swait.ge @!p0 [sflag:s0], s1  }
0x762: {  	s1 =	ssub.s32 @!p0 $0x0, s1;
	[sflag:s0] =	ssyncset.done @!p0 $0x0  }
0x763: {  	[sflag:s0] =	ssyncadd.s32 @!p0 s1  }
0x764: {  	[bflag:$0x3] =	sbarrier.arrive $0xFFFF  }
0x765: {  	_ =	shalt  }

</sc_bundles>
